<compile_context>
chip_gen: v7x
topology: tpu7x:2x2x1
jax: 0.10.2.dev20260603
libtpu: 0.0.44.dev20260713+nightly
codegen_flags: <defaults>
</compile_context>

<pallas_src>
import functools

import jax
import jax.numpy as jnp
from jax import lax
from jax.experimental import pallas as pl
from jax.experimental.pallas import tpu as pltpu
from jax.experimental.pallas import tpu_sc as plsc

N = 10000
T = 20
E = 160000
B = 1024
HG = 64
HT = 128

NPAD = 10240
BA = 1024
NC, NS = 2, 16
NW = NC * NS
EC = 128
KCH = -(-E // (NW * EC))
EPAD = NW * EC * KCH
QW = B // NW
QT = B // NS
RPT = NPAD // NS


def _cell(gi, gh, h, H):
    r = jax.nn.sigmoid(gi[:, :H] + gh[:, :H])
    z = jax.nn.sigmoid(gi[:, H:2 * H] + gh[:, H:2 * H])
    n = jnp.tanh(gi[:, 2 * H:] + r * gh[:, 2 * H:])
    return (1.0 - z) * n + z * h


def _dot(a, b):
    return jnp.dot(a, b, preferred_element_type=jnp.float32)


def _na_body(x_ref, wih_ref, whh_ref, bih_ref, bhh_ref, wmsg_ref, bmsg_ref,
             tf_ref, m_ref):
    xb = x_ref[...]
    wih = wih_ref[...]
    whh = whh_ref[...]
    bih = bih_ref[...]
    bhh = bhh_ref[...]
    h = jnp.zeros((BA, HG), jnp.float32)
    for t in range(T):
        xt = xb[:, 3 * t:3 * t + 3]
        gi = _dot(xt, wih) + bih
        gh = _dot(h, whh) + bhh
        h = _cell(gi, gh, h, HG)
    tf_ref[...] = h
    m_ref[...] = _dot(h, wmsg_ref[...]) + bmsg_ref[...]


def _na_encode(xp, wih_t, whh_t, bih, bhh, wmsg_t, bmsg):
    nblk = NPAD // BA
    full = lambda s: pl.BlockSpec(s, lambda i: (0, 0))
    return pl.pallas_call(
        _na_body,
        grid=(nblk,),
        in_specs=[
            pl.BlockSpec((BA, 64), lambda i: (i, 0)),
            full(wih_t.shape), full(whh_t.shape), full(bih.shape),
            full(bhh.shape), full(wmsg_t.shape), full(bmsg.shape),
        ],
        out_specs=[
            pl.BlockSpec((BA, HG), lambda i: (i, 0)),
            pl.BlockSpec((BA, HG), lambda i: (i, 0)),
        ],
        out_shape=[
            jax.ShapeDtypeStruct((NPAD, HG), jnp.float32),
            jax.ShapeDtypeStruct((NPAD, HG), jnp.float32),
        ],
    )(xp, wih_t, whh_t, bih, bhh, wmsg_t, bmsg)


def _ta_body(xq_ref, xb_ref, w0i_ref, w0h_ref, b0i_ref, b0h_ref,
             w1i_ref, w1h_ref, b1i_ref, b1h_ref, out_ref):
    xq = xq_ref[...]
    xb = xb_ref[...]
    w0i = w0i_ref[...]
    w0h = w0h_ref[...]
    w1i = w1i_ref[...]
    w1h = w1h_ref[...]
    b0i = b0i_ref[...]
    b0h = b0h_ref[...]
    b1i = b1i_ref[...]
    b1h = b1h_ref[...]
    h0 = jnp.zeros((B, HT), jnp.float32)
    h1 = jnp.zeros((B, HT), jnp.float32)
    for t in range(T):
        ballt = jnp.broadcast_to(xb[0:1, 3 * t:3 * t + 3], (B, 3))
        xt = xq[:, 3 * t:3 * t + 3]
        u = jnp.concatenate([ballt, xt], axis=1)
        h0 = _cell(_dot(u, w0i) + b0i, _dot(h0, w0h) + b0h, h0, HT)
        h1 = _cell(_dot(h0, w1i) + b1i, _dot(h1, w1h) + b1h, h1, HT)
    out_ref[...] = h1


def _ta_encode(xq, xb, w0i, w0h, b0i, b0h, w1i, w1h, b1i, b1h):
    return pl.pallas_call(
        _ta_body,
        out_shape=jax.ShapeDtypeStruct((B, HT), jnp.float32),
    )(xq, xb, w0i, w0h, b0i, b0h, w1i, w1h, b1i, b1h)


def _upd_body(p0_ref, p1_ref, h_ref, wih_ref, whh_ref, bih_ref, bhh_ref,
              wmsg_ref, bmsg_ref, h1_ref, m2_ref):
    agg = p0_ref[...] + p1_ref[...]
    h = h_ref[...]
    gi = _dot(agg, wih_ref[...]) + bih_ref[...]
    gh = _dot(h, whh_ref[...]) + bhh_ref[...]
    hn = _cell(gi, gh, h, HG)
    h1_ref[...] = hn
    m2_ref[...] = _dot(hn, wmsg_ref[...]) + bmsg_ref[...]


def _gg_update(p0, p1, h, wih_t, whh_t, bih, bhh, wmsg_t, bmsg):
    nblk = NPAD // BA
    full = lambda s: pl.BlockSpec(s, lambda i: (0, 0))
    blk = pl.BlockSpec((BA, HG), lambda i: (i, 0))
    return pl.pallas_call(
        _upd_body,
        grid=(nblk,),
        in_specs=[blk, blk, blk, full(wih_t.shape), full(whh_t.shape),
                  full(bih.shape), full(bhh.shape), full(wmsg_t.shape),
                  full(bmsg.shape)],
        out_specs=[blk, blk],
        out_shape=[
            jax.ShapeDtypeStruct((NPAD, HG), jnp.float32),
            jax.ShapeDtypeStruct((NPAD, HG), jnp.float32),
        ],
    )(p0, p1, h, wih_t, whh_t, bih, bhh, wmsg_t, bmsg)


def _head_body(pq0_ref, pq1_ref, hq_ref, tf2_ref, wih_ref, whh_ref, bih_ref,
               bhh_ref, w1_ref, b1_ref, w2_ref, b2_ref, out_ref):
    aggq = pq0_ref[...] + pq1_ref[...]
    hq = hq_ref[...]
    gi = _dot(aggq, wih_ref[...]) + bih_ref[...]
    gh = _dot(hq, whh_ref[...]) + bhh_ref[...]
    h2 = _cell(gi, gh, hq, HG)
    w1 = w1_ref[...]
    hid = jax.nn.relu(_dot(h2, w1[:HG, :]) + _dot(tf2_ref[...], w1[HG:, :])
                      + b1_ref[...])
    out_ref[...] = jax.nn.sigmoid(_dot(hid, w2_ref[...]) + b2_ref[...])


def _head(pq0, pq1, hq, tf2, wih_t, whh_t, bih, bhh, w1, b1, w2, b2):
    return pl.pallas_call(
        _head_body,
        out_shape=jax.ShapeDtypeStruct((B, 1), jnp.float32),
    )(pq0, pq1, hq, tf2, wih_t, whh_t, bih, bhh, w1, b1, w2, b2)


def _sc_mesh():
    return plsc.VectorSubcoreMesh(core_axis_name="c", subcore_axis_name="s")


_SC_PARAMS = pltpu.CompilerParams(use_tc_tiling_on_sc=False)


NB = 4


def _scatter_chunks(mspm, src_hbm, dst_hbm, agg, sidx, didx, bufs, gsems,
                    ssems, wid):
    pltpu.sync_copy(src_hbm.at[wid], sidx)
    pltpu.sync_copy(dst_hbm.at[wid], didx)

    def body(j, carry):
        gh = []
        for b in range(NB):
            jj = j * NB + b
            gh.append(pltpu.async_copy(mspm.at[sidx.at[jj]], bufs[b],
                                       gsems[b]))
        sh = []
        for b in range(NB):
            jj = j * NB + b
            gh[b].wait()
            sh.append(pltpu.async_copy(bufs[b], agg.at[didx.at[jj]],
                                       ssems[b], add=True))
        for b in range(NB):
            sh[b].wait()
        return carry

    lax.fori_loop(0, KCH // NB, body, 0)


def _gather_rows(tbl_hbm, q_hbm, out_hbm, qidx, qrows, sem, base, cnt):
    pltpu.sync_copy(q_hbm.at[pl.ds(base, cnt)], qidx)
    pltpu.async_copy(tbl_hbm.at[qidx], qrows, sem).wait()
    pltpu.sync_copy(qrows, out_hbm.at[pl.ds(base, cnt)])


def _sc_step1(m1, srcp, dstp, q, xp, zrows):
    @functools.partial(
        pl.kernel,
        out_type=[
            jax.ShapeDtypeStruct((NPAD, HG), jnp.float32),
            jax.ShapeDtypeStruct((NPAD, HG), jnp.float32),
            jax.ShapeDtypeStruct((B, 64), jnp.float32),
        ],
        mesh=_sc_mesh(),
        scratch_types=[
            pltpu.VMEM((KCH, EC), jnp.int32),
            pltpu.VMEM((KCH, EC), jnp.int32),
            [pltpu.VMEM((EC, HG), jnp.float32)] * NB,
            [pltpu.SemaphoreType.DMA] * NB,
            [pltpu.SemaphoreType.DMA] * NB,
            pltpu.VMEM((QW,), jnp.int32),
            pltpu.VMEM((QW, 64), jnp.float32),
            pltpu.VMEM_SHARED((NPAD, HG), jnp.float32),
            pltpu.SemaphoreType.DMA,
        ],
        compiler_params=_SC_PARAMS,
    )
    def k(m_hbm, src_hbm, dst_hbm, q_hbm, xp_hbm, z_hbm,
          p0_hbm, p1_hbm, xq_hbm,
          sidx, didx, bufs, gsems, ssems, qidx, qrows, agg, sem):
        c = lax.axis_index("c")
        s = lax.axis_index("s")
        wid = s * NC + c
        pltpu.sync_copy(z_hbm.at[pl.ds(s * RPT, RPT)],
                        agg.at[pl.ds(s * RPT, RPT)])
        plsc.subcore_barrier()
        _scatter_chunks(m_hbm, src_hbm, dst_hbm, agg, sidx, didx, bufs,
                        gsems, ssems, wid)
        plsc.subcore_barrier()

        @pl.when(c == 0)
        def _():
            pltpu.sync_copy(agg.at[pl.ds(s * RPT, RPT)],
                            p0_hbm.at[pl.ds(s * RPT, RPT)])

        @pl.when(c == 1)
        def _():
            pltpu.sync_copy(agg.at[pl.ds(s * RPT, RPT)],
                            p1_hbm.at[pl.ds(s * RPT, RPT)])

        _gather_rows(xp_hbm, q_hbm, xq_hbm, qidx, qrows, sem, wid * QW, QW)

    return k(m1, srcp, dstp, q, xp, zrows)


def _sc_step2(m2, srcp, dstp, q, h1, zrows):
    @functools.partial(
        pl.kernel,
        out_type=[
            jax.ShapeDtypeStruct((NPAD, HG), jnp.float32),
            jax.ShapeDtypeStruct((NPAD, HG), jnp.float32),
            jax.ShapeDtypeStruct((B, HG), jnp.float32),
            jax.ShapeDtypeStruct((B, HG), jnp.float32),
            jax.ShapeDtypeStruct((B, HG), jnp.float32),
        ],
        mesh=_sc_mesh(),
        scratch_types=[
            pltpu.VMEM((KCH, EC), jnp.int32),
            pltpu.VMEM((KCH, EC), jnp.int32),
            [pltpu.VMEM((EC, HG), jnp.float32)] * NB,
            [pltpu.SemaphoreType.DMA] * NB,
            [pltpu.SemaphoreType.DMA] * NB,
            pltpu.VMEM((QW,), jnp.int32),
            pltpu.VMEM((QW, HG), jnp.float32),
            pltpu.VMEM((QT,), jnp.int32),
            pltpu.VMEM((QT, HG), jnp.float32),
            pltpu.VMEM_SHARED((NPAD, HG), jnp.float32),
            pltpu.SemaphoreType.DMA,
        ],
        compiler_params=_SC_PARAMS,
    )
    def k(m_hbm, src_hbm, dst_hbm, q_hbm, h1_hbm, z_hbm,
          p0_hbm, p1_hbm, hq_hbm, pq0_hbm, pq1_hbm,
          sidx, didx, bufs, gsems, ssems, qidx, qrows, qidx2, qrows2,
          agg, sem):
        c = lax.axis_index("c")
        s = lax.axis_index("s")
        wid = s * NC + c
        pltpu.sync_copy(z_hbm.at[pl.ds(s * RPT, RPT)],
                        agg.at[pl.ds(s * RPT, RPT)])
        plsc.subcore_barrier()
        _scatter_chunks(m_hbm, src_hbm, dst_hbm, agg, sidx, didx, bufs,
                        gsems, ssems, wid)
        plsc.subcore_barrier()

        @pl.when(c == 0)
        def _():
            pltpu.sync_copy(agg.at[pl.ds(s * RPT, RPT)],
                            p0_hbm.at[pl.ds(s * RPT, RPT)])

        @pl.when(c == 1)
        def _():
            pltpu.sync_copy(agg.at[pl.ds(s * RPT, RPT)],
                            p1_hbm.at[pl.ds(s * RPT, RPT)])

        _gather_rows(h1_hbm, q_hbm, hq_hbm, qidx, qrows, sem, wid * QW, QW)
        plsc.subcore_barrier()
        pltpu.sync_copy(q_hbm.at[pl.ds(s * QT, QT)], qidx2)

        @pl.when(c == 0)
        def _():
            pltpu.async_copy(p0_hbm.at[qidx2], qrows2, sem).wait()
            pltpu.sync_copy(qrows2, pq0_hbm.at[pl.ds(s * QT, QT)])

        @pl.when(c == 1)
        def _():
            pltpu.async_copy(p1_hbm.at[qidx2], qrows2, sem).wait()
            pltpu.sync_copy(qrows2, pq1_hbm.at[pl.ds(s * QT, QT)])

    return k(m2, srcp, dstp, q, h1, zrows)


def kernel(g, x, q_from, na_Wih, na_Whh, na_bih, na_bhh, ta0_Wih, ta0_Whh,
           ta0_bih, ta0_bhh, ta1_Wih, ta1_Whh, ta1_bih, ta1_bhh, gg_Wmsg,
           gg_bmsg, gg_Wih, gg_Whh, gg_bih, gg_bhh, p_W1, p_b1, p_W2, p_b2):
    f32 = jnp.float32
    i32 = jnp.int32

    x_flat = x.reshape(N, T * 3).astype(f32)
    xp = jnp.pad(x_flat, ((0, NPAD - N), (0, 64 - T * 3)))
    xb = xp[0:1]
    padidx = N + jnp.arange(EPAD - E, dtype=i32) % (NPAD - N)
    src = jnp.concatenate([g[0].astype(i32), padidx]).reshape(NW, KCH, EC)
    dst = jnp.concatenate([g[1].astype(i32), padidx]).reshape(NW, KCH, EC)
    q = q_from.astype(i32)
    zrows = jnp.zeros((NPAD, HG), f32)
    row = lambda b: b.reshape(1, -1).astype(f32)

    tf, m1 = _na_encode(xp, na_Wih.T, na_Whh.T, row(na_bih), row(na_bhh),
                        gg_Wmsg.T, row(gg_bmsg))

    p0, p1, xq = _sc_step1(m1, src, dst, q, xp, zrows)

    tf2q = _ta_encode(xq, xb, ta0_Wih.T, ta0_Whh.T, row(ta0_bih),
                      row(ta0_bhh), ta1_Wih.T, ta1_Whh.T, row(ta1_bih),
                      row(ta1_bhh))

    h1, m2 = _gg_update(p0, p1, tf, gg_Wih.T, gg_Whh.T, row(gg_bih),
                        row(gg_bhh), gg_Wmsg.T, row(gg_bmsg))

    _, _, hq, pq0, pq1 = _sc_step2(m2, src, dst, q, h1, zrows)

    return _head(pq0, pq1, hq, tf2q, gg_Wih.T, gg_Whh.T, row(gg_bih),
                 row(gg_bhh), p_W1.astype(f32), row(p_b1),
                 p_W2.astype(f32), row(p_b2))

# --- scband reference (transcript-rebuilt; emitter-appended) ---
"""Pipeline reference for scband-shot-model-ggnn-52785148068163 (READ-ONLY COPY).

The authoritative reference and input builder live on the scoring server;
editing this copy changes nothing except your own understanding.
"""

import jax, jax.numpy as jnp
import numpy as np


def _gru_cell(x, h, Wih, Whh, bih, bhh):
    gi = x @ Wih.T + bih
    gh = h @ Whh.T + bhh
    H = h.shape[-1]
    r = jax.nn.sigmoid(gi[:, :H] + gh[:, :H])
    z = jax.nn.sigmoid(gi[:, H:2 * H] + gh[:, H:2 * H])
    n = jnp.tanh(gi[:, 2 * H:] + r * gh[:, 2 * H:])
    return (1.0 - z) * n + z * h


def _gru_layer(xs, Wih, Whh, bih, bhh):
    H = Whh.shape[1]
    h0 = jnp.zeros((xs.shape[1], H), xs.dtype)
    def step(h, xt):
        hn = _gru_cell(xt, h, Wih, Whh, bih, bhh)
        return hn, hn
    hT, ys = jax.lax.scan(step, h0, xs)
    return ys, hT


def setup_inputs(seed: int = 0):
    key = jax.random.key(seed)
    ks = jax.random.split(key, 16)
    N, T, E, B = 10000, 20, 160000, 1024
    Hg, Ht = 64, 128
    s = 0.05
    inp = {}
    inp['g'] = jax.random.randint(ks[0], (2, E), 0, N)
    inp['x'] = jax.random.normal(ks[1], (N, T, 3), jnp.float32)
    inp['q_from'] = jax.random.randint(ks[2], (B,), 0, N)
    inp['na_Wih'] = jax.random.normal(ks[3], (3 * Hg, 3), jnp.float32) * s
    inp['na_Whh'] = jax.random.normal(ks[4], (3 * Hg, Hg), jnp.float32) * s
    inp['na_bih'] = jnp.zeros((3 * Hg,), jnp.float32)
    inp['na_bhh'] = jnp.zeros((3 * Hg,), jnp.float32)
    inp['ta0_Wih'] = jax.random.normal(ks[5], (3 * Ht, 6), jnp.float32) * s
    inp['ta0_Whh'] = jax.random.normal(ks[6], (3 * Ht, Ht), jnp.float32) * s
    inp['ta0_bih'] = jnp.zeros((3 * Ht,), jnp.float32)
    inp['ta0_bhh'] = jnp.zeros((3 * Ht,), jnp.float32)
    inp['ta1_Wih'] = jax.random.normal(ks[7], (3 * Ht, Ht), jnp.float32) * s
    inp['ta1_Whh'] = jax.random.normal(ks[8], (3 * Ht, Ht), jnp.float32) * s
    inp['ta1_bih'] = jnp.zeros((3 * Ht,), jnp.float32)
    inp['ta1_bhh'] = jnp.zeros((3 * Ht,), jnp.float32)
    inp['gg_Wmsg'] = jax.random.normal(ks[9], (Hg, Hg), jnp.float32) * s
    inp['gg_bmsg'] = jnp.zeros((Hg,), jnp.float32)
    inp['gg_Wih'] = jax.random.normal(ks[10], (3 * Hg, Hg), jnp.float32) * s
    inp['gg_Whh'] = jax.random.normal(ks[11], (3 * Hg, Hg), jnp.float32) * s
    inp['gg_bih'] = jnp.zeros((3 * Hg,), jnp.float32)
    inp['gg_bhh'] = jnp.zeros((3 * Hg,), jnp.float32)
    inp['p_W1'] = jax.random.normal(ks[12], (Hg + Ht, 128), jnp.float32) * s
    inp['p_b1'] = jnp.zeros((128,), jnp.float32)
    inp['p_W2'] = jax.random.normal(ks[13], (128, 1), jnp.float32) * s
    inp['p_b2'] = jnp.zeros((1,), jnp.float32)
    return inp


def reference(g, x, q_from, na_Wih, na_Whh, na_bih, na_bhh, ta0_Wih, ta0_Whh, ta0_bih, ta0_bhh, ta1_Wih, ta1_Whh, ta1_bih, ta1_bhh, gg_Wmsg, gg_bmsg, gg_Wih, gg_Whh, gg_bih, gg_bhh, p_W1, p_b1, p_W2, p_b2):
    # na: GRU(input 3, hidden 64, 1 layer) over time-major trajs -> last hidden
    xs = jnp.transpose(x, (1, 0, 2))
    _, traj_feat = _gru_layer(xs, na_Wih, na_Whh, na_bih, na_bhh)
    # ball traj: x[0] repeated over node dim, concat with x -> input dim 6
    ball = jnp.broadcast_to(x[0:1, :, :], x.shape)
    xs2 = jnp.transpose(jnp.concatenate([ball, x], axis=2), (1, 0, 2))
    ys, _ = _gru_layer(xs2, ta0_Wih, ta0_Whh, ta0_bih, ta0_bhh)
    _, traj_feat2 = _gru_layer(ys, ta1_Wih, ta1_Whh, ta1_bih, ta1_bhh)
    # GGNN: 2 propagation steps, 1 edge type; gather on src, scatter-add on dst, GRU state update
    src, dst = g[0], g[1]
    h = traj_feat
    for _ in range(2):
        m = h @ gg_Wmsg.T + gg_bmsg
        agg = jnp.zeros_like(h).at[dst].add(m[src])
        h = _gru_cell(agg, h, gg_Wih, gg_Whh, gg_bih, gg_bhh)
    union = jnp.concatenate([h[q_from], traj_feat2[q_from]], axis=1)
    hid = jax.nn.relu(union @ p_W1 + p_b1)
    return jax.nn.sigmoid(hid @ p_W2 + p_b2)

if __name__ == "__main__":
    import jax
    _d = setup_inputs()
    print(jax.jit(kernel)(*tuple(_d.values())))

</pallas_src>

<mosaic_0001>
#map = affine_map<(d0, d1) -> (0, 0)>
#map1 = affine_map<(d0, d1) -> (0, 0, 0)>
#map2 = affine_map<(d0, d1) -> (0)>
module attributes {stable_mosaic.version = 14 : i64} {
  func.func @k(%arg0: i32, %arg1: i32, %arg2: memref<10240x64xf32, #tpu.memory_space<hbm>>, %arg3: memref<32x40x128xi32, #tpu.memory_space<hbm>>, %arg4: memref<32x40x128xi32, #tpu.memory_space<hbm>>, %arg5: memref<1024xi32, #tpu.memory_space<hbm>>, %arg6: memref<10240x64xf32, #tpu.memory_space<hbm>>, %arg7: memref<10240x64xf32, #tpu.memory_space<hbm>>, %arg8: memref<10240x64xf32, #tpu.memory_space<hbm>>, %arg9: memref<10240x64xf32, #tpu.memory_space<hbm>>, %arg10: memref<1024x64xf32, #tpu.memory_space<hbm>>, %arg11: memref<1024x64xf32, #tpu.memory_space<hbm>>, %arg12: memref<1024x64xf32, #tpu.memory_space<hbm>>, %arg13: memref<40x128xi32, #tpu.memory_space<vmem>>, %arg14: memref<40x128xi32, #tpu.memory_space<vmem>>, %arg15: memref<128x64xf32, #tpu.memory_space<vmem>>, %arg16: memref<128x64xf32, #tpu.memory_space<vmem>>, %arg17: memref<128x64xf32, #tpu.memory_space<vmem>>, %arg18: memref<128x64xf32, #tpu.memory_space<vmem>>, %arg19: memref<!tpu.dma_semaphore, #tpu.memory_space<semaphore_mem>>, %arg20: memref<!tpu.dma_semaphore, #tpu.memory_space<semaphore_mem>>, %arg21: memref<!tpu.dma_semaphore, #tpu.memory_space<semaphore_mem>>, %arg22: memref<!tpu.dma_semaphore, #tpu.memory_space<semaphore_mem>>, %arg23: memref<!tpu.dma_semaphore, #tpu.memory_space<semaphore_mem>>, %arg24: memref<!tpu.dma_semaphore, #tpu.memory_space<semaphore_mem>>, %arg25: memref<!tpu.dma_semaphore, #tpu.memory_space<semaphore_mem>>, %arg26: memref<!tpu.dma_semaphore, #tpu.memory_space<semaphore_mem>>, %arg27: memref<32xi32, #tpu.memory_space<vmem>>, %arg28: memref<32x64xf32, #tpu.memory_space<vmem>>, %arg29: memref<64xi32, #tpu.memory_space<vmem>>, %arg30: memref<64x64xf32, #tpu.memory_space<vmem>>, %arg31: memref<10240x64xf32, #tpu.memory_space<vmem_shared>>, %arg32: memref<!tpu.dma_semaphore, #tpu.memory_space<semaphore_mem>>) attributes {dimension_semantics = [#tpu.dimension_semantics<core_parallel>, #tpu.dimension_semantics<subcore_parallel>], iteration_bounds = array<i64: 2, 16>, scalar_prefetch = 0 : i64, scratch_operands = 20 : i64, tpu.core_type = #tpu.core_type<sc_vector_subcore>, window_params = [{transform_indices = #map}, {transform_indices = #map1}, {transform_indices = #map1}, {transform_indices = #map2}, {transform_indices = #map}, {transform_indices = #map}, {transform_indices = #map}, {transform_indices = #map}, {transform_indices = #map}, {transform_indices = #map}, {transform_indices = #map}]} {
    %mul3A = arith.constant 2 : i32
    %mul3A_0 = arith.muli %arg1, %mul3A : i32
    %add3A = arith.addi %mul3A_0, %arg0 : i32
    %mul3A_1 = arith.constant 640 : i32
    %mul3A_2 = arith.muli %arg1, %mul3A_1 : i32
    %mul3A_3 = arith.constant 640 : i32
    %mul3A_4 = arith.muli %arg1, %mul3A_3 : i32
    "tpu.region"() ({
      %run_scoped3A = tpu.sem_alloc : memref<!tpu.dma_semaphore, #tpu.memory_space<semaphore_mem>>
      %dma_start3A_37 = arith.constant 0 : i32
      %dma_start3A_38 = tpu.memref_slice %arg31[%mul3A_4, %dma_start3A_37] : memref<10240x64xf32, #tpu.memory_space<vmem_shared>> -> memref<640x64xf32, #tpu.memory_space<vmem_shared>>
      %dma_start3A_39 = arith.constant 0 : i32
      %dma_start3A_40 = tpu.memref_slice %arg7[%mul3A_2, %dma_start3A_39] : memref<10240x64xf32, #tpu.memory_space<hbm>> -> memref<640x64xf32, #tpu.memory_space<hbm>>
      tpu.enqueue_dma source(%dma_start3A_40 : memref<640x64xf32, #tpu.memory_space<hbm>>) target(%dma_start3A_38 : memref<640x64xf32, #tpu.memory_space<vmem_shared>>) target_semaphore(%run_scoped3A : memref<!tpu.dma_semaphore, #tpu.memory_space<semaphore_mem>>)
      %dma_wait3A_41 = arith.constant 0 : i32
      %dma_wait3A_42 = tpu.memref_slice %arg31[%mul3A_4, %dma_wait3A_41] : memref<10240x64xf32, #tpu.memory_space<vmem_shared>> -> memref<640x64xf32, #tpu.memory_space<vmem_shared>>
      %dma_wait3A_43 = arith.constant 0 : i32
      %dma_wait3A_44 = tpu.memref_slice %arg7[%mul3A_2, %dma_wait3A_43] : memref<10240x64xf32, #tpu.memory_space<hbm>> -> memref<640x64xf32, #tpu.memory_space<hbm>>
      tpu.wait_dma2 semaphore(%run_scoped3A : memref<!tpu.dma_semaphore, #tpu.memory_space<semaphore_mem>>) src(%dma_wait3A_44 : memref<640x64xf32, #tpu.memory_space<hbm>>) dst(%dma_wait3A_42 : memref<640x64xf32, #tpu.memory_space<vmem_shared>>)
      tpu.yield
    }) : () -> ()
    %barrier3A = arith.constant 0 : index
    tpu.barrier barrier_id(%barrier3A)
    "tpu.region"() ({
      %run_scoped3A = tpu.sem_alloc : memref<!tpu.dma_semaphore, #tpu.memory_space<semaphore_mem>>
      %dma_start3A_37 = arith.constant 0 : i32
      %dma_start3A_38 = arith.constant 0 : i32
      %dma_start3A_39 = tpu.memref_slice %arg3[%add3A, %dma_start3A_37, %dma_start3A_38] : memref<32x40x128xi32, #tpu.memory_space<hbm>> -> memref<1x40x128xi32, #tpu.memory_space<hbm>>
      %dma_start3A_40 = tpu.memref_squeeze %dma_start3A_39 : memref<1x40x128xi32, #tpu.memory_space<hbm>> -> memref<40x128xi32, #tpu.memory_space<hbm>>
      %dma_start3A_41 = arith.constant 0 : i32
      %dma_start3A_42 = arith.constant 0 : i32
      %dma_start3A_43 = tpu.memref_slice %arg3[%add3A, %dma_start3A_41, %dma_start3A_42] : memref<32x40x128xi32, #tpu.memory_space<hbm>> -> memref<1x40x128xi32, #tpu.memory_space<hbm>>
      %dma_start3A_44 = tpu.memref_squeeze %dma_start3A_43 : memref<1x40x128xi32, #tpu.memory_space<hbm>> -> memref<40x128xi32, #tpu.memory_space<hbm>>
      tpu.enqueue_dma source(%dma_start3A_44 : memref<40x128xi32, #tpu.memory_space<hbm>>) target(%arg13 : memref<40x128xi32, #tpu.memory_space<vmem>>) target_semaphore(%run_scoped3A : memref<!tpu.dma_semaphore, #tpu.memory_space<semaphore_mem>>)
      %dma_wait3A_45 = arith.constant 0 : i32
      %dma_wait3A_46 = arith.constant 0 : i32
      %dma_wait3A_47 = tpu.memref_slice %arg3[%add3A, %dma_wait3A_45, %dma_wait3A_46] : memref<32x40x128xi32, #tpu.memory_space<hbm>> -> memref<1x40x128xi32, #tpu.memory_space<hbm>>
      %dma_wait3A_48 = tpu.memref_squeeze %dma_wait3A_47 : memref<1x40x128xi32, #tpu.memory_space<hbm>> -> memref<40x128xi32, #tpu.memory_space<hbm>>
      %dma_wait3A_49 = arith.constant 0 : i32
      %dma_wait3A_50 = arith.constant 0 : i32
      %dma_wait3A_51 = tpu.memref_slice %arg3[%add3A, %dma_wait3A_49, %dma_wait3A_50] : memref<32x40x128xi32, #tpu.memory_space<hbm>> -> memref<1x40x128xi32, #tpu.memory_space<hbm>>
      %dma_wait3A_52 = tpu.memref_squeeze %dma_wait3A_51 : memref<1x40x128xi32, #tpu.memory_space<hbm>> -> memref<40x128xi32, #tpu.memory_space<hbm>>
      tpu.wait_dma2 semaphore(%run_scoped3A : memref<!tpu.dma_semaphore, #tpu.memory_space<semaphore_mem>>) src(%dma_wait3A_52 : memref<40x128xi32, #tpu.memory_space<hbm>>) dst(%arg13 : memref<40x128xi32, #tpu.memory_space<vmem>>)
      tpu.yield
    }) : () -> ()
    "tpu.region"() ({
      %run_scoped3A = tpu.sem_alloc : memref<!tpu.dma_semaphore, #tpu.memory_space<semaphore_mem>>
      %dma_start3A_37 = arith.constant 0 : i32
      %dma_start3A_38 = arith.constant 0 : i32
      %dma_start3A_39 = tpu.memref_slice %arg4[%add3A, %dma_start3A_37, %dma_start3A_38] : memref<32x40x128xi32, #tpu.memory_space<hbm>> -> memref<1x40x128xi32, #tpu.memory_space<hbm>>
      %dma_start3A_40 = tpu.memref_squeeze %dma_start3A_39 : memref<1x40x128xi32, #tpu.memory_space<hbm>> -> memref<40x128xi32, #tpu.memory_space<hbm>>
      %dma_start3A_41 = arith.constant 0 : i32
      %dma_start3A_42 = arith.constant 0 : i32
      %dma_start3A_43 = tpu.memref_slice %arg4[%add3A, %dma_start3A_41, %dma_start3A_42] : memref<32x40x128xi32, #tpu.memory_space<hbm>> -> memref<1x40x128xi32, #tpu.memory_space<hbm>>
      %dma_start3A_44 = tpu.memref_squeeze %dma_start3A_43 : memref<1x40x128xi32, #tpu.memory_space<hbm>> -> memref<40x128xi32, #tpu.memory_space<hbm>>
      tpu.enqueue_dma source(%dma_start3A_44 : memref<40x128xi32, #tpu.memory_space<hbm>>) target(%arg14 : memref<40x128xi32, #tpu.memory_space<vmem>>) target_semaphore(%run_scoped3A : memref<!tpu.dma_semaphore, #tpu.memory_space<semaphore_mem>>)
      %dma_wait3A_45 = arith.constant 0 : i32
      %dma_wait3A_46 = arith.constant 0 : i32
      %dma_wait3A_47 = tpu.memref_slice %arg4[%add3A, %dma_wait3A_45, %dma_wait3A_46] : memref<32x40x128xi32, #tpu.memory_space<hbm>> -> memref<1x40x128xi32, #tpu.memory_space<hbm>>
      %dma_wait3A_48 = tpu.memref_squeeze %dma_wait3A_47 : memref<1x40x128xi32, #tpu.memory_space<hbm>> -> memref<40x128xi32, #tpu.memory_space<hbm>>
      %dma_wait3A_49 = arith.constant 0 : i32
      %dma_wait3A_50 = arith.constant 0 : i32
      %dma_wait3A_51 = tpu.memref_slice %arg4[%add3A, %dma_wait3A_49, %dma_wait3A_50] : memref<32x40x128xi32, #tpu.memory_space<hbm>> -> memref<1x40x128xi32, #tpu.memory_space<hbm>>
      %dma_wait3A_52 = tpu.memref_squeeze %dma_wait3A_51 : memref<1x40x128xi32, #tpu.memory_space<hbm>> -> memref<40x128xi32, #tpu.memory_space<hbm>>
      tpu.wait_dma2 semaphore(%run_scoped3A : memref<!tpu.dma_semaphore, #tpu.memory_space<semaphore_mem>>) src(%dma_wait3A_52 : memref<40x128xi32, #tpu.memory_space<hbm>>) dst(%arg14 : memref<40x128xi32, #tpu.memory_space<vmem>>)
      tpu.yield
    }) : () -> ()
    %scan3A = arith.constant 0 : i32
    %scan3A_5 = arith.constant 0 : i32
    %scan3A_6 = arith.constant 10 : i32
    %scan3A_7 = arith.addi %scan3A_5, %scan3A_6 : i32
    %scan3A_8 = arith.constant 1 : i32
    scf.for %scan3A_37 = %scan3A_5 to %scan3A_7 step %scan3A_8  : i32 {
      %mul3A_38 = arith.constant 4 : i32
      %mul3A_39 = arith.muli %scan3A_37, %mul3A_38 : i32
      %add3A_40 = arith.constant 0 : i32
      %add3A_41 = arith.addi %mul3A_39, %add3A_40 : i32
      %dma_start3A_42 = arith.constant 0 : i32
      %dma_start3A_43 = tpu.memref_slice %arg13[%add3A_41, %dma_start3A_42] : memref<40x128xi32, #tpu.memory_space<vmem>> -> memref<1x128xi32, #tpu.memory_space<vmem>>
      %dma_start3A_44 = tpu.memref_squeeze %dma_start3A_43 : memref<1x128xi32, #tpu.memory_space<vmem>> -> memref<128xi32, #tpu.memory_space<vmem>>
      %dma_start3A_45 = arith.constant 0 : i32
      %dma_start3A_46 = arith.constant 0 : i32
      %dma_start3A_47 = tpu.memref_slice %arg2[%dma_start3A_45, %dma_start3A_46] : memref<10240x64xf32, #tpu.memory_space<hbm>> -> memref<10240x64xf32, #tpu.memory_space<hbm>>
      tpu.enqueue_indirect_dma source(%dma_start3A_47 : memref<10240x64xf32, #tpu.memory_space<hbm>>) target(%arg15 : memref<128x64xf32, #tpu.memory_space<vmem>>) offsets(%dma_start3A_44 : memref<128xi32, #tpu.memory_space<vmem>>) semaphore(%arg19 : memref<!tpu.dma_semaphore, #tpu.memory_space<semaphore_mem>>)
      %mul3A_48 = arith.constant 4 : i32
      %mul3A_49 = arith.muli %scan3A_37, %mul3A_48 : i32
      %add3A_50 = arith.constant 1 : i32
      %add3A_51 = arith.addi %mul3A_49, %add3A_50 : i32
      %dma_start3A_52 = arith.constant 0 : i32
      %dma_start3A_53 = tpu.memref_slice %arg13[%add3A_51, %dma_start3A_52] : memref<40x128xi32, #tpu.memory_space<vmem>> -> memref<1x128xi32, #tpu.memory_space<vmem>>
      %dma_start3A_54 = tpu.memref_squeeze %dma_start3A_53 : memref<1x128xi32, #tpu.memory_space<vmem>> -> memref<128xi32, #tpu.memory_space<vmem>>
      %dma_start3A_55 = arith.constant 0 : i32
      %dma_start3A_56 = arith.constant 0 : i32
      %dma_start3A_57 = tpu.memref_slice %arg2[%dma_start3A_55, %dma_start3A_56] : memref<10240x64xf32, #tpu.memory_space<hbm>> -> memref<10240x64xf32, #tpu.memory_space<hbm>>
      tpu.enqueue_indirect_dma source(%dma_start3A_57 : memref<10240x64xf32, #tpu.memory_space<hbm>>) target(%arg16 : memref<128x64xf32, #tpu.memory_space<vmem>>) offsets(%dma_start3A_54 : memref<128xi32, #tpu.memory_space<vmem>>) semaphore(%arg20 : memref<!tpu.dma_semaphore, #tpu.memory_space<semaphore_mem>>)
      %mul3A_58 = arith.constant 4 : i32
      %mul3A_59 = arith.muli %scan3A_37, %mul3A_58 : i32
      %add3A_60 = arith.constant 2 : i32
      %add3A_61 = arith.addi %mul3A_59, %add3A_60 : i32
      %dma_start3A_62 = arith.constant 0 : i32
      %dma_start3A_63 = tpu.memref_slice %arg13[%add3A_61, %dma_start3A_62] : memref<40x128xi32, #tpu.memory_space<vmem>> -> memref<1x128xi32, #tpu.memory_space<vmem>>
      %dma_start3A_64 = tpu.memref_squeeze %dma_start3A_63 : memref<1x128xi32, #tpu.memory_space<vmem>> -> memref<128xi32, #tpu.memory_space<vmem>>
      %dma_start3A_65 = arith.constant 0 : i32
      %dma_start3A_66 = arith.constant 0 : i32
      %dma_start3A_67 = tpu.memref_slice %arg2[%dma_start3A_65, %dma_start3A_66] : memref<10240x64xf32, #tpu.memory_space<hbm>> -> memref<10240x64xf32, #tpu.memory_space<hbm>>
      tpu.enqueue_indirect_dma source(%dma_start3A_67 : memref<10240x64xf32, #tpu.memory_space<hbm>>) target(%arg17 : memref<128x64xf32, #tpu.memory_space<vmem>>) offsets(%dma_start3A_64 : memref<128xi32, #tpu.memory_space<vmem>>) semaphore(%arg21 : memref<!tpu.dma_semaphore, #tpu.memory_space<semaphore_mem>>)
      %mul3A_68 = arith.constant 4 : i32
      %mul3A_69 = arith.muli %scan3A_37, %mul3A_68 : i32
      %add3A_70 = arith.constant 3 : i32
      %add3A_71 = arith.addi %mul3A_69, %add3A_70 : i32
      %dma_start3A_72 = arith.constant 0 : i32
      %dma_start3A_73 = tpu.memref_slice %arg13[%add3A_71, %dma_start3A_72] : memref<40x128xi32, #tpu.memory_space<vmem>> -> memref<1x128xi32, #tpu.memory_space<vmem>>
      %dma_start3A_74 = tpu.memref_squeeze %dma_start3A_73 : memref<1x128xi32, #tpu.memory_space<vmem>> -> memref<128xi32, #tpu.memory_space<vmem>>
      %dma_start3A_75 = arith.constant 0 : i32
      %dma_start3A_76 = arith.constant 0 : i32
      %dma_start3A_77 = tpu.memref_slice %arg2[%dma_start3A_75, %dma_start3A_76] : memref<10240x64xf32, #tpu.memory_space<hbm>> -> memref<10240x64xf32, #tpu.memory_space<hbm>>
      tpu.enqueue_indirect_dma source(%dma_start3A_77 : memref<10240x64xf32, #tpu.memory_space<hbm>>) target(%arg18 : memref<128x64xf32, #tpu.memory_space<vmem>>) offsets(%dma_start3A_74 : memref<128xi32, #tpu.memory_space<vmem>>) semaphore(%arg22 : memref<!tpu.dma_semaphore, #tpu.memory_space<semaphore_mem>>)
      %mul3A_78 = arith.constant 4 : i32
      %mul3A_79 = arith.muli %scan3A_37, %mul3A_78 : i32
      %add3A_80 = arith.constant 0 : i32
      %add3A_81 = arith.addi %mul3A_79, %add3A_80 : i32
      %dma_wait3A_82 = arith.constant 0 : i32
      %dma_wait3A_83 = tpu.memref_slice %arg13[%add3A_41, %dma_wait3A_82] : memref<40x128xi32, #tpu.memory_space<vmem>> -> memref<1x128xi32, #tpu.memory_space<vmem>>
      %dma_wait3A_84 = tpu.memref_squeeze %dma_wait3A_83 : memref<1x128xi32, #tpu.memory_space<vmem>> -> memref<128xi32, #tpu.memory_space<vmem>>
      %dma_wait3A_85 = arith.constant 0 : i32
      %dma_wait3A_86 = arith.constant 0 : i32
      %dma_wait3A_87 = tpu.memref_slice %arg2[%dma_wait3A_85, %dma_wait3A_86] : memref<10240x64xf32, #tpu.memory_space<hbm>> -> memref<10240x64xf32, #tpu.memory_space<hbm>>
      tpu.wait_indirect_dma semaphore(%arg19 : memref<!tpu.dma_semaphore, #tpu.memory_space<semaphore_mem>>) src(%dma_wait3A_87 : memref<10240x64xf32, #tpu.memory_space<hbm>>) dst(%arg15 : memref<128x64xf32, #tpu.memory_space<vmem>>)
      %dma_start3A_88 = arith.constant 0 : i32
      %dma_start3A_89 = tpu.memref_slice %arg14[%add3A_81, %dma_start3A_88] : memref<40x128xi32, #tpu.memory_space<vmem>> -> memref<1x128xi32, #tpu.memory_space<vmem>>
      %dma_start3A_90 = tpu.memref_squeeze %dma_start3A_89 : memref<1x128xi32, #tpu.memory_space<vmem>> -> memref<128xi32, #tpu.memory_space<vmem>>
      %dma_start3A_91 = arith.constant 0 : i32
      %dma_start3A_92 = arith.constant 0 : i32
      %dma_start3A_93 = tpu.memref_slice %arg31[%dma_start3A_91, %dma_start3A_92] : memref<10240x64xf32, #tpu.memory_space<vmem_shared>> -> memref<10240x64xf32, #tpu.memory_space<vmem_shared>>
      tpu.enqueue_indirect_dma source(%arg15 : memref<128x64xf32, #tpu.memory_space<vmem>>) target(%dma_start3A_93 : memref<10240x64xf32, #tpu.memory_space<vmem_shared>>) offsets(%dma_start3A_90 : memref<128xi32, #tpu.memory_space<vmem>>) semaphore(%arg23 : memref<!tpu.dma_semaphore, #tpu.memory_space<semaphore_mem>>) {add = true}
      %mul3A_94 = arith.constant 4 : i32
      %mul3A_95 = arith.muli %scan3A_37, %mul3A_94 : i32
      %add3A_96 = arith.constant 1 : i32
      %add3A_97 = arith.addi %mul3A_95, %add3A_96 : i32
      %dma_wait3A_98 = arith.constant 0 : i32
      %dma_wait3A_99 = tpu.memref_slice %arg13[%add3A_51, %dma_wait3A_98] : memref<40x128xi32, #tpu.memory_space<vmem>> -> memref<1x128xi32, #tpu.memory_space<vmem>>
      %dma_wait3A_100 = tpu.memref_squeeze %dma_wait3A_99 : memref<1x128xi32, #tpu.memory_space<vmem>> -> memref<128xi32, #tpu.memory_space<vmem>>
      %dma_wait3A_101 = arith.constant 0 : i32
      %dma_wait3A_102 = arith.constant 0 : i32
      %dma_wait3A_103 = tpu.memref_slice %arg2[%dma_wait3A_101, %dma_wait3A_102] : memref<10240x64xf32, #tpu.memory_space<hbm>> -> memref<10240x64xf32, #tpu.memory_space<hbm>>
      tpu.wait_indirect_dma semaphore(%arg20 : memref<!tpu.dma_semaphore, #tpu.memory_space<semaphore_mem>>) src(%dma_wait3A_103 : memref<10240x64xf32, #tpu.memory_space<hbm>>) dst(%arg16 : memref<128x64xf32, #tpu.memory_space<vmem>>)
      %dma_start3A_104 = arith.constant 0 : i32
      %dma_start3A_105 = tpu.memref_slice %arg14[%add3A_97, %dma_start3A_104] : memref<40x128xi32, #tpu.memory_space<vmem>> -> memref<1x128xi32, #tpu.memory_space<vmem>>
      %dma_start3A_106 = tpu.memref_squeeze %dma_start3A_105 : memref<1x128xi32, #tpu.memory_space<vmem>> -> memref<128xi32, #tpu.memory_space<vmem>>
      %dma_start3A_107 = arith.constant 0 : i32
      %dma_start3A_108 = arith.constant 0 : i32
      %dma_start3A_109 = tpu.memref_slice %arg31[%dma_start3A_107, %dma_start3A_108] : memref<10240x64xf32, #tpu.memory_space<vmem_shared>> -> memref<10240x64xf32, #tpu.memory_space<vmem_shared>>
      tpu.enqueue_indirect_dma source(%arg16 : memref<128x64xf32, #tpu.memory_space<vmem>>) target(%dma_start3A_109 : memref<10240x64xf32, #tpu.memory_space<vmem_shared>>) offsets(%dma_start3A_106 : memref<128xi32, #tpu.memory_space<vmem>>) semaphore(%arg24 : memref<!tpu.dma_semaphore, #tpu.memory_space<semaphore_mem>>) {add = true}
      %mul3A_110 = arith.constant 4 : i32
      %mul3A_111 = arith.muli %scan3A_37, %mul3A_110 : i32
      %add3A_112 = arith.constant 2 : i32
      %add3A_113 = arith.addi %mul3A_111, %add3A_112 : i32
      %dma_wait3A_114 = arith.constant 0 : i32
      %dma_wait3A_115 = tpu.memref_slice %arg13[%add3A_61, %dma_wait3A_114] : memref<40x128xi32, #tpu.memory_space<vmem>> -> memref<1x128xi32, #tpu.memory_space<vmem>>
      %dma_wait3A_116 = tpu.memref_squeeze %dma_wait3A_115 : memref<1x128xi32, #tpu.memory_space<vmem>> -> memref<128xi32, #tpu.memory_space<vmem>>
      %dma_wait3A_117 = arith.constant 0 : i32
      %dma_wait3A_118 = arith.constant 0 : i32
      %dma_wait3A_119 = tpu.memref_slice %arg2[%dma_wait3A_117, %dma_wait3A_118] : memref<10240x64xf32, #tpu.memory_space<hbm>> -> memref<10240x64xf32, #tpu.memory_space<hbm>>
      tpu.wait_indirect_dma semaphore(%arg21 : memref<!tpu.dma_semaphore, #tpu.memory_space<semaphore_mem>>) src(%dma_wait3A_119 : memref<10240x64xf32, #tpu.memory_space<hbm>>) dst(%arg17 : memref<128x64xf32, #tpu.memory_space<vmem>>)
      %dma_start3A_120 = arith.constant 0 : i32
      %dma_start3A_121 = tpu.memref_slice %arg14[%add3A_113, %dma_start3A_120] : memref<40x128xi32, #tpu.memory_space<vmem>> -> memref<1x128xi32, #tpu.memory_space<vmem>>
      %dma_start3A_122 = tpu.memref_squeeze %dma_start3A_121 : memref<1x128xi32, #tpu.memory_space<vmem>> -> memref<128xi32, #tpu.memory_space<vmem>>
      %dma_start3A_123 = arith.constant 0 : i32
      %dma_start3A_124 = arith.constant 0 : i32
      %dma_start3A_125 = tpu.memref_slice %arg31[%dma_start3A_123, %dma_start3A_124] : memref<10240x64xf32, #tpu.memory_space<vmem_shared>> -> memref<10240x64xf32, #tpu.memory_space<vmem_shared>>
      tpu.enqueue_indirect_dma source(%arg17 : memref<128x64xf32, #tpu.memory_space<vmem>>) target(%dma_start3A_125 : memref<10240x64xf32, #tpu.memory_space<vmem_shared>>) offsets(%dma_start3A_122 : memref<128xi32, #tpu.memory_space<vmem>>) semaphore(%arg25 : memref<!tpu.dma_semaphore, #tpu.memory_space<semaphore_mem>>) {add = true}
      %mul3A_126 = arith.constant 4 : i32
      %mul3A_127 = arith.muli %scan3A_37, %mul3A_126 : i32
      %add3A_128 = arith.constant 3 : i32
      %add3A_129 = arith.addi %mul3A_127, %add3A_128 : i32
      %dma_wait3A_130 = arith.constant 0 : i32
      %dma_wait3A_131 = tpu.memref_slice %arg13[%add3A_71, %dma_wait3A_130] : memref<40x128xi32, #tpu.memory_space<vmem>> -> memref<1x128xi32, #tpu.memory_space<vmem>>
      %dma_wait3A_132 = tpu.memref_squeeze %dma_wait3A_131 : memref<1x128xi32, #tpu.memory_space<vmem>> -> memref<128xi32, #tpu.memory_space<vmem>>
      %dma_wait3A_133 = arith.constant 0 : i32
      %dma_wait3A_134 = arith.constant 0 : i32
      %dma_wait3A_135 = tpu.memref_slice %arg2[%dma_wait3A_133, %dma_wait3A_134] : memref<10240x64xf32, #tpu.memory_space<hbm>> -> memref<10240x64xf32, #tpu.memory_space<hbm>>
      tpu.wait_indirect_dma semaphore(%arg22 : memref<!tpu.dma_semaphore, #tpu.memory_space<semaphore_mem>>) src(%dma_wait3A_135 : memref<10240x64xf32, #tpu.memory_space<hbm>>) dst(%arg18 : memref<128x64xf32, #tpu.memory_space<vmem>>)
      %dma_start3A_136 = arith.constant 0 : i32
      %dma_start3A_137 = tpu.memref_slice %arg14[%add3A_129, %dma_start3A_136] : memref<40x128xi32, #tpu.memory_space<vmem>> -> memref<1x128xi32, #tpu.memory_space<vmem>>
      %dma_start3A_138 = tpu.memref_squeeze %dma_start3A_137 : memref<1x128xi32, #tpu.memory_space<vmem>> -> memref<128xi32, #tpu.memory_space<vmem>>
      %dma_start3A_139 = arith.constant 0 : i32
      %dma_start3A_140 = arith.constant 0 : i32
      %dma_start3A_141 = tpu.memref_slice %arg31[%dma_start3A_139, %dma_start3A_140] : memref<10240x64xf32, #tpu.memory_space<vmem_shared>> -> memref<10240x64xf32, #tpu.memory_space<vmem_shared>>
      tpu.enqueue_indirect_dma source(%arg18 : memref<128x64xf32, #tpu.memory_space<vmem>>) target(%dma_start3A_141 : memref<10240x64xf32, #tpu.memory_space<vmem_shared>>) offsets(%dma_start3A_138 : memref<128xi32, #tpu.memory_space<vmem>>) semaphore(%arg26 : memref<!tpu.dma_semaphore, #tpu.memory_space<semaphore_mem>>) {add = true}
      %dma_wait3A_142 = arith.constant 0 : i32
      %dma_wait3A_143 = tpu.memref_slice %arg14[%add3A_81, %dma_wait3A_142] : memref<40x128xi32, #tpu.memory_space<vmem>> -> memref<1x128xi32, #tpu.memory_space<vmem>>
      %dma_wait3A_144 = tpu.memref_squeeze %dma_wait3A_143 : memref<1x128xi32, #tpu.memory_space<vmem>> -> memref<128xi32, #tpu.memory_space<vmem>>
      %dma_wait3A_145 = arith.constant 0 : i32
      %dma_wait3A_146 = arith.constant 0 : i32
      %dma_wait3A_147 = tpu.memref_slice %arg31[%dma_wait3A_145, %dma_wait3A_146] : memref<10240x64xf32, #tpu.memory_space<vmem_shared>> -> memref<10240x64xf32, #tpu.memory_space<vmem_shared>>
      tpu.wait_indirect_dma semaphore(%arg23 : memref<!tpu.dma_semaphore, #tpu.memory_space<semaphore_mem>>) src(%arg15 : memref<128x64xf32, #tpu.memory_space<vmem>>) dst(%dma_wait3A_147 : memref<10240x64xf32, #tpu.memory_space<vmem_shared>>)
      %dma_wait3A_148 = arith.constant 0 : i32
      %dma_wait3A_149 = tpu.memref_slice %arg14[%add3A_97, %dma_wait3A_148] : memref<40x128xi32, #tpu.memory_space<vmem>> -> memref<1x128xi32, #tpu.memory_space<vmem>>
      %dma_wait3A_150 = tpu.memref_squeeze %dma_wait3A_149 : memref<1x128xi32, #tpu.memory_space<vmem>> -> memref<128xi32, #tpu.memory_space<vmem>>
      %dma_wait3A_151 = arith.constant 0 : i32
      %dma_wait3A_152 = arith.constant 0 : i32
      %dma_wait3A_153 = tpu.memref_slice %arg31[%dma_wait3A_151, %dma_wait3A_152] : memref<10240x64xf32, #tpu.memory_space<vmem_shared>> -> memref<10240x64xf32, #tpu.memory_space<vmem_shared>>
      tpu.wait_indirect_dma semaphore(%arg24 : memref<!tpu.dma_semaphore, #tpu.memory_space<semaphore_mem>>) src(%arg16 : memref<128x64xf32, #tpu.memory_space<vmem>>) dst(%dma_wait3A_153 : memref<10240x64xf32, #tpu.memory_space<vmem_shared>>)
      %dma_wait3A_154 = arith.constant 0 : i32
      %dma_wait3A_155 = tpu.memref_slice %arg14[%add3A_113, %dma_wait3A_154] : memref<40x128xi32, #tpu.memory_space<vmem>> -> memref<1x128xi32, #tpu.memory_space<vmem>>
      %dma_wait3A_156 = tpu.memref_squeeze %dma_wait3A_155 : memref<1x128xi32, #tpu.memory_space<vmem>> -> memref<128xi32, #tpu.memory_space<vmem>>
      %dma_wait3A_157 = arith.constant 0 : i32
      %dma_wait3A_158 = arith.constant 0 : i32
      %dma_wait3A_159 = tpu.memref_slice %arg31[%dma_wait3A_157, %dma_wait3A_158] : memref<10240x64xf32, #tpu.memory_space<vmem_shared>> -> memref<10240x64xf32, #tpu.memory_space<vmem_shared>>
      tpu.wait_indirect_dma semaphore(%arg25 : memref<!tpu.dma_semaphore, #tpu.memory_space<semaphore_mem>>) src(%arg17 : memref<128x64xf32, #tpu.memory_space<vmem>>) dst(%dma_wait3A_159 : memref<10240x64xf32, #tpu.memory_space<vmem_shared>>)
      %dma_wait3A_160 = arith.constant 0 : i32
      %dma_wait3A_161 = tpu.memref_slice %arg14[%add3A_129, %dma_wait3A_160] : memref<40x128xi32, #tpu.memory_space<vmem>> -> memref<1x128xi32, #tpu.memory_space<vmem>>
      %dma_wait3A_162 = tpu.memref_squeeze %dma_wait3A_161 : memref<1x128xi32, #tpu.memory_space<vmem>> -> memref<128xi32, #tpu.memory_space<vmem>>
      %dma_wait3A_163 = arith.constant 0 : i32
      %dma_wait3A_164 = arith.constant 0 : i32
      %dma_wait3A_165 = tpu.memref_slice %arg31[%dma_wait3A_163, %dma_wait3A_164] : memref<10240x64xf32, #tpu.memory_space<vmem_shared>> -> memref<10240x64xf32, #tpu.memory_space<vmem_shared>>
      tpu.wait_indirect_dma semaphore(%arg26 : memref<!tpu.dma_semaphore, #tpu.memory_space<semaphore_mem>>) src(%arg18 : memref<128x64xf32, #tpu.memory_space<vmem>>) dst(%dma_wait3A_165 : memref<10240x64xf32, #tpu.memory_space<vmem_shared>>)
    }
    %scan3A_9 = arith.constant 10 : i32
    %barrier3A_10 = arith.constant 0 : index
    tpu.barrier barrier_id(%barrier3A_10)
    %eq3A = arith.constant 0 : i32
    %eq3A_11 = arith.cmpi eq, %arg0, %eq3A : i32
    %convert_element_type3A = arith.extui %eq3A_11 : i1 to i32
    %cond3A = arith.constant 0 : i32
    %cond3A_12 = arith.cmpi ne, %convert_element_type3A, %cond3A : i32
    scf.if %cond3A_12 {
      %mul3A_37 = arith.constant 640 : i32
      %mul3A_38 = arith.muli %arg1, %mul3A_37 : i32
      %mul3A_39 = arith.constant 640 : i32
      %mul3A_40 = arith.muli %arg1, %mul3A_39 : i32
      "tpu.region"() ({
        %run_scoped3A = tpu.sem_alloc : memref<!tpu.dma_semaphore, #tpu.memory_space<semaphore_mem>>
        %dma_start3A_41 = arith.constant 0 : i32
        %dma_start3A_42 = tpu.memref_slice %arg8[%mul3A_40, %dma_start3A_41] : memref<10240x64xf32, #tpu.memory_space<hbm>> -> memref<640x64xf32, #tpu.memory_space<hbm>>
        %dma_start3A_43 = arith.constant 0 : i32
        %dma_start3A_44 = tpu.memref_slice %arg31[%mul3A_38, %dma_start3A_43] : memref<10240x64xf32, #tpu.memory_space<vmem_shared>> -> memref<640x64xf32, #tpu.memory_space<vmem_shared>>
        tpu.enqueue_dma source(%dma_start3A_44 : memref<640x64xf32, #tpu.memory_space<vmem_shared>>) target(%dma_start3A_42 : memref<640x64xf32, #tpu.memory_space<hbm>>) target_semaphore(%run_scoped3A : memref<!tpu.dma_semaphore, #tpu.memory_space<semaphore_mem>>)
        %dma_wait3A_45 = arith.constant 0 : i32
        %dma_wait3A_46 = tpu.memref_slice %arg8[%mul3A_40, %dma_wait3A_45] : memref<10240x64xf32, #tpu.memory_space<hbm>> -> memref<640x64xf32, #tpu.memory_space<hbm>>
        %dma_wait3A_47 = arith.constant 0 : i32
        %dma_wait3A_48 = tpu.memref_slice %arg31[%mul3A_38, %dma_wait3A_47] : memref<10240x64xf32, #tpu.memory_space<vmem_shared>> -> memref<640x64xf32, #tpu.memory_space<vmem_shared>>
        tpu.wait_dma2 semaphore(%run_scoped3A : memref<!tpu.dma_semaphore, #tpu.memory_space<semaphore_mem>>) src(%dma_wait3A_48 : memref<640x64xf32, #tpu.memory_space<vmem_shared>>) dst(%dma_wait3A_46 : memref<640x64xf32, #tpu.memory_space<hbm>>)
        tpu.yield
      }) : () -> ()
    } else {
    }
    %eq3A_13 = arith.constant 1 : i32
    %eq3A_14 = arith.cmpi eq, %arg0, %eq3A_13 : i32
    %convert_element_type3A_15 = arith.extui %eq3A_14 : i1 to i32
    %cond3A_16 = arith.constant 0 : i32
    %cond3A_17 = arith.cmpi ne, %convert_element_type3A_15, %cond3A_16 : i32
    scf.if %cond3A_17 {
      %mul3A_37 = arith.constant 640 : i32
      %mul3A_38 = arith.muli %arg1, %mul3A_37 : i32
      %mul3A_39 = arith.constant 640 : i32
      %mul3A_40 = arith.muli %arg1, %mul3A_39 : i32
      "tpu.region"() ({
        %run_scoped3A = tpu.sem_alloc : memref<!tpu.dma_semaphore, #tpu.memory_space<semaphore_mem>>
        %dma_start3A_41 = arith.constant 0 : i32
        %dma_start3A_42 = tpu.memref_slice %arg9[%mul3A_40, %dma_start3A_41] : memref<10240x64xf32, #tpu.memory_space<hbm>> -> memref<640x64xf32, #tpu.memory_space<hbm>>
        %dma_start3A_43 = arith.constant 0 : i32
        %dma_start3A_44 = tpu.memref_slice %arg31[%mul3A_38, %dma_start3A_43] : memref<10240x64xf32, #tpu.memory_space<vmem_shared>> -> memref<640x64xf32, #tpu.memory_space<vmem_shared>>
        tpu.enqueue_dma source(%dma_start3A_44 : memref<640x64xf32, #tpu.memory_space<vmem_shared>>) target(%dma_start3A_42 : memref<640x64xf32, #tpu.memory_space<hbm>>) target_semaphore(%run_scoped3A : memref<!tpu.dma_semaphore, #tpu.memory_space<semaphore_mem>>)
        %dma_wait3A_45 = arith.constant 0 : i32
        %dma_wait3A_46 = tpu.memref_slice %arg9[%mul3A_40, %dma_wait3A_45] : memref<10240x64xf32, #tpu.memory_space<hbm>> -> memref<640x64xf32, #tpu.memory_space<hbm>>
        %dma_wait3A_47 = arith.constant 0 : i32
        %dma_wait3A_48 = tpu.memref_slice %arg31[%mul3A_38, %dma_wait3A_47] : memref<10240x64xf32, #tpu.memory_space<vmem_shared>> -> memref<640x64xf32, #tpu.memory_space<vmem_shared>>
        tpu.wait_dma2 semaphore(%run_scoped3A : memref<!tpu.dma_semaphore, #tpu.memory_space<semaphore_mem>>) src(%dma_wait3A_48 : memref<640x64xf32, #tpu.memory_space<vmem_shared>>) dst(%dma_wait3A_46 : memref<640x64xf32, #tpu.memory_space<hbm>>)
        tpu.yield
      }) : () -> ()
    } else {
    }
    %mul3A_18 = arith.constant 32 : i32
    %mul3A_19 = arith.muli %add3A, %mul3A_18 : i32
    "tpu.region"() ({
      %run_scoped3A = tpu.sem_alloc : memref<!tpu.dma_semaphore, #tpu.memory_space<semaphore_mem>>
      %dma_start3A_37 = tpu.memref_slice %arg5[%mul3A_19] : memref<1024xi32, #tpu.memory_space<hbm>> -> memref<32xi32, #tpu.memory_space<hbm>>
      %dma_start3A_38 = tpu.memref_slice %arg5[%mul3A_19] : memref<1024xi32, #tpu.memory_space<hbm>> -> memref<32xi32, #tpu.memory_space<hbm>>
      tpu.enqueue_dma source(%dma_start3A_38 : memref<32xi32, #tpu.memory_space<hbm>>) target(%arg27 : memref<32xi32, #tpu.memory_space<vmem>>) target_semaphore(%run_scoped3A : memref<!tpu.dma_semaphore, #tpu.memory_space<semaphore_mem>>)
      %dma_wait3A_39 = tpu.memref_slice %arg5[%mul3A_19] : memref<1024xi32, #tpu.memory_space<hbm>> -> memref<32xi32, #tpu.memory_space<hbm>>
      %dma_wait3A_40 = tpu.memref_slice %arg5[%mul3A_19] : memref<1024xi32, #tpu.memory_space<hbm>> -> memref<32xi32, #tpu.memory_space<hbm>>
      tpu.wait_dma2 semaphore(%run_scoped3A : memref<!tpu.dma_semaphore, #tpu.memory_space<semaphore_mem>>) src(%dma_wait3A_40 : memref<32xi32, #tpu.memory_space<hbm>>) dst(%arg27 : memref<32xi32, #tpu.memory_space<vmem>>)
      tpu.yield
    }) : () -> ()
    %dma_start3A = arith.constant 0 : i32
    %dma_start3A_20 = arith.constant 0 : i32
    %dma_start3A_21 = tpu.memref_slice %arg6[%dma_start3A, %dma_start3A_20] : memref<10240x64xf32, #tpu.memory_space<hbm>> -> memref<10240x64xf32, #tpu.memory_space<hbm>>
    tpu.enqueue_indirect_dma source(%dma_start3A_21 : memref<10240x64xf32, #tpu.memory_space<hbm>>) target(%arg28 : memref<32x64xf32, #tpu.memory_space<vmem>>) offsets(%arg27 : memref<32xi32, #tpu.memory_space<vmem>>) semaphore(%arg32 : memref<!tpu.dma_semaphore, #tpu.memory_space<semaphore_mem>>)
    %dma_wait3A = arith.constant 0 : i32
    %dma_wait3A_22 = arith.constant 0 : i32
    %dma_wait3A_23 = tpu.memref_slice %arg6[%dma_wait3A, %dma_wait3A_22] : memref<10240x64xf32, #tpu.memory_space<hbm>> -> memref<10240x64xf32, #tpu.memory_space<hbm>>
    tpu.wait_indirect_dma semaphore(%arg32 : memref<!tpu.dma_semaphore, #tpu.memory_space<semaphore_mem>>) src(%dma_wait3A_23 : memref<10240x64xf32, #tpu.memory_space<hbm>>) dst(%arg28 : memref<32x64xf32, #tpu.memory_space<vmem>>)
    "tpu.region"() ({
      %run_scoped3A = tpu.sem_alloc : memref<!tpu.dma_semaphore, #tpu.memory_space<semaphore_mem>>
      %dma_start3A_37 = arith.constant 0 : i32
      %dma_start3A_38 = tpu.memref_slice %arg10[%mul3A_19, %dma_start3A_37] : memref<1024x64xf32, #tpu.memory_space<hbm>> -> memref<32x64xf32, #tpu.memory_space<hbm>>
      %dma_start3A_39 = arith.constant 0 : i32
      %dma_start3A_40 = tpu.memref_slice %arg10[%mul3A_19, %dma_start3A_39] : memref<1024x64xf32, #tpu.memory_space<hbm>> -> memref<32x64xf32, #tpu.memory_space<hbm>>
      tpu.enqueue_dma source(%arg28 : memref<32x64xf32, #tpu.memory_space<vmem>>) target(%dma_start3A_40 : memref<32x64xf32, #tpu.memory_space<hbm>>) target_semaphore(%run_scoped3A : memref<!tpu.dma_semaphore, #tpu.memory_space<semaphore_mem>>)
      %dma_wait3A_41 = arith.constant 0 : i32
      %dma_wait3A_42 = tpu.memref_slice %arg10[%mul3A_19, %dma_wait3A_41] : memref<1024x64xf32, #tpu.memory_space<hbm>> -> memref<32x64xf32, #tpu.memory_space<hbm>>
      %dma_wait3A_43 = arith.constant 0 : i32
      %dma_wait3A_44 = tpu.memref_slice %arg10[%mul3A_19, %dma_wait3A_43] : memref<1024x64xf32, #tpu.memory_space<hbm>> -> memref<32x64xf32, #tpu.memory_space<hbm>>
      tpu.wait_dma2 semaphore(%run_scoped3A : memref<!tpu.dma_semaphore, #tpu.memory_space<semaphore_mem>>) src(%arg28 : memref<32x64xf32, #tpu.memory_space<vmem>>) dst(%dma_wait3A_44 : memref<32x64xf32, #tpu.memory_space<hbm>>)
      tpu.yield
    }) : () -> ()
    %barrier3A_24 = arith.constant 0 : index
    tpu.barrier barrier_id(%barrier3A_24)
    %mul3A_25 = arith.constant 64 : i32
    %mul3A_26 = arith.muli %arg1, %mul3A_25 : i32
    "tpu.region"() ({
      %run_scoped3A = tpu.sem_alloc : memref<!tpu.dma_semaphore, #tpu.memory_space<semaphore_mem>>
      %dma_start3A_37 = tpu.memref_slice %arg5[%mul3A_26] : memref<1024xi32, #tpu.memory_space<hbm>> -> memref<64xi32, #tpu.memory_space<hbm>>
      %dma_start3A_38 = tpu.memref_slice %arg5[%mul3A_26] : memref<1024xi32, #tpu.memory_space<hbm>> -> memref<64xi32, #tpu.memory_space<hbm>>
      tpu.enqueue_dma source(%dma_start3A_38 : memref<64xi32, #tpu.memory_space<hbm>>) target(%arg29 : memref<64xi32, #tpu.memory_space<vmem>>) target_semaphore(%run_scoped3A : memref<!tpu.dma_semaphore, #tpu.memory_space<semaphore_mem>>)
      %dma_wait3A_39 = tpu.memref_slice %arg5[%mul3A_26] : memref<1024xi32, #tpu.memory_space<hbm>> -> memref<64xi32, #tpu.memory_space<hbm>>
      %dma_wait3A_40 = tpu.memref_slice %arg5[%mul3A_26] : memref<1024xi32, #tpu.memory_space<hbm>> -> memref<64xi32, #tpu.memory_space<hbm>>
      tpu.wait_dma2 semaphore(%run_scoped3A : memref<!tpu.dma_semaphore, #tpu.memory_space<semaphore_mem>>) src(%dma_wait3A_40 : memref<64xi32, #tpu.memory_space<hbm>>) dst(%arg29 : memref<64xi32, #tpu.memory_space<vmem>>)
      tpu.yield
    }) : () -> ()
    %eq3A_27 = arith.constant 0 : i32
    %eq3A_28 = arith.cmpi eq, %arg0, %eq3A_27 : i32
    %convert_element_type3A_29 = arith.extui %eq3A_28 : i1 to i32
    %cond3A_30 = arith.constant 0 : i32
    %cond3A_31 = arith.cmpi ne, %convert_element_type3A_29, %cond3A_30 : i32
    scf.if %cond3A_31 {
      %dma_start3A_37 = arith.constant 0 : i32
      %dma_start3A_38 = arith.constant 0 : i32
      %dma_start3A_39 = tpu.memref_slice %arg8[%dma_start3A_37, %dma_start3A_38] : memref<10240x64xf32, #tpu.memory_space<hbm>> -> memref<10240x64xf32, #tpu.memory_space<hbm>>
      tpu.enqueue_indirect_dma source(%dma_start3A_39 : memref<10240x64xf32, #tpu.memory_space<hbm>>) target(%arg30 : memref<64x64xf32, #tpu.memory_space<vmem>>) offsets(%arg29 : memref<64xi32, #tpu.memory_space<vmem>>) semaphore(%arg32 : memref<!tpu.dma_semaphore, #tpu.memory_space<semaphore_mem>>)
      %dma_wait3A_40 = arith.constant 0 : i32
      %dma_wait3A_41 = arith.constant 0 : i32
      %dma_wait3A_42 = tpu.memref_slice %arg8[%dma_wait3A_40, %dma_wait3A_41] : memref<10240x64xf32, #tpu.memory_space<hbm>> -> memref<10240x64xf32, #tpu.memory_space<hbm>>
      tpu.wait_indirect_dma semaphore(%arg32 : memref<!tpu.dma_semaphore, #tpu.memory_space<semaphore_mem>>) src(%dma_wait3A_42 : memref<10240x64xf32, #tpu.memory_space<hbm>>) dst(%arg30 : memref<64x64xf32, #tpu.memory_space<vmem>>)
      %mul3A_43 = arith.constant 64 : i32
      %mul3A_44 = arith.muli %arg1, %mul3A_43 : i32
      "tpu.region"() ({
        %run_scoped3A = tpu.sem_alloc : memref<!tpu.dma_semaphore, #tpu.memory_space<semaphore_mem>>
        %dma_start3A_45 = arith.constant 0 : i32
        %dma_start3A_46 = tpu.memref_slice %arg11[%mul3A_44, %dma_start3A_45] : memref<1024x64xf32, #tpu.memory_space<hbm>> -> memref<64x64xf32, #tpu.memory_space<hbm>>
        %dma_start3A_47 = arith.constant 0 : i32
        %dma_start3A_48 = tpu.memref_slice %arg11[%mul3A_44, %dma_start3A_47] : memref<1024x64xf32, #tpu.memory_space<hbm>> -> memref<64x64xf32, #tpu.memory_space<hbm>>
        tpu.enqueue_dma source(%arg30 : memref<64x64xf32, #tpu.memory_space<vmem>>) target(%dma_start3A_48 : memref<64x64xf32, #tpu.memory_space<hbm>>) target_semaphore(%run_scoped3A : memref<!tpu.dma_semaphore, #tpu.memory_space<semaphore_mem>>)
        %dma_wait3A_49 = arith.constant 0 : i32
        %dma_wait3A_50 = tpu.memref_slice %arg11[%mul3A_44, %dma_wait3A_49] : memref<1024x64xf32, #tpu.memory_space<hbm>> -> memref<64x64xf32, #tpu.memory_space<hbm>>
        %dma_wait3A_51 = arith.constant 0 : i32
        %dma_wait3A_52 = tpu.memref_slice %arg11[%mul3A_44, %dma_wait3A_51] : memref<1024x64xf32, #tpu.memory_space<hbm>> -> memref<64x64xf32, #tpu.memory_space<hbm>>
        tpu.wait_dma2 semaphore(%run_scoped3A : memref<!tpu.dma_semaphore, #tpu.memory_space<semaphore_mem>>) src(%arg30 : memref<64x64xf32, #tpu.memory_space<vmem>>) dst(%dma_wait3A_52 : memref<64x64xf32, #tpu.memory_space<hbm>>)
        tpu.yield
      }) : () -> ()
    } else {
    }
    %eq3A_32 = arith.constant 1 : i32
    %eq3A_33 = arith.cmpi eq, %arg0, %eq3A_32 : i32
    %convert_element_type3A_34 = arith.extui %eq3A_33 : i1 to i32
    %cond3A_35 = arith.constant 0 : i32
    %cond3A_36 = arith.cmpi ne, %convert_element_type3A_34, %cond3A_35 : i32
    scf.if %cond3A_36 {
      %dma_start3A_37 = arith.constant 0 : i32
      %dma_start3A_38 = arith.constant 0 : i32
      %dma_start3A_39 = tpu.memref_slice %arg9[%dma_start3A_37, %dma_start3A_38] : memref<10240x64xf32, #tpu.memory_space<hbm>> -> memref<10240x64xf32, #tpu.memory_space<hbm>>
      tpu.enqueue_indirect_dma source(%dma_start3A_39 : memref<10240x64xf32, #tpu.memory_space<hbm>>) target(%arg30 : memref<64x64xf32, #tpu.memory_space<vmem>>) offsets(%arg29 : memref<64xi32, #tpu.memory_space<vmem>>) semaphore(%arg32 : memref<!tpu.dma_semaphore, #tpu.memory_space<semaphore_mem>>)
      %dma_wait3A_40 = arith.constant 0 : i32
      %dma_wait3A_41 = arith.constant 0 : i32
      %dma_wait3A_42 = tpu.memref_slice %arg9[%dma_wait3A_40, %dma_wait3A_41] : memref<10240x64xf32, #tpu.memory_space<hbm>> -> memref<10240x64xf32, #tpu.memory_space<hbm>>
      tpu.wait_indirect_dma semaphore(%arg32 : memref<!tpu.dma_semaphore, #tpu.memory_space<semaphore_mem>>) src(%dma_wait3A_42 : memref<10240x64xf32, #tpu.memory_space<hbm>>) dst(%arg30 : memref<64x64xf32, #tpu.memory_space<vmem>>)
      %mul3A_43 = arith.constant 64 : i32
      %mul3A_44 = arith.muli %arg1, %mul3A_43 : i32
      "tpu.region"() ({
        %run_scoped3A = tpu.sem_alloc : memref<!tpu.dma_semaphore, #tpu.memory_space<semaphore_mem>>
        %dma_start3A_45 = arith.constant 0 : i32
        %dma_start3A_46 = tpu.memref_slice %arg12[%mul3A_44, %dma_start3A_45] : memref<1024x64xf32, #tpu.memory_space<hbm>> -> memref<64x64xf32, #tpu.memory_space<hbm>>
        %dma_start3A_47 = arith.constant 0 : i32
        %dma_start3A_48 = tpu.memref_slice %arg12[%mul3A_44, %dma_start3A_47] : memref<1024x64xf32, #tpu.memory_space<hbm>> -> memref<64x64xf32, #tpu.memory_space<hbm>>
        tpu.enqueue_dma source(%arg30 : memref<64x64xf32, #tpu.memory_space<vmem>>) target(%dma_start3A_48 : memref<64x64xf32, #tpu.memory_space<hbm>>) target_semaphore(%run_scoped3A : memref<!tpu.dma_semaphore, #tpu.memory_space<semaphore_mem>>)
        %dma_wait3A_49 = arith.constant 0 : i32
        %dma_wait3A_50 = tpu.memref_slice %arg12[%mul3A_44, %dma_wait3A_49] : memref<1024x64xf32, #tpu.memory_space<hbm>> -> memref<64x64xf32, #tpu.memory_space<hbm>>
        %dma_wait3A_51 = arith.constant 0 : i32
        %dma_wait3A_52 = tpu.memref_slice %arg12[%mul3A_44, %dma_wait3A_51] : memref<1024x64xf32, #tpu.memory_space<hbm>> -> memref<64x64xf32, #tpu.memory_space<hbm>>
        tpu.wait_dma2 semaphore(%run_scoped3A : memref<!tpu.dma_semaphore, #tpu.memory_space<semaphore_mem>>) src(%arg30 : memref<64x64xf32, #tpu.memory_space<vmem>>) dst(%dma_wait3A_52 : memref<64x64xf32, #tpu.memory_space<hbm>>)
        tpu.yield
      }) : () -> ()
    } else {
    }
    return
  }
}

#map = affine_map<(d0, d1) -> (0, 0)>
#map1 = affine_map<(d0, d1) -> (0, 0, 0)>
#map2 = affine_map<(d0, d1) -> (0)>
module attributes {stable_mosaic.version = 14 : i64} {
  func.func @k(%arg0: i32, %arg1: i32, %arg2: memref<10240x64xf32, #tpu.memory_space<hbm>>, %arg3: memref<32x40x128xi32, #tpu.memory_space<hbm>>, %arg4: memref<32x40x128xi32, #tpu.memory_space<hbm>>, %arg5: memref<1024xi32, #tpu.memory_space<hbm>>, %arg6: memref<10240x64xf32, #tpu.memory_space<hbm>>, %arg7: memref<10240x64xf32, #tpu.memory_space<hbm>>, %arg8: memref<10240x64xf32, #tpu.memory_space<hbm>>, %arg9: memref<10240x64xf32, #tpu.memory_space<hbm>>, %arg10: memref<1024x64xf32, #tpu.memory_space<hbm>>, %arg11: memref<40x128xi32, #tpu.memory_space<vmem>>, %arg12: memref<40x128xi32, #tpu.memory_space<vmem>>, %arg13: memref<128x64xf32, #tpu.memory_space<vmem>>, %arg14: memref<128x64xf32, #tpu.memory_space<vmem>>, %arg15: memref<128x64xf32, #tpu.memory_space<vmem>>, %arg16: memref<128x64xf32, #tpu.memory_space<vmem>>, %arg17: memref<!tpu.dma_semaphore, #tpu.memory_space<semaphore_mem>>, %arg18: memref<!tpu.dma_semaphore, #tpu.memory_space<semaphore_mem>>, %arg19: memref<!tpu.dma_semaphore, #tpu.memory_space<semaphore_mem>>, %arg20: memref<!tpu.dma_semaphore, #tpu.memory_space<semaphore_mem>>, %arg21: memref<!tpu.dma_semaphore, #tpu.memory_space<semaphore_mem>>, %arg22: memref<!tpu.dma_semaphore, #tpu.memory_space<semaphore_mem>>, %arg23: memref<!tpu.dma_semaphore, #tpu.memory_space<semaphore_mem>>, %arg24: memref<!tpu.dma_semaphore, #tpu.memory_space<semaphore_mem>>, %arg25: memref<32xi32, #tpu.memory_space<vmem>>, %arg26: memref<32x64xf32, #tpu.memory_space<vmem>>, %arg27: memref<10240x64xf32, #tpu.memory_space<vmem_shared>>, %arg28: memref<!tpu.dma_semaphore, #tpu.memory_space<semaphore_mem>>) attributes {dimension_semantics = [#tpu.dimension_semantics<core_parallel>, #tpu.dimension_semantics<subcore_parallel>], iteration_bounds = array<i64: 2, 16>, scalar_prefetch = 0 : i64, scratch_operands = 18 : i64, tpu.core_type = #tpu.core_type<sc_vector_subcore>, window_params = [{transform_indices = #map}, {transform_indices = #map1}, {transform_indices = #map1}, {transform_indices = #map2}, {transform_indices = #map}, {transform_indices = #map}, {transform_indices = #map}, {transform_indices = #map}, {transform_indices = #map}]} {
    %mul3A = arith.constant 2 : i32
    %mul3A_0 = arith.muli %arg1, %mul3A : i32
    %add3A = arith.addi %mul3A_0, %arg0 : i32
    %mul3A_1 = arith.constant 640 : i32
    %mul3A_2 = arith.muli %arg1, %mul3A_1 : i32
    %mul3A_3 = arith.constant 640 : i32
    %mul3A_4 = arith.muli %arg1, %mul3A_3 : i32
    "tpu.region"() ({
      %run_scoped3A = tpu.sem_alloc : memref<!tpu.dma_semaphore, #tpu.memory_space<semaphore_mem>>
      %dma_start3A_24 = arith.constant 0 : i32
      %dma_start3A_25 = tpu.memref_slice %arg27[%mul3A_4, %dma_start3A_24] : memref<10240x64xf32, #tpu.memory_space<vmem_shared>> -> memref<640x64xf32, #tpu.memory_space<vmem_shared>>
      %dma_start3A_26 = arith.constant 0 : i32
      %dma_start3A_27 = tpu.memref_slice %arg7[%mul3A_2, %dma_start3A_26] : memref<10240x64xf32, #tpu.memory_space<hbm>> -> memref<640x64xf32, #tpu.memory_space<hbm>>
      tpu.enqueue_dma source(%dma_start3A_27 : memref<640x64xf32, #tpu.memory_space<hbm>>) target(%dma_start3A_25 : memref<640x64xf32, #tpu.memory_space<vmem_shared>>) target_semaphore(%run_scoped3A : memref<!tpu.dma_semaphore, #tpu.memory_space<semaphore_mem>>)
      %dma_wait3A_28 = arith.constant 0 : i32
      %dma_wait3A_29 = tpu.memref_slice %arg27[%mul3A_4, %dma_wait3A_28] : memref<10240x64xf32, #tpu.memory_space<vmem_shared>> -> memref<640x64xf32, #tpu.memory_space<vmem_shared>>
      %dma_wait3A_30 = arith.constant 0 : i32
      %dma_wait3A_31 = tpu.memref_slice %arg7[%mul3A_2, %dma_wait3A_30] : memref<10240x64xf32, #tpu.memory_space<hbm>> -> memref<640x64xf32, #tpu.memory_space<hbm>>
      tpu.wait_dma2 semaphore(%run_scoped3A : memref<!tpu.dma_semaphore, #tpu.memory_space<semaphore_mem>>) src(%dma_wait3A_31 : memref<640x64xf32, #tpu.memory_space<hbm>>) dst(%dma_wait3A_29 : memref<640x64xf32, #tpu.memory_space<vmem_shared>>)
      tpu.yield
    }) : () -> ()
    %barrier3A = arith.constant 0 : index
    tpu.barrier barrier_id(%barrier3A)
    "tpu.region"() ({
      %run_scoped3A = tpu.sem_alloc : memref<!tpu.dma_semaphore, #tpu.memory_space<semaphore_mem>>
      %dma_start3A_24 = arith.constant 0 : i32
      %dma_start3A_25 = arith.constant 0 : i32
      %dma_start3A_26 = tpu.memref_slice %arg3[%add3A, %dma_start3A_24, %dma_start3A_25] : memref<32x40x128xi32, #tpu.memory_space<hbm>> -> memref<1x40x128xi32, #tpu.memory_space<hbm>>
      %dma_start3A_27 = tpu.memref_squeeze %dma_start3A_26 : memref<1x40x128xi32, #tpu.memory_space<hbm>> -> memref<40x128xi32, #tpu.memory_space<hbm>>
      %dma_start3A_28 = arith.constant 0 : i32
      %dma_start3A_29 = arith.constant 0 : i32
      %dma_start3A_30 = tpu.memref_slice %arg3[%add3A, %dma_start3A_28, %dma_start3A_29] : memref<32x40x128xi32, #tpu.memory_space<hbm>> -> memref<1x40x128xi32, #tpu.memory_space<hbm>>
      %dma_start3A_31 = tpu.memref_squeeze %dma_start3A_30 : memref<1x40x128xi32, #tpu.memory_space<hbm>> -> memref<40x128xi32, #tpu.memory_space<hbm>>
      tpu.enqueue_dma source(%dma_start3A_31 : memref<40x128xi32, #tpu.memory_space<hbm>>) target(%arg11 : memref<40x128xi32, #tpu.memory_space<vmem>>) target_semaphore(%run_scoped3A : memref<!tpu.dma_semaphore, #tpu.memory_space<semaphore_mem>>)
      %dma_wait3A_32 = arith.constant 0 : i32
      %dma_wait3A_33 = arith.constant 0 : i32
      %dma_wait3A_34 = tpu.memref_slice %arg3[%add3A, %dma_wait3A_32, %dma_wait3A_33] : memref<32x40x128xi32, #tpu.memory_space<hbm>> -> memref<1x40x128xi32, #tpu.memory_space<hbm>>
      %dma_wait3A_35 = tpu.memref_squeeze %dma_wait3A_34 : memref<1x40x128xi32, #tpu.memory_space<hbm>> -> memref<40x128xi32, #tpu.memory_space<hbm>>
      %dma_wait3A_36 = arith.constant 0 : i32
      %dma_wait3A_37 = arith.constant 0 : i32
      %dma_wait3A_38 = tpu.memref_slice %arg3[%add3A, %dma_wait3A_36, %dma_wait3A_37] : memref<32x40x128xi32, #tpu.memory_space<hbm>> -> memref<1x40x128xi32, #tpu.memory_space<hbm>>
      %dma_wait3A_39 = tpu.memref_squeeze %dma_wait3A_38 : memref<1x40x128xi32, #tpu.memory_space<hbm>> -> memref<40x128xi32, #tpu.memory_space<hbm>>
      tpu.wait_dma2 semaphore(%run_scoped3A : memref<!tpu.dma_semaphore, #tpu.memory_space<semaphore_mem>>) src(%dma_wait3A_39 : memref<40x128xi32, #tpu.memory_space<hbm>>) dst(%arg11 : memref<40x128xi32, #tpu.memory_space<vmem>>)
      tpu.yield
    }) : () -> ()
    "tpu.region"() ({
      %run_scoped3A = tpu.sem_alloc : memref<!tpu.dma_semaphore, #tpu.memory_space<semaphore_mem>>
      %dma_start3A_24 = arith.constant 0 : i32
      %dma_start3A_25 = arith.constant 0 : i32
      %dma_start3A_26 = tpu.memref_slice %arg4[%add3A, %dma_start3A_24, %dma_start3A_25] : memref<32x40x128xi32, #tpu.memory_space<hbm>> -> memref<1x40x128xi32, #tpu.memory_space<hbm>>
      %dma_start3A_27 = tpu.memref_squeeze %dma_start3A_26 : memref<1x40x128xi32, #tpu.memory_space<hbm>> -> memref<40x128xi32, #tpu.memory_space<hbm>>
      %dma_start3A_28 = arith.constant 0 : i32
      %dma_start3A_29 = arith.constant 0 : i32
      %dma_start3A_30 = tpu.memref_slice %arg4[%add3A, %dma_start3A_28, %dma_start3A_29] : memref<32x40x128xi32, #tpu.memory_space<hbm>> -> memref<1x40x128xi32, #tpu.memory_space<hbm>>
      %dma_start3A_31 = tpu.memref_squeeze %dma_start3A_30 : memref<1x40x128xi32, #tpu.memory_space<hbm>> -> memref<40x128xi32, #tpu.memory_space<hbm>>
      tpu.enqueue_dma source(%dma_start3A_31 : memref<40x128xi32, #tpu.memory_space<hbm>>) target(%arg12 : memref<40x128xi32, #tpu.memory_space<vmem>>) target_semaphore(%run_scoped3A : memref<!tpu.dma_semaphore, #tpu.memory_space<semaphore_mem>>)
      %dma_wait3A_32 = arith.constant 0 : i32
      %dma_wait3A_33 = arith.constant 0 : i32
      %dma_wait3A_34 = tpu.memref_slice %arg4[%add3A, %dma_wait3A_32, %dma_wait3A_33] : memref<32x40x128xi32, #tpu.memory_space<hbm>> -> memref<1x40x128xi32, #tpu.memory_space<hbm>>
      %dma_wait3A_35 = tpu.memref_squeeze %dma_wait3A_34 : memref<1x40x128xi32, #tpu.memory_space<hbm>> -> memref<40x128xi32, #tpu.memory_space<hbm>>
      %dma_wait3A_36 = arith.constant 0 : i32
      %dma_wait3A_37 = arith.constant 0 : i32
      %dma_wait3A_38 = tpu.memref_slice %arg4[%add3A, %dma_wait3A_36, %dma_wait3A_37] : memref<32x40x128xi32, #tpu.memory_space<hbm>> -> memref<1x40x128xi32, #tpu.memory_space<hbm>>
      %dma_wait3A_39 = tpu.memref_squeeze %dma_wait3A_38 : memref<1x40x128xi32, #tpu.memory_space<hbm>> -> memref<40x128xi32, #tpu.memory_space<hbm>>
      tpu.wait_dma2 semaphore(%run_scoped3A : memref<!tpu.dma_semaphore, #tpu.memory_space<semaphore_mem>>) src(%dma_wait3A_39 : memref<40x128xi32, #tpu.memory_space<hbm>>) dst(%arg12 : memref<40x128xi32, #tpu.memory_space<vmem>>)
      tpu.yield
    }) : () -> ()
    %scan3A = arith.constant 0 : i32
    %scan3A_5 = arith.constant 0 : i32
    %scan3A_6 = arith.constant 10 : i32
    %scan3A_7 = arith.addi %scan3A_5, %scan3A_6 : i32
    %scan3A_8 = arith.constant 1 : i32
    scf.for %scan3A_24 = %scan3A_5 to %scan3A_7 step %scan3A_8  : i32 {
      %mul3A_25 = arith.constant 4 : i32
      %mul3A_26 = arith.muli %scan3A_24, %mul3A_25 : i32
      %add3A_27 = arith.constant 0 : i32
      %add3A_28 = arith.addi %mul3A_26, %add3A_27 : i32
      %dma_start3A_29 = arith.constant 0 : i32
      %dma_start3A_30 = tpu.memref_slice %arg11[%add3A_28, %dma_start3A_29] : memref<40x128xi32, #tpu.memory_space<vmem>> -> memref<1x128xi32, #tpu.memory_space<vmem>>
      %dma_start3A_31 = tpu.memref_squeeze %dma_start3A_30 : memref<1x128xi32, #tpu.memory_space<vmem>> -> memref<128xi32, #tpu.memory_space<vmem>>
      %dma_start3A_32 = arith.constant 0 : i32
      %dma_start3A_33 = arith.constant 0 : i32
      %dma_start3A_34 = tpu.memref_slice %arg2[%dma_start3A_32, %dma_start3A_33] : memref<10240x64xf32, #tpu.memory_space<hbm>> -> memref<10240x64xf32, #tpu.memory_space<hbm>>
      tpu.enqueue_indirect_dma source(%dma_start3A_34 : memref<10240x64xf32, #tpu.memory_space<hbm>>) target(%arg13 : memref<128x64xf32, #tpu.memory_space<vmem>>) offsets(%dma_start3A_31 : memref<128xi32, #tpu.memory_space<vmem>>) semaphore(%arg17 : memref<!tpu.dma_semaphore, #tpu.memory_space<semaphore_mem>>)
      %mul3A_35 = arith.constant 4 : i32
      %mul3A_36 = arith.muli %scan3A_24, %mul3A_35 : i32
      %add3A_37 = arith.constant 1 : i32
      %add3A_38 = arith.addi %mul3A_36, %add3A_37 : i32
      %dma_start3A_39 = arith.constant 0 : i32
      %dma_start3A_40 = tpu.memref_slice %arg11[%add3A_38, %dma_start3A_39] : memref<40x128xi32, #tpu.memory_space<vmem>> -> memref<1x128xi32, #tpu.memory_space<vmem>>
      %dma_start3A_41 = tpu.memref_squeeze %dma_start3A_40 : memref<1x128xi32, #tpu.memory_space<vmem>> -> memref<128xi32, #tpu.memory_space<vmem>>
      %dma_start3A_42 = arith.constant 0 : i32
      %dma_start3A_43 = arith.constant 0 : i32
      %dma_start3A_44 = tpu.memref_slice %arg2[%dma_start3A_42, %dma_start3A_43] : memref<10240x64xf32, #tpu.memory_space<hbm>> -> memref<10240x64xf32, #tpu.memory_space<hbm>>
      tpu.enqueue_indirect_dma source(%dma_start3A_44 : memref<10240x64xf32, #tpu.memory_space<hbm>>) target(%arg14 : memref<128x64xf32, #tpu.memory_space<vmem>>) offsets(%dma_start3A_41 : memref<128xi32, #tpu.memory_space<vmem>>) semaphore(%arg18 : memref<!tpu.dma_semaphore, #tpu.memory_space<semaphore_mem>>)
      %mul3A_45 = arith.constant 4 : i32
      %mul3A_46 = arith.muli %scan3A_24, %mul3A_45 : i32
      %add3A_47 = arith.constant 2 : i32
      %add3A_48 = arith.addi %mul3A_46, %add3A_47 : i32
      %dma_start3A_49 = arith.constant 0 : i32
      %dma_start3A_50 = tpu.memref_slice %arg11[%add3A_48, %dma_start3A_49] : memref<40x128xi32, #tpu.memory_space<vmem>> -> memref<1x128xi32, #tpu.memory_space<vmem>>
      %dma_start3A_51 = tpu.memref_squeeze %dma_start3A_50 : memref<1x128xi32, #tpu.memory_space<vmem>> -> memref<128xi32, #tpu.memory_space<vmem>>
      %dma_start3A_52 = arith.constant 0 : i32
      %dma_start3A_53 = arith.constant 0 : i32
      %dma_start3A_54 = tpu.memref_slice %arg2[%dma_start3A_52, %dma_start3A_53] : memref<10240x64xf32, #tpu.memory_space<hbm>> -> memref<10240x64xf32, #tpu.memory_space<hbm>>
      tpu.enqueue_indirect_dma source(%dma_start3A_54 : memref<10240x64xf32, #tpu.memory_space<hbm>>) target(%arg15 : memref<128x64xf32, #tpu.memory_space<vmem>>) offsets(%dma_start3A_51 : memref<128xi32, #tpu.memory_space<vmem>>) semaphore(%arg19 : memref<!tpu.dma_semaphore, #tpu.memory_space<semaphore_mem>>)
      %mul3A_55 = arith.constant 4 : i32
      %mul3A_56 = arith.muli %scan3A_24, %mul3A_55 : i32
      %add3A_57 = arith.constant 3 : i32
      %add3A_58 = arith.addi %mul3A_56, %add3A_57 : i32
      %dma_start3A_59 = arith.constant 0 : i32
      %dma_start3A_60 = tpu.memref_slice %arg11[%add3A_58, %dma_start3A_59] : memref<40x128xi32, #tpu.memory_space<vmem>> -> memref<1x128xi32, #tpu.memory_space<vmem>>
      %dma_start3A_61 = tpu.memref_squeeze %dma_start3A_60 : memref<1x128xi32, #tpu.memory_space<vmem>> -> memref<128xi32, #tpu.memory_space<vmem>>
      %dma_start3A_62 = arith.constant 0 : i32
      %dma_start3A_63 = arith.constant 0 : i32
      %dma_start3A_64 = tpu.memref_slice %arg2[%dma_start3A_62, %dma_start3A_63] : memref<10240x64xf32, #tpu.memory_space<hbm>> -> memref<10240x64xf32, #tpu.memory_space<hbm>>
      tpu.enqueue_indirect_dma source(%dma_start3A_64 : memref<10240x64xf32, #tpu.memory_space<hbm>>) target(%arg16 : memref<128x64xf32, #tpu.memory_space<vmem>>) offsets(%dma_start3A_61 : memref<128xi32, #tpu.memory_space<vmem>>) semaphore(%arg20 : memref<!tpu.dma_semaphore, #tpu.memory_space<semaphore_mem>>)
      %mul3A_65 = arith.constant 4 : i32
      %mul3A_66 = arith.muli %scan3A_24, %mul3A_65 : i32
      %add3A_67 = arith.constant 0 : i32
      %add3A_68 = arith.addi %mul3A_66, %add3A_67 : i32
      %dma_wait3A_69 = arith.constant 0 : i32
      %dma_wait3A_70 = tpu.memref_slice %arg11[%add3A_28, %dma_wait3A_69] : memref<40x128xi32, #tpu.memory_space<vmem>> -> memref<1x128xi32, #tpu.memory_space<vmem>>
      %dma_wait3A_71 = tpu.memref_squeeze %dma_wait3A_70 : memref<1x128xi32, #tpu.memory_space<vmem>> -> memref<128xi32, #tpu.memory_space<vmem>>
      %dma_wait3A_72 = arith.constant 0 : i32
      %dma_wait3A_73 = arith.constant 0 : i32
      %dma_wait3A_74 = tpu.memref_slice %arg2[%dma_wait3A_72, %dma_wait3A_73] : memref<10240x64xf32, #tpu.memory_space<hbm>> -> memref<10240x64xf32, #tpu.memory_space<hbm>>
      tpu.wait_indirect_dma semaphore(%arg17 : memref<!tpu.dma_semaphore, #tpu.memory_space<semaphore_mem>>) src(%dma_wait3A_74 : memref<10240x64xf32, #tpu.memory_space<hbm>>) dst(%arg13 : memref<128x64xf32, #tpu.memory_space<vmem>>)
      %dma_start3A_75 = arith.constant 0 : i32
      %dma_start3A_76 = tpu.memref_slice %arg12[%add3A_68, %dma_start3A_75] : memref<40x128xi32, #tpu.memory_space<vmem>> -> memref<1x128xi32, #tpu.memory_space<vmem>>
      %dma_start3A_77 = tpu.memref_squeeze %dma_start3A_76 : memref<1x128xi32, #tpu.memory_space<vmem>> -> memref<128xi32, #tpu.memory_space<vmem>>
      %dma_start3A_78 = arith.constant 0 : i32
      %dma_start3A_79 = arith.constant 0 : i32
      %dma_start3A_80 = tpu.memref_slice %arg27[%dma_start3A_78, %dma_start3A_79] : memref<10240x64xf32, #tpu.memory_space<vmem_shared>> -> memref<10240x64xf32, #tpu.memory_space<vmem_shared>>
      tpu.enqueue_indirect_dma source(%arg13 : memref<128x64xf32, #tpu.memory_space<vmem>>) target(%dma_start3A_80 : memref<10240x64xf32, #tpu.memory_space<vmem_shared>>) offsets(%dma_start3A_77 : memref<128xi32, #tpu.memory_space<vmem>>) semaphore(%arg21 : memref<!tpu.dma_semaphore, #tpu.memory_space<semaphore_mem>>) {add = true}
      %mul3A_81 = arith.constant 4 : i32
      %mul3A_82 = arith.muli %scan3A_24, %mul3A_81 : i32
      %add3A_83 = arith.constant 1 : i32
      %add3A_84 = arith.addi %mul3A_82, %add3A_83 : i32
      %dma_wait3A_85 = arith.constant 0 : i32
      %dma_wait3A_86 = tpu.memref_slice %arg11[%add3A_38, %dma_wait3A_85] : memref<40x128xi32, #tpu.memory_space<vmem>> -> memref<1x128xi32, #tpu.memory_space<vmem>>
      %dma_wait3A_87 = tpu.memref_squeeze %dma_wait3A_86 : memref<1x128xi32, #tpu.memory_space<vmem>> -> memref<128xi32, #tpu.memory_space<vmem>>
      %dma_wait3A_88 = arith.constant 0 : i32
      %dma_wait3A_89 = arith.constant 0 : i32
      %dma_wait3A_90 = tpu.memref_slice %arg2[%dma_wait3A_88, %dma_wait3A_89] : memref<10240x64xf32, #tpu.memory_space<hbm>> -> memref<10240x64xf32, #tpu.memory_space<hbm>>
      tpu.wait_indirect_dma semaphore(%arg18 : memref<!tpu.dma_semaphore, #tpu.memory_space<semaphore_mem>>) src(%dma_wait3A_90 : memref<10240x64xf32, #tpu.memory_space<hbm>>) dst(%arg14 : memref<128x64xf32, #tpu.memory_space<vmem>>)
      %dma_start3A_91 = arith.constant 0 : i32
      %dma_start3A_92 = tpu.memref_slice %arg12[%add3A_84, %dma_start3A_91] : memref<40x128xi32, #tpu.memory_space<vmem>> -> memref<1x128xi32, #tpu.memory_space<vmem>>
      %dma_start3A_93 = tpu.memref_squeeze %dma_start3A_92 : memref<1x128xi32, #tpu.memory_space<vmem>> -> memref<128xi32, #tpu.memory_space<vmem>>
      %dma_start3A_94 = arith.constant 0 : i32
      %dma_start3A_95 = arith.constant 0 : i32
      %dma_start3A_96 = tpu.memref_slice %arg27[%dma_start3A_94, %dma_start3A_95] : memref<10240x64xf32, #tpu.memory_space<vmem_shared>> -> memref<10240x64xf32, #tpu.memory_space<vmem_shared>>
      tpu.enqueue_indirect_dma source(%arg14 : memref<128x64xf32, #tpu.memory_space<vmem>>) target(%dma_start3A_96 : memref<10240x64xf32, #tpu.memory_space<vmem_shared>>) offsets(%dma_start3A_93 : memref<128xi32, #tpu.memory_space<vmem>>) semaphore(%arg22 : memref<!tpu.dma_semaphore, #tpu.memory_space<semaphore_mem>>) {add = true}
      %mul3A_97 = arith.constant 4 : i32
      %mul3A_98 = arith.muli %scan3A_24, %mul3A_97 : i32
      %add3A_99 = arith.constant 2 : i32
      %add3A_100 = arith.addi %mul3A_98, %add3A_99 : i32
      %dma_wait3A_101 = arith.constant 0 : i32
      %dma_wait3A_102 = tpu.memref_slice %arg11[%add3A_48, %dma_wait3A_101] : memref<40x128xi32, #tpu.memory_space<vmem>> -> memref<1x128xi32, #tpu.memory_space<vmem>>
      %dma_wait3A_103 = tpu.memref_squeeze %dma_wait3A_102 : memref<1x128xi32, #tpu.memory_space<vmem>> -> memref<128xi32, #tpu.memory_space<vmem>>
      %dma_wait3A_104 = arith.constant 0 : i32
      %dma_wait3A_105 = arith.constant 0 : i32
      %dma_wait3A_106 = tpu.memref_slice %arg2[%dma_wait3A_104, %dma_wait3A_105] : memref<10240x64xf32, #tpu.memory_space<hbm>> -> memref<10240x64xf32, #tpu.memory_space<hbm>>
      tpu.wait_indirect_dma semaphore(%arg19 : memref<!tpu.dma_semaphore, #tpu.memory_space<semaphore_mem>>) src(%dma_wait3A_106 : memref<10240x64xf32, #tpu.memory_space<hbm>>) dst(%arg15 : memref<128x64xf32, #tpu.memory_space<vmem>>)
      %dma_start3A_107 = arith.constant 0 : i32
      %dma_start3A_108 = tpu.memref_slice %arg12[%add3A_100, %dma_start3A_107] : memref<40x128xi32, #tpu.memory_space<vmem>> -> memref<1x128xi32, #tpu.memory_space<vmem>>
      %dma_start3A_109 = tpu.memref_squeeze %dma_start3A_108 : memref<1x128xi32, #tpu.memory_space<vmem>> -> memref<128xi32, #tpu.memory_space<vmem>>
      %dma_start3A_110 = arith.constant 0 : i32
      %dma_start3A_111 = arith.constant 0 : i32
      %dma_start3A_112 = tpu.memref_slice %arg27[%dma_start3A_110, %dma_start3A_111] : memref<10240x64xf32, #tpu.memory_space<vmem_shared>> -> memref<10240x64xf32, #tpu.memory_space<vmem_shared>>
      tpu.enqueue_indirect_dma source(%arg15 : memref<128x64xf32, #tpu.memory_space<vmem>>) target(%dma_start3A_112 : memref<10240x64xf32, #tpu.memory_space<vmem_shared>>) offsets(%dma_start3A_109 : memref<128xi32, #tpu.memory_space<vmem>>) semaphore(%arg23 : memref<!tpu.dma_semaphore, #tpu.memory_space<semaphore_mem>>) {add = true}
      %mul3A_113 = arith.constant 4 : i32
      %mul3A_114 = arith.muli %scan3A_24, %mul3A_113 : i32
      %add3A_115 = arith.constant 3 : i32
      %add3A_116 = arith.addi %mul3A_114, %add3A_115 : i32
      %dma_wait3A_117 = arith.constant 0 : i32
      %dma_wait3A_118 = tpu.memref_slice %arg11[%add3A_58, %dma_wait3A_117] : memref<40x128xi32, #tpu.memory_space<vmem>> -> memref<1x128xi32, #tpu.memory_space<vmem>>
      %dma_wait3A_119 = tpu.memref_squeeze %dma_wait3A_118 : memref<1x128xi32, #tpu.memory_space<vmem>> -> memref<128xi32, #tpu.memory_space<vmem>>
      %dma_wait3A_120 = arith.constant 0 : i32
      %dma_wait3A_121 = arith.constant 0 : i32
      %dma_wait3A_122 = tpu.memref_slice %arg2[%dma_wait3A_120, %dma_wait3A_121] : memref<10240x64xf32, #tpu.memory_space<hbm>> -> memref<10240x64xf32, #tpu.memory_space<hbm>>
      tpu.wait_indirect_dma semaphore(%arg20 : memref<!tpu.dma_semaphore, #tpu.memory_space<semaphore_mem>>) src(%dma_wait3A_122 : memref<10240x64xf32, #tpu.memory_space<hbm>>) dst(%arg16 : memref<128x64xf32, #tpu.memory_space<vmem>>)
      %dma_start3A_123 = arith.constant 0 : i32
      %dma_start3A_124 = tpu.memref_slice %arg12[%add3A_116, %dma_start3A_123] : memref<40x128xi32, #tpu.memory_space<vmem>> -> memref<1x128xi32, #tpu.memory_space<vmem>>
      %dma_start3A_125 = tpu.memref_squeeze %dma_start3A_124 : memref<1x128xi32, #tpu.memory_space<vmem>> -> memref<128xi32, #tpu.memory_space<vmem>>
      %dma_start3A_126 = arith.constant 0 : i32
      %dma_start3A_127 = arith.constant 0 : i32
      %dma_start3A_128 = tpu.memref_slice %arg27[%dma_start3A_126, %dma_start3A_127] : memref<10240x64xf32, #tpu.memory_space<vmem_shared>> -> memref<10240x64xf32, #tpu.memory_space<vmem_shared>>
      tpu.enqueue_indirect_dma source(%arg16 : memref<128x64xf32, #tpu.memory_space<vmem>>) target(%dma_start3A_128 : memref<10240x64xf32, #tpu.memory_space<vmem_shared>>) offsets(%dma_start3A_125 : memref<128xi32, #tpu.memory_space<vmem>>) semaphore(%arg24 : memref<!tpu.dma_semaphore, #tpu.memory_space<semaphore_mem>>) {add = true}
      %dma_wait3A_129 = arith.constant 0 : i32
      %dma_wait3A_130 = tpu.memref_slice %arg12[%add3A_68, %dma_wait3A_129] : memref<40x128xi32, #tpu.memory_space<vmem>> -> memref<1x128xi32, #tpu.memory_space<vmem>>
      %dma_wait3A_131 = tpu.memref_squeeze %dma_wait3A_130 : memref<1x128xi32, #tpu.memory_space<vmem>> -> memref<128xi32, #tpu.memory_space<vmem>>
      %dma_wait3A_132 = arith.constant 0 : i32
      %dma_wait3A_133 = arith.constant 0 : i32
      %dma_wait3A_134 = tpu.memref_slice %arg27[%dma_wait3A_132, %dma_wait3A_133] : memref<10240x64xf32, #tpu.memory_space<vmem_shared>> -> memref<10240x64xf32, #tpu.memory_space<vmem_shared>>
      tpu.wait_indirect_dma semaphore(%arg21 : memref<!tpu.dma_semaphore, #tpu.memory_space<semaphore_mem>>) src(%arg13 : memref<128x64xf32, #tpu.memory_space<vmem>>) dst(%dma_wait3A_134 : memref<10240x64xf32, #tpu.memory_space<vmem_shared>>)
      %dma_wait3A_135 = arith.constant 0 : i32
      %dma_wait3A_136 = tpu.memref_slice %arg12[%add3A_84, %dma_wait3A_135] : memref<40x128xi32, #tpu.memory_space<vmem>> -> memref<1x128xi32, #tpu.memory_space<vmem>>
      %dma_wait3A_137 = tpu.memref_squeeze %dma_wait3A_136 : memref<1x128xi32, #tpu.memory_space<vmem>> -> memref<128xi32, #tpu.memory_space<vmem>>
      %dma_wait3A_138 = arith.constant 0 : i32
      %dma_wait3A_139 = arith.constant 0 : i32
      %dma_wait3A_140 = tpu.memref_slice %arg27[%dma_wait3A_138, %dma_wait3A_139] : memref<10240x64xf32, #tpu.memory_space<vmem_shared>> -> memref<10240x64xf32, #tpu.memory_space<vmem_shared>>
      tpu.wait_indirect_dma semaphore(%arg22 : memref<!tpu.dma_semaphore, #tpu.memory_space<semaphore_mem>>) src(%arg14 : memref<128x64xf32, #tpu.memory_space<vmem>>) dst(%dma_wait3A_140 : memref<10240x64xf32, #tpu.memory_space<vmem_shared>>)
      %dma_wait3A_141 = arith.constant 0 : i32
      %dma_wait3A_142 = tpu.memref_slice %arg12[%add3A_100, %dma_wait3A_141] : memref<40x128xi32, #tpu.memory_space<vmem>> -> memref<1x128xi32, #tpu.memory_space<vmem>>
      %dma_wait3A_143 = tpu.memref_squeeze %dma_wait3A_142 : memref<1x128xi32, #tpu.memory_space<vmem>> -> memref<128xi32, #tpu.memory_space<vmem>>
      %dma_wait3A_144 = arith.constant 0 : i32
      %dma_wait3A_145 = arith.constant 0 : i32
      %dma_wait3A_146 = tpu.memref_slice %arg27[%dma_wait3A_144, %dma_wait3A_145] : memref<10240x64xf32, #tpu.memory_space<vmem_shared>> -> memref<10240x64xf32, #tpu.memory_space<vmem_shared>>
      tpu.wait_indirect_dma semaphore(%arg23 : memref<!tpu.dma_semaphore, #tpu.memory_space<semaphore_mem>>) src(%arg15 : memref<128x64xf32, #tpu.memory_space<vmem>>) dst(%dma_wait3A_146 : memref<10240x64xf32, #tpu.memory_space<vmem_shared>>)
      %dma_wait3A_147 = arith.constant 0 : i32
      %dma_wait3A_148 = tpu.memref_slice %arg12[%add3A_116, %dma_wait3A_147] : memref<40x128xi32, #tpu.memory_space<vmem>> -> memref<1x128xi32, #tpu.memory_space<vmem>>
      %dma_wait3A_149 = tpu.memref_squeeze %dma_wait3A_148 : memref<1x128xi32, #tpu.memory_space<vmem>> -> memref<128xi32, #tpu.memory_space<vmem>>
      %dma_wait3A_150 = arith.constant 0 : i32
      %dma_wait3A_151 = arith.constant 0 : i32
      %dma_wait3A_152 = tpu.memref_slice %arg27[%dma_wait3A_150, %dma_wait3A_151] : memref<10240x64xf32, #tpu.memory_space<vmem_shared>> -> memref<10240x64xf32, #tpu.memory_space<vmem_shared>>
      tpu.wait_indirect_dma semaphore(%arg24 : memref<!tpu.dma_semaphore, #tpu.memory_space<semaphore_mem>>) src(%arg16 : memref<128x64xf32, #tpu.memory_space<vmem>>) dst(%dma_wait3A_152 : memref<10240x64xf32, #tpu.memory_space<vmem_shared>>)
    }
    %scan3A_9 = arith.constant 10 : i32
    %barrier3A_10 = arith.constant 0 : index
    tpu.barrier barrier_id(%barrier3A_10)
    %eq3A = arith.constant 0 : i32
    %eq3A_11 = arith.cmpi eq, %arg0, %eq3A : i32
    %convert_element_type3A = arith.extui %eq3A_11 : i1 to i32
    %cond3A = arith.constant 0 : i32
    %cond3A_12 = arith.cmpi ne, %convert_element_type3A, %cond3A : i32
    scf.if %cond3A_12 {
      %mul3A_24 = arith.constant 640 : i32
      %mul3A_25 = arith.muli %arg1, %mul3A_24 : i32
      %mul3A_26 = arith.constant 640 : i32
      %mul3A_27 = arith.muli %arg1, %mul3A_26 : i32
      "tpu.region"() ({
        %run_scoped3A = tpu.sem_alloc : memref<!tpu.dma_semaphore, #tpu.memory_space<semaphore_mem>>
        %dma_start3A_28 = arith.constant 0 : i32
        %dma_start3A_29 = tpu.memref_slice %arg8[%mul3A_27, %dma_start3A_28] : memref<10240x64xf32, #tpu.memory_space<hbm>> -> memref<640x64xf32, #tpu.memory_space<hbm>>
        %dma_start3A_30 = arith.constant 0 : i32
        %dma_start3A_31 = tpu.memref_slice %arg27[%mul3A_25, %dma_start3A_30] : memref<10240x64xf32, #tpu.memory_space<vmem_shared>> -> memref<640x64xf32, #tpu.memory_space<vmem_shared>>
        tpu.enqueue_dma source(%dma_start3A_31 : memref<640x64xf32, #tpu.memory_space<vmem_shared>>) target(%dma_start3A_29 : memref<640x64xf32, #tpu.memory_space<hbm>>) target_semaphore(%run_scoped3A : memref<!tpu.dma_semaphore, #tpu.memory_space<semaphore_mem>>)
        %dma_wait3A_32 = arith.constant 0 : i32
        %dma_wait3A_33 = tpu.memref_slice %arg8[%mul3A_27, %dma_wait3A_32] : memref<10240x64xf32, #tpu.memory_space<hbm>> -> memref<640x64xf32, #tpu.memory_space<hbm>>
        %dma_wait3A_34 = arith.constant 0 : i32
        %dma_wait3A_35 = tpu.memref_slice %arg27[%mul3A_25, %dma_wait3A_34] : memref<10240x64xf32, #tpu.memory_space<vmem_shared>> -> memref<640x64xf32, #tpu.memory_space<vmem_shared>>
        tpu.wait_dma2 semaphore(%run_scoped3A : memref<!tpu.dma_semaphore, #tpu.memory_space<semaphore_mem>>) src(%dma_wait3A_35 : memref<640x64xf32, #tpu.memory_space<vmem_shared>>) dst(%dma_wait3A_33 : memref<640x64xf32, #tpu.memory_space<hbm>>)
        tpu.yield
      }) : () -> ()
    } else {
    }
    %eq3A_13 = arith.constant 1 : i32
    %eq3A_14 = arith.cmpi eq, %arg0, %eq3A_13 : i32
    %convert_element_type3A_15 = arith.extui %eq3A_14 : i1 to i32
    %cond3A_16 = arith.constant 0 : i32
    %cond3A_17 = arith.cmpi ne, %convert_element_type3A_15, %cond3A_16 : i32
    scf.if %cond3A_17 {
      %mul3A_24 = arith.constant 640 : i32
      %mul3A_25 = arith.muli %arg1, %mul3A_24 : i32
      %mul3A_26 = arith.constant 640 : i32
      %mul3A_27 = arith.muli %arg1, %mul3A_26 : i32
      "tpu.region"() ({
        %run_scoped3A = tpu.sem_alloc : memref<!tpu.dma_semaphore, #tpu.memory_space<semaphore_mem>>
        %dma_start3A_28 = arith.constant 0 : i32
        %dma_start3A_29 = tpu.memref_slice %arg9[%mul3A_27, %dma_start3A_28] : memref<10240x64xf32, #tpu.memory_space<hbm>> -> memref<640x64xf32, #tpu.memory_space<hbm>>
        %dma_start3A_30 = arith.constant 0 : i32
        %dma_start3A_31 = tpu.memref_slice %arg27[%mul3A_25, %dma_start3A_30] : memref<10240x64xf32, #tpu.memory_space<vmem_shared>> -> memref<640x64xf32, #tpu.memory_space<vmem_shared>>
        tpu.enqueue_dma source(%dma_start3A_31 : memref<640x64xf32, #tpu.memory_space<vmem_shared>>) target(%dma_start3A_29 : memref<640x64xf32, #tpu.memory_space<hbm>>) target_semaphore(%run_scoped3A : memref<!tpu.dma_semaphore, #tpu.memory_space<semaphore_mem>>)
        %dma_wait3A_32 = arith.constant 0 : i32
        %dma_wait3A_33 = tpu.memref_slice %arg9[%mul3A_27, %dma_wait3A_32] : memref<10240x64xf32, #tpu.memory_space<hbm>> -> memref<640x64xf32, #tpu.memory_space<hbm>>
        %dma_wait3A_34 = arith.constant 0 : i32
        %dma_wait3A_35 = tpu.memref_slice %arg27[%mul3A_25, %dma_wait3A_34] : memref<10240x64xf32, #tpu.memory_space<vmem_shared>> -> memref<640x64xf32, #tpu.memory_space<vmem_shared>>
        tpu.wait_dma2 semaphore(%run_scoped3A : memref<!tpu.dma_semaphore, #tpu.memory_space<semaphore_mem>>) src(%dma_wait3A_35 : memref<640x64xf32, #tpu.memory_space<vmem_shared>>) dst(%dma_wait3A_33 : memref<640x64xf32, #tpu.memory_space<hbm>>)
        tpu.yield
      }) : () -> ()
    } else {
    }
    %mul3A_18 = arith.constant 32 : i32
    %mul3A_19 = arith.muli %add3A, %mul3A_18 : i32
    "tpu.region"() ({
      %run_scoped3A = tpu.sem_alloc : memref<!tpu.dma_semaphore, #tpu.memory_space<semaphore_mem>>
      %dma_start3A_24 = tpu.memref_slice %arg5[%mul3A_19] : memref<1024xi32, #tpu.memory_space<hbm>> -> memref<32xi32, #tpu.memory_space<hbm>>
      %dma_start3A_25 = tpu.memref_slice %arg5[%mul3A_19] : memref<1024xi32, #tpu.memory_space<hbm>> -> memref<32xi32, #tpu.memory_space<hbm>>
      tpu.enqueue_dma source(%dma_start3A_25 : memref<32xi32, #tpu.memory_space<hbm>>) target(%arg25 : memref<32xi32, #tpu.memory_space<vmem>>) target_semaphore(%run_scoped3A : memref<!tpu.dma_semaphore, #tpu.memory_space<semaphore_mem>>)
      %dma_wait3A_26 = tpu.memref_slice %arg5[%mul3A_19] : memref<1024xi32, #tpu.memory_space<hbm>> -> memref<32xi32, #tpu.memory_space<hbm>>
      %dma_wait3A_27 = tpu.memref_slice %arg5[%mul3A_19] : memref<1024xi32, #tpu.memory_space<hbm>> -> memref<32xi32, #tpu.memory_space<hbm>>
      tpu.wait_dma2 semaphore(%run_scoped3A : memref<!tpu.dma_semaphore, #tpu.memory_space<semaphore_mem>>) src(%dma_wait3A_27 : memref<32xi32, #tpu.memory_space<hbm>>) dst(%arg25 : memref<32xi32, #tpu.memory_space<vmem>>)
      tpu.yield
    }) : () -> ()
    %dma_start3A = arith.constant 0 : i32
    %dma_start3A_20 = arith.constant 0 : i32
    %dma_start3A_21 = tpu.memref_slice %arg6[%dma_start3A, %dma_start3A_20] : memref<10240x64xf32, #tpu.memory_space<hbm>> -> memref<10240x64xf32, #tpu.memory_space<hbm>>
    tpu.enqueue_indirect_dma source(%dma_start3A_21 : memref<10240x64xf32, #tpu.memory_space<hbm>>) target(%arg26 : memref<32x64xf32, #tpu.memory_space<vmem>>) offsets(%arg25 : memref<32xi32, #tpu.memory_space<vmem>>) semaphore(%arg28 : memref<!tpu.dma_semaphore, #tpu.memory_space<semaphore_mem>>)
    %dma_wait3A = arith.constant 0 : i32
    %dma_wait3A_22 = arith.constant 0 : i32
    %dma_wait3A_23 = tpu.memref_slice %arg6[%dma_wait3A, %dma_wait3A_22] : memref<10240x64xf32, #tpu.memory_space<hbm>> -> memref<10240x64xf32, #tpu.memory_space<hbm>>
    tpu.wait_indirect_dma semaphore(%arg28 : memref<!tpu.dma_semaphore, #tpu.memory_space<semaphore_mem>>) src(%dma_wait3A_23 : memref<10240x64xf32, #tpu.memory_space<hbm>>) dst(%arg26 : memref<32x64xf32, #tpu.memory_space<vmem>>)
    "tpu.region"() ({
      %run_scoped3A = tpu.sem_alloc : memref<!tpu.dma_semaphore, #tpu.memory_space<semaphore_mem>>
      %dma_start3A_24 = arith.constant 0 : i32
      %dma_start3A_25 = tpu.memref_slice %arg10[%mul3A_19, %dma_start3A_24] : memref<1024x64xf32, #tpu.memory_space<hbm>> -> memref<32x64xf32, #tpu.memory_space<hbm>>
      %dma_start3A_26 = arith.constant 0 : i32
      %dma_start3A_27 = tpu.memref_slice %arg10[%mul3A_19, %dma_start3A_26] : memref<1024x64xf32, #tpu.memory_space<hbm>> -> memref<32x64xf32, #tpu.memory_space<hbm>>
      tpu.enqueue_dma source(%arg26 : memref<32x64xf32, #tpu.memory_space<vmem>>) target(%dma_start3A_27 : memref<32x64xf32, #tpu.memory_space<hbm>>) target_semaphore(%run_scoped3A : memref<!tpu.dma_semaphore, #tpu.memory_space<semaphore_mem>>)
      %dma_wait3A_28 = arith.constant 0 : i32
      %dma_wait3A_29 = tpu.memref_slice %arg10[%mul3A_19, %dma_wait3A_28] : memref<1024x64xf32, #tpu.memory_space<hbm>> -> memref<32x64xf32, #tpu.memory_space<hbm>>
      %dma_wait3A_30 = arith.constant 0 : i32
      %dma_wait3A_31 = tpu.memref_slice %arg10[%mul3A_19, %dma_wait3A_30] : memref<1024x64xf32, #tpu.memory_space<hbm>> -> memref<32x64xf32, #tpu.memory_space<hbm>>
      tpu.wait_dma2 semaphore(%run_scoped3A : memref<!tpu.dma_semaphore, #tpu.memory_space<semaphore_mem>>) src(%arg26 : memref<32x64xf32, #tpu.memory_space<vmem>>) dst(%dma_wait3A_31 : memref<32x64xf32, #tpu.memory_space<hbm>>)
      tpu.yield
    }) : () -> ()
    return
  }
}

module attributes {stable_mosaic.version = 14 : i64} {
  func.func @_na_body(%arg0: i32, %arg1: memref<1024x64xf32, #tpu.memory_space<vmem>>, %arg2: memref<3x192xf32, #tpu.memory_space<vmem>>, %arg3: memref<64x192xf32, #tpu.memory_space<vmem>>, %arg4: memref<1x192xf32, #tpu.memory_space<vmem>>, %arg5: memref<1x192xf32, #tpu.memory_space<vmem>>, %arg6: memref<64x64xf32, #tpu.memory_space<vmem>>, %arg7: memref<1x64xf32, #tpu.memory_space<vmem>>, %arg8: memref<1024x64xf32, #tpu.memory_space<vmem>>, %arg9: memref<1024x64xf32, #tpu.memory_space<vmem>>) attributes {dimension_semantics = [#tpu.dimension_semantics<arbitrary>], iteration_bounds = array<i64: 10>, scalar_prefetch = 0 : i64, scratch_operands = 0 : i64, tpu.core_type = #tpu.core_type<tc>, window_params = [{transform_indices = @transform_0, window_bounds = array<i64: 1024, 64>}, {pipeline_mode = #tpu.pipeline_mode<synchronous>, transform_indices = @transform_1, window_bounds = array<i64: 3, 192>}, {pipeline_mode = #tpu.pipeline_mode<synchronous>, transform_indices = @transform_2, window_bounds = array<i64: 64, 192>}, {pipeline_mode = #tpu.pipeline_mode<synchronous>, transform_indices = @transform_3, window_bounds = array<i64: 1, 192>}, {pipeline_mode = #tpu.pipeline_mode<synchronous>, transform_indices = @transform_4, window_bounds = array<i64: 1, 192>}, {pipeline_mode = #tpu.pipeline_mode<synchronous>, transform_indices = @transform_5, window_bounds = array<i64: 64, 64>}, {pipeline_mode = #tpu.pipeline_mode<synchronous>, transform_indices = @transform_6, window_bounds = array<i64: 1, 64>}, {transform_indices = @transform_7, window_bounds = array<i64: 1024, 64>}, {transform_indices = @transform_8, window_bounds = array<i64: 1024, 64>}]} {
    %get3A = arith.constant 0 : index
    %get3A_0 = arith.constant 0 : index
    %get3A_1 = vector.load %arg1[%get3A, %get3A_0] : memref<1024x64xf32, #tpu.memory_space<vmem>>, vector<1024x64xf32>
    %get3A_2 = arith.constant 0 : index
    %get3A_3 = arith.constant 0 : index
    %get3A_4 = vector.load %arg2[%get3A_2, %get3A_3] : memref<3x192xf32, #tpu.memory_space<vmem>>, vector<3x192xf32>
    %get3A_5 = arith.constant 0 : index
    %get3A_6 = arith.constant 0 : index
    %get3A_7 = vector.load %arg3[%get3A_5, %get3A_6] : memref<64x192xf32, #tpu.memory_space<vmem>>, vector<64x192xf32>
    %get3A_8 = arith.constant 0 : index
    %get3A_9 = arith.constant 0 : index
    %get3A_10 = vector.load %arg4[%get3A_8, %get3A_9] : memref<1x192xf32, #tpu.memory_space<vmem>>, vector<1x192xf32>
    %get3A_11 = arith.constant 0 : index
    %get3A_12 = arith.constant 0 : index
    %get3A_13 = vector.load %arg5[%get3A_11, %get3A_12] : memref<1x192xf32, #tpu.memory_space<vmem>>, vector<1x192xf32>
    %broadcast_in_dim3A = arith.constant 0.000000e+00 : f32
    %broadcast_in_dim3A_14 = vector.broadcast %broadcast_in_dim3A : f32 to vector<1024x64xf32>
    %slice3A = vector.extract_strided_slice %get3A_1 {offsets = [0, 0], sizes = [1024, 3], strides = [1, 1]} : vector<1024x64xf32> to vector<1024x3xf32>
    %dot_general3A = arith.constant dense<0.000000e+00> : vector<1024x192xf32>
    %dot_general3A_15 = tpu.matmul %slice3A, %get3A_4, %dot_general3A {dimension_numbers = #tpu.dot_dimension_numbers<[1], [0], [0], [1], [0, 0, 1, 1], [], []>, transpose_lhs_hint = false} : vector<1024x3xf32>, vector<3x192xf32>, vector<1024x192xf32> -> vector<1024x192xf32>
    %add3A = vector.broadcast %get3A_10 : vector<1x192xf32> to vector<1024x192xf32>
    %add3A_16 = arith.addf %dot_general3A_15, %add3A : vector<1024x192xf32>
    %dot_general3A_17 = arith.constant dense<0.000000e+00> : vector<1024x192xf32>
    %dot_general3A_18 = tpu.matmul %broadcast_in_dim3A_14, %get3A_7, %dot_general3A_17 {dimension_numbers = #tpu.dot_dimension_numbers<[1], [0], [0], [1], [0, 0, 1, 1], [], []>, transpose_lhs_hint = false} : vector<1024x64xf32>, vector<64x192xf32>, vector<1024x192xf32> -> vector<1024x192xf32>
    %add3A_19 = vector.broadcast %get3A_13 : vector<1x192xf32> to vector<1024x192xf32>
    %add3A_20 = arith.addf %dot_general3A_18, %add3A_19 : vector<1024x192xf32>
    %slice3A_21 = vector.extract_strided_slice %add3A_16 {offsets = [0, 0], sizes = [1024, 64], strides = [1, 1]} : vector<1024x192xf32> to vector<1024x64xf32>
    %slice3A_22 = vector.extract_strided_slice %add3A_20 {offsets = [0, 0], sizes = [1024, 64], strides = [1, 1]} : vector<1024x192xf32> to vector<1024x64xf32>
    %add3A_23 = arith.addf %slice3A_21, %slice3A_22 : vector<1024x64xf32>
    %logistic3A = arith.negf %add3A_23 : vector<1024x64xf32>
    %logistic3A_24 = math.exp %logistic3A : vector<1024x64xf32>
    %logistic3A_25 = arith.constant 1.000000e+00 : f32
    %logistic3A_26 = vector.broadcast %logistic3A_25 : f32 to vector<1024x64xf32>
    %logistic3A_27 = arith.addf %logistic3A_26, %logistic3A_24 : vector<1024x64xf32>
    %logistic3A_28 = arith.divf %logistic3A_26, %logistic3A_27 : vector<1024x64xf32>
    %slice3A_29 = vector.extract_strided_slice %add3A_16 {offsets = [0, 64], sizes = [1024, 64], strides = [1, 1]} : vector<1024x192xf32> to vector<1024x64xf32>
    %slice3A_30 = vector.extract_strided_slice %add3A_20 {offsets = [0, 64], sizes = [1024, 64], strides = [1, 1]} : vector<1024x192xf32> to vector<1024x64xf32>
    %add3A_31 = arith.addf %slice3A_29, %slice3A_30 : vector<1024x64xf32>
    %logistic3A_32 = arith.negf %add3A_31 : vector<1024x64xf32>
    %logistic3A_33 = math.exp %logistic3A_32 : vector<1024x64xf32>
    %logistic3A_34 = arith.constant 1.000000e+00 : f32
    %logistic3A_35 = vector.broadcast %logistic3A_34 : f32 to vector<1024x64xf32>
    %logistic3A_36 = arith.addf %logistic3A_35, %logistic3A_33 : vector<1024x64xf32>
    %logistic3A_37 = arith.divf %logistic3A_35, %logistic3A_36 : vector<1024x64xf32>
    %slice3A_38 = vector.extract_strided_slice %add3A_16 {offsets = [0, 128], sizes = [1024, 64], strides = [1, 1]} : vector<1024x192xf32> to vector<1024x64xf32>
    %slice3A_39 = vector.extract_strided_slice %add3A_20 {offsets = [0, 128], sizes = [1024, 64], strides = [1, 1]} : vector<1024x192xf32> to vector<1024x64xf32>
    %mul3A = arith.mulf %logistic3A_28, %slice3A_39 : vector<1024x64xf32>
    %add3A_40 = arith.addf %slice3A_38, %mul3A : vector<1024x64xf32>
    %tanh3A = math.tanh %add3A_40 : vector<1024x64xf32>
    %sub3A = arith.constant 1.000000e+00 : f32
    %sub3A_41 = vector.broadcast %sub3A : f32 to vector<1024x64xf32>
    %sub3A_42 = arith.subf %sub3A_41, %logistic3A_37 : vector<1024x64xf32>
    %mul3A_43 = arith.mulf %sub3A_42, %tanh3A : vector<1024x64xf32>
    %mul3A_44 = arith.mulf %logistic3A_37, %broadcast_in_dim3A_14 : vector<1024x64xf32>
    %add3A_45 = arith.addf %mul3A_43, %mul3A_44 : vector<1024x64xf32>
    %slice3A_46 = vector.extract_strided_slice %get3A_1 {offsets = [0, 3], sizes = [1024, 3], strides = [1, 1]} : vector<1024x64xf32> to vector<1024x3xf32>
    %dot_general3A_47 = arith.constant dense<0.000000e+00> : vector<1024x192xf32>
    %dot_general3A_48 = tpu.matmul %slice3A_46, %get3A_4, %dot_general3A_47 {dimension_numbers = #tpu.dot_dimension_numbers<[1], [0], [0], [1], [0, 0, 1, 1], [], []>, transpose_lhs_hint = false} : vector<1024x3xf32>, vector<3x192xf32>, vector<1024x192xf32> -> vector<1024x192xf32>
    %add3A_49 = vector.broadcast %get3A_10 : vector<1x192xf32> to vector<1024x192xf32>
    %add3A_50 = arith.addf %dot_general3A_48, %add3A_49 : vector<1024x192xf32>
    %dot_general3A_51 = arith.constant dense<0.000000e+00> : vector<1024x192xf32>
    %dot_general3A_52 = tpu.matmul %add3A_45, %get3A_7, %dot_general3A_51 {dimension_numbers = #tpu.dot_dimension_numbers<[1], [0], [0], [1], [0, 0, 1, 1], [], []>, transpose_lhs_hint = false} : vector<1024x64xf32>, vector<64x192xf32>, vector<1024x192xf32> -> vector<1024x192xf32>
    %add3A_53 = vector.broadcast %get3A_13 : vector<1x192xf32> to vector<1024x192xf32>
    %add3A_54 = arith.addf %dot_general3A_52, %add3A_53 : vector<1024x192xf32>
    %slice3A_55 = vector.extract_strided_slice %add3A_50 {offsets = [0, 0], sizes = [1024, 64], strides = [1, 1]} : vector<1024x192xf32> to vector<1024x64xf32>
    %slice3A_56 = vector.extract_strided_slice %add3A_54 {offsets = [0, 0], sizes = [1024, 64], strides = [1, 1]} : vector<1024x192xf32> to vector<1024x64xf32>
    %add3A_57 = arith.addf %slice3A_55, %slice3A_56 : vector<1024x64xf32>
    %logistic3A_58 = arith.negf %add3A_57 : vector<1024x64xf32>
    %logistic3A_59 = math.exp %logistic3A_58 : vector<1024x64xf32>
    %logistic3A_60 = arith.constant 1.000000e+00 : f32
    %logistic3A_61 = vector.broadcast %logistic3A_60 : f32 to vector<1024x64xf32>
    %logistic3A_62 = arith.addf %logistic3A_61, %logistic3A_59 : vector<1024x64xf32>
    %logistic3A_63 = arith.divf %logistic3A_61, %logistic3A_62 : vector<1024x64xf32>
    %slice3A_64 = vector.extract_strided_slice %add3A_50 {offsets = [0, 64], sizes = [1024, 64], strides = [1, 1]} : vector<1024x192xf32> to vector<1024x64xf32>
    %slice3A_65 = vector.extract_strided_slice %add3A_54 {offsets = [0, 64], sizes = [1024, 64], strides = [1, 1]} : vector<1024x192xf32> to vector<1024x64xf32>
    %add3A_66 = arith.addf %slice3A_64, %slice3A_65 : vector<1024x64xf32>
    %logistic3A_67 = arith.negf %add3A_66 : vector<1024x64xf32>
    %logistic3A_68 = math.exp %logistic3A_67 : vector<1024x64xf32>
    %logistic3A_69 = arith.constant 1.000000e+00 : f32
    %logistic3A_70 = vector.broadcast %logistic3A_69 : f32 to vector<1024x64xf32>
    %logistic3A_71 = arith.addf %logistic3A_70, %logistic3A_68 : vector<1024x64xf32>
    %logistic3A_72 = arith.divf %logistic3A_70, %logistic3A_71 : vector<1024x64xf32>
    %slice3A_73 = vector.extract_strided_slice %add3A_50 {offsets = [0, 128], sizes = [1024, 64], strides = [1, 1]} : vector<1024x192xf32> to vector<1024x64xf32>
    %slice3A_74 = vector.extract_strided_slice %add3A_54 {offsets = [0, 128], sizes = [1024, 64], strides = [1, 1]} : vector<1024x192xf32> to vector<1024x64xf32>
    %mul3A_75 = arith.mulf %logistic3A_63, %slice3A_74 : vector<1024x64xf32>
    %add3A_76 = arith.addf %slice3A_73, %mul3A_75 : vector<1024x64xf32>
    %tanh3A_77 = math.tanh %add3A_76 : vector<1024x64xf32>
    %sub3A_78 = arith.constant 1.000000e+00 : f32
    %sub3A_79 = vector.broadcast %sub3A_78 : f32 to vector<1024x64xf32>
    %sub3A_80 = arith.subf %sub3A_79, %logistic3A_72 : vector<1024x64xf32>
    %mul3A_81 = arith.mulf %sub3A_80, %tanh3A_77 : vector<1024x64xf32>
    %mul3A_82 = arith.mulf %logistic3A_72, %add3A_45 : vector<1024x64xf32>
    %add3A_83 = arith.addf %mul3A_81, %mul3A_82 : vector<1024x64xf32>
    %slice3A_84 = vector.extract_strided_slice %get3A_1 {offsets = [0, 6], sizes = [1024, 3], strides = [1, 1]} : vector<1024x64xf32> to vector<1024x3xf32>
    %dot_general3A_85 = arith.constant dense<0.000000e+00> : vector<1024x192xf32>
    %dot_general3A_86 = tpu.matmul %slice3A_84, %get3A_4, %dot_general3A_85 {dimension_numbers = #tpu.dot_dimension_numbers<[1], [0], [0], [1], [0, 0, 1, 1], [], []>, transpose_lhs_hint = false} : vector<1024x3xf32>, vector<3x192xf32>, vector<1024x192xf32> -> vector<1024x192xf32>
    %add3A_87 = vector.broadcast %get3A_10 : vector<1x192xf32> to vector<1024x192xf32>
    %add3A_88 = arith.addf %dot_general3A_86, %add3A_87 : vector<1024x192xf32>
    %dot_general3A_89 = arith.constant dense<0.000000e+00> : vector<1024x192xf32>
    %dot_general3A_90 = tpu.matmul %add3A_83, %get3A_7, %dot_general3A_89 {dimension_numbers = #tpu.dot_dimension_numbers<[1], [0], [0], [1], [0, 0, 1, 1], [], []>, transpose_lhs_hint = false} : vector<1024x64xf32>, vector<64x192xf32>, vector<1024x192xf32> -> vector<1024x192xf32>
    %add3A_91 = vector.broadcast %get3A_13 : vector<1x192xf32> to vector<1024x192xf32>
    %add3A_92 = arith.addf %dot_general3A_90, %add3A_91 : vector<1024x192xf32>
    %slice3A_93 = vector.extract_strided_slice %add3A_88 {offsets = [0, 0], sizes = [1024, 64], strides = [1, 1]} : vector<1024x192xf32> to vector<1024x64xf32>
    %slice3A_94 = vector.extract_strided_slice %add3A_92 {offsets = [0, 0], sizes = [1024, 64], strides = [1, 1]} : vector<1024x192xf32> to vector<1024x64xf32>
    %add3A_95 = arith.addf %slice3A_93, %slice3A_94 : vector<1024x64xf32>
    %logistic3A_96 = arith.negf %add3A_95 : vector<1024x64xf32>
    %logistic3A_97 = math.exp %logistic3A_96 : vector<1024x64xf32>
    %logistic3A_98 = arith.constant 1.000000e+00 : f32
    %logistic3A_99 = vector.broadcast %logistic3A_98 : f32 to vector<1024x64xf32>
    %logistic3A_100 = arith.addf %logistic3A_99, %logistic3A_97 : vector<1024x64xf32>
    %logistic3A_101 = arith.divf %logistic3A_99, %logistic3A_100 : vector<1024x64xf32>
    %slice3A_102 = vector.extract_strided_slice %add3A_88 {offsets = [0, 64], sizes = [1024, 64], strides = [1, 1]} : vector<1024x192xf32> to vector<1024x64xf32>
    %slice3A_103 = vector.extract_strided_slice %add3A_92 {offsets = [0, 64], sizes = [1024, 64], strides = [1, 1]} : vector<1024x192xf32> to vector<1024x64xf32>
    %add3A_104 = arith.addf %slice3A_102, %slice3A_103 : vector<1024x64xf32>
    %logistic3A_105 = arith.negf %add3A_104 : vector<1024x64xf32>
    %logistic3A_106 = math.exp %logistic3A_105 : vector<1024x64xf32>
    %logistic3A_107 = arith.constant 1.000000e+00 : f32
    %logistic3A_108 = vector.broadcast %logistic3A_107 : f32 to vector<1024x64xf32>
    %logistic3A_109 = arith.addf %logistic3A_108, %logistic3A_106 : vector<1024x64xf32>
    %logistic3A_110 = arith.divf %logistic3A_108, %logistic3A_109 : vector<1024x64xf32>
    %slice3A_111 = vector.extract_strided_slice %add3A_88 {offsets = [0, 128], sizes = [1024, 64], strides = [1, 1]} : vector<1024x192xf32> to vector<1024x64xf32>
    %slice3A_112 = vector.extract_strided_slice %add3A_92 {offsets = [0, 128], sizes = [1024, 64], strides = [1, 1]} : vector<1024x192xf32> to vector<1024x64xf32>
    %mul3A_113 = arith.mulf %logistic3A_101, %slice3A_112 : vector<1024x64xf32>
    %add3A_114 = arith.addf %slice3A_111, %mul3A_113 : vector<1024x64xf32>
    %tanh3A_115 = math.tanh %add3A_114 : vector<1024x64xf32>
    %sub3A_116 = arith.constant 1.000000e+00 : f32
    %sub3A_117 = vector.broadcast %sub3A_116 : f32 to vector<1024x64xf32>
    %sub3A_118 = arith.subf %sub3A_117, %logistic3A_110 : vector<1024x64xf32>
    %mul3A_119 = arith.mulf %sub3A_118, %tanh3A_115 : vector<1024x64xf32>
    %mul3A_120 = arith.mulf %logistic3A_110, %add3A_83 : vector<1024x64xf32>
    %add3A_121 = arith.addf %mul3A_119, %mul3A_120 : vector<1024x64xf32>
    %slice3A_122 = vector.extract_strided_slice %get3A_1 {offsets = [0, 9], sizes = [1024, 3], strides = [1, 1]} : vector<1024x64xf32> to vector<1024x3xf32>
    %dot_general3A_123 = arith.constant dense<0.000000e+00> : vector<1024x192xf32>
    %dot_general3A_124 = tpu.matmul %slice3A_122, %get3A_4, %dot_general3A_123 {dimension_numbers = #tpu.dot_dimension_numbers<[1], [0], [0], [1], [0, 0, 1, 1], [], []>, transpose_lhs_hint = false} : vector<1024x3xf32>, vector<3x192xf32>, vector<1024x192xf32> -> vector<1024x192xf32>
    %add3A_125 = vector.broadcast %get3A_10 : vector<1x192xf32> to vector<1024x192xf32>
    %add3A_126 = arith.addf %dot_general3A_124, %add3A_125 : vector<1024x192xf32>
    %dot_general3A_127 = arith.constant dense<0.000000e+00> : vector<1024x192xf32>
    %dot_general3A_128 = tpu.matmul %add3A_121, %get3A_7, %dot_general3A_127 {dimension_numbers = #tpu.dot_dimension_numbers<[1], [0], [0], [1], [0, 0, 1, 1], [], []>, transpose_lhs_hint = false} : vector<1024x64xf32>, vector<64x192xf32>, vector<1024x192xf32> -> vector<1024x192xf32>
    %add3A_129 = vector.broadcast %get3A_13 : vector<1x192xf32> to vector<1024x192xf32>
    %add3A_130 = arith.addf %dot_general3A_128, %add3A_129 : vector<1024x192xf32>
    %slice3A_131 = vector.extract_strided_slice %add3A_126 {offsets = [0, 0], sizes = [1024, 64], strides = [1, 1]} : vector<1024x192xf32> to vector<1024x64xf32>
    %slice3A_132 = vector.extract_strided_slice %add3A_130 {offsets = [0, 0], sizes = [1024, 64], strides = [1, 1]} : vector<1024x192xf32> to vector<1024x64xf32>
    %add3A_133 = arith.addf %slice3A_131, %slice3A_132 : vector<1024x64xf32>
    %logistic3A_134 = arith.negf %add3A_133 : vector<1024x64xf32>
    %logistic3A_135 = math.exp %logistic3A_134 : vector<1024x64xf32>
    %logistic3A_136 = arith.constant 1.000000e+00 : f32
    %logistic3A_137 = vector.broadcast %logistic3A_136 : f32 to vector<1024x64xf32>
    %logistic3A_138 = arith.addf %logistic3A_137, %logistic3A_135 : vector<1024x64xf32>
    %logistic3A_139 = arith.divf %logistic3A_137, %logistic3A_138 : vector<1024x64xf32>
    %slice3A_140 = vector.extract_strided_slice %add3A_126 {offsets = [0, 64], sizes = [1024, 64], strides = [1, 1]} : vector<1024x192xf32> to vector<1024x64xf32>
    %slice3A_141 = vector.extract_strided_slice %add3A_130 {offsets = [0, 64], sizes = [1024, 64], strides = [1, 1]} : vector<1024x192xf32> to vector<1024x64xf32>
    %add3A_142 = arith.addf %slice3A_140, %slice3A_141 : vector<1024x64xf32>
    %logistic3A_143 = arith.negf %add3A_142 : vector<1024x64xf32>
    %logistic3A_144 = math.exp %logistic3A_143 : vector<1024x64xf32>
    %logistic3A_145 = arith.constant 1.000000e+00 : f32
    %logistic3A_146 = vector.broadcast %logistic3A_145 : f32 to vector<1024x64xf32>
    %logistic3A_147 = arith.addf %logistic3A_146, %logistic3A_144 : vector<1024x64xf32>
    %logistic3A_148 = arith.divf %logistic3A_146, %logistic3A_147 : vector<1024x64xf32>
    %slice3A_149 = vector.extract_strided_slice %add3A_126 {offsets = [0, 128], sizes = [1024, 64], strides = [1, 1]} : vector<1024x192xf32> to vector<1024x64xf32>
    %slice3A_150 = vector.extract_strided_slice %add3A_130 {offsets = [0, 128], sizes = [1024, 64], strides = [1, 1]} : vector<1024x192xf32> to vector<1024x64xf32>
    %mul3A_151 = arith.mulf %logistic3A_139, %slice3A_150 : vector<1024x64xf32>
    %add3A_152 = arith.addf %slice3A_149, %mul3A_151 : vector<1024x64xf32>
    %tanh3A_153 = math.tanh %add3A_152 : vector<1024x64xf32>
    %sub3A_154 = arith.constant 1.000000e+00 : f32
    %sub3A_155 = vector.broadcast %sub3A_154 : f32 to vector<1024x64xf32>
    %sub3A_156 = arith.subf %sub3A_155, %logistic3A_148 : vector<1024x64xf32>
    %mul3A_157 = arith.mulf %sub3A_156, %tanh3A_153 : vector<1024x64xf32>
    %mul3A_158 = arith.mulf %logistic3A_148, %add3A_121 : vector<1024x64xf32>
    %add3A_159 = arith.addf %mul3A_157, %mul3A_158 : vector<1024x64xf32>
    %slice3A_160 = vector.extract_strided_slice %get3A_1 {offsets = [0, 12], sizes = [1024, 3], strides = [1, 1]} : vector<1024x64xf32> to vector<1024x3xf32>
    %dot_general3A_161 = arith.constant dense<0.000000e+00> : vector<1024x192xf32>
    %dot_general3A_162 = tpu.matmul %slice3A_160, %get3A_4, %dot_general3A_161 {dimension_numbers = #tpu.dot_dimension_numbers<[1], [0], [0], [1], [0, 0, 1, 1], [], []>, transpose_lhs_hint = false} : vector<1024x3xf32>, vector<3x192xf32>, vector<1024x192xf32> -> vector<1024x192xf32>
    %add3A_163 = vector.broadcast %get3A_10 : vector<1x192xf32> to vector<1024x192xf32>
    %add3A_164 = arith.addf %dot_general3A_162, %add3A_163 : vector<1024x192xf32>
    %dot_general3A_165 = arith.constant dense<0.000000e+00> : vector<1024x192xf32>
    %dot_general3A_166 = tpu.matmul %add3A_159, %get3A_7, %dot_general3A_165 {dimension_numbers = #tpu.dot_dimension_numbers<[1], [0], [0], [1], [0, 0, 1, 1], [], []>, transpose_lhs_hint = false} : vector<1024x64xf32>, vector<64x192xf32>, vector<1024x192xf32> -> vector<1024x192xf32>
    %add3A_167 = vector.broadcast %get3A_13 : vector<1x192xf32> to vector<1024x192xf32>
    %add3A_168 = arith.addf %dot_general3A_166, %add3A_167 : vector<1024x192xf32>
    %slice3A_169 = vector.extract_strided_slice %add3A_164 {offsets = [0, 0], sizes = [1024, 64], strides = [1, 1]} : vector<1024x192xf32> to vector<1024x64xf32>
    %slice3A_170 = vector.extract_strided_slice %add3A_168 {offsets = [0, 0], sizes = [1024, 64], strides = [1, 1]} : vector<1024x192xf32> to vector<1024x64xf32>
    %add3A_171 = arith.addf %slice3A_169, %slice3A_170 : vector<1024x64xf32>
    %logistic3A_172 = arith.negf %add3A_171 : vector<1024x64xf32>
    %logistic3A_173 = math.exp %logistic3A_172 : vector<1024x64xf32>
    %logistic3A_174 = arith.constant 1.000000e+00 : f32
    %logistic3A_175 = vector.broadcast %logistic3A_174 : f32 to vector<1024x64xf32>
    %logistic3A_176 = arith.addf %logistic3A_175, %logistic3A_173 : vector<1024x64xf32>
    %logistic3A_177 = arith.divf %logistic3A_175, %logistic3A_176 : vector<1024x64xf32>
    %slice3A_178 = vector.extract_strided_slice %add3A_164 {offsets = [0, 64], sizes = [1024, 64], strides = [1, 1]} : vector<1024x192xf32> to vector<1024x64xf32>
    %slice3A_179 = vector.extract_strided_slice %add3A_168 {offsets = [0, 64], sizes = [1024, 64], strides = [1, 1]} : vector<1024x192xf32> to vector<1024x64xf32>
    %add3A_180 = arith.addf %slice3A_178, %slice3A_179 : vector<1024x64xf32>
    %logistic3A_181 = arith.negf %add3A_180 : vector<1024x64xf32>
    %logistic3A_182 = math.exp %logistic3A_181 : vector<1024x64xf32>
    %logistic3A_183 = arith.constant 1.000000e+00 : f32
    %logistic3A_184 = vector.broadcast %logistic3A_183 : f32 to vector<1024x64xf32>
    %logistic3A_185 = arith.addf %logistic3A_184, %logistic3A_182 : vector<1024x64xf32>
    %logistic3A_186 = arith.divf %logistic3A_184, %logistic3A_185 : vector<1024x64xf32>
    %slice3A_187 = vector.extract_strided_slice %add3A_164 {offsets = [0, 128], sizes = [1024, 64], strides = [1, 1]} : vector<1024x192xf32> to vector<1024x64xf32>
    %slice3A_188 = vector.extract_strided_slice %add3A_168 {offsets = [0, 128], sizes = [1024, 64], strides = [1, 1]} : vector<1024x192xf32> to vector<1024x64xf32>
    %mul3A_189 = arith.mulf %logistic3A_177, %slice3A_188 : vector<1024x64xf32>
    %add3A_190 = arith.addf %slice3A_187, %mul3A_189 : vector<1024x64xf32>
    %tanh3A_191 = math.tanh %add3A_190 : vector<1024x64xf32>
    %sub3A_192 = arith.constant 1.000000e+00 : f32
    %sub3A_193 = vector.broadcast %sub3A_192 : f32 to vector<1024x64xf32>
    %sub3A_194 = arith.subf %sub3A_193, %logistic3A_186 : vector<1024x64xf32>
    %mul3A_195 = arith.mulf %sub3A_194, %tanh3A_191 : vector<1024x64xf32>
    %mul3A_196 = arith.mulf %logistic3A_186, %add3A_159 : vector<1024x64xf32>
    %add3A_197 = arith.addf %mul3A_195, %mul3A_196 : vector<1024x64xf32>
    %slice3A_198 = vector.extract_strided_slice %get3A_1 {offsets = [0, 15], sizes = [1024, 3], strides = [1, 1]} : vector<1024x64xf32> to vector<1024x3xf32>
    %dot_general3A_199 = arith.constant dense<0.000000e+00> : vector<1024x192xf32>
    %dot_general3A_200 = tpu.matmul %slice3A_198, %get3A_4, %dot_general3A_199 {dimension_numbers = #tpu.dot_dimension_numbers<[1], [0], [0], [1], [0, 0, 1, 1], [], []>, transpose_lhs_hint = false} : vector<1024x3xf32>, vector<3x192xf32>, vector<1024x192xf32> -> vector<1024x192xf32>
    %add3A_201 = vector.broadcast %get3A_10 : vector<1x192xf32> to vector<1024x192xf32>
    %add3A_202 = arith.addf %dot_general3A_200, %add3A_201 : vector<1024x192xf32>
    %dot_general3A_203 = arith.constant dense<0.000000e+00> : vector<1024x192xf32>
    %dot_general3A_204 = tpu.matmul %add3A_197, %get3A_7, %dot_general3A_203 {dimension_numbers = #tpu.dot_dimension_numbers<[1], [0], [0], [1], [0, 0, 1, 1], [], []>, transpose_lhs_hint = false} : vector<1024x64xf32>, vector<64x192xf32>, vector<1024x192xf32> -> vector<1024x192xf32>
    %add3A_205 = vector.broadcast %get3A_13 : vector<1x192xf32> to vector<1024x192xf32>
    %add3A_206 = arith.addf %dot_general3A_204, %add3A_205 : vector<1024x192xf32>
    %slice3A_207 = vector.extract_strided_slice %add3A_202 {offsets = [0, 0], sizes = [1024, 64], strides = [1, 1]} : vector<1024x192xf32> to vector<1024x64xf32>
    %slice3A_208 = vector.extract_strided_slice %add3A_206 {offsets = [0, 0], sizes = [1024, 64], strides = [1, 1]} : vector<1024x192xf32> to vector<1024x64xf32>
    %add3A_209 = arith.addf %slice3A_207, %slice3A_208 : vector<1024x64xf32>
    %logistic3A_210 = arith.negf %add3A_209 : vector<1024x64xf32>
    %logistic3A_211 = math.exp %logistic3A_210 : vector<1024x64xf32>
    %logistic3A_212 = arith.constant 1.000000e+00 : f32
    %logistic3A_213 = vector.broadcast %logistic3A_212 : f32 to vector<1024x64xf32>
    %logistic3A_214 = arith.addf %logistic3A_213, %logistic3A_211 : vector<1024x64xf32>
    %logistic3A_215 = arith.divf %logistic3A_213, %logistic3A_214 : vector<1024x64xf32>
    %slice3A_216 = vector.extract_strided_slice %add3A_202 {offsets = [0, 64], sizes = [1024, 64], strides = [1, 1]} : vector<1024x192xf32> to vector<1024x64xf32>
    %slice3A_217 = vector.extract_strided_slice %add3A_206 {offsets = [0, 64], sizes = [1024, 64], strides = [1, 1]} : vector<1024x192xf32> to vector<1024x64xf32>
    %add3A_218 = arith.addf %slice3A_216, %slice3A_217 : vector<1024x64xf32>
    %logistic3A_219 = arith.negf %add3A_218 : vector<1024x64xf32>
    %logistic3A_220 = math.exp %logistic3A_219 : vector<1024x64xf32>
    %logistic3A_221 = arith.constant 1.000000e+00 : f32
    %logistic3A_222 = vector.broadcast %logistic3A_221 : f32 to vector<1024x64xf32>
    %logistic3A_223 = arith.addf %logistic3A_222, %logistic3A_220 : vector<1024x64xf32>
    %logistic3A_224 = arith.divf %logistic3A_222, %logistic3A_223 : vector<1024x64xf32>
    %slice3A_225 = vector.extract_strided_slice %add3A_202 {offsets = [0, 128], sizes = [1024, 64], strides = [1, 1]} : vector<1024x192xf32> to vector<1024x64xf32>
    %slice3A_226 = vector.extract_strided_slice %add3A_206 {offsets = [0, 128], sizes = [1024, 64], strides = [1, 1]} : vector<1024x192xf32> to vector<1024x64xf32>
    %mul3A_227 = arith.mulf %logistic3A_215, %slice3A_226 : vector<1024x64xf32>
    %add3A_228 = arith.addf %slice3A_225, %mul3A_227 : vector<1024x64xf32>
    %tanh3A_229 = math.tanh %add3A_228 : vector<1024x64xf32>
    %sub3A_230 = arith.constant 1.000000e+00 : f32
    %sub3A_231 = vector.broadcast %sub3A_230 : f32 to vector<1024x64xf32>
    %sub3A_232 = arith.subf %sub3A_231, %logistic3A_224 : vector<1024x64xf32>
    %mul3A_233 = arith.mulf %sub3A_232, %tanh3A_229 : vector<1024x64xf32>
    %mul3A_234 = arith.mulf %logistic3A_224, %add3A_197 : vector<1024x64xf32>
    %add3A_235 = arith.addf %mul3A_233, %mul3A_234 : vector<1024x64xf32>
    %slice3A_236 = vector.extract_strided_slice %get3A_1 {offsets = [0, 18], sizes = [1024, 3], strides = [1, 1]} : vector<1024x64xf32> to vector<1024x3xf32>
    %dot_general3A_237 = arith.constant dense<0.000000e+00> : vector<1024x192xf32>
    %dot_general3A_238 = tpu.matmul %slice3A_236, %get3A_4, %dot_general3A_237 {dimension_numbers = #tpu.dot_dimension_numbers<[1], [0], [0], [1], [0, 0, 1, 1], [], []>, transpose_lhs_hint = false} : vector<1024x3xf32>, vector<3x192xf32>, vector<1024x192xf32> -> vector<1024x192xf32>
    %add3A_239 = vector.broadcast %get3A_10 : vector<1x192xf32> to vector<1024x192xf32>
    %add3A_240 = arith.addf %dot_general3A_238, %add3A_239 : vector<1024x192xf32>
    %dot_general3A_241 = arith.constant dense<0.000000e+00> : vector<1024x192xf32>
    %dot_general3A_242 = tpu.matmul %add3A_235, %get3A_7, %dot_general3A_241 {dimension_numbers = #tpu.dot_dimension_numbers<[1], [0], [0], [1], [0, 0, 1, 1], [], []>, transpose_lhs_hint = false} : vector<1024x64xf32>, vector<64x192xf32>, vector<1024x192xf32> -> vector<1024x192xf32>
    %add3A_243 = vector.broadcast %get3A_13 : vector<1x192xf32> to vector<1024x192xf32>
    %add3A_244 = arith.addf %dot_general3A_242, %add3A_243 : vector<1024x192xf32>
    %slice3A_245 = vector.extract_strided_slice %add3A_240 {offsets = [0, 0], sizes = [1024, 64], strides = [1, 1]} : vector<1024x192xf32> to vector<1024x64xf32>
    %slice3A_246 = vector.extract_strided_slice %add3A_244 {offsets = [0, 0], sizes = [1024, 64], strides = [1, 1]} : vector<1024x192xf32> to vector<1024x64xf32>
    %add3A_247 = arith.addf %slice3A_245, %slice3A_246 : vector<1024x64xf32>
    %logistic3A_248 = arith.negf %add3A_247 : vector<1024x64xf32>
    %logistic3A_249 = math.exp %logistic3A_248 : vector<1024x64xf32>
    %logistic3A_250 = arith.constant 1.000000e+00 : f32
    %logistic3A_251 = vector.broadcast %logistic3A_250 : f32 to vector<1024x64xf32>
    %logistic3A_252 = arith.addf %logistic3A_251, %logistic3A_249 : vector<1024x64xf32>
    %logistic3A_253 = arith.divf %logistic3A_251, %logistic3A_252 : vector<1024x64xf32>
    %slice3A_254 = vector.extract_strided_slice %add3A_240 {offsets = [0, 64], sizes = [1024, 64], strides = [1, 1]} : vector<1024x192xf32> to vector<1024x64xf32>
    %slice3A_255 = vector.extract_strided_slice %add3A_244 {offsets = [0, 64], sizes = [1024, 64], strides = [1, 1]} : vector<1024x192xf32> to vector<1024x64xf32>
    %add3A_256 = arith.addf %slice3A_254, %slice3A_255 : vector<1024x64xf32>
    %logistic3A_257 = arith.negf %add3A_256 : vector<1024x64xf32>
    %logistic3A_258 = math.exp %logistic3A_257 : vector<1024x64xf32>
    %logistic3A_259 = arith.constant 1.000000e+00 : f32
    %logistic3A_260 = vector.broadcast %logistic3A_259 : f32 to vector<1024x64xf32>
    %logistic3A_261 = arith.addf %logistic3A_260, %logistic3A_258 : vector<1024x64xf32>
    %logistic3A_262 = arith.divf %logistic3A_260, %logistic3A_261 : vector<1024x64xf32>
    %slice3A_263 = vector.extract_strided_slice %add3A_240 {offsets = [0, 128], sizes = [1024, 64], strides = [1, 1]} : vector<1024x192xf32> to vector<1024x64xf32>
    %slice3A_264 = vector.extract_strided_slice %add3A_244 {offsets = [0, 128], sizes = [1024, 64], strides = [1, 1]} : vector<1024x192xf32> to vector<1024x64xf32>
    %mul3A_265 = arith.mulf %logistic3A_253, %slice3A_264 : vector<1024x64xf32>
    %add3A_266 = arith.addf %slice3A_263, %mul3A_265 : vector<1024x64xf32>
    %tanh3A_267 = math.tanh %add3A_266 : vector<1024x64xf32>
    %sub3A_268 = arith.constant 1.000000e+00 : f32
    %sub3A_269 = vector.broadcast %sub3A_268 : f32 to vector<1024x64xf32>
    %sub3A_270 = arith.subf %sub3A_269, %logistic3A_262 : vector<1024x64xf32>
    %mul3A_271 = arith.mulf %sub3A_270, %tanh3A_267 : vector<1024x64xf32>
    %mul3A_272 = arith.mulf %logistic3A_262, %add3A_235 : vector<1024x64xf32>
    %add3A_273 = arith.addf %mul3A_271, %mul3A_272 : vector<1024x64xf32>
    %slice3A_274 = vector.extract_strided_slice %get3A_1 {offsets = [0, 21], sizes = [1024, 3], strides = [1, 1]} : vector<1024x64xf32> to vector<1024x3xf32>
    %dot_general3A_275 = arith.constant dense<0.000000e+00> : vector<1024x192xf32>
    %dot_general3A_276 = tpu.matmul %slice3A_274, %get3A_4, %dot_general3A_275 {dimension_numbers = #tpu.dot_dimension_numbers<[1], [0], [0], [1], [0, 0, 1, 1], [], []>, transpose_lhs_hint = false} : vector<1024x3xf32>, vector<3x192xf32>, vector<1024x192xf32> -> vector<1024x192xf32>
    %add3A_277 = vector.broadcast %get3A_10 : vector<1x192xf32> to vector<1024x192xf32>
    %add3A_278 = arith.addf %dot_general3A_276, %add3A_277 : vector<1024x192xf32>
    %dot_general3A_279 = arith.constant dense<0.000000e+00> : vector<1024x192xf32>
    %dot_general3A_280 = tpu.matmul %add3A_273, %get3A_7, %dot_general3A_279 {dimension_numbers = #tpu.dot_dimension_numbers<[1], [0], [0], [1], [0, 0, 1, 1], [], []>, transpose_lhs_hint = false} : vector<1024x64xf32>, vector<64x192xf32>, vector<1024x192xf32> -> vector<1024x192xf32>
    %add3A_281 = vector.broadcast %get3A_13 : vector<1x192xf32> to vector<1024x192xf32>
    %add3A_282 = arith.addf %dot_general3A_280, %add3A_281 : vector<1024x192xf32>
    %slice3A_283 = vector.extract_strided_slice %add3A_278 {offsets = [0, 0], sizes = [1024, 64], strides = [1, 1]} : vector<1024x192xf32> to vector<1024x64xf32>
    %slice3A_284 = vector.extract_strided_slice %add3A_282 {offsets = [0, 0], sizes = [1024, 64], strides = [1, 1]} : vector<1024x192xf32> to vector<1024x64xf32>
    %add3A_285 = arith.addf %slice3A_283, %slice3A_284 : vector<1024x64xf32>
    %logistic3A_286 = arith.negf %add3A_285 : vector<1024x64xf32>
    %logistic3A_287 = math.exp %logistic3A_286 : vector<1024x64xf32>
    %logistic3A_288 = arith.constant 1.000000e+00 : f32
    %logistic3A_289 = vector.broadcast %logistic3A_288 : f32 to vector<1024x64xf32>
    %logistic3A_290 = arith.addf %logistic3A_289, %logistic3A_287 : vector<1024x64xf32>
    %logistic3A_291 = arith.divf %logistic3A_289, %logistic3A_290 : vector<1024x64xf32>
    %slice3A_292 = vector.extract_strided_slice %add3A_278 {offsets = [0, 64], sizes = [1024, 64], strides = [1, 1]} : vector<1024x192xf32> to vector<1024x64xf32>
    %slice3A_293 = vector.extract_strided_slice %add3A_282 {offsets = [0, 64], sizes = [1024, 64], strides = [1, 1]} : vector<1024x192xf32> to vector<1024x64xf32>
    %add3A_294 = arith.addf %slice3A_292, %slice3A_293 : vector<1024x64xf32>
    %logistic3A_295 = arith.negf %add3A_294 : vector<1024x64xf32>
    %logistic3A_296 = math.exp %logistic3A_295 : vector<1024x64xf32>
    %logistic3A_297 = arith.constant 1.000000e+00 : f32
    %logistic3A_298 = vector.broadcast %logistic3A_297 : f32 to vector<1024x64xf32>
    %logistic3A_299 = arith.addf %logistic3A_298, %logistic3A_296 : vector<1024x64xf32>
    %logistic3A_300 = arith.divf %logistic3A_298, %logistic3A_299 : vector<1024x64xf32>
    %slice3A_301 = vector.extract_strided_slice %add3A_278 {offsets = [0, 128], sizes = [1024, 64], strides = [1, 1]} : vector<1024x192xf32> to vector<1024x64xf32>
    %slice3A_302 = vector.extract_strided_slice %add3A_282 {offsets = [0, 128], sizes = [1024, 64], strides = [1, 1]} : vector<1024x192xf32> to vector<1024x64xf32>
    %mul3A_303 = arith.mulf %logistic3A_291, %slice3A_302 : vector<1024x64xf32>
    %add3A_304 = arith.addf %slice3A_301, %mul3A_303 : vector<1024x64xf32>
    %tanh3A_305 = math.tanh %add3A_304 : vector<1024x64xf32>
    %sub3A_306 = arith.constant 1.000000e+00 : f32
    %sub3A_307 = vector.broadcast %sub3A_306 : f32 to vector<1024x64xf32>
    %sub3A_308 = arith.subf %sub3A_307, %logistic3A_300 : vector<1024x64xf32>
    %mul3A_309 = arith.mulf %sub3A_308, %tanh3A_305 : vector<1024x64xf32>
    %mul3A_310 = arith.mulf %logistic3A_300, %add3A_273 : vector<1024x64xf32>
    %add3A_311 = arith.addf %mul3A_309, %mul3A_310 : vector<1024x64xf32>
    %slice3A_312 = vector.extract_strided_slice %get3A_1 {offsets = [0, 24], sizes = [1024, 3], strides = [1, 1]} : vector<1024x64xf32> to vector<1024x3xf32>
    %dot_general3A_313 = arith.constant dense<0.000000e+00> : vector<1024x192xf32>
    %dot_general3A_314 = tpu.matmul %slice3A_312, %get3A_4, %dot_general3A_313 {dimension_numbers = #tpu.dot_dimension_numbers<[1], [0], [0], [1], [0, 0, 1, 1], [], []>, transpose_lhs_hint = false} : vector<1024x3xf32>, vector<3x192xf32>, vector<1024x192xf32> -> vector<1024x192xf32>
    %add3A_315 = vector.broadcast %get3A_10 : vector<1x192xf32> to vector<1024x192xf32>
    %add3A_316 = arith.addf %dot_general3A_314, %add3A_315 : vector<1024x192xf32>
    %dot_general3A_317 = arith.constant dense<0.000000e+00> : vector<1024x192xf32>
    %dot_general3A_318 = tpu.matmul %add3A_311, %get3A_7, %dot_general3A_317 {dimension_numbers = #tpu.dot_dimension_numbers<[1], [0], [0], [1], [0, 0, 1, 1], [], []>, transpose_lhs_hint = false} : vector<1024x64xf32>, vector<64x192xf32>, vector<1024x192xf32> -> vector<1024x192xf32>
    %add3A_319 = vector.broadcast %get3A_13 : vector<1x192xf32> to vector<1024x192xf32>
    %add3A_320 = arith.addf %dot_general3A_318, %add3A_319 : vector<1024x192xf32>
    %slice3A_321 = vector.extract_strided_slice %add3A_316 {offsets = [0, 0], sizes = [1024, 64], strides = [1, 1]} : vector<1024x192xf32> to vector<1024x64xf32>
    %slice3A_322 = vector.extract_strided_slice %add3A_320 {offsets = [0, 0], sizes = [1024, 64], strides = [1, 1]} : vector<1024x192xf32> to vector<1024x64xf32>
    %add3A_323 = arith.addf %slice3A_321, %slice3A_322 : vector<1024x64xf32>
    %logistic3A_324 = arith.negf %add3A_323 : vector<1024x64xf32>
    %logistic3A_325 = math.exp %logistic3A_324 : vector<1024x64xf32>
    %logistic3A_326 = arith.constant 1.000000e+00 : f32
    %logistic3A_327 = vector.broadcast %logistic3A_326 : f32 to vector<1024x64xf32>
    %logistic3A_328 = arith.addf %logistic3A_327, %logistic3A_325 : vector<1024x64xf32>
    %logistic3A_329 = arith.divf %logistic3A_327, %logistic3A_328 : vector<1024x64xf32>
    %slice3A_330 = vector.extract_strided_slice %add3A_316 {offsets = [0, 64], sizes = [1024, 64], strides = [1, 1]} : vector<1024x192xf32> to vector<1024x64xf32>
    %slice3A_331 = vector.extract_strided_slice %add3A_320 {offsets = [0, 64], sizes = [1024, 64], strides = [1, 1]} : vector<1024x192xf32> to vector<1024x64xf32>
    %add3A_332 = arith.addf %slice3A_330, %slice3A_331 : vector<1024x64xf32>
    %logistic3A_333 = arith.negf %add3A_332 : vector<1024x64xf32>
    %logistic3A_334 = math.exp %logistic3A_333 : vector<1024x64xf32>
    %logistic3A_335 = arith.constant 1.000000e+00 : f32
    %logistic3A_336 = vector.broadcast %logistic3A_335 : f32 to vector<1024x64xf32>
    %logistic3A_337 = arith.addf %logistic3A_336, %logistic3A_334 : vector<1024x64xf32>
    %logistic3A_338 = arith.divf %logistic3A_336, %logistic3A_337 : vector<1024x64xf32>
    %slice3A_339 = vector.extract_strided_slice %add3A_316 {offsets = [0, 128], sizes = [1024, 64], strides = [1, 1]} : vector<1024x192xf32> to vector<1024x64xf32>
    %slice3A_340 = vector.extract_strided_slice %add3A_320 {offsets = [0, 128], sizes = [1024, 64], strides = [1, 1]} : vector<1024x192xf32> to vector<1024x64xf32>
    %mul3A_341 = arith.mulf %logistic3A_329, %slice3A_340 : vector<1024x64xf32>
    %add3A_342 = arith.addf %slice3A_339, %mul3A_341 : vector<1024x64xf32>
    %tanh3A_343 = math.tanh %add3A_342 : vector<1024x64xf32>
    %sub3A_344 = arith.constant 1.000000e+00 : f32
    %sub3A_345 = vector.broadcast %sub3A_344 : f32 to vector<1024x64xf32>
    %sub3A_346 = arith.subf %sub3A_345, %logistic3A_338 : vector<1024x64xf32>
    %mul3A_347 = arith.mulf %sub3A_346, %tanh3A_343 : vector<1024x64xf32>
    %mul3A_348 = arith.mulf %logistic3A_338, %add3A_311 : vector<1024x64xf32>
    %add3A_349 = arith.addf %mul3A_347, %mul3A_348 : vector<1024x64xf32>
    %slice3A_350 = vector.extract_strided_slice %get3A_1 {offsets = [0, 27], sizes = [1024, 3], strides = [1, 1]} : vector<1024x64xf32> to vector<1024x3xf32>
    %dot_general3A_351 = arith.constant dense<0.000000e+00> : vector<1024x192xf32>
    %dot_general3A_352 = tpu.matmul %slice3A_350, %get3A_4, %dot_general3A_351 {dimension_numbers = #tpu.dot_dimension_numbers<[1], [0], [0], [1], [0, 0, 1, 1], [], []>, transpose_lhs_hint = false} : vector<1024x3xf32>, vector<3x192xf32>, vector<1024x192xf32> -> vector<1024x192xf32>
    %add3A_353 = vector.broadcast %get3A_10 : vector<1x192xf32> to vector<1024x192xf32>
    %add3A_354 = arith.addf %dot_general3A_352, %add3A_353 : vector<1024x192xf32>
    %dot_general3A_355 = arith.constant dense<0.000000e+00> : vector<1024x192xf32>
    %dot_general3A_356 = tpu.matmul %add3A_349, %get3A_7, %dot_general3A_355 {dimension_numbers = #tpu.dot_dimension_numbers<[1], [0], [0], [1], [0, 0, 1, 1], [], []>, transpose_lhs_hint = false} : vector<1024x64xf32>, vector<64x192xf32>, vector<1024x192xf32> -> vector<1024x192xf32>
    %add3A_357 = vector.broadcast %get3A_13 : vector<1x192xf32> to vector<1024x192xf32>
    %add3A_358 = arith.addf %dot_general3A_356, %add3A_357 : vector<1024x192xf32>
    %slice3A_359 = vector.extract_strided_slice %add3A_354 {offsets = [0, 0], sizes = [1024, 64], strides = [1, 1]} : vector<1024x192xf32> to vector<1024x64xf32>
    %slice3A_360 = vector.extract_strided_slice %add3A_358 {offsets = [0, 0], sizes = [1024, 64], strides = [1, 1]} : vector<1024x192xf32> to vector<1024x64xf32>
    %add3A_361 = arith.addf %slice3A_359, %slice3A_360 : vector<1024x64xf32>
    %logistic3A_362 = arith.negf %add3A_361 : vector<1024x64xf32>
    %logistic3A_363 = math.exp %logistic3A_362 : vector<1024x64xf32>
    %logistic3A_364 = arith.constant 1.000000e+00 : f32
    %logistic3A_365 = vector.broadcast %logistic3A_364 : f32 to vector<1024x64xf32>
    %logistic3A_366 = arith.addf %logistic3A_365, %logistic3A_363 : vector<1024x64xf32>
    %logistic3A_367 = arith.divf %logistic3A_365, %logistic3A_366 : vector<1024x64xf32>
    %slice3A_368 = vector.extract_strided_slice %add3A_354 {offsets = [0, 64], sizes = [1024, 64], strides = [1, 1]} : vector<1024x192xf32> to vector<1024x64xf32>
    %slice3A_369 = vector.extract_strided_slice %add3A_358 {offsets = [0, 64], sizes = [1024, 64], strides = [1, 1]} : vector<1024x192xf32> to vector<1024x64xf32>
    %add3A_370 = arith.addf %slice3A_368, %slice3A_369 : vector<1024x64xf32>
    %logistic3A_371 = arith.negf %add3A_370 : vector<1024x64xf32>
    %logistic3A_372 = math.exp %logistic3A_371 : vector<1024x64xf32>
    %logistic3A_373 = arith.constant 1.000000e+00 : f32
    %logistic3A_374 = vector.broadcast %logistic3A_373 : f32 to vector<1024x64xf32>
    %logistic3A_375 = arith.addf %logistic3A_374, %logistic3A_372 : vector<1024x64xf32>
    %logistic3A_376 = arith.divf %logistic3A_374, %logistic3A_375 : vector<1024x64xf32>
    %slice3A_377 = vector.extract_strided_slice %add3A_354 {offsets = [0, 128], sizes = [1024, 64], strides = [1, 1]} : vector<1024x192xf32> to vector<1024x64xf32>
    %slice3A_378 = vector.extract_strided_slice %add3A_358 {offsets = [0, 128], sizes = [1024, 64], strides = [1, 1]} : vector<1024x192xf32> to vector<1024x64xf32>
    %mul3A_379 = arith.mulf %logistic3A_367, %slice3A_378 : vector<1024x64xf32>
    %add3A_380 = arith.addf %slice3A_377, %mul3A_379 : vector<1024x64xf32>
    %tanh3A_381 = math.tanh %add3A_380 : vector<1024x64xf32>
    %sub3A_382 = arith.constant 1.000000e+00 : f32
    %sub3A_383 = vector.broadcast %sub3A_382 : f32 to vector<1024x64xf32>
    %sub3A_384 = arith.subf %sub3A_383, %logistic3A_376 : vector<1024x64xf32>
    %mul3A_385 = arith.mulf %sub3A_384, %tanh3A_381 : vector<1024x64xf32>
    %mul3A_386 = arith.mulf %logistic3A_376, %add3A_349 : vector<1024x64xf32>
    %add3A_387 = arith.addf %mul3A_385, %mul3A_386 : vector<1024x64xf32>
    %slice3A_388 = vector.extract_strided_slice %get3A_1 {offsets = [0, 30], sizes = [1024, 3], strides = [1, 1]} : vector<1024x64xf32> to vector<1024x3xf32>
    %dot_general3A_389 = arith.constant dense<0.000000e+00> : vector<1024x192xf32>
    %dot_general3A_390 = tpu.matmul %slice3A_388, %get3A_4, %dot_general3A_389 {dimension_numbers = #tpu.dot_dimension_numbers<[1], [0], [0], [1], [0, 0, 1, 1], [], []>, transpose_lhs_hint = false} : vector<1024x3xf32>, vector<3x192xf32>, vector<1024x192xf32> -> vector<1024x192xf32>
    %add3A_391 = vector.broadcast %get3A_10 : vector<1x192xf32> to vector<1024x192xf32>
    %add3A_392 = arith.addf %dot_general3A_390, %add3A_391 : vector<1024x192xf32>
    %dot_general3A_393 = arith.constant dense<0.000000e+00> : vector<1024x192xf32>
    %dot_general3A_394 = tpu.matmul %add3A_387, %get3A_7, %dot_general3A_393 {dimension_numbers = #tpu.dot_dimension_numbers<[1], [0], [0], [1], [0, 0, 1, 1], [], []>, transpose_lhs_hint = false} : vector<1024x64xf32>, vector<64x192xf32>, vector<1024x192xf32> -> vector<1024x192xf32>
    %add3A_395 = vector.broadcast %get3A_13 : vector<1x192xf32> to vector<1024x192xf32>
    %add3A_396 = arith.addf %dot_general3A_394, %add3A_395 : vector<1024x192xf32>
    %slice3A_397 = vector.extract_strided_slice %add3A_392 {offsets = [0, 0], sizes = [1024, 64], strides = [1, 1]} : vector<1024x192xf32> to vector<1024x64xf32>
    %slice3A_398 = vector.extract_strided_slice %add3A_396 {offsets = [0, 0], sizes = [1024, 64], strides = [1, 1]} : vector<1024x192xf32> to vector<1024x64xf32>
    %add3A_399 = arith.addf %slice3A_397, %slice3A_398 : vector<1024x64xf32>
    %logistic3A_400 = arith.negf %add3A_399 : vector<1024x64xf32>
    %logistic3A_401 = math.exp %logistic3A_400 : vector<1024x64xf32>
    %logistic3A_402 = arith.constant 1.000000e+00 : f32
    %logistic3A_403 = vector.broadcast %logistic3A_402 : f32 to vector<1024x64xf32>
    %logistic3A_404 = arith.addf %logistic3A_403, %logistic3A_401 : vector<1024x64xf32>
    %logistic3A_405 = arith.divf %logistic3A_403, %logistic3A_404 : vector<1024x64xf32>
    %slice3A_406 = vector.extract_strided_slice %add3A_392 {offsets = [0, 64], sizes = [1024, 64], strides = [1, 1]} : vector<1024x192xf32> to vector<1024x64xf32>
    %slice3A_407 = vector.extract_strided_slice %add3A_396 {offsets = [0, 64], sizes = [1024, 64], strides = [1, 1]} : vector<1024x192xf32> to vector<1024x64xf32>
    %add3A_408 = arith.addf %slice3A_406, %slice3A_407 : vector<1024x64xf32>
    %logistic3A_409 = arith.negf %add3A_408 : vector<1024x64xf32>
    %logistic3A_410 = math.exp %logistic3A_409 : vector<1024x64xf32>
    %logistic3A_411 = arith.constant 1.000000e+00 : f32
    %logistic3A_412 = vector.broadcast %logistic3A_411 : f32 to vector<1024x64xf32>
    %logistic3A_413 = arith.addf %logistic3A_412, %logistic3A_410 : vector<1024x64xf32>
    %logistic3A_414 = arith.divf %logistic3A_412, %logistic3A_413 : vector<1024x64xf32>
    %slice3A_415 = vector.extract_strided_slice %add3A_392 {offsets = [0, 128], sizes = [1024, 64], strides = [1, 1]} : vector<1024x192xf32> to vector<1024x64xf32>
    %slice3A_416 = vector.extract_strided_slice %add3A_396 {offsets = [0, 128], sizes = [1024, 64], strides = [1, 1]} : vector<1024x192xf32> to vector<1024x64xf32>
    %mul3A_417 = arith.mulf %logistic3A_405, %slice3A_416 : vector<1024x64xf32>
    %add3A_418 = arith.addf %slice3A_415, %mul3A_417 : vector<1024x64xf32>
    %tanh3A_419 = math.tanh %add3A_418 : vector<1024x64xf32>
    %sub3A_420 = arith.constant 1.000000e+00 : f32
    %sub3A_421 = vector.broadcast %sub3A_420 : f32 to vector<1024x64xf32>
    %sub3A_422 = arith.subf %sub3A_421, %logistic3A_414 : vector<1024x64xf32>
    %mul3A_423 = arith.mulf %sub3A_422, %tanh3A_419 : vector<1024x64xf32>
    %mul3A_424 = arith.mulf %logistic3A_414, %add3A_387 : vector<1024x64xf32>
    %add3A_425 = arith.addf %mul3A_423, %mul3A_424 : vector<1024x64xf32>
    %slice3A_426 = vector.extract_strided_slice %get3A_1 {offsets = [0, 33], sizes = [1024, 3], strides = [1, 1]} : vector<1024x64xf32> to vector<1024x3xf32>
    %dot_general3A_427 = arith.constant dense<0.000000e+00> : vector<1024x192xf32>
    %dot_general3A_428 = tpu.matmul %slice3A_426, %get3A_4, %dot_general3A_427 {dimension_numbers = #tpu.dot_dimension_numbers<[1], [0], [0], [1], [0, 0, 1, 1], [], []>, transpose_lhs_hint = false} : vector<1024x3xf32>, vector<3x192xf32>, vector<1024x192xf32> -> vector<1024x192xf32>
    %add3A_429 = vector.broadcast %get3A_10 : vector<1x192xf32> to vector<1024x192xf32>
    %add3A_430 = arith.addf %dot_general3A_428, %add3A_429 : vector<1024x192xf32>
    %dot_general3A_431 = arith.constant dense<0.000000e+00> : vector<1024x192xf32>
    %dot_general3A_432 = tpu.matmul %add3A_425, %get3A_7, %dot_general3A_431 {dimension_numbers = #tpu.dot_dimension_numbers<[1], [0], [0], [1], [0, 0, 1, 1], [], []>, transpose_lhs_hint = false} : vector<1024x64xf32>, vector<64x192xf32>, vector<1024x192xf32> -> vector<1024x192xf32>
    %add3A_433 = vector.broadcast %get3A_13 : vector<1x192xf32> to vector<1024x192xf32>
    %add3A_434 = arith.addf %dot_general3A_432, %add3A_433 : vector<1024x192xf32>
    %slice3A_435 = vector.extract_strided_slice %add3A_430 {offsets = [0, 0], sizes = [1024, 64], strides = [1, 1]} : vector<1024x192xf32> to vector<1024x64xf32>
    %slice3A_436 = vector.extract_strided_slice %add3A_434 {offsets = [0, 0], sizes = [1024, 64], strides = [1, 1]} : vector<1024x192xf32> to vector<1024x64xf32>
    %add3A_437 = arith.addf %slice3A_435, %slice3A_436 : vector<1024x64xf32>
    %logistic3A_438 = arith.negf %add3A_437 : vector<1024x64xf32>
    %logistic3A_439 = math.exp %logistic3A_438 : vector<1024x64xf32>
    %logistic3A_440 = arith.constant 1.000000e+00 : f32
    %logistic3A_441 = vector.broadcast %logistic3A_440 : f32 to vector<1024x64xf32>
    %logistic3A_442 = arith.addf %logistic3A_441, %logistic3A_439 : vector<1024x64xf32>
    %logistic3A_443 = arith.divf %logistic3A_441, %logistic3A_442 : vector<1024x64xf32>
    %slice3A_444 = vector.extract_strided_slice %add3A_430 {offsets = [0, 64], sizes = [1024, 64], strides = [1, 1]} : vector<1024x192xf32> to vector<1024x64xf32>
    %slice3A_445 = vector.extract_strided_slice %add3A_434 {offsets = [0, 64], sizes = [1024, 64], strides = [1, 1]} : vector<1024x192xf32> to vector<1024x64xf32>
    %add3A_446 = arith.addf %slice3A_444, %slice3A_445 : vector<1024x64xf32>
    %logistic3A_447 = arith.negf %add3A_446 : vector<1024x64xf32>
    %logistic3A_448 = math.exp %logistic3A_447 : vector<1024x64xf32>
    %logistic3A_449 = arith.constant 1.000000e+00 : f32
    %logistic3A_450 = vector.broadcast %logistic3A_449 : f32 to vector<1024x64xf32>
    %logistic3A_451 = arith.addf %logistic3A_450, %logistic3A_448 : vector<1024x64xf32>
    %logistic3A_452 = arith.divf %logistic3A_450, %logistic3A_451 : vector<1024x64xf32>
    %slice3A_453 = vector.extract_strided_slice %add3A_430 {offsets = [0, 128], sizes = [1024, 64], strides = [1, 1]} : vector<1024x192xf32> to vector<1024x64xf32>
    %slice3A_454 = vector.extract_strided_slice %add3A_434 {offsets = [0, 128], sizes = [1024, 64], strides = [1, 1]} : vector<1024x192xf32> to vector<1024x64xf32>
    %mul3A_455 = arith.mulf %logistic3A_443, %slice3A_454 : vector<1024x64xf32>
    %add3A_456 = arith.addf %slice3A_453, %mul3A_455 : vector<1024x64xf32>
    %tanh3A_457 = math.tanh %add3A_456 : vector<1024x64xf32>
    %sub3A_458 = arith.constant 1.000000e+00 : f32
    %sub3A_459 = vector.broadcast %sub3A_458 : f32 to vector<1024x64xf32>
    %sub3A_460 = arith.subf %sub3A_459, %logistic3A_452 : vector<1024x64xf32>
    %mul3A_461 = arith.mulf %sub3A_460, %tanh3A_457 : vector<1024x64xf32>
    %mul3A_462 = arith.mulf %logistic3A_452, %add3A_425 : vector<1024x64xf32>
    %add3A_463 = arith.addf %mul3A_461, %mul3A_462 : vector<1024x64xf32>
    %slice3A_464 = vector.extract_strided_slice %get3A_1 {offsets = [0, 36], sizes = [1024, 3], strides = [1, 1]} : vector<1024x64xf32> to vector<1024x3xf32>
    %dot_general3A_465 = arith.constant dense<0.000000e+00> : vector<1024x192xf32>
    %dot_general3A_466 = tpu.matmul %slice3A_464, %get3A_4, %dot_general3A_465 {dimension_numbers = #tpu.dot_dimension_numbers<[1], [0], [0], [1], [0, 0, 1, 1], [], []>, transpose_lhs_hint = false} : vector<1024x3xf32>, vector<3x192xf32>, vector<1024x192xf32> -> vector<1024x192xf32>
    %add3A_467 = vector.broadcast %get3A_10 : vector<1x192xf32> to vector<1024x192xf32>
    %add3A_468 = arith.addf %dot_general3A_466, %add3A_467 : vector<1024x192xf32>
    %dot_general3A_469 = arith.constant dense<0.000000e+00> : vector<1024x192xf32>
    %dot_general3A_470 = tpu.matmul %add3A_463, %get3A_7, %dot_general3A_469 {dimension_numbers = #tpu.dot_dimension_numbers<[1], [0], [0], [1], [0, 0, 1, 1], [], []>, transpose_lhs_hint = false} : vector<1024x64xf32>, vector<64x192xf32>, vector<1024x192xf32> -> vector<1024x192xf32>
    %add3A_471 = vector.broadcast %get3A_13 : vector<1x192xf32> to vector<1024x192xf32>
    %add3A_472 = arith.addf %dot_general3A_470, %add3A_471 : vector<1024x192xf32>
    %slice3A_473 = vector.extract_strided_slice %add3A_468 {offsets = [0, 0], sizes = [1024, 64], strides = [1, 1]} : vector<1024x192xf32> to vector<1024x64xf32>
    %slice3A_474 = vector.extract_strided_slice %add3A_472 {offsets = [0, 0], sizes = [1024, 64], strides = [1, 1]} : vector<1024x192xf32> to vector<1024x64xf32>
    %add3A_475 = arith.addf %slice3A_473, %slice3A_474 : vector<1024x64xf32>
    %logistic3A_476 = arith.negf %add3A_475 : vector<1024x64xf32>
    %logistic3A_477 = math.exp %logistic3A_476 : vector<1024x64xf32>
    %logistic3A_478 = arith.constant 1.000000e+00 : f32
    %logistic3A_479 = vector.broadcast %logistic3A_478 : f32 to vector<1024x64xf32>
    %logistic3A_480 = arith.addf %logistic3A_479, %logistic3A_477 : vector<1024x64xf32>
    %logistic3A_481 = arith.divf %logistic3A_479, %logistic3A_480 : vector<1024x64xf32>
    %slice3A_482 = vector.extract_strided_slice %add3A_468 {offsets = [0, 64], sizes = [1024, 64], strides = [1, 1]} : vector<1024x192xf32> to vector<1024x64xf32>
    %slice3A_483 = vector.extract_strided_slice %add3A_472 {offsets = [0, 64], sizes = [1024, 64], strides = [1, 1]} : vector<1024x192xf32> to vector<1024x64xf32>
    %add3A_484 = arith.addf %slice3A_482, %slice3A_483 : vector<1024x64xf32>
    %logistic3A_485 = arith.negf %add3A_484 : vector<1024x64xf32>
    %logistic3A_486 = math.exp %logistic3A_485 : vector<1024x64xf32>
    %logistic3A_487 = arith.constant 1.000000e+00 : f32
    %logistic3A_488 = vector.broadcast %logistic3A_487 : f32 to vector<1024x64xf32>
    %logistic3A_489 = arith.addf %logistic3A_488, %logistic3A_486 : vector<1024x64xf32>
    %logistic3A_490 = arith.divf %logistic3A_488, %logistic3A_489 : vector<1024x64xf32>
    %slice3A_491 = vector.extract_strided_slice %add3A_468 {offsets = [0, 128], sizes = [1024, 64], strides = [1, 1]} : vector<1024x192xf32> to vector<1024x64xf32>
    %slice3A_492 = vector.extract_strided_slice %add3A_472 {offsets = [0, 128], sizes = [1024, 64], strides = [1, 1]} : vector<1024x192xf32> to vector<1024x64xf32>
    %mul3A_493 = arith.mulf %logistic3A_481, %slice3A_492 : vector<1024x64xf32>
    %add3A_494 = arith.addf %slice3A_491, %mul3A_493 : vector<1024x64xf32>
    %tanh3A_495 = math.tanh %add3A_494 : vector<1024x64xf32>
    %sub3A_496 = arith.constant 1.000000e+00 : f32
    %sub3A_497 = vector.broadcast %sub3A_496 : f32 to vector<1024x64xf32>
    %sub3A_498 = arith.subf %sub3A_497, %logistic3A_490 : vector<1024x64xf32>
    %mul3A_499 = arith.mulf %sub3A_498, %tanh3A_495 : vector<1024x64xf32>
    %mul3A_500 = arith.mulf %logistic3A_490, %add3A_463 : vector<1024x64xf32>
    %add3A_501 = arith.addf %mul3A_499, %mul3A_500 : vector<1024x64xf32>
    %slice3A_502 = vector.extract_strided_slice %get3A_1 {offsets = [0, 39], sizes = [1024, 3], strides = [1, 1]} : vector<1024x64xf32> to vector<1024x3xf32>
    %dot_general3A_503 = arith.constant dense<0.000000e+00> : vector<1024x192xf32>
    %dot_general3A_504 = tpu.matmul %slice3A_502, %get3A_4, %dot_general3A_503 {dimension_numbers = #tpu.dot_dimension_numbers<[1], [0], [0], [1], [0, 0, 1, 1], [], []>, transpose_lhs_hint = false} : vector<1024x3xf32>, vector<3x192xf32>, vector<1024x192xf32> -> vector<1024x192xf32>
    %add3A_505 = vector.broadcast %get3A_10 : vector<1x192xf32> to vector<1024x192xf32>
    %add3A_506 = arith.addf %dot_general3A_504, %add3A_505 : vector<1024x192xf32>
    %dot_general3A_507 = arith.constant dense<0.000000e+00> : vector<1024x192xf32>
    %dot_general3A_508 = tpu.matmul %add3A_501, %get3A_7, %dot_general3A_507 {dimension_numbers = #tpu.dot_dimension_numbers<[1], [0], [0], [1], [0, 0, 1, 1], [], []>, transpose_lhs_hint = false} : vector<1024x64xf32>, vector<64x192xf32>, vector<1024x192xf32> -> vector<1024x192xf32>
    %add3A_509 = vector.broadcast %get3A_13 : vector<1x192xf32> to vector<1024x192xf32>
    %add3A_510 = arith.addf %dot_general3A_508, %add3A_509 : vector<1024x192xf32>
    %slice3A_511 = vector.extract_strided_slice %add3A_506 {offsets = [0, 0], sizes = [1024, 64], strides = [1, 1]} : vector<1024x192xf32> to vector<1024x64xf32>
    %slice3A_512 = vector.extract_strided_slice %add3A_510 {offsets = [0, 0], sizes = [1024, 64], strides = [1, 1]} : vector<1024x192xf32> to vector<1024x64xf32>
    %add3A_513 = arith.addf %slice3A_511, %slice3A_512 : vector<1024x64xf32>
    %logistic3A_514 = arith.negf %add3A_513 : vector<1024x64xf32>
    %logistic3A_515 = math.exp %logistic3A_514 : vector<1024x64xf32>
    %logistic3A_516 = arith.constant 1.000000e+00 : f32
    %logistic3A_517 = vector.broadcast %logistic3A_516 : f32 to vector<1024x64xf32>
    %logistic3A_518 = arith.addf %logistic3A_517, %logistic3A_515 : vector<1024x64xf32>
    %logistic3A_519 = arith.divf %logistic3A_517, %logistic3A_518 : vector<1024x64xf32>
    %slice3A_520 = vector.extract_strided_slice %add3A_506 {offsets = [0, 64], sizes = [1024, 64], strides = [1, 1]} : vector<1024x192xf32> to vector<1024x64xf32>
    %slice3A_521 = vector.extract_strided_slice %add3A_510 {offsets = [0, 64], sizes = [1024, 64], strides = [1, 1]} : vector<1024x192xf32> to vector<1024x64xf32>
    %add3A_522 = arith.addf %slice3A_520, %slice3A_521 : vector<1024x64xf32>
    %logistic3A_523 = arith.negf %add3A_522 : vector<1024x64xf32>
    %logistic3A_524 = math.exp %logistic3A_523 : vector<1024x64xf32>
    %logistic3A_525 = arith.constant 1.000000e+00 : f32
    %logistic3A_526 = vector.broadcast %logistic3A_525 : f32 to vector<1024x64xf32>
    %logistic3A_527 = arith.addf %logistic3A_526, %logistic3A_524 : vector<1024x64xf32>
    %logistic3A_528 = arith.divf %logistic3A_526, %logistic3A_527 : vector<1024x64xf32>
    %slice3A_529 = vector.extract_strided_slice %add3A_506 {offsets = [0, 128], sizes = [1024, 64], strides = [1, 1]} : vector<1024x192xf32> to vector<1024x64xf32>
    %slice3A_530 = vector.extract_strided_slice %add3A_510 {offsets = [0, 128], sizes = [1024, 64], strides = [1, 1]} : vector<1024x192xf32> to vector<1024x64xf32>
    %mul3A_531 = arith.mulf %logistic3A_519, %slice3A_530 : vector<1024x64xf32>
    %add3A_532 = arith.addf %slice3A_529, %mul3A_531 : vector<1024x64xf32>
    %tanh3A_533 = math.tanh %add3A_532 : vector<1024x64xf32>
    %sub3A_534 = arith.constant 1.000000e+00 : f32
    %sub3A_535 = vector.broadcast %sub3A_534 : f32 to vector<1024x64xf32>
    %sub3A_536 = arith.subf %sub3A_535, %logistic3A_528 : vector<1024x64xf32>
    %mul3A_537 = arith.mulf %sub3A_536, %tanh3A_533 : vector<1024x64xf32>
    %mul3A_538 = arith.mulf %logistic3A_528, %add3A_501 : vector<1024x64xf32>
    %add3A_539 = arith.addf %mul3A_537, %mul3A_538 : vector<1024x64xf32>
    %slice3A_540 = vector.extract_strided_slice %get3A_1 {offsets = [0, 42], sizes = [1024, 3], strides = [1, 1]} : vector<1024x64xf32> to vector<1024x3xf32>
    %dot_general3A_541 = arith.constant dense<0.000000e+00> : vector<1024x192xf32>
    %dot_general3A_542 = tpu.matmul %slice3A_540, %get3A_4, %dot_general3A_541 {dimension_numbers = #tpu.dot_dimension_numbers<[1], [0], [0], [1], [0, 0, 1, 1], [], []>, transpose_lhs_hint = false} : vector<1024x3xf32>, vector<3x192xf32>, vector<1024x192xf32> -> vector<1024x192xf32>
    %add3A_543 = vector.broadcast %get3A_10 : vector<1x192xf32> to vector<1024x192xf32>
    %add3A_544 = arith.addf %dot_general3A_542, %add3A_543 : vector<1024x192xf32>
    %dot_general3A_545 = arith.constant dense<0.000000e+00> : vector<1024x192xf32>
    %dot_general3A_546 = tpu.matmul %add3A_539, %get3A_7, %dot_general3A_545 {dimension_numbers = #tpu.dot_dimension_numbers<[1], [0], [0], [1], [0, 0, 1, 1], [], []>, transpose_lhs_hint = false} : vector<1024x64xf32>, vector<64x192xf32>, vector<1024x192xf32> -> vector<1024x192xf32>
    %add3A_547 = vector.broadcast %get3A_13 : vector<1x192xf32> to vector<1024x192xf32>
    %add3A_548 = arith.addf %dot_general3A_546, %add3A_547 : vector<1024x192xf32>
    %slice3A_549 = vector.extract_strided_slice %add3A_544 {offsets = [0, 0], sizes = [1024, 64], strides = [1, 1]} : vector<1024x192xf32> to vector<1024x64xf32>
    %slice3A_550 = vector.extract_strided_slice %add3A_548 {offsets = [0, 0], sizes = [1024, 64], strides = [1, 1]} : vector<1024x192xf32> to vector<1024x64xf32>
    %add3A_551 = arith.addf %slice3A_549, %slice3A_550 : vector<1024x64xf32>
    %logistic3A_552 = arith.negf %add3A_551 : vector<1024x64xf32>
    %logistic3A_553 = math.exp %logistic3A_552 : vector<1024x64xf32>
    %logistic3A_554 = arith.constant 1.000000e+00 : f32
    %logistic3A_555 = vector.broadcast %logistic3A_554 : f32 to vector<1024x64xf32>
    %logistic3A_556 = arith.addf %logistic3A_555, %logistic3A_553 : vector<1024x64xf32>
    %logistic3A_557 = arith.divf %logistic3A_555, %logistic3A_556 : vector<1024x64xf32>
    %slice3A_558 = vector.extract_strided_slice %add3A_544 {offsets = [0, 64], sizes = [1024, 64], strides = [1, 1]} : vector<1024x192xf32> to vector<1024x64xf32>
    %slice3A_559 = vector.extract_strided_slice %add3A_548 {offsets = [0, 64], sizes = [1024, 64], strides = [1, 1]} : vector<1024x192xf32> to vector<1024x64xf32>
    %add3A_560 = arith.addf %slice3A_558, %slice3A_559 : vector<1024x64xf32>
    %logistic3A_561 = arith.negf %add3A_560 : vector<1024x64xf32>
    %logistic3A_562 = math.exp %logistic3A_561 : vector<1024x64xf32>
    %logistic3A_563 = arith.constant 1.000000e+00 : f32
    %logistic3A_564 = vector.broadcast %logistic3A_563 : f32 to vector<1024x64xf32>
    %logistic3A_565 = arith.addf %logistic3A_564, %logistic3A_562 : vector<1024x64xf32>
    %logistic3A_566 = arith.divf %logistic3A_564, %logistic3A_565 : vector<1024x64xf32>
    %slice3A_567 = vector.extract_strided_slice %add3A_544 {offsets = [0, 128], sizes = [1024, 64], strides = [1, 1]} : vector<1024x192xf32> to vector<1024x64xf32>
    %slice3A_568 = vector.extract_strided_slice %add3A_548 {offsets = [0, 128], sizes = [1024, 64], strides = [1, 1]} : vector<1024x192xf32> to vector<1024x64xf32>
    %mul3A_569 = arith.mulf %logistic3A_557, %slice3A_568 : vector<1024x64xf32>
    %add3A_570 = arith.addf %slice3A_567, %mul3A_569 : vector<1024x64xf32>
    %tanh3A_571 = math.tanh %add3A_570 : vector<1024x64xf32>
    %sub3A_572 = arith.constant 1.000000e+00 : f32
    %sub3A_573 = vector.broadcast %sub3A_572 : f32 to vector<1024x64xf32>
    %sub3A_574 = arith.subf %sub3A_573, %logistic3A_566 : vector<1024x64xf32>
    %mul3A_575 = arith.mulf %sub3A_574, %tanh3A_571 : vector<1024x64xf32>
    %mul3A_576 = arith.mulf %logistic3A_566, %add3A_539 : vector<1024x64xf32>
    %add3A_577 = arith.addf %mul3A_575, %mul3A_576 : vector<1024x64xf32>
    %slice3A_578 = vector.extract_strided_slice %get3A_1 {offsets = [0, 45], sizes = [1024, 3], strides = [1, 1]} : vector<1024x64xf32> to vector<1024x3xf32>
    %dot_general3A_579 = arith.constant dense<0.000000e+00> : vector<1024x192xf32>
    %dot_general3A_580 = tpu.matmul %slice3A_578, %get3A_4, %dot_general3A_579 {dimension_numbers = #tpu.dot_dimension_numbers<[1], [0], [0], [1], [0, 0, 1, 1], [], []>, transpose_lhs_hint = false} : vector<1024x3xf32>, vector<3x192xf32>, vector<1024x192xf32> -> vector<1024x192xf32>
    %add3A_581 = vector.broadcast %get3A_10 : vector<1x192xf32> to vector<1024x192xf32>
    %add3A_582 = arith.addf %dot_general3A_580, %add3A_581 : vector<1024x192xf32>
    %dot_general3A_583 = arith.constant dense<0.000000e+00> : vector<1024x192xf32>
    %dot_general3A_584 = tpu.matmul %add3A_577, %get3A_7, %dot_general3A_583 {dimension_numbers = #tpu.dot_dimension_numbers<[1], [0], [0], [1], [0, 0, 1, 1], [], []>, transpose_lhs_hint = false} : vector<1024x64xf32>, vector<64x192xf32>, vector<1024x192xf32> -> vector<1024x192xf32>
    %add3A_585 = vector.broadcast %get3A_13 : vector<1x192xf32> to vector<1024x192xf32>
    %add3A_586 = arith.addf %dot_general3A_584, %add3A_585 : vector<1024x192xf32>
    %slice3A_587 = vector.extract_strided_slice %add3A_582 {offsets = [0, 0], sizes = [1024, 64], strides = [1, 1]} : vector<1024x192xf32> to vector<1024x64xf32>
    %slice3A_588 = vector.extract_strided_slice %add3A_586 {offsets = [0, 0], sizes = [1024, 64], strides = [1, 1]} : vector<1024x192xf32> to vector<1024x64xf32>
    %add3A_589 = arith.addf %slice3A_587, %slice3A_588 : vector<1024x64xf32>
    %logistic3A_590 = arith.negf %add3A_589 : vector<1024x64xf32>
    %logistic3A_591 = math.exp %logistic3A_590 : vector<1024x64xf32>
    %logistic3A_592 = arith.constant 1.000000e+00 : f32
    %logistic3A_593 = vector.broadcast %logistic3A_592 : f32 to vector<1024x64xf32>
    %logistic3A_594 = arith.addf %logistic3A_593, %logistic3A_591 : vector<1024x64xf32>
    %logistic3A_595 = arith.divf %logistic3A_593, %logistic3A_594 : vector<1024x64xf32>
    %slice3A_596 = vector.extract_strided_slice %add3A_582 {offsets = [0, 64], sizes = [1024, 64], strides = [1, 1]} : vector<1024x192xf32> to vector<1024x64xf32>
    %slice3A_597 = vector.extract_strided_slice %add3A_586 {offsets = [0, 64], sizes = [1024, 64], strides = [1, 1]} : vector<1024x192xf32> to vector<1024x64xf32>
    %add3A_598 = arith.addf %slice3A_596, %slice3A_597 : vector<1024x64xf32>
    %logistic3A_599 = arith.negf %add3A_598 : vector<1024x64xf32>
    %logistic3A_600 = math.exp %logistic3A_599 : vector<1024x64xf32>
    %logistic3A_601 = arith.constant 1.000000e+00 : f32
    %logistic3A_602 = vector.broadcast %logistic3A_601 : f32 to vector<1024x64xf32>
    %logistic3A_603 = arith.addf %logistic3A_602, %logistic3A_600 : vector<1024x64xf32>
    %logistic3A_604 = arith.divf %logistic3A_602, %logistic3A_603 : vector<1024x64xf32>
    %slice3A_605 = vector.extract_strided_slice %add3A_582 {offsets = [0, 128], sizes = [1024, 64], strides = [1, 1]} : vector<1024x192xf32> to vector<1024x64xf32>
    %slice3A_606 = vector.extract_strided_slice %add3A_586 {offsets = [0, 128], sizes = [1024, 64], strides = [1, 1]} : vector<1024x192xf32> to vector<1024x64xf32>
    %mul3A_607 = arith.mulf %logistic3A_595, %slice3A_606 : vector<1024x64xf32>
    %add3A_608 = arith.addf %slice3A_605, %mul3A_607 : vector<1024x64xf32>
    %tanh3A_609 = math.tanh %add3A_608 : vector<1024x64xf32>
    %sub3A_610 = arith.constant 1.000000e+00 : f32
    %sub3A_611 = vector.broadcast %sub3A_610 : f32 to vector<1024x64xf32>
    %sub3A_612 = arith.subf %sub3A_611, %logistic3A_604 : vector<1024x64xf32>
    %mul3A_613 = arith.mulf %sub3A_612, %tanh3A_609 : vector<1024x64xf32>
    %mul3A_614 = arith.mulf %logistic3A_604, %add3A_577 : vector<1024x64xf32>
    %add3A_615 = arith.addf %mul3A_613, %mul3A_614 : vector<1024x64xf32>
    %slice3A_616 = vector.extract_strided_slice %get3A_1 {offsets = [0, 48], sizes = [1024, 3], strides = [1, 1]} : vector<1024x64xf32> to vector<1024x3xf32>
    %dot_general3A_617 = arith.constant dense<0.000000e+00> : vector<1024x192xf32>
    %dot_general3A_618 = tpu.matmul %slice3A_616, %get3A_4, %dot_general3A_617 {dimension_numbers = #tpu.dot_dimension_numbers<[1], [0], [0], [1], [0, 0, 1, 1], [], []>, transpose_lhs_hint = false} : vector<1024x3xf32>, vector<3x192xf32>, vector<1024x192xf32> -> vector<1024x192xf32>
    %add3A_619 = vector.broadcast %get3A_10 : vector<1x192xf32> to vector<1024x192xf32>
    %add3A_620 = arith.addf %dot_general3A_618, %add3A_619 : vector<1024x192xf32>
    %dot_general3A_621 = arith.constant dense<0.000000e+00> : vector<1024x192xf32>
    %dot_general3A_622 = tpu.matmul %add3A_615, %get3A_7, %dot_general3A_621 {dimension_numbers = #tpu.dot_dimension_numbers<[1], [0], [0], [1], [0, 0, 1, 1], [], []>, transpose_lhs_hint = false} : vector<1024x64xf32>, vector<64x192xf32>, vector<1024x192xf32> -> vector<1024x192xf32>
    %add3A_623 = vector.broadcast %get3A_13 : vector<1x192xf32> to vector<1024x192xf32>
    %add3A_624 = arith.addf %dot_general3A_622, %add3A_623 : vector<1024x192xf32>
    %slice3A_625 = vector.extract_strided_slice %add3A_620 {offsets = [0, 0], sizes = [1024, 64], strides = [1, 1]} : vector<1024x192xf32> to vector<1024x64xf32>
    %slice3A_626 = vector.extract_strided_slice %add3A_624 {offsets = [0, 0], sizes = [1024, 64], strides = [1, 1]} : vector<1024x192xf32> to vector<1024x64xf32>
    %add3A_627 = arith.addf %slice3A_625, %slice3A_626 : vector<1024x64xf32>
    %logistic3A_628 = arith.negf %add3A_627 : vector<1024x64xf32>
    %logistic3A_629 = math.exp %logistic3A_628 : vector<1024x64xf32>
    %logistic3A_630 = arith.constant 1.000000e+00 : f32
    %logistic3A_631 = vector.broadcast %logistic3A_630 : f32 to vector<1024x64xf32>
    %logistic3A_632 = arith.addf %logistic3A_631, %logistic3A_629 : vector<1024x64xf32>
    %logistic3A_633 = arith.divf %logistic3A_631, %logistic3A_632 : vector<1024x64xf32>
    %slice3A_634 = vector.extract_strided_slice %add3A_620 {offsets = [0, 64], sizes = [1024, 64], strides = [1, 1]} : vector<1024x192xf32> to vector<1024x64xf32>
    %slice3A_635 = vector.extract_strided_slice %add3A_624 {offsets = [0, 64], sizes = [1024, 64], strides = [1, 1]} : vector<1024x192xf32> to vector<1024x64xf32>
    %add3A_636 = arith.addf %slice3A_634, %slice3A_635 : vector<1024x64xf32>
    %logistic3A_637 = arith.negf %add3A_636 : vector<1024x64xf32>
    %logistic3A_638 = math.exp %logistic3A_637 : vector<1024x64xf32>
    %logistic3A_639 = arith.constant 1.000000e+00 : f32
    %logistic3A_640 = vector.broadcast %logistic3A_639 : f32 to vector<1024x64xf32>
    %logistic3A_641 = arith.addf %logistic3A_640, %logistic3A_638 : vector<1024x64xf32>
    %logistic3A_642 = arith.divf %logistic3A_640, %logistic3A_641 : vector<1024x64xf32>
    %slice3A_643 = vector.extract_strided_slice %add3A_620 {offsets = [0, 128], sizes = [1024, 64], strides = [1, 1]} : vector<1024x192xf32> to vector<1024x64xf32>
    %slice3A_644 = vector.extract_strided_slice %add3A_624 {offsets = [0, 128], sizes = [1024, 64], strides = [1, 1]} : vector<1024x192xf32> to vector<1024x64xf32>
    %mul3A_645 = arith.mulf %logistic3A_633, %slice3A_644 : vector<1024x64xf32>
    %add3A_646 = arith.addf %slice3A_643, %mul3A_645 : vector<1024x64xf32>
    %tanh3A_647 = math.tanh %add3A_646 : vector<1024x64xf32>
    %sub3A_648 = arith.constant 1.000000e+00 : f32
    %sub3A_649 = vector.broadcast %sub3A_648 : f32 to vector<1024x64xf32>
    %sub3A_650 = arith.subf %sub3A_649, %logistic3A_642 : vector<1024x64xf32>
    %mul3A_651 = arith.mulf %sub3A_650, %tanh3A_647 : vector<1024x64xf32>
    %mul3A_652 = arith.mulf %logistic3A_642, %add3A_615 : vector<1024x64xf32>
    %add3A_653 = arith.addf %mul3A_651, %mul3A_652 : vector<1024x64xf32>
    %slice3A_654 = vector.extract_strided_slice %get3A_1 {offsets = [0, 51], sizes = [1024, 3], strides = [1, 1]} : vector<1024x64xf32> to vector<1024x3xf32>
    %dot_general3A_655 = arith.constant dense<0.000000e+00> : vector<1024x192xf32>
    %dot_general3A_656 = tpu.matmul %slice3A_654, %get3A_4, %dot_general3A_655 {dimension_numbers = #tpu.dot_dimension_numbers<[1], [0], [0], [1], [0, 0, 1, 1], [], []>, transpose_lhs_hint = false} : vector<1024x3xf32>, vector<3x192xf32>, vector<1024x192xf32> -> vector<1024x192xf32>
    %add3A_657 = vector.broadcast %get3A_10 : vector<1x192xf32> to vector<1024x192xf32>
    %add3A_658 = arith.addf %dot_general3A_656, %add3A_657 : vector<1024x192xf32>
    %dot_general3A_659 = arith.constant dense<0.000000e+00> : vector<1024x192xf32>
    %dot_general3A_660 = tpu.matmul %add3A_653, %get3A_7, %dot_general3A_659 {dimension_numbers = #tpu.dot_dimension_numbers<[1], [0], [0], [1], [0, 0, 1, 1], [], []>, transpose_lhs_hint = false} : vector<1024x64xf32>, vector<64x192xf32>, vector<1024x192xf32> -> vector<1024x192xf32>
    %add3A_661 = vector.broadcast %get3A_13 : vector<1x192xf32> to vector<1024x192xf32>
    %add3A_662 = arith.addf %dot_general3A_660, %add3A_661 : vector<1024x192xf32>
    %slice3A_663 = vector.extract_strided_slice %add3A_658 {offsets = [0, 0], sizes = [1024, 64], strides = [1, 1]} : vector<1024x192xf32> to vector<1024x64xf32>
    %slice3A_664 = vector.extract_strided_slice %add3A_662 {offsets = [0, 0], sizes = [1024, 64], strides = [1, 1]} : vector<1024x192xf32> to vector<1024x64xf32>
    %add3A_665 = arith.addf %slice3A_663, %slice3A_664 : vector<1024x64xf32>
    %logistic3A_666 = arith.negf %add3A_665 : vector<1024x64xf32>
    %logistic3A_667 = math.exp %logistic3A_666 : vector<1024x64xf32>
    %logistic3A_668 = arith.constant 1.000000e+00 : f32
    %logistic3A_669 = vector.broadcast %logistic3A_668 : f32 to vector<1024x64xf32>
    %logistic3A_670 = arith.addf %logistic3A_669, %logistic3A_667 : vector<1024x64xf32>
    %logistic3A_671 = arith.divf %logistic3A_669, %logistic3A_670 : vector<1024x64xf32>
    %slice3A_672 = vector.extract_strided_slice %add3A_658 {offsets = [0, 64], sizes = [1024, 64], strides = [1, 1]} : vector<1024x192xf32> to vector<1024x64xf32>
    %slice3A_673 = vector.extract_strided_slice %add3A_662 {offsets = [0, 64], sizes = [1024, 64], strides = [1, 1]} : vector<1024x192xf32> to vector<1024x64xf32>
    %add3A_674 = arith.addf %slice3A_672, %slice3A_673 : vector<1024x64xf32>
    %logistic3A_675 = arith.negf %add3A_674 : vector<1024x64xf32>
    %logistic3A_676 = math.exp %logistic3A_675 : vector<1024x64xf32>
    %logistic3A_677 = arith.constant 1.000000e+00 : f32
    %logistic3A_678 = vector.broadcast %logistic3A_677 : f32 to vector<1024x64xf32>
    %logistic3A_679 = arith.addf %logistic3A_678, %logistic3A_676 : vector<1024x64xf32>
    %logistic3A_680 = arith.divf %logistic3A_678, %logistic3A_679 : vector<1024x64xf32>
    %slice3A_681 = vector.extract_strided_slice %add3A_658 {offsets = [0, 128], sizes = [1024, 64], strides = [1, 1]} : vector<1024x192xf32> to vector<1024x64xf32>
    %slice3A_682 = vector.extract_strided_slice %add3A_662 {offsets = [0, 128], sizes = [1024, 64], strides = [1, 1]} : vector<1024x192xf32> to vector<1024x64xf32>
    %mul3A_683 = arith.mulf %logistic3A_671, %slice3A_682 : vector<1024x64xf32>
    %add3A_684 = arith.addf %slice3A_681, %mul3A_683 : vector<1024x64xf32>
    %tanh3A_685 = math.tanh %add3A_684 : vector<1024x64xf32>
    %sub3A_686 = arith.constant 1.000000e+00 : f32
    %sub3A_687 = vector.broadcast %sub3A_686 : f32 to vector<1024x64xf32>
    %sub3A_688 = arith.subf %sub3A_687, %logistic3A_680 : vector<1024x64xf32>
    %mul3A_689 = arith.mulf %sub3A_688, %tanh3A_685 : vector<1024x64xf32>
    %mul3A_690 = arith.mulf %logistic3A_680, %add3A_653 : vector<1024x64xf32>
    %add3A_691 = arith.addf %mul3A_689, %mul3A_690 : vector<1024x64xf32>
    %slice3A_692 = vector.extract_strided_slice %get3A_1 {offsets = [0, 54], sizes = [1024, 3], strides = [1, 1]} : vector<1024x64xf32> to vector<1024x3xf32>
    %dot_general3A_693 = arith.constant dense<0.000000e+00> : vector<1024x192xf32>
    %dot_general3A_694 = tpu.matmul %slice3A_692, %get3A_4, %dot_general3A_693 {dimension_numbers = #tpu.dot_dimension_numbers<[1], [0], [0], [1], [0, 0, 1, 1], [], []>, transpose_lhs_hint = false} : vector<1024x3xf32>, vector<3x192xf32>, vector<1024x192xf32> -> vector<1024x192xf32>
    %add3A_695 = vector.broadcast %get3A_10 : vector<1x192xf32> to vector<1024x192xf32>
    %add3A_696 = arith.addf %dot_general3A_694, %add3A_695 : vector<1024x192xf32>
    %dot_general3A_697 = arith.constant dense<0.000000e+00> : vector<1024x192xf32>
    %dot_general3A_698 = tpu.matmul %add3A_691, %get3A_7, %dot_general3A_697 {dimension_numbers = #tpu.dot_dimension_numbers<[1], [0], [0], [1], [0, 0, 1, 1], [], []>, transpose_lhs_hint = false} : vector<1024x64xf32>, vector<64x192xf32>, vector<1024x192xf32> -> vector<1024x192xf32>
    %add3A_699 = vector.broadcast %get3A_13 : vector<1x192xf32> to vector<1024x192xf32>
    %add3A_700 = arith.addf %dot_general3A_698, %add3A_699 : vector<1024x192xf32>
    %slice3A_701 = vector.extract_strided_slice %add3A_696 {offsets = [0, 0], sizes = [1024, 64], strides = [1, 1]} : vector<1024x192xf32> to vector<1024x64xf32>
    %slice3A_702 = vector.extract_strided_slice %add3A_700 {offsets = [0, 0], sizes = [1024, 64], strides = [1, 1]} : vector<1024x192xf32> to vector<1024x64xf32>
    %add3A_703 = arith.addf %slice3A_701, %slice3A_702 : vector<1024x64xf32>
    %logistic3A_704 = arith.negf %add3A_703 : vector<1024x64xf32>
    %logistic3A_705 = math.exp %logistic3A_704 : vector<1024x64xf32>
    %logistic3A_706 = arith.constant 1.000000e+00 : f32
    %logistic3A_707 = vector.broadcast %logistic3A_706 : f32 to vector<1024x64xf32>
    %logistic3A_708 = arith.addf %logistic3A_707, %logistic3A_705 : vector<1024x64xf32>
    %logistic3A_709 = arith.divf %logistic3A_707, %logistic3A_708 : vector<1024x64xf32>
    %slice3A_710 = vector.extract_strided_slice %add3A_696 {offsets = [0, 64], sizes = [1024, 64], strides = [1, 1]} : vector<1024x192xf32> to vector<1024x64xf32>
    %slice3A_711 = vector.extract_strided_slice %add3A_700 {offsets = [0, 64], sizes = [1024, 64], strides = [1, 1]} : vector<1024x192xf32> to vector<1024x64xf32>
    %add3A_712 = arith.addf %slice3A_710, %slice3A_711 : vector<1024x64xf32>
    %logistic3A_713 = arith.negf %add3A_712 : vector<1024x64xf32>
    %logistic3A_714 = math.exp %logistic3A_713 : vector<1024x64xf32>
    %logistic3A_715 = arith.constant 1.000000e+00 : f32
    %logistic3A_716 = vector.broadcast %logistic3A_715 : f32 to vector<1024x64xf32>
    %logistic3A_717 = arith.addf %logistic3A_716, %logistic3A_714 : vector<1024x64xf32>
    %logistic3A_718 = arith.divf %logistic3A_716, %logistic3A_717 : vector<1024x64xf32>
    %slice3A_719 = vector.extract_strided_slice %add3A_696 {offsets = [0, 128], sizes = [1024, 64], strides = [1, 1]} : vector<1024x192xf32> to vector<1024x64xf32>
    %slice3A_720 = vector.extract_strided_slice %add3A_700 {offsets = [0, 128], sizes = [1024, 64], strides = [1, 1]} : vector<1024x192xf32> to vector<1024x64xf32>
    %mul3A_721 = arith.mulf %logistic3A_709, %slice3A_720 : vector<1024x64xf32>
    %add3A_722 = arith.addf %slice3A_719, %mul3A_721 : vector<1024x64xf32>
    %tanh3A_723 = math.tanh %add3A_722 : vector<1024x64xf32>
    %sub3A_724 = arith.constant 1.000000e+00 : f32
    %sub3A_725 = vector.broadcast %sub3A_724 : f32 to vector<1024x64xf32>
    %sub3A_726 = arith.subf %sub3A_725, %logistic3A_718 : vector<1024x64xf32>
    %mul3A_727 = arith.mulf %sub3A_726, %tanh3A_723 : vector<1024x64xf32>
    %mul3A_728 = arith.mulf %logistic3A_718, %add3A_691 : vector<1024x64xf32>
    %add3A_729 = arith.addf %mul3A_727, %mul3A_728 : vector<1024x64xf32>
    %slice3A_730 = vector.extract_strided_slice %get3A_1 {offsets = [0, 57], sizes = [1024, 3], strides = [1, 1]} : vector<1024x64xf32> to vector<1024x3xf32>
    %dot_general3A_731 = arith.constant dense<0.000000e+00> : vector<1024x192xf32>
    %dot_general3A_732 = tpu.matmul %slice3A_730, %get3A_4, %dot_general3A_731 {dimension_numbers = #tpu.dot_dimension_numbers<[1], [0], [0], [1], [0, 0, 1, 1], [], []>, transpose_lhs_hint = false} : vector<1024x3xf32>, vector<3x192xf32>, vector<1024x192xf32> -> vector<1024x192xf32>
    %add3A_733 = vector.broadcast %get3A_10 : vector<1x192xf32> to vector<1024x192xf32>
    %add3A_734 = arith.addf %dot_general3A_732, %add3A_733 : vector<1024x192xf32>
    %dot_general3A_735 = arith.constant dense<0.000000e+00> : vector<1024x192xf32>
    %dot_general3A_736 = tpu.matmul %add3A_729, %get3A_7, %dot_general3A_735 {dimension_numbers = #tpu.dot_dimension_numbers<[1], [0], [0], [1], [0, 0, 1, 1], [], []>, transpose_lhs_hint = false} : vector<1024x64xf32>, vector<64x192xf32>, vector<1024x192xf32> -> vector<1024x192xf32>
    %add3A_737 = vector.broadcast %get3A_13 : vector<1x192xf32> to vector<1024x192xf32>
    %add3A_738 = arith.addf %dot_general3A_736, %add3A_737 : vector<1024x192xf32>
    %slice3A_739 = vector.extract_strided_slice %add3A_734 {offsets = [0, 0], sizes = [1024, 64], strides = [1, 1]} : vector<1024x192xf32> to vector<1024x64xf32>
    %slice3A_740 = vector.extract_strided_slice %add3A_738 {offsets = [0, 0], sizes = [1024, 64], strides = [1, 1]} : vector<1024x192xf32> to vector<1024x64xf32>
    %add3A_741 = arith.addf %slice3A_739, %slice3A_740 : vector<1024x64xf32>
    %logistic3A_742 = arith.negf %add3A_741 : vector<1024x64xf32>
    %logistic3A_743 = math.exp %logistic3A_742 : vector<1024x64xf32>
    %logistic3A_744 = arith.constant 1.000000e+00 : f32
    %logistic3A_745 = vector.broadcast %logistic3A_744 : f32 to vector<1024x64xf32>
    %logistic3A_746 = arith.addf %logistic3A_745, %logistic3A_743 : vector<1024x64xf32>
    %logistic3A_747 = arith.divf %logistic3A_745, %logistic3A_746 : vector<1024x64xf32>
    %slice3A_748 = vector.extract_strided_slice %add3A_734 {offsets = [0, 64], sizes = [1024, 64], strides = [1, 1]} : vector<1024x192xf32> to vector<1024x64xf32>
    %slice3A_749 = vector.extract_strided_slice %add3A_738 {offsets = [0, 64], sizes = [1024, 64], strides = [1, 1]} : vector<1024x192xf32> to vector<1024x64xf32>
    %add3A_750 = arith.addf %slice3A_748, %slice3A_749 : vector<1024x64xf32>
    %logistic3A_751 = arith.negf %add3A_750 : vector<1024x64xf32>
    %logistic3A_752 = math.exp %logistic3A_751 : vector<1024x64xf32>
    %logistic3A_753 = arith.constant 1.000000e+00 : f32
    %logistic3A_754 = vector.broadcast %logistic3A_753 : f32 to vector<1024x64xf32>
    %logistic3A_755 = arith.addf %logistic3A_754, %logistic3A_752 : vector<1024x64xf32>
    %logistic3A_756 = arith.divf %logistic3A_754, %logistic3A_755 : vector<1024x64xf32>
    %slice3A_757 = vector.extract_strided_slice %add3A_734 {offsets = [0, 128], sizes = [1024, 64], strides = [1, 1]} : vector<1024x192xf32> to vector<1024x64xf32>
    %slice3A_758 = vector.extract_strided_slice %add3A_738 {offsets = [0, 128], sizes = [1024, 64], strides = [1, 1]} : vector<1024x192xf32> to vector<1024x64xf32>
    %mul3A_759 = arith.mulf %logistic3A_747, %slice3A_758 : vector<1024x64xf32>
    %add3A_760 = arith.addf %slice3A_757, %mul3A_759 : vector<1024x64xf32>
    %tanh3A_761 = math.tanh %add3A_760 : vector<1024x64xf32>
    %sub3A_762 = arith.constant 1.000000e+00 : f32
    %sub3A_763 = vector.broadcast %sub3A_762 : f32 to vector<1024x64xf32>
    %sub3A_764 = arith.subf %sub3A_763, %logistic3A_756 : vector<1024x64xf32>
    %mul3A_765 = arith.mulf %sub3A_764, %tanh3A_761 : vector<1024x64xf32>
    %mul3A_766 = arith.mulf %logistic3A_756, %add3A_729 : vector<1024x64xf32>
    %add3A_767 = arith.addf %mul3A_765, %mul3A_766 : vector<1024x64xf32>
    %swap3A = arith.constant 0 : index
    %swap3A_768 = arith.constant 0 : index
    %swap3A_769 = vector.load %arg8[%swap3A, %swap3A_768] : memref<1024x64xf32, #tpu.memory_space<vmem>>, vector<1024x64xf32>
    tpu.vector_store %arg8[%swap3A, %swap3A_768], %add3A_767 {strides = array<i32>} : memref<1024x64xf32, #tpu.memory_space<vmem>>, vector<1024x64xf32>,
    %get3A_770 = arith.constant 0 : index
    %get3A_771 = arith.constant 0 : index
    %get3A_772 = vector.load %arg6[%get3A_770, %get3A_771] : memref<64x64xf32, #tpu.memory_space<vmem>>, vector<64x64xf32>
    %dot_general3A_773 = arith.constant dense<0.000000e+00> : vector<1024x64xf32>
    %dot_general3A_774 = tpu.matmul %add3A_767, %get3A_772, %dot_general3A_773 {dimension_numbers = #tpu.dot_dimension_numbers<[1], [0], [0], [1], [0, 0, 1, 1], [], []>, transpose_lhs_hint = false} : vector<1024x64xf32>, vector<64x64xf32>, vector<1024x64xf32> -> vector<1024x64xf32>
    %get3A_775 = arith.constant 0 : index
    %get3A_776 = arith.constant 0 : index
    %get3A_777 = vector.load %arg7[%get3A_775, %get3A_776] : memref<1x64xf32, #tpu.memory_space<vmem>>, vector<1x64xf32>
    %add3A_778 = vector.broadcast %get3A_777 : vector<1x64xf32> to vector<1024x64xf32>
    %add3A_779 = arith.addf %dot_general3A_774, %add3A_778 : vector<1024x64xf32>
    %swap3A_780 = arith.constant 0 : index
    %swap3A_781 = arith.constant 0 : index
    %swap3A_782 = vector.load %arg9[%swap3A_780, %swap3A_781] : memref<1024x64xf32, #tpu.memory_space<vmem>>, vector<1024x64xf32>
    tpu.vector_store %arg9[%swap3A_780, %swap3A_781], %add3A_779 {strides = array<i32>} : memref<1024x64xf32, #tpu.memory_space<vmem>>, vector<1024x64xf32>,
    return
  }
  func.func @transform_0(%arg0: i32) -> (i32, i32) {
    %c0_i32 = arith.constant 0 : i32
    %c0_i32_0 = arith.constant 0 : i32
    return %arg0, %c0_i32 : i32, i32
  }
  func.func @transform_1(%arg0: i32) -> (i32, i32) {
    %c0_i32 = arith.constant 0 : i32
    %c0_i32_0 = arith.constant 0 : i32
    %c0_i32_1 = arith.constant 0 : i32
    return %c0_i32, %c0_i32_0 : i32, i32
  }
  func.func @transform_2(%arg0: i32) -> (i32, i32) {
    %c0_i32 = arith.constant 0 : i32
    %c0_i32_0 = arith.constant 0 : i32
    %c0_i32_1 = arith.constant 0 : i32
    return %c0_i32, %c0_i32_0 : i32, i32
  }
  func.func @transform_3(%arg0: i32) -> (i32, i32) {
    %c0_i32 = arith.constant 0 : i32
    %c0_i32_0 = arith.constant 0 : i32
    %c0_i32_1 = arith.constant 0 : i32
    return %c0_i32, %c0_i32_0 : i32, i32
  }
  func.func @transform_4(%arg0: i32) -> (i32, i32) {
    %c0_i32 = arith.constant 0 : i32
    %c0_i32_0 = arith.constant 0 : i32
    %c0_i32_1 = arith.constant 0 : i32
    return %c0_i32, %c0_i32_0 : i32, i32
  }
  func.func @transform_5(%arg0: i32) -> (i32, i32) {
    %c0_i32 = arith.constant 0 : i32
    %c0_i32_0 = arith.constant 0 : i32
    %c0_i32_1 = arith.constant 0 : i32
    return %c0_i32, %c0_i32_0 : i32, i32
  }
  func.func @transform_6(%arg0: i32) -> (i32, i32) {
    %c0_i32 = arith.constant 0 : i32
    %c0_i32_0 = arith.constant 0 : i32
    %c0_i32_1 = arith.constant 0 : i32
    return %c0_i32, %c0_i32_0 : i32, i32
  }
  func.func @transform_7(%arg0: i32) -> (i32, i32) {
    %c0_i32 = arith.constant 0 : i32
    %c0_i32_0 = arith.constant 0 : i32
    return %arg0, %c0_i32 : i32, i32
  }
  func.func @transform_8(%arg0: i32) -> (i32, i32) {
    %c0_i32 = arith.constant 0 : i32
    %c0_i32_0 = arith.constant 0 : i32
    return %arg0, %c0_i32 : i32, i32
  }
}

module attributes {stable_mosaic.version = 14 : i64} {
  func.func @_upd_body(%arg0: i32, %arg1: memref<1024x64xf32, #tpu.memory_space<vmem>>, %arg2: memref<1024x64xf32, #tpu.memory_space<vmem>>, %arg3: memref<1024x64xf32, #tpu.memory_space<vmem>>, %arg4: memref<64x192xf32, #tpu.memory_space<vmem>>, %arg5: memref<64x192xf32, #tpu.memory_space<vmem>>, %arg6: memref<1x192xf32, #tpu.memory_space<vmem>>, %arg7: memref<1x192xf32, #tpu.memory_space<vmem>>, %arg8: memref<64x64xf32, #tpu.memory_space<vmem>>, %arg9: memref<1x64xf32, #tpu.memory_space<vmem>>, %arg10: memref<1024x64xf32, #tpu.memory_space<vmem>>, %arg11: memref<1024x64xf32, #tpu.memory_space<vmem>>) attributes {dimension_semantics = [#tpu.dimension_semantics<arbitrary>], iteration_bounds = array<i64: 10>, scalar_prefetch = 0 : i64, scratch_operands = 0 : i64, tpu.core_type = #tpu.core_type<tc>, window_params = [{transform_indices = @transform_0, window_bounds = array<i64: 1024, 64>}, {transform_indices = @transform_1, window_bounds = array<i64: 1024, 64>}, {transform_indices = @transform_2, window_bounds = array<i64: 1024, 64>}, {pipeline_mode = #tpu.pipeline_mode<synchronous>, transform_indices = @transform_3, window_bounds = array<i64: 64, 192>}, {pipeline_mode = #tpu.pipeline_mode<synchronous>, transform_indices = @transform_4, window_bounds = array<i64: 64, 192>}, {pipeline_mode = #tpu.pipeline_mode<synchronous>, transform_indices = @transform_5, window_bounds = array<i64: 1, 192>}, {pipeline_mode = #tpu.pipeline_mode<synchronous>, transform_indices = @transform_6, window_bounds = array<i64: 1, 192>}, {pipeline_mode = #tpu.pipeline_mode<synchronous>, transform_indices = @transform_7, window_bounds = array<i64: 64, 64>}, {pipeline_mode = #tpu.pipeline_mode<synchronous>, transform_indices = @transform_8, window_bounds = array<i64: 1, 64>}, {transform_indices = @transform_9, window_bounds = array<i64: 1024, 64>}, {transform_indices = @transform_10, window_bounds = array<i64: 1024, 64>}]} {
    %get3A = arith.constant 0 : index
    %get3A_0 = arith.constant 0 : index
    %get3A_1 = vector.load %arg1[%get3A, %get3A_0] : memref<1024x64xf32, #tpu.memory_space<vmem>>, vector<1024x64xf32>
    %get3A_2 = arith.constant 0 : index
    %get3A_3 = arith.constant 0 : index
    %get3A_4 = vector.load %arg2[%get3A_2, %get3A_3] : memref<1024x64xf32, #tpu.memory_space<vmem>>, vector<1024x64xf32>
    %add3A = arith.addf %get3A_1, %get3A_4 : vector<1024x64xf32>
    %get3A_5 = arith.constant 0 : index
    %get3A_6 = arith.constant 0 : index
    %get3A_7 = vector.load %arg3[%get3A_5, %get3A_6] : memref<1024x64xf32, #tpu.memory_space<vmem>>, vector<1024x64xf32>
    %get3A_8 = arith.constant 0 : index
    %get3A_9 = arith.constant 0 : index
    %get3A_10 = vector.load %arg4[%get3A_8, %get3A_9] : memref<64x192xf32, #tpu.memory_space<vmem>>, vector<64x192xf32>
    %dot_general3A = arith.constant dense<0.000000e+00> : vector<1024x192xf32>
    %dot_general3A_11 = tpu.matmul %add3A, %get3A_10, %dot_general3A {dimension_numbers = #tpu.dot_dimension_numbers<[1], [0], [0], [1], [0, 0, 1, 1], [], []>, transpose_lhs_hint = false} : vector<1024x64xf32>, vector<64x192xf32>, vector<1024x192xf32> -> vector<1024x192xf32>
    %get3A_12 = arith.constant 0 : index
    %get3A_13 = arith.constant 0 : index
    %get3A_14 = vector.load %arg6[%get3A_12, %get3A_13] : memref<1x192xf32, #tpu.memory_space<vmem>>, vector<1x192xf32>
    %add3A_15 = vector.broadcast %get3A_14 : vector<1x192xf32> to vector<1024x192xf32>
    %add3A_16 = arith.addf %dot_general3A_11, %add3A_15 : vector<1024x192xf32>
    %get3A_17 = arith.constant 0 : index
    %get3A_18 = arith.constant 0 : index
    %get3A_19 = vector.load %arg5[%get3A_17, %get3A_18] : memref<64x192xf32, #tpu.memory_space<vmem>>, vector<64x192xf32>
    %dot_general3A_20 = arith.constant dense<0.000000e+00> : vector<1024x192xf32>
    %dot_general3A_21 = tpu.matmul %get3A_7, %get3A_19, %dot_general3A_20 {dimension_numbers = #tpu.dot_dimension_numbers<[1], [0], [0], [1], [0, 0, 1, 1], [], []>, transpose_lhs_hint = false} : vector<1024x64xf32>, vector<64x192xf32>, vector<1024x192xf32> -> vector<1024x192xf32>
    %get3A_22 = arith.constant 0 : index
    %get3A_23 = arith.constant 0 : index
    %get3A_24 = vector.load %arg7[%get3A_22, %get3A_23] : memref<1x192xf32, #tpu.memory_space<vmem>>, vector<1x192xf32>
    %add3A_25 = vector.broadcast %get3A_24 : vector<1x192xf32> to vector<1024x192xf32>
    %add3A_26 = arith.addf %dot_general3A_21, %add3A_25 : vector<1024x192xf32>
    %slice3A = vector.extract_strided_slice %add3A_16 {offsets = [0, 0], sizes = [1024, 64], strides = [1, 1]} : vector<1024x192xf32> to vector<1024x64xf32>
    %slice3A_27 = vector.extract_strided_slice %add3A_26 {offsets = [0, 0], sizes = [1024, 64], strides = [1, 1]} : vector<1024x192xf32> to vector<1024x64xf32>
    %add3A_28 = arith.addf %slice3A, %slice3A_27 : vector<1024x64xf32>
    %logistic3A = arith.negf %add3A_28 : vector<1024x64xf32>
    %logistic3A_29 = math.exp %logistic3A : vector<1024x64xf32>
    %logistic3A_30 = arith.constant 1.000000e+00 : f32
    %logistic3A_31 = vector.broadcast %logistic3A_30 : f32 to vector<1024x64xf32>
    %logistic3A_32 = arith.addf %logistic3A_31, %logistic3A_29 : vector<1024x64xf32>
    %logistic3A_33 = arith.divf %logistic3A_31, %logistic3A_32 : vector<1024x64xf32>
    %slice3A_34 = vector.extract_strided_slice %add3A_16 {offsets = [0, 64], sizes = [1024, 64], strides = [1, 1]} : vector<1024x192xf32> to vector<1024x64xf32>
    %slice3A_35 = vector.extract_strided_slice %add3A_26 {offsets = [0, 64], sizes = [1024, 64], strides = [1, 1]} : vector<1024x192xf32> to vector<1024x64xf32>
    %add3A_36 = arith.addf %slice3A_34, %slice3A_35 : vector<1024x64xf32>
    %logistic3A_37 = arith.negf %add3A_36 : vector<1024x64xf32>
    %logistic3A_38 = math.exp %logistic3A_37 : vector<1024x64xf32>
    %logistic3A_39 = arith.constant 1.000000e+00 : f32
    %logistic3A_40 = vector.broadcast %logistic3A_39 : f32 to vector<1024x64xf32>
    %logistic3A_41 = arith.addf %logistic3A_40, %logistic3A_38 : vector<1024x64xf32>
    %logistic3A_42 = arith.divf %logistic3A_40, %logistic3A_41 : vector<1024x64xf32>
    %slice3A_43 = vector.extract_strided_slice %add3A_16 {offsets = [0, 128], sizes = [1024, 64], strides = [1, 1]} : vector<1024x192xf32> to vector<1024x64xf32>
    %slice3A_44 = vector.extract_strided_slice %add3A_26 {offsets = [0, 128], sizes = [1024, 64], strides = [1, 1]} : vector<1024x192xf32> to vector<1024x64xf32>
    %mul3A = arith.mulf %logistic3A_33, %slice3A_44 : vector<1024x64xf32>
    %add3A_45 = arith.addf %slice3A_43, %mul3A : vector<1024x64xf32>
    %tanh3A = math.tanh %add3A_45 : vector<1024x64xf32>
    %sub3A = arith.constant 1.000000e+00 : f32
    %sub3A_46 = vector.broadcast %sub3A : f32 to vector<1024x64xf32>
    %sub3A_47 = arith.subf %sub3A_46, %logistic3A_42 : vector<1024x64xf32>
    %mul3A_48 = arith.mulf %sub3A_47, %tanh3A : vector<1024x64xf32>
    %mul3A_49 = arith.mulf %logistic3A_42, %get3A_7 : vector<1024x64xf32>
    %add3A_50 = arith.addf %mul3A_48, %mul3A_49 : vector<1024x64xf32>
    %swap3A = arith.constant 0 : index
    %swap3A_51 = arith.constant 0 : index
    %swap3A_52 = vector.load %arg10[%swap3A, %swap3A_51] : memref<1024x64xf32, #tpu.memory_space<vmem>>, vector<1024x64xf32>
    tpu.vector_store %arg10[%swap3A, %swap3A_51], %add3A_50 {strides = array<i32>} : memref<1024x64xf32, #tpu.memory_space<vmem>>, vector<1024x64xf32>,
    %get3A_53 = arith.constant 0 : index
    %get3A_54 = arith.constant 0 : index
    %get3A_55 = vector.load %arg8[%get3A_53, %get3A_54] : memref<64x64xf32, #tpu.memory_space<vmem>>, vector<64x64xf32>
    %dot_general3A_56 = arith.constant dense<0.000000e+00> : vector<1024x64xf32>
    %dot_general3A_57 = tpu.matmul %add3A_50, %get3A_55, %dot_general3A_56 {dimension_numbers = #tpu.dot_dimension_numbers<[1], [0], [0], [1], [0, 0, 1, 1], [], []>, transpose_lhs_hint = false} : vector<1024x64xf32>, vector<64x64xf32>, vector<1024x64xf32> -> vector<1024x64xf32>
    %get3A_58 = arith.constant 0 : index
    %get3A_59 = arith.constant 0 : index
    %get3A_60 = vector.load %arg9[%get3A_58, %get3A_59] : memref<1x64xf32, #tpu.memory_space<vmem>>, vector<1x64xf32>
    %add3A_61 = vector.broadcast %get3A_60 : vector<1x64xf32> to vector<1024x64xf32>
    %add3A_62 = arith.addf %dot_general3A_57, %add3A_61 : vector<1024x64xf32>
    %swap3A_63 = arith.constant 0 : index
    %swap3A_64 = arith.constant 0 : index
    %swap3A_65 = vector.load %arg11[%swap3A_63, %swap3A_64] : memref<1024x64xf32, #tpu.memory_space<vmem>>, vector<1024x64xf32>
    tpu.vector_store %arg11[%swap3A_63, %swap3A_64], %add3A_62 {strides = array<i32>} : memref<1024x64xf32, #tpu.memory_space<vmem>>, vector<1024x64xf32>,
    return
  }
  func.func @transform_0(%arg0: i32) -> (i32, i32) {
    %c0_i32 = arith.constant 0 : i32
    %c0_i32_0 = arith.constant 0 : i32
    return %arg0, %c0_i32 : i32, i32
  }
  func.func @transform_1(%arg0: i32) -> (i32, i32) {
    %c0_i32 = arith.constant 0 : i32
    %c0_i32_0 = arith.constant 0 : i32
    return %arg0, %c0_i32 : i32, i32
  }
  func.func @transform_2(%arg0: i32) -> (i32, i32) {
    %c0_i32 = arith.constant 0 : i32
    %c0_i32_0 = arith.constant 0 : i32
    return %arg0, %c0_i32 : i32, i32
  }
  func.func @transform_3(%arg0: i32) -> (i32, i32) {
    %c0_i32 = arith.constant 0 : i32
    %c0_i32_0 = arith.constant 0 : i32
    %c0_i32_1 = arith.constant 0 : i32
    return %c0_i32, %c0_i32_0 : i32, i32
  }
  func.func @transform_4(%arg0: i32) -> (i32, i32) {
    %c0_i32 = arith.constant 0 : i32
    %c0_i32_0 = arith.constant 0 : i32
    %c0_i32_1 = arith.constant 0 : i32
    return %c0_i32, %c0_i32_0 : i32, i32
  }
  func.func @transform_5(%arg0: i32) -> (i32, i32) {
    %c0_i32 = arith.constant 0 : i32
    %c0_i32_0 = arith.constant 0 : i32
    %c0_i32_1 = arith.constant 0 : i32
    return %c0_i32, %c0_i32_0 : i32, i32
  }
  func.func @transform_6(%arg0: i32) -> (i32, i32) {
    %c0_i32 = arith.constant 0 : i32
    %c0_i32_0 = arith.constant 0 : i32
    %c0_i32_1 = arith.constant 0 : i32
    return %c0_i32, %c0_i32_0 : i32, i32
  }
  func.func @transform_7(%arg0: i32) -> (i32, i32) {
    %c0_i32 = arith.constant 0 : i32
    %c0_i32_0 = arith.constant 0 : i32
    %c0_i32_1 = arith.constant 0 : i32
    return %c0_i32, %c0_i32_0 : i32, i32
  }
  func.func @transform_8(%arg0: i32) -> (i32, i32) {
    %c0_i32 = arith.constant 0 : i32
    %c0_i32_0 = arith.constant 0 : i32
    %c0_i32_1 = arith.constant 0 : i32
    return %c0_i32, %c0_i32_0 : i32, i32
  }
  func.func @transform_9(%arg0: i32) -> (i32, i32) {
    %c0_i32 = arith.constant 0 : i32
    %c0_i32_0 = arith.constant 0 : i32
    return %arg0, %c0_i32 : i32, i32
  }
  func.func @transform_10(%arg0: i32) -> (i32, i32) {
    %c0_i32 = arith.constant 0 : i32
    %c0_i32_0 = arith.constant 0 : i32
    return %arg0, %c0_i32 : i32, i32
  }
}

module attributes {stable_mosaic.version = 14 : i64} {
  func.func @_ta_body(%arg0: memref<1024x64xf32, #tpu.memory_space<vmem>>, %arg1: memref<1x64xf32, #tpu.memory_space<vmem>>, %arg2: memref<6x384xf32, #tpu.memory_space<vmem>>, %arg3: memref<128x384xf32, #tpu.memory_space<vmem>>, %arg4: memref<1x384xf32, #tpu.memory_space<vmem>>, %arg5: memref<1x384xf32, #tpu.memory_space<vmem>>, %arg6: memref<128x384xf32, #tpu.memory_space<vmem>>, %arg7: memref<128x384xf32, #tpu.memory_space<vmem>>, %arg8: memref<1x384xf32, #tpu.memory_space<vmem>>, %arg9: memref<1x384xf32, #tpu.memory_space<vmem>>, %arg10: memref<1024x128xf32, #tpu.memory_space<vmem>>) attributes {dimension_semantics = [], scalar_prefetch = 0 : i64, scratch_operands = 0 : i64, tpu.core_type = #tpu.core_type<tc>} {
    %get3A = arith.constant 0 : index
    %get3A_0 = arith.constant 0 : index
    %get3A_1 = vector.load %arg0[%get3A, %get3A_0] : memref<1024x64xf32, #tpu.memory_space<vmem>>, vector<1024x64xf32>
    %get3A_2 = arith.constant 0 : index
    %get3A_3 = arith.constant 0 : index
    %get3A_4 = vector.load %arg1[%get3A_2, %get3A_3] : memref<1x64xf32, #tpu.memory_space<vmem>>, vector<1x64xf32>
    %get3A_5 = arith.constant 0 : index
    %get3A_6 = arith.constant 0 : index
    %get3A_7 = vector.load %arg2[%get3A_5, %get3A_6] : memref<6x384xf32, #tpu.memory_space<vmem>>, vector<6x384xf32>
    %get3A_8 = arith.constant 0 : index
    %get3A_9 = arith.constant 0 : index
    %get3A_10 = vector.load %arg3[%get3A_8, %get3A_9] : memref<128x384xf32, #tpu.memory_space<vmem>>, vector<128x384xf32>
    %get3A_11 = arith.constant 0 : index
    %get3A_12 = arith.constant 0 : index
    %get3A_13 = vector.load %arg6[%get3A_11, %get3A_12] : memref<128x384xf32, #tpu.memory_space<vmem>>, vector<128x384xf32>
    %get3A_14 = arith.constant 0 : index
    %get3A_15 = arith.constant 0 : index
    %get3A_16 = vector.load %arg7[%get3A_14, %get3A_15] : memref<128x384xf32, #tpu.memory_space<vmem>>, vector<128x384xf32>
    %get3A_17 = arith.constant 0 : index
    %get3A_18 = arith.constant 0 : index
    %get3A_19 = vector.load %arg4[%get3A_17, %get3A_18] : memref<1x384xf32, #tpu.memory_space<vmem>>, vector<1x384xf32>
    %get3A_20 = arith.constant 0 : index
    %get3A_21 = arith.constant 0 : index
    %get3A_22 = vector.load %arg5[%get3A_20, %get3A_21] : memref<1x384xf32, #tpu.memory_space<vmem>>, vector<1x384xf32>
    %get3A_23 = arith.constant 0 : index
    %get3A_24 = arith.constant 0 : index
    %get3A_25 = vector.load %arg8[%get3A_23, %get3A_24] : memref<1x384xf32, #tpu.memory_space<vmem>>, vector<1x384xf32>
    %get3A_26 = arith.constant 0 : index
    %get3A_27 = arith.constant 0 : index
    %get3A_28 = vector.load %arg9[%get3A_26, %get3A_27] : memref<1x384xf32, #tpu.memory_space<vmem>>, vector<1x384xf32>
    %broadcast_in_dim3A = arith.constant 0.000000e+00 : f32
    %broadcast_in_dim3A_29 = vector.broadcast %broadcast_in_dim3A : f32 to vector<1024x128xf32>
    %broadcast_in_dim3A_30 = arith.constant 0.000000e+00 : f32
    %broadcast_in_dim3A_31 = vector.broadcast %broadcast_in_dim3A_30 : f32 to vector<1024x128xf32>
    %slice3A = vector.extract_strided_slice %get3A_4 {offsets = [0, 0], sizes = [1, 3], strides = [1, 1]} : vector<1x64xf32> to vector<1x3xf32>
    %broadcast_in_dim3A_32 = vector.shape_cast %slice3A : vector<1x3xf32> to vector<1x3xf32>
    %broadcast_in_dim3A_33 = vector.broadcast %broadcast_in_dim3A_32 : vector<1x3xf32> to vector<1024x3xf32>
    %slice3A_34 = vector.extract_strided_slice %get3A_1 {offsets = [0, 0], sizes = [1024, 3], strides = [1, 1]} : vector<1024x64xf32> to vector<1024x3xf32>
    %concatenate3A = tpu.concatenate %broadcast_in_dim3A_33, %slice3A_34 in 1 : vector<1024x3xf32>, vector<1024x3xf32> -> vector<1024x6xf32>
    %dot_general3A = arith.constant dense<0.000000e+00> : vector<1024x384xf32>
    %dot_general3A_35 = tpu.matmul %concatenate3A, %get3A_7, %dot_general3A {dimension_numbers = #tpu.dot_dimension_numbers<[1], [0], [0], [1], [0, 0, 1, 1], [], []>, transpose_lhs_hint = false} : vector<1024x6xf32>, vector<6x384xf32>, vector<1024x384xf32> -> vector<1024x384xf32>
    %add3A = vector.broadcast %get3A_19 : vector<1x384xf32> to vector<1024x384xf32>
    %add3A_36 = arith.addf %dot_general3A_35, %add3A : vector<1024x384xf32>
    %dot_general3A_37 = arith.constant dense<0.000000e+00> : vector<1024x384xf32>
    %dot_general3A_38 = tpu.matmul %broadcast_in_dim3A_29, %get3A_10, %dot_general3A_37 {dimension_numbers = #tpu.dot_dimension_numbers<[1], [0], [0], [1], [0, 0, 1, 1], [], []>, transpose_lhs_hint = false} : vector<1024x128xf32>, vector<128x384xf32>, vector<1024x384xf32> -> vector<1024x384xf32>
    %add3A_39 = vector.broadcast %get3A_22 : vector<1x384xf32> to vector<1024x384xf32>
    %add3A_40 = arith.addf %dot_general3A_38, %add3A_39 : vector<1024x384xf32>
    %slice3A_41 = vector.extract_strided_slice %add3A_36 {offsets = [0, 0], sizes = [1024, 128], strides = [1, 1]} : vector<1024x384xf32> to vector<1024x128xf32>
    %slice3A_42 = vector.extract_strided_slice %add3A_40 {offsets = [0, 0], sizes = [1024, 128], strides = [1, 1]} : vector<1024x384xf32> to vector<1024x128xf32>
    %add3A_43 = arith.addf %slice3A_41, %slice3A_42 : vector<1024x128xf32>
    %logistic3A = arith.negf %add3A_43 : vector<1024x128xf32>
    %logistic3A_44 = math.exp %logistic3A : vector<1024x128xf32>
    %logistic3A_45 = arith.constant 1.000000e+00 : f32
    %logistic3A_46 = vector.broadcast %logistic3A_45 : f32 to vector<1024x128xf32>
    %logistic3A_47 = arith.addf %logistic3A_46, %logistic3A_44 : vector<1024x128xf32>
    %logistic3A_48 = arith.divf %logistic3A_46, %logistic3A_47 : vector<1024x128xf32>
    %slice3A_49 = vector.extract_strided_slice %add3A_36 {offsets = [0, 128], sizes = [1024, 128], strides = [1, 1]} : vector<1024x384xf32> to vector<1024x128xf32>
    %slice3A_50 = vector.extract_strided_slice %add3A_40 {offsets = [0, 128], sizes = [1024, 128], strides = [1, 1]} : vector<1024x384xf32> to vector<1024x128xf32>
    %add3A_51 = arith.addf %slice3A_49, %slice3A_50 : vector<1024x128xf32>
    %logistic3A_52 = arith.negf %add3A_51 : vector<1024x128xf32>
    %logistic3A_53 = math.exp %logistic3A_52 : vector<1024x128xf32>
    %logistic3A_54 = arith.constant 1.000000e+00 : f32
    %logistic3A_55 = vector.broadcast %logistic3A_54 : f32 to vector<1024x128xf32>
    %logistic3A_56 = arith.addf %logistic3A_55, %logistic3A_53 : vector<1024x128xf32>
    %logistic3A_57 = arith.divf %logistic3A_55, %logistic3A_56 : vector<1024x128xf32>
    %slice3A_58 = vector.extract_strided_slice %add3A_36 {offsets = [0, 256], sizes = [1024, 128], strides = [1, 1]} : vector<1024x384xf32> to vector<1024x128xf32>
    %slice3A_59 = vector.extract_strided_slice %add3A_40 {offsets = [0, 256], sizes = [1024, 128], strides = [1, 1]} : vector<1024x384xf32> to vector<1024x128xf32>
    %mul3A = arith.mulf %logistic3A_48, %slice3A_59 : vector<1024x128xf32>
    %add3A_60 = arith.addf %slice3A_58, %mul3A : vector<1024x128xf32>
    %tanh3A = math.tanh %add3A_60 : vector<1024x128xf32>
    %sub3A = arith.constant 1.000000e+00 : f32
    %sub3A_61 = vector.broadcast %sub3A : f32 to vector<1024x128xf32>
    %sub3A_62 = arith.subf %sub3A_61, %logistic3A_57 : vector<1024x128xf32>
    %mul3A_63 = arith.mulf %sub3A_62, %tanh3A : vector<1024x128xf32>
    %mul3A_64 = arith.mulf %logistic3A_57, %broadcast_in_dim3A_29 : vector<1024x128xf32>
    %add3A_65 = arith.addf %mul3A_63, %mul3A_64 : vector<1024x128xf32>
    %dot_general3A_66 = arith.constant dense<0.000000e+00> : vector<1024x384xf32>
    %dot_general3A_67 = tpu.matmul %add3A_65, %get3A_13, %dot_general3A_66 {dimension_numbers = #tpu.dot_dimension_numbers<[1], [0], [0], [1], [0, 0, 1, 1], [], []>, transpose_lhs_hint = false} : vector<1024x128xf32>, vector<128x384xf32>, vector<1024x384xf32> -> vector<1024x384xf32>
    %add3A_68 = vector.broadcast %get3A_25 : vector<1x384xf32> to vector<1024x384xf32>
    %add3A_69 = arith.addf %dot_general3A_67, %add3A_68 : vector<1024x384xf32>
    %dot_general3A_70 = arith.constant dense<0.000000e+00> : vector<1024x384xf32>
    %dot_general3A_71 = tpu.matmul %broadcast_in_dim3A_31, %get3A_16, %dot_general3A_70 {dimension_numbers = #tpu.dot_dimension_numbers<[1], [0], [0], [1], [0, 0, 1, 1], [], []>, transpose_lhs_hint = false} : vector<1024x128xf32>, vector<128x384xf32>, vector<1024x384xf32> -> vector<1024x384xf32>
    %add3A_72 = vector.broadcast %get3A_28 : vector<1x384xf32> to vector<1024x384xf32>
    %add3A_73 = arith.addf %dot_general3A_71, %add3A_72 : vector<1024x384xf32>
    %slice3A_74 = vector.extract_strided_slice %add3A_69 {offsets = [0, 0], sizes = [1024, 128], strides = [1, 1]} : vector<1024x384xf32> to vector<1024x128xf32>
    %slice3A_75 = vector.extract_strided_slice %add3A_73 {offsets = [0, 0], sizes = [1024, 128], strides = [1, 1]} : vector<1024x384xf32> to vector<1024x128xf32>
    %add3A_76 = arith.addf %slice3A_74, %slice3A_75 : vector<1024x128xf32>
    %logistic3A_77 = arith.negf %add3A_76 : vector<1024x128xf32>
    %logistic3A_78 = math.exp %logistic3A_77 : vector<1024x128xf32>
    %logistic3A_79 = arith.constant 1.000000e+00 : f32
    %logistic3A_80 = vector.broadcast %logistic3A_79 : f32 to vector<1024x128xf32>
    %logistic3A_81 = arith.addf %logistic3A_80, %logistic3A_78 : vector<1024x128xf32>
    %logistic3A_82 = arith.divf %logistic3A_80, %logistic3A_81 : vector<1024x128xf32>
    %slice3A_83 = vector.extract_strided_slice %add3A_69 {offsets = [0, 128], sizes = [1024, 128], strides = [1, 1]} : vector<1024x384xf32> to vector<1024x128xf32>
    %slice3A_84 = vector.extract_strided_slice %add3A_73 {offsets = [0, 128], sizes = [1024, 128], strides = [1, 1]} : vector<1024x384xf32> to vector<1024x128xf32>
    %add3A_85 = arith.addf %slice3A_83, %slice3A_84 : vector<1024x128xf32>
    %logistic3A_86 = arith.negf %add3A_85 : vector<1024x128xf32>
    %logistic3A_87 = math.exp %logistic3A_86 : vector<1024x128xf32>
    %logistic3A_88 = arith.constant 1.000000e+00 : f32
    %logistic3A_89 = vector.broadcast %logistic3A_88 : f32 to vector<1024x128xf32>
    %logistic3A_90 = arith.addf %logistic3A_89, %logistic3A_87 : vector<1024x128xf32>
    %logistic3A_91 = arith.divf %logistic3A_89, %logistic3A_90 : vector<1024x128xf32>
    %slice3A_92 = vector.extract_strided_slice %add3A_69 {offsets = [0, 256], sizes = [1024, 128], strides = [1, 1]} : vector<1024x384xf32> to vector<1024x128xf32>
    %slice3A_93 = vector.extract_strided_slice %add3A_73 {offsets = [0, 256], sizes = [1024, 128], strides = [1, 1]} : vector<1024x384xf32> to vector<1024x128xf32>
    %mul3A_94 = arith.mulf %logistic3A_82, %slice3A_93 : vector<1024x128xf32>
    %add3A_95 = arith.addf %slice3A_92, %mul3A_94 : vector<1024x128xf32>
    %tanh3A_96 = math.tanh %add3A_95 : vector<1024x128xf32>
    %sub3A_97 = arith.constant 1.000000e+00 : f32
    %sub3A_98 = vector.broadcast %sub3A_97 : f32 to vector<1024x128xf32>
    %sub3A_99 = arith.subf %sub3A_98, %logistic3A_91 : vector<1024x128xf32>
    %mul3A_100 = arith.mulf %sub3A_99, %tanh3A_96 : vector<1024x128xf32>
    %mul3A_101 = arith.mulf %logistic3A_91, %broadcast_in_dim3A_31 : vector<1024x128xf32>
    %add3A_102 = arith.addf %mul3A_100, %mul3A_101 : vector<1024x128xf32>
    %slice3A_103 = vector.extract_strided_slice %get3A_4 {offsets = [0, 3], sizes = [1, 3], strides = [1, 1]} : vector<1x64xf32> to vector<1x3xf32>
    %broadcast_in_dim3A_104 = vector.shape_cast %slice3A_103 : vector<1x3xf32> to vector<1x3xf32>
    %broadcast_in_dim3A_105 = vector.broadcast %broadcast_in_dim3A_104 : vector<1x3xf32> to vector<1024x3xf32>
    %slice3A_106 = vector.extract_strided_slice %get3A_1 {offsets = [0, 3], sizes = [1024, 3], strides = [1, 1]} : vector<1024x64xf32> to vector<1024x3xf32>
    %concatenate3A_107 = tpu.concatenate %broadcast_in_dim3A_105, %slice3A_106 in 1 : vector<1024x3xf32>, vector<1024x3xf32> -> vector<1024x6xf32>
    %dot_general3A_108 = arith.constant dense<0.000000e+00> : vector<1024x384xf32>
    %dot_general3A_109 = tpu.matmul %concatenate3A_107, %get3A_7, %dot_general3A_108 {dimension_numbers = #tpu.dot_dimension_numbers<[1], [0], [0], [1], [0, 0, 1, 1], [], []>, transpose_lhs_hint = false} : vector<1024x6xf32>, vector<6x384xf32>, vector<1024x384xf32> -> vector<1024x384xf32>
    %add3A_110 = vector.broadcast %get3A_19 : vector<1x384xf32> to vector<1024x384xf32>
    %add3A_111 = arith.addf %dot_general3A_109, %add3A_110 : vector<1024x384xf32>
    %dot_general3A_112 = arith.constant dense<0.000000e+00> : vector<1024x384xf32>
    %dot_general3A_113 = tpu.matmul %add3A_65, %get3A_10, %dot_general3A_112 {dimension_numbers = #tpu.dot_dimension_numbers<[1], [0], [0], [1], [0, 0, 1, 1], [], []>, transpose_lhs_hint = false} : vector<1024x128xf32>, vector<128x384xf32>, vector<1024x384xf32> -> vector<1024x384xf32>
    %add3A_114 = vector.broadcast %get3A_22 : vector<1x384xf32> to vector<1024x384xf32>
    %add3A_115 = arith.addf %dot_general3A_113, %add3A_114 : vector<1024x384xf32>
    %slice3A_116 = vector.extract_strided_slice %add3A_111 {offsets = [0, 0], sizes = [1024, 128], strides = [1, 1]} : vector<1024x384xf32> to vector<1024x128xf32>
    %slice3A_117 = vector.extract_strided_slice %add3A_115 {offsets = [0, 0], sizes = [1024, 128], strides = [1, 1]} : vector<1024x384xf32> to vector<1024x128xf32>
    %add3A_118 = arith.addf %slice3A_116, %slice3A_117 : vector<1024x128xf32>
    %logistic3A_119 = arith.negf %add3A_118 : vector<1024x128xf32>
    %logistic3A_120 = math.exp %logistic3A_119 : vector<1024x128xf32>
    %logistic3A_121 = arith.constant 1.000000e+00 : f32
    %logistic3A_122 = vector.broadcast %logistic3A_121 : f32 to vector<1024x128xf32>
    %logistic3A_123 = arith.addf %logistic3A_122, %logistic3A_120 : vector<1024x128xf32>
    %logistic3A_124 = arith.divf %logistic3A_122, %logistic3A_123 : vector<1024x128xf32>
    %slice3A_125 = vector.extract_strided_slice %add3A_111 {offsets = [0, 128], sizes = [1024, 128], strides = [1, 1]} : vector<1024x384xf32> to vector<1024x128xf32>
    %slice3A_126 = vector.extract_strided_slice %add3A_115 {offsets = [0, 128], sizes = [1024, 128], strides = [1, 1]} : vector<1024x384xf32> to vector<1024x128xf32>
    %add3A_127 = arith.addf %slice3A_125, %slice3A_126 : vector<1024x128xf32>
    %logistic3A_128 = arith.negf %add3A_127 : vector<1024x128xf32>
    %logistic3A_129 = math.exp %logistic3A_128 : vector<1024x128xf32>
    %logistic3A_130 = arith.constant 1.000000e+00 : f32
    %logistic3A_131 = vector.broadcast %logistic3A_130 : f32 to vector<1024x128xf32>
    %logistic3A_132 = arith.addf %logistic3A_131, %logistic3A_129 : vector<1024x128xf32>
    %logistic3A_133 = arith.divf %logistic3A_131, %logistic3A_132 : vector<1024x128xf32>
    %slice3A_134 = vector.extract_strided_slice %add3A_111 {offsets = [0, 256], sizes = [1024, 128], strides = [1, 1]} : vector<1024x384xf32> to vector<1024x128xf32>
    %slice3A_135 = vector.extract_strided_slice %add3A_115 {offsets = [0, 256], sizes = [1024, 128], strides = [1, 1]} : vector<1024x384xf32> to vector<1024x128xf32>
    %mul3A_136 = arith.mulf %logistic3A_124, %slice3A_135 : vector<1024x128xf32>
    %add3A_137 = arith.addf %slice3A_134, %mul3A_136 : vector<1024x128xf32>
    %tanh3A_138 = math.tanh %add3A_137 : vector<1024x128xf32>
    %sub3A_139 = arith.constant 1.000000e+00 : f32
    %sub3A_140 = vector.broadcast %sub3A_139 : f32 to vector<1024x128xf32>
    %sub3A_141 = arith.subf %sub3A_140, %logistic3A_133 : vector<1024x128xf32>
    %mul3A_142 = arith.mulf %sub3A_141, %tanh3A_138 : vector<1024x128xf32>
    %mul3A_143 = arith.mulf %logistic3A_133, %add3A_65 : vector<1024x128xf32>
    %add3A_144 = arith.addf %mul3A_142, %mul3A_143 : vector<1024x128xf32>
    %dot_general3A_145 = arith.constant dense<0.000000e+00> : vector<1024x384xf32>
    %dot_general3A_146 = tpu.matmul %add3A_144, %get3A_13, %dot_general3A_145 {dimension_numbers = #tpu.dot_dimension_numbers<[1], [0], [0], [1], [0, 0, 1, 1], [], []>, transpose_lhs_hint = false} : vector<1024x128xf32>, vector<128x384xf32>, vector<1024x384xf32> -> vector<1024x384xf32>
    %add3A_147 = vector.broadcast %get3A_25 : vector<1x384xf32> to vector<1024x384xf32>
    %add3A_148 = arith.addf %dot_general3A_146, %add3A_147 : vector<1024x384xf32>
    %dot_general3A_149 = arith.constant dense<0.000000e+00> : vector<1024x384xf32>
    %dot_general3A_150 = tpu.matmul %add3A_102, %get3A_16, %dot_general3A_149 {dimension_numbers = #tpu.dot_dimension_numbers<[1], [0], [0], [1], [0, 0, 1, 1], [], []>, transpose_lhs_hint = false} : vector<1024x128xf32>, vector<128x384xf32>, vector<1024x384xf32> -> vector<1024x384xf32>
    %add3A_151 = vector.broadcast %get3A_28 : vector<1x384xf32> to vector<1024x384xf32>
    %add3A_152 = arith.addf %dot_general3A_150, %add3A_151 : vector<1024x384xf32>
    %slice3A_153 = vector.extract_strided_slice %add3A_148 {offsets = [0, 0], sizes = [1024, 128], strides = [1, 1]} : vector<1024x384xf32> to vector<1024x128xf32>
    %slice3A_154 = vector.extract_strided_slice %add3A_152 {offsets = [0, 0], sizes = [1024, 128], strides = [1, 1]} : vector<1024x384xf32> to vector<1024x128xf32>
    %add3A_155 = arith.addf %slice3A_153, %slice3A_154 : vector<1024x128xf32>
    %logistic3A_156 = arith.negf %add3A_155 : vector<1024x128xf32>
    %logistic3A_157 = math.exp %logistic3A_156 : vector<1024x128xf32>
    %logistic3A_158 = arith.constant 1.000000e+00 : f32
    %logistic3A_159 = vector.broadcast %logistic3A_158 : f32 to vector<1024x128xf32>
    %logistic3A_160 = arith.addf %logistic3A_159, %logistic3A_157 : vector<1024x128xf32>
    %logistic3A_161 = arith.divf %logistic3A_159, %logistic3A_160 : vector<1024x128xf32>
    %slice3A_162 = vector.extract_strided_slice %add3A_148 {offsets = [0, 128], sizes = [1024, 128], strides = [1, 1]} : vector<1024x384xf32> to vector<1024x128xf32>
    %slice3A_163 = vector.extract_strided_slice %add3A_152 {offsets = [0, 128], sizes = [1024, 128], strides = [1, 1]} : vector<1024x384xf32> to vector<1024x128xf32>
    %add3A_164 = arith.addf %slice3A_162, %slice3A_163 : vector<1024x128xf32>
    %logistic3A_165 = arith.negf %add3A_164 : vector<1024x128xf32>
    %logistic3A_166 = math.exp %logistic3A_165 : vector<1024x128xf32>
    %logistic3A_167 = arith.constant 1.000000e+00 : f32
    %logistic3A_168 = vector.broadcast %logistic3A_167 : f32 to vector<1024x128xf32>
    %logistic3A_169 = arith.addf %logistic3A_168, %logistic3A_166 : vector<1024x128xf32>
    %logistic3A_170 = arith.divf %logistic3A_168, %logistic3A_169 : vector<1024x128xf32>
    %slice3A_171 = vector.extract_strided_slice %add3A_148 {offsets = [0, 256], sizes = [1024, 128], strides = [1, 1]} : vector<1024x384xf32> to vector<1024x128xf32>
    %slice3A_172 = vector.extract_strided_slice %add3A_152 {offsets = [0, 256], sizes = [1024, 128], strides = [1, 1]} : vector<1024x384xf32> to vector<1024x128xf32>
    %mul3A_173 = arith.mulf %logistic3A_161, %slice3A_172 : vector<1024x128xf32>
    %add3A_174 = arith.addf %slice3A_171, %mul3A_173 : vector<1024x128xf32>
    %tanh3A_175 = math.tanh %add3A_174 : vector<1024x128xf32>
    %sub3A_176 = arith.constant 1.000000e+00 : f32
    %sub3A_177 = vector.broadcast %sub3A_176 : f32 to vector<1024x128xf32>
    %sub3A_178 = arith.subf %sub3A_177, %logistic3A_170 : vector<1024x128xf32>
    %mul3A_179 = arith.mulf %sub3A_178, %tanh3A_175 : vector<1024x128xf32>
    %mul3A_180 = arith.mulf %logistic3A_170, %add3A_102 : vector<1024x128xf32>
    %add3A_181 = arith.addf %mul3A_179, %mul3A_180 : vector<1024x128xf32>
    %slice3A_182 = vector.extract_strided_slice %get3A_4 {offsets = [0, 6], sizes = [1, 3], strides = [1, 1]} : vector<1x64xf32> to vector<1x3xf32>
    %broadcast_in_dim3A_183 = vector.shape_cast %slice3A_182 : vector<1x3xf32> to vector<1x3xf32>
    %broadcast_in_dim3A_184 = vector.broadcast %broadcast_in_dim3A_183 : vector<1x3xf32> to vector<1024x3xf32>
    %slice3A_185 = vector.extract_strided_slice %get3A_1 {offsets = [0, 6], sizes = [1024, 3], strides = [1, 1]} : vector<1024x64xf32> to vector<1024x3xf32>
    %concatenate3A_186 = tpu.concatenate %broadcast_in_dim3A_184, %slice3A_185 in 1 : vector<1024x3xf32>, vector<1024x3xf32> -> vector<1024x6xf32>
    %dot_general3A_187 = arith.constant dense<0.000000e+00> : vector<1024x384xf32>
    %dot_general3A_188 = tpu.matmul %concatenate3A_186, %get3A_7, %dot_general3A_187 {dimension_numbers = #tpu.dot_dimension_numbers<[1], [0], [0], [1], [0, 0, 1, 1], [], []>, transpose_lhs_hint = false} : vector<1024x6xf32>, vector<6x384xf32>, vector<1024x384xf32> -> vector<1024x384xf32>
    %add3A_189 = vector.broadcast %get3A_19 : vector<1x384xf32> to vector<1024x384xf32>
    %add3A_190 = arith.addf %dot_general3A_188, %add3A_189 : vector<1024x384xf32>
    %dot_general3A_191 = arith.constant dense<0.000000e+00> : vector<1024x384xf32>
    %dot_general3A_192 = tpu.matmul %add3A_144, %get3A_10, %dot_general3A_191 {dimension_numbers = #tpu.dot_dimension_numbers<[1], [0], [0], [1], [0, 0, 1, 1], [], []>, transpose_lhs_hint = false} : vector<1024x128xf32>, vector<128x384xf32>, vector<1024x384xf32> -> vector<1024x384xf32>
    %add3A_193 = vector.broadcast %get3A_22 : vector<1x384xf32> to vector<1024x384xf32>
    %add3A_194 = arith.addf %dot_general3A_192, %add3A_193 : vector<1024x384xf32>
    %slice3A_195 = vector.extract_strided_slice %add3A_190 {offsets = [0, 0], sizes = [1024, 128], strides = [1, 1]} : vector<1024x384xf32> to vector<1024x128xf32>
    %slice3A_196 = vector.extract_strided_slice %add3A_194 {offsets = [0, 0], sizes = [1024, 128], strides = [1, 1]} : vector<1024x384xf32> to vector<1024x128xf32>
    %add3A_197 = arith.addf %slice3A_195, %slice3A_196 : vector<1024x128xf32>
    %logistic3A_198 = arith.negf %add3A_197 : vector<1024x128xf32>
    %logistic3A_199 = math.exp %logistic3A_198 : vector<1024x128xf32>
    %logistic3A_200 = arith.constant 1.000000e+00 : f32
    %logistic3A_201 = vector.broadcast %logistic3A_200 : f32 to vector<1024x128xf32>
    %logistic3A_202 = arith.addf %logistic3A_201, %logistic3A_199 : vector<1024x128xf32>
    %logistic3A_203 = arith.divf %logistic3A_201, %logistic3A_202 : vector<1024x128xf32>
    %slice3A_204 = vector.extract_strided_slice %add3A_190 {offsets = [0, 128], sizes = [1024, 128], strides = [1, 1]} : vector<1024x384xf32> to vector<1024x128xf32>
    %slice3A_205 = vector.extract_strided_slice %add3A_194 {offsets = [0, 128], sizes = [1024, 128], strides = [1, 1]} : vector<1024x384xf32> to vector<1024x128xf32>
    %add3A_206 = arith.addf %slice3A_204, %slice3A_205 : vector<1024x128xf32>
    %logistic3A_207 = arith.negf %add3A_206 : vector<1024x128xf32>
    %logistic3A_208 = math.exp %logistic3A_207 : vector<1024x128xf32>
    %logistic3A_209 = arith.constant 1.000000e+00 : f32
    %logistic3A_210 = vector.broadcast %logistic3A_209 : f32 to vector<1024x128xf32>
    %logistic3A_211 = arith.addf %logistic3A_210, %logistic3A_208 : vector<1024x128xf32>
    %logistic3A_212 = arith.divf %logistic3A_210, %logistic3A_211 : vector<1024x128xf32>
    %slice3A_213 = vector.extract_strided_slice %add3A_190 {offsets = [0, 256], sizes = [1024, 128], strides = [1, 1]} : vector<1024x384xf32> to vector<1024x128xf32>
    %slice3A_214 = vector.extract_strided_slice %add3A_194 {offsets = [0, 256], sizes = [1024, 128], strides = [1, 1]} : vector<1024x384xf32> to vector<1024x128xf32>
    %mul3A_215 = arith.mulf %logistic3A_203, %slice3A_214 : vector<1024x128xf32>
    %add3A_216 = arith.addf %slice3A_213, %mul3A_215 : vector<1024x128xf32>
    %tanh3A_217 = math.tanh %add3A_216 : vector<1024x128xf32>
    %sub3A_218 = arith.constant 1.000000e+00 : f32
    %sub3A_219 = vector.broadcast %sub3A_218 : f32 to vector<1024x128xf32>
    %sub3A_220 = arith.subf %sub3A_219, %logistic3A_212 : vector<1024x128xf32>
    %mul3A_221 = arith.mulf %sub3A_220, %tanh3A_217 : vector<1024x128xf32>
    %mul3A_222 = arith.mulf %logistic3A_212, %add3A_144 : vector<1024x128xf32>
    %add3A_223 = arith.addf %mul3A_221, %mul3A_222 : vector<1024x128xf32>
    %dot_general3A_224 = arith.constant dense<0.000000e+00> : vector<1024x384xf32>
    %dot_general3A_225 = tpu.matmul %add3A_223, %get3A_13, %dot_general3A_224 {dimension_numbers = #tpu.dot_dimension_numbers<[1], [0], [0], [1], [0, 0, 1, 1], [], []>, transpose_lhs_hint = false} : vector<1024x128xf32>, vector<128x384xf32>, vector<1024x384xf32> -> vector<1024x384xf32>
    %add3A_226 = vector.broadcast %get3A_25 : vector<1x384xf32> to vector<1024x384xf32>
    %add3A_227 = arith.addf %dot_general3A_225, %add3A_226 : vector<1024x384xf32>
    %dot_general3A_228 = arith.constant dense<0.000000e+00> : vector<1024x384xf32>
    %dot_general3A_229 = tpu.matmul %add3A_181, %get3A_16, %dot_general3A_228 {dimension_numbers = #tpu.dot_dimension_numbers<[1], [0], [0], [1], [0, 0, 1, 1], [], []>, transpose_lhs_hint = false} : vector<1024x128xf32>, vector<128x384xf32>, vector<1024x384xf32> -> vector<1024x384xf32>
    %add3A_230 = vector.broadcast %get3A_28 : vector<1x384xf32> to vector<1024x384xf32>
    %add3A_231 = arith.addf %dot_general3A_229, %add3A_230 : vector<1024x384xf32>
    %slice3A_232 = vector.extract_strided_slice %add3A_227 {offsets = [0, 0], sizes = [1024, 128], strides = [1, 1]} : vector<1024x384xf32> to vector<1024x128xf32>
    %slice3A_233 = vector.extract_strided_slice %add3A_231 {offsets = [0, 0], sizes = [1024, 128], strides = [1, 1]} : vector<1024x384xf32> to vector<1024x128xf32>
    %add3A_234 = arith.addf %slice3A_232, %slice3A_233 : vector<1024x128xf32>
    %logistic3A_235 = arith.negf %add3A_234 : vector<1024x128xf32>
    %logistic3A_236 = math.exp %logistic3A_235 : vector<1024x128xf32>
    %logistic3A_237 = arith.constant 1.000000e+00 : f32
    %logistic3A_238 = vector.broadcast %logistic3A_237 : f32 to vector<1024x128xf32>
    %logistic3A_239 = arith.addf %logistic3A_238, %logistic3A_236 : vector<1024x128xf32>
    %logistic3A_240 = arith.divf %logistic3A_238, %logistic3A_239 : vector<1024x128xf32>
    %slice3A_241 = vector.extract_strided_slice %add3A_227 {offsets = [0, 128], sizes = [1024, 128], strides = [1, 1]} : vector<1024x384xf32> to vector<1024x128xf32>
    %slice3A_242 = vector.extract_strided_slice %add3A_231 {offsets = [0, 128], sizes = [1024, 128], strides = [1, 1]} : vector<1024x384xf32> to vector<1024x128xf32>
    %add3A_243 = arith.addf %slice3A_241, %slice3A_242 : vector<1024x128xf32>
    %logistic3A_244 = arith.negf %add3A_243 : vector<1024x128xf32>
    %logistic3A_245 = math.exp %logistic3A_244 : vector<1024x128xf32>
    %logistic3A_246 = arith.constant 1.000000e+00 : f32
    %logistic3A_247 = vector.broadcast %logistic3A_246 : f32 to vector<1024x128xf32>
    %logistic3A_248 = arith.addf %logistic3A_247, %logistic3A_245 : vector<1024x128xf32>
    %logistic3A_249 = arith.divf %logistic3A_247, %logistic3A_248 : vector<1024x128xf32>
    %slice3A_250 = vector.extract_strided_slice %add3A_227 {offsets = [0, 256], sizes = [1024, 128], strides = [1, 1]} : vector<1024x384xf32> to vector<1024x128xf32>
    %slice3A_251 = vector.extract_strided_slice %add3A_231 {offsets = [0, 256], sizes = [1024, 128], strides = [1, 1]} : vector<1024x384xf32> to vector<1024x128xf32>
    %mul3A_252 = arith.mulf %logistic3A_240, %slice3A_251 : vector<1024x128xf32>
    %add3A_253 = arith.addf %slice3A_250, %mul3A_252 : vector<1024x128xf32>
    %tanh3A_254 = math.tanh %add3A_253 : vector<1024x128xf32>
    %sub3A_255 = arith.constant 1.000000e+00 : f32
    %sub3A_256 = vector.broadcast %sub3A_255 : f32 to vector<1024x128xf32>
    %sub3A_257 = arith.subf %sub3A_256, %logistic3A_249 : vector<1024x128xf32>
    %mul3A_258 = arith.mulf %sub3A_257, %tanh3A_254 : vector<1024x128xf32>
    %mul3A_259 = arith.mulf %logistic3A_249, %add3A_181 : vector<1024x128xf32>
    %add3A_260 = arith.addf %mul3A_258, %mul3A_259 : vector<1024x128xf32>
    %slice3A_261 = vector.extract_strided_slice %get3A_4 {offsets = [0, 9], sizes = [1, 3], strides = [1, 1]} : vector<1x64xf32> to vector<1x3xf32>
    %broadcast_in_dim3A_262 = vector.shape_cast %slice3A_261 : vector<1x3xf32> to vector<1x3xf32>
    %broadcast_in_dim3A_263 = vector.broadcast %broadcast_in_dim3A_262 : vector<1x3xf32> to vector<1024x3xf32>
    %slice3A_264 = vector.extract_strided_slice %get3A_1 {offsets = [0, 9], sizes = [1024, 3], strides = [1, 1]} : vector<1024x64xf32> to vector<1024x3xf32>
    %concatenate3A_265 = tpu.concatenate %broadcast_in_dim3A_263, %slice3A_264 in 1 : vector<1024x3xf32>, vector<1024x3xf32> -> vector<1024x6xf32>
    %dot_general3A_266 = arith.constant dense<0.000000e+00> : vector<1024x384xf32>
    %dot_general3A_267 = tpu.matmul %concatenate3A_265, %get3A_7, %dot_general3A_266 {dimension_numbers = #tpu.dot_dimension_numbers<[1], [0], [0], [1], [0, 0, 1, 1], [], []>, transpose_lhs_hint = false} : vector<1024x6xf32>, vector<6x384xf32>, vector<1024x384xf32> -> vector<1024x384xf32>
    %add3A_268 = vector.broadcast %get3A_19 : vector<1x384xf32> to vector<1024x384xf32>
    %add3A_269 = arith.addf %dot_general3A_267, %add3A_268 : vector<1024x384xf32>
    %dot_general3A_270 = arith.constant dense<0.000000e+00> : vector<1024x384xf32>
    %dot_general3A_271 = tpu.matmul %add3A_223, %get3A_10, %dot_general3A_270 {dimension_numbers = #tpu.dot_dimension_numbers<[1], [0], [0], [1], [0, 0, 1, 1], [], []>, transpose_lhs_hint = false} : vector<1024x128xf32>, vector<128x384xf32>, vector<1024x384xf32> -> vector<1024x384xf32>
    %add3A_272 = vector.broadcast %get3A_22 : vector<1x384xf32> to vector<1024x384xf32>
    %add3A_273 = arith.addf %dot_general3A_271, %add3A_272 : vector<1024x384xf32>
    %slice3A_274 = vector.extract_strided_slice %add3A_269 {offsets = [0, 0], sizes = [1024, 128], strides = [1, 1]} : vector<1024x384xf32> to vector<1024x128xf32>
    %slice3A_275 = vector.extract_strided_slice %add3A_273 {offsets = [0, 0], sizes = [1024, 128], strides = [1, 1]} : vector<1024x384xf32> to vector<1024x128xf32>
    %add3A_276 = arith.addf %slice3A_274, %slice3A_275 : vector<1024x128xf32>
    %logistic3A_277 = arith.negf %add3A_276 : vector<1024x128xf32>
    %logistic3A_278 = math.exp %logistic3A_277 : vector<1024x128xf32>
    %logistic3A_279 = arith.constant 1.000000e+00 : f32
    %logistic3A_280 = vector.broadcast %logistic3A_279 : f32 to vector<1024x128xf32>
    %logistic3A_281 = arith.addf %logistic3A_280, %logistic3A_278 : vector<1024x128xf32>
    %logistic3A_282 = arith.divf %logistic3A_280, %logistic3A_281 : vector<1024x128xf32>
    %slice3A_283 = vector.extract_strided_slice %add3A_269 {offsets = [0, 128], sizes = [1024, 128], strides = [1, 1]} : vector<1024x384xf32> to vector<1024x128xf32>
    %slice3A_284 = vector.extract_strided_slice %add3A_273 {offsets = [0, 128], sizes = [1024, 128], strides = [1, 1]} : vector<1024x384xf32> to vector<1024x128xf32>
    %add3A_285 = arith.addf %slice3A_283, %slice3A_284 : vector<1024x128xf32>
    %logistic3A_286 = arith.negf %add3A_285 : vector<1024x128xf32>
    %logistic3A_287 = math.exp %logistic3A_286 : vector<1024x128xf32>
    %logistic3A_288 = arith.constant 1.000000e+00 : f32
    %logistic3A_289 = vector.broadcast %logistic3A_288 : f32 to vector<1024x128xf32>
    %logistic3A_290 = arith.addf %logistic3A_289, %logistic3A_287 : vector<1024x128xf32>
    %logistic3A_291 = arith.divf %logistic3A_289, %logistic3A_290 : vector<1024x128xf32>
    %slice3A_292 = vector.extract_strided_slice %add3A_269 {offsets = [0, 256], sizes = [1024, 128], strides = [1, 1]} : vector<1024x384xf32> to vector<1024x128xf32>
    %slice3A_293 = vector.extract_strided_slice %add3A_273 {offsets = [0, 256], sizes = [1024, 128], strides = [1, 1]} : vector<1024x384xf32> to vector<1024x128xf32>
    %mul3A_294 = arith.mulf %logistic3A_282, %slice3A_293 : vector<1024x128xf32>
    %add3A_295 = arith.addf %slice3A_292, %mul3A_294 : vector<1024x128xf32>
    %tanh3A_296 = math.tanh %add3A_295 : vector<1024x128xf32>
    %sub3A_297 = arith.constant 1.000000e+00 : f32
    %sub3A_298 = vector.broadcast %sub3A_297 : f32 to vector<1024x128xf32>
    %sub3A_299 = arith.subf %sub3A_298, %logistic3A_291 : vector<1024x128xf32>
    %mul3A_300 = arith.mulf %sub3A_299, %tanh3A_296 : vector<1024x128xf32>
    %mul3A_301 = arith.mulf %logistic3A_291, %add3A_223 : vector<1024x128xf32>
    %add3A_302 = arith.addf %mul3A_300, %mul3A_301 : vector<1024x128xf32>
    %dot_general3A_303 = arith.constant dense<0.000000e+00> : vector<1024x384xf32>
    %dot_general3A_304 = tpu.matmul %add3A_302, %get3A_13, %dot_general3A_303 {dimension_numbers = #tpu.dot_dimension_numbers<[1], [0], [0], [1], [0, 0, 1, 1], [], []>, transpose_lhs_hint = false} : vector<1024x128xf32>, vector<128x384xf32>, vector<1024x384xf32> -> vector<1024x384xf32>
    %add3A_305 = vector.broadcast %get3A_25 : vector<1x384xf32> to vector<1024x384xf32>
    %add3A_306 = arith.addf %dot_general3A_304, %add3A_305 : vector<1024x384xf32>
    %dot_general3A_307 = arith.constant dense<0.000000e+00> : vector<1024x384xf32>
    %dot_general3A_308 = tpu.matmul %add3A_260, %get3A_16, %dot_general3A_307 {dimension_numbers = #tpu.dot_dimension_numbers<[1], [0], [0], [1], [0, 0, 1, 1], [], []>, transpose_lhs_hint = false} : vector<1024x128xf32>, vector<128x384xf32>, vector<1024x384xf32> -> vector<1024x384xf32>
    %add3A_309 = vector.broadcast %get3A_28 : vector<1x384xf32> to vector<1024x384xf32>
    %add3A_310 = arith.addf %dot_general3A_308, %add3A_309 : vector<1024x384xf32>
    %slice3A_311 = vector.extract_strided_slice %add3A_306 {offsets = [0, 0], sizes = [1024, 128], strides = [1, 1]} : vector<1024x384xf32> to vector<1024x128xf32>
    %slice3A_312 = vector.extract_strided_slice %add3A_310 {offsets = [0, 0], sizes = [1024, 128], strides = [1, 1]} : vector<1024x384xf32> to vector<1024x128xf32>
    %add3A_313 = arith.addf %slice3A_311, %slice3A_312 : vector<1024x128xf32>
    %logistic3A_314 = arith.negf %add3A_313 : vector<1024x128xf32>
    %logistic3A_315 = math.exp %logistic3A_314 : vector<1024x128xf32>
    %logistic3A_316 = arith.constant 1.000000e+00 : f32
    %logistic3A_317 = vector.broadcast %logistic3A_316 : f32 to vector<1024x128xf32>
    %logistic3A_318 = arith.addf %logistic3A_317, %logistic3A_315 : vector<1024x128xf32>
    %logistic3A_319 = arith.divf %logistic3A_317, %logistic3A_318 : vector<1024x128xf32>
    %slice3A_320 = vector.extract_strided_slice %add3A_306 {offsets = [0, 128], sizes = [1024, 128], strides = [1, 1]} : vector<1024x384xf32> to vector<1024x128xf32>
    %slice3A_321 = vector.extract_strided_slice %add3A_310 {offsets = [0, 128], sizes = [1024, 128], strides = [1, 1]} : vector<1024x384xf32> to vector<1024x128xf32>
    %add3A_322 = arith.addf %slice3A_320, %slice3A_321 : vector<1024x128xf32>
    %logistic3A_323 = arith.negf %add3A_322 : vector<1024x128xf32>
    %logistic3A_324 = math.exp %logistic3A_323 : vector<1024x128xf32>
    %logistic3A_325 = arith.constant 1.000000e+00 : f32
    %logistic3A_326 = vector.broadcast %logistic3A_325 : f32 to vector<1024x128xf32>
    %logistic3A_327 = arith.addf %logistic3A_326, %logistic3A_324 : vector<1024x128xf32>
    %logistic3A_328 = arith.divf %logistic3A_326, %logistic3A_327 : vector<1024x128xf32>
    %slice3A_329 = vector.extract_strided_slice %add3A_306 {offsets = [0, 256], sizes = [1024, 128], strides = [1, 1]} : vector<1024x384xf32> to vector<1024x128xf32>
    %slice3A_330 = vector.extract_strided_slice %add3A_310 {offsets = [0, 256], sizes = [1024, 128], strides = [1, 1]} : vector<1024x384xf32> to vector<1024x128xf32>
    %mul3A_331 = arith.mulf %logistic3A_319, %slice3A_330 : vector<1024x128xf32>
    %add3A_332 = arith.addf %slice3A_329, %mul3A_331 : vector<1024x128xf32>
    %tanh3A_333 = math.tanh %add3A_332 : vector<1024x128xf32>
    %sub3A_334 = arith.constant 1.000000e+00 : f32
    %sub3A_335 = vector.broadcast %sub3A_334 : f32 to vector<1024x128xf32>
    %sub3A_336 = arith.subf %sub3A_335, %logistic3A_328 : vector<1024x128xf32>
    %mul3A_337 = arith.mulf %sub3A_336, %tanh3A_333 : vector<1024x128xf32>
    %mul3A_338 = arith.mulf %logistic3A_328, %add3A_260 : vector<1024x128xf32>
    %add3A_339 = arith.addf %mul3A_337, %mul3A_338 : vector<1024x128xf32>
    %slice3A_340 = vector.extract_strided_slice %get3A_4 {offsets = [0, 12], sizes = [1, 3], strides = [1, 1]} : vector<1x64xf32> to vector<1x3xf32>
    %broadcast_in_dim3A_341 = vector.shape_cast %slice3A_340 : vector<1x3xf32> to vector<1x3xf32>
    %broadcast_in_dim3A_342 = vector.broadcast %broadcast_in_dim3A_341 : vector<1x3xf32> to vector<1024x3xf32>
    %slice3A_343 = vector.extract_strided_slice %get3A_1 {offsets = [0, 12], sizes = [1024, 3], strides = [1, 1]} : vector<1024x64xf32> to vector<1024x3xf32>
    %concatenate3A_344 = tpu.concatenate %broadcast_in_dim3A_342, %slice3A_343 in 1 : vector<1024x3xf32>, vector<1024x3xf32> -> vector<1024x6xf32>
    %dot_general3A_345 = arith.constant dense<0.000000e+00> : vector<1024x384xf32>
    %dot_general3A_346 = tpu.matmul %concatenate3A_344, %get3A_7, %dot_general3A_345 {dimension_numbers = #tpu.dot_dimension_numbers<[1], [0], [0], [1], [0, 0, 1, 1], [], []>, transpose_lhs_hint = false} : vector<1024x6xf32>, vector<6x384xf32>, vector<1024x384xf32> -> vector<1024x384xf32>
    %add3A_347 = vector.broadcast %get3A_19 : vector<1x384xf32> to vector<1024x384xf32>
    %add3A_348 = arith.addf %dot_general3A_346, %add3A_347 : vector<1024x384xf32>
    %dot_general3A_349 = arith.constant dense<0.000000e+00> : vector<1024x384xf32>
    %dot_general3A_350 = tpu.matmul %add3A_302, %get3A_10, %dot_general3A_349 {dimension_numbers = #tpu.dot_dimension_numbers<[1], [0], [0], [1], [0, 0, 1, 1], [], []>, transpose_lhs_hint = false} : vector<1024x128xf32>, vector<128x384xf32>, vector<1024x384xf32> -> vector<1024x384xf32>
    %add3A_351 = vector.broadcast %get3A_22 : vector<1x384xf32> to vector<1024x384xf32>
    %add3A_352 = arith.addf %dot_general3A_350, %add3A_351 : vector<1024x384xf32>
    %slice3A_353 = vector.extract_strided_slice %add3A_348 {offsets = [0, 0], sizes = [1024, 128], strides = [1, 1]} : vector<1024x384xf32> to vector<1024x128xf32>
    %slice3A_354 = vector.extract_strided_slice %add3A_352 {offsets = [0, 0], sizes = [1024, 128], strides = [1, 1]} : vector<1024x384xf32> to vector<1024x128xf32>
    %add3A_355 = arith.addf %slice3A_353, %slice3A_354 : vector<1024x128xf32>
    %logistic3A_356 = arith.negf %add3A_355 : vector<1024x128xf32>
    %logistic3A_357 = math.exp %logistic3A_356 : vector<1024x128xf32>
    %logistic3A_358 = arith.constant 1.000000e+00 : f32
    %logistic3A_359 = vector.broadcast %logistic3A_358 : f32 to vector<1024x128xf32>
    %logistic3A_360 = arith.addf %logistic3A_359, %logistic3A_357 : vector<1024x128xf32>
    %logistic3A_361 = arith.divf %logistic3A_359, %logistic3A_360 : vector<1024x128xf32>
    %slice3A_362 = vector.extract_strided_slice %add3A_348 {offsets = [0, 128], sizes = [1024, 128], strides = [1, 1]} : vector<1024x384xf32> to vector<1024x128xf32>
    %slice3A_363 = vector.extract_strided_slice %add3A_352 {offsets = [0, 128], sizes = [1024, 128], strides = [1, 1]} : vector<1024x384xf32> to vector<1024x128xf32>
    %add3A_364 = arith.addf %slice3A_362, %slice3A_363 : vector<1024x128xf32>
    %logistic3A_365 = arith.negf %add3A_364 : vector<1024x128xf32>
    %logistic3A_366 = math.exp %logistic3A_365 : vector<1024x128xf32>
    %logistic3A_367 = arith.constant 1.000000e+00 : f32
    %logistic3A_368 = vector.broadcast %logistic3A_367 : f32 to vector<1024x128xf32>
    %logistic3A_369 = arith.addf %logistic3A_368, %logistic3A_366 : vector<1024x128xf32>
    %logistic3A_370 = arith.divf %logistic3A_368, %logistic3A_369 : vector<1024x128xf32>
    %slice3A_371 = vector.extract_strided_slice %add3A_348 {offsets = [0, 256], sizes = [1024, 128], strides = [1, 1]} : vector<1024x384xf32> to vector<1024x128xf32>
    %slice3A_372 = vector.extract_strided_slice %add3A_352 {offsets = [0, 256], sizes = [1024, 128], strides = [1, 1]} : vector<1024x384xf32> to vector<1024x128xf32>
    %mul3A_373 = arith.mulf %logistic3A_361, %slice3A_372 : vector<1024x128xf32>
    %add3A_374 = arith.addf %slice3A_371, %mul3A_373 : vector<1024x128xf32>
    %tanh3A_375 = math.tanh %add3A_374 : vector<1024x128xf32>
    %sub3A_376 = arith.constant 1.000000e+00 : f32
    %sub3A_377 = vector.broadcast %sub3A_376 : f32 to vector<1024x128xf32>
    %sub3A_378 = arith.subf %sub3A_377, %logistic3A_370 : vector<1024x128xf32>
    %mul3A_379 = arith.mulf %sub3A_378, %tanh3A_375 : vector<1024x128xf32>
    %mul3A_380 = arith.mulf %logistic3A_370, %add3A_302 : vector<1024x128xf32>
    %add3A_381 = arith.addf %mul3A_379, %mul3A_380 : vector<1024x128xf32>
    %dot_general3A_382 = arith.constant dense<0.000000e+00> : vector<1024x384xf32>
    %dot_general3A_383 = tpu.matmul %add3A_381, %get3A_13, %dot_general3A_382 {dimension_numbers = #tpu.dot_dimension_numbers<[1], [0], [0], [1], [0, 0, 1, 1], [], []>, transpose_lhs_hint = false} : vector<1024x128xf32>, vector<128x384xf32>, vector<1024x384xf32> -> vector<1024x384xf32>
    %add3A_384 = vector.broadcast %get3A_25 : vector<1x384xf32> to vector<1024x384xf32>
    %add3A_385 = arith.addf %dot_general3A_383, %add3A_384 : vector<1024x384xf32>
    %dot_general3A_386 = arith.constant dense<0.000000e+00> : vector<1024x384xf32>
    %dot_general3A_387 = tpu.matmul %add3A_339, %get3A_16, %dot_general3A_386 {dimension_numbers = #tpu.dot_dimension_numbers<[1], [0], [0], [1], [0, 0, 1, 1], [], []>, transpose_lhs_hint = false} : vector<1024x128xf32>, vector<128x384xf32>, vector<1024x384xf32> -> vector<1024x384xf32>
    %add3A_388 = vector.broadcast %get3A_28 : vector<1x384xf32> to vector<1024x384xf32>
    %add3A_389 = arith.addf %dot_general3A_387, %add3A_388 : vector<1024x384xf32>
    %slice3A_390 = vector.extract_strided_slice %add3A_385 {offsets = [0, 0], sizes = [1024, 128], strides = [1, 1]} : vector<1024x384xf32> to vector<1024x128xf32>
    %slice3A_391 = vector.extract_strided_slice %add3A_389 {offsets = [0, 0], sizes = [1024, 128], strides = [1, 1]} : vector<1024x384xf32> to vector<1024x128xf32>
    %add3A_392 = arith.addf %slice3A_390, %slice3A_391 : vector<1024x128xf32>
    %logistic3A_393 = arith.negf %add3A_392 : vector<1024x128xf32>
    %logistic3A_394 = math.exp %logistic3A_393 : vector<1024x128xf32>
    %logistic3A_395 = arith.constant 1.000000e+00 : f32
    %logistic3A_396 = vector.broadcast %logistic3A_395 : f32 to vector<1024x128xf32>
    %logistic3A_397 = arith.addf %logistic3A_396, %logistic3A_394 : vector<1024x128xf32>
    %logistic3A_398 = arith.divf %logistic3A_396, %logistic3A_397 : vector<1024x128xf32>
    %slice3A_399 = vector.extract_strided_slice %add3A_385 {offsets = [0, 128], sizes = [1024, 128], strides = [1, 1]} : vector<1024x384xf32> to vector<1024x128xf32>
    %slice3A_400 = vector.extract_strided_slice %add3A_389 {offsets = [0, 128], sizes = [1024, 128], strides = [1, 1]} : vector<1024x384xf32> to vector<1024x128xf32>
    %add3A_401 = arith.addf %slice3A_399, %slice3A_400 : vector<1024x128xf32>
    %logistic3A_402 = arith.negf %add3A_401 : vector<1024x128xf32>
    %logistic3A_403 = math.exp %logistic3A_402 : vector<1024x128xf32>
    %logistic3A_404 = arith.constant 1.000000e+00 : f32
    %logistic3A_405 = vector.broadcast %logistic3A_404 : f32 to vector<1024x128xf32>
    %logistic3A_406 = arith.addf %logistic3A_405, %logistic3A_403 : vector<1024x128xf32>
    %logistic3A_407 = arith.divf %logistic3A_405, %logistic3A_406 : vector<1024x128xf32>
    %slice3A_408 = vector.extract_strided_slice %add3A_385 {offsets = [0, 256], sizes = [1024, 128], strides = [1, 1]} : vector<1024x384xf32> to vector<1024x128xf32>
    %slice3A_409 = vector.extract_strided_slice %add3A_389 {offsets = [0, 256], sizes = [1024, 128], strides = [1, 1]} : vector<1024x384xf32> to vector<1024x128xf32>
    %mul3A_410 = arith.mulf %logistic3A_398, %slice3A_409 : vector<1024x128xf32>
    %add3A_411 = arith.addf %slice3A_408, %mul3A_410 : vector<1024x128xf32>
    %tanh3A_412 = math.tanh %add3A_411 : vector<1024x128xf32>
    %sub3A_413 = arith.constant 1.000000e+00 : f32
    %sub3A_414 = vector.broadcast %sub3A_413 : f32 to vector<1024x128xf32>
    %sub3A_415 = arith.subf %sub3A_414, %logistic3A_407 : vector<1024x128xf32>
    %mul3A_416 = arith.mulf %sub3A_415, %tanh3A_412 : vector<1024x128xf32>
    %mul3A_417 = arith.mulf %logistic3A_407, %add3A_339 : vector<1024x128xf32>
    %add3A_418 = arith.addf %mul3A_416, %mul3A_417 : vector<1024x128xf32>
    %slice3A_419 = vector.extract_strided_slice %get3A_4 {offsets = [0, 15], sizes = [1, 3], strides = [1, 1]} : vector<1x64xf32> to vector<1x3xf32>
    %broadcast_in_dim3A_420 = vector.shape_cast %slice3A_419 : vector<1x3xf32> to vector<1x3xf32>
    %broadcast_in_dim3A_421 = vector.broadcast %broadcast_in_dim3A_420 : vector<1x3xf32> to vector<1024x3xf32>
    %slice3A_422 = vector.extract_strided_slice %get3A_1 {offsets = [0, 15], sizes = [1024, 3], strides = [1, 1]} : vector<1024x64xf32> to vector<1024x3xf32>
    %concatenate3A_423 = tpu.concatenate %broadcast_in_dim3A_421, %slice3A_422 in 1 : vector<1024x3xf32>, vector<1024x3xf32> -> vector<1024x6xf32>
    %dot_general3A_424 = arith.constant dense<0.000000e+00> : vector<1024x384xf32>
    %dot_general3A_425 = tpu.matmul %concatenate3A_423, %get3A_7, %dot_general3A_424 {dimension_numbers = #tpu.dot_dimension_numbers<[1], [0], [0], [1], [0, 0, 1, 1], [], []>, transpose_lhs_hint = false} : vector<1024x6xf32>, vector<6x384xf32>, vector<1024x384xf32> -> vector<1024x384xf32>
    %add3A_426 = vector.broadcast %get3A_19 : vector<1x384xf32> to vector<1024x384xf32>
    %add3A_427 = arith.addf %dot_general3A_425, %add3A_426 : vector<1024x384xf32>
    %dot_general3A_428 = arith.constant dense<0.000000e+00> : vector<1024x384xf32>
    %dot_general3A_429 = tpu.matmul %add3A_381, %get3A_10, %dot_general3A_428 {dimension_numbers = #tpu.dot_dimension_numbers<[1], [0], [0], [1], [0, 0, 1, 1], [], []>, transpose_lhs_hint = false} : vector<1024x128xf32>, vector<128x384xf32>, vector<1024x384xf32> -> vector<1024x384xf32>
    %add3A_430 = vector.broadcast %get3A_22 : vector<1x384xf32> to vector<1024x384xf32>
    %add3A_431 = arith.addf %dot_general3A_429, %add3A_430 : vector<1024x384xf32>
    %slice3A_432 = vector.extract_strided_slice %add3A_427 {offsets = [0, 0], sizes = [1024, 128], strides = [1, 1]} : vector<1024x384xf32> to vector<1024x128xf32>
    %slice3A_433 = vector.extract_strided_slice %add3A_431 {offsets = [0, 0], sizes = [1024, 128], strides = [1, 1]} : vector<1024x384xf32> to vector<1024x128xf32>
    %add3A_434 = arith.addf %slice3A_432, %slice3A_433 : vector<1024x128xf32>
    %logistic3A_435 = arith.negf %add3A_434 : vector<1024x128xf32>
    %logistic3A_436 = math.exp %logistic3A_435 : vector<1024x128xf32>
    %logistic3A_437 = arith.constant 1.000000e+00 : f32
    %logistic3A_438 = vector.broadcast %logistic3A_437 : f32 to vector<1024x128xf32>
    %logistic3A_439 = arith.addf %logistic3A_438, %logistic3A_436 : vector<1024x128xf32>
    %logistic3A_440 = arith.divf %logistic3A_438, %logistic3A_439 : vector<1024x128xf32>
    %slice3A_441 = vector.extract_strided_slice %add3A_427 {offsets = [0, 128], sizes = [1024, 128], strides = [1, 1]} : vector<1024x384xf32> to vector<1024x128xf32>
    %slice3A_442 = vector.extract_strided_slice %add3A_431 {offsets = [0, 128], sizes = [1024, 128], strides = [1, 1]} : vector<1024x384xf32> to vector<1024x128xf32>
    %add3A_443 = arith.addf %slice3A_441, %slice3A_442 : vector<1024x128xf32>
    %logistic3A_444 = arith.negf %add3A_443 : vector<1024x128xf32>
    %logistic3A_445 = math.exp %logistic3A_444 : vector<1024x128xf32>
    %logistic3A_446 = arith.constant 1.000000e+00 : f32
    %logistic3A_447 = vector.broadcast %logistic3A_446 : f32 to vector<1024x128xf32>
    %logistic3A_448 = arith.addf %logistic3A_447, %logistic3A_445 : vector<1024x128xf32>
    %logistic3A_449 = arith.divf %logistic3A_447, %logistic3A_448 : vector<1024x128xf32>
    %slice3A_450 = vector.extract_strided_slice %add3A_427 {offsets = [0, 256], sizes = [1024, 128], strides = [1, 1]} : vector<1024x384xf32> to vector<1024x128xf32>
    %slice3A_451 = vector.extract_strided_slice %add3A_431 {offsets = [0, 256], sizes = [1024, 128], strides = [1, 1]} : vector<1024x384xf32> to vector<1024x128xf32>
    %mul3A_452 = arith.mulf %logistic3A_440, %slice3A_451 : vector<1024x128xf32>
    %add3A_453 = arith.addf %slice3A_450, %mul3A_452 : vector<1024x128xf32>
    %tanh3A_454 = math.tanh %add3A_453 : vector<1024x128xf32>
    %sub3A_455 = arith.constant 1.000000e+00 : f32
    %sub3A_456 = vector.broadcast %sub3A_455 : f32 to vector<1024x128xf32>
    %sub3A_457 = arith.subf %sub3A_456, %logistic3A_449 : vector<1024x128xf32>
    %mul3A_458 = arith.mulf %sub3A_457, %tanh3A_454 : vector<1024x128xf32>
    %mul3A_459 = arith.mulf %logistic3A_449, %add3A_381 : vector<1024x128xf32>
    %add3A_460 = arith.addf %mul3A_458, %mul3A_459 : vector<1024x128xf32>
    %dot_general3A_461 = arith.constant dense<0.000000e+00> : vector<1024x384xf32>
    %dot_general3A_462 = tpu.matmul %add3A_460, %get3A_13, %dot_general3A_461 {dimension_numbers = #tpu.dot_dimension_numbers<[1], [0], [0], [1], [0, 0, 1, 1], [], []>, transpose_lhs_hint = false} : vector<1024x128xf32>, vector<128x384xf32>, vector<1024x384xf32> -> vector<1024x384xf32>
    %add3A_463 = vector.broadcast %get3A_25 : vector<1x384xf32> to vector<1024x384xf32>
    %add3A_464 = arith.addf %dot_general3A_462, %add3A_463 : vector<1024x384xf32>
    %dot_general3A_465 = arith.constant dense<0.000000e+00> : vector<1024x384xf32>
    %dot_general3A_466 = tpu.matmul %add3A_418, %get3A_16, %dot_general3A_465 {dimension_numbers = #tpu.dot_dimension_numbers<[1], [0], [0], [1], [0, 0, 1, 1], [], []>, transpose_lhs_hint = false} : vector<1024x128xf32>, vector<128x384xf32>, vector<1024x384xf32> -> vector<1024x384xf32>
    %add3A_467 = vector.broadcast %get3A_28 : vector<1x384xf32> to vector<1024x384xf32>
    %add3A_468 = arith.addf %dot_general3A_466, %add3A_467 : vector<1024x384xf32>
    %slice3A_469 = vector.extract_strided_slice %add3A_464 {offsets = [0, 0], sizes = [1024, 128], strides = [1, 1]} : vector<1024x384xf32> to vector<1024x128xf32>
    %slice3A_470 = vector.extract_strided_slice %add3A_468 {offsets = [0, 0], sizes = [1024, 128], strides = [1, 1]} : vector<1024x384xf32> to vector<1024x128xf32>
    %add3A_471 = arith.addf %slice3A_469, %slice3A_470 : vector<1024x128xf32>
    %logistic3A_472 = arith.negf %add3A_471 : vector<1024x128xf32>
    %logistic3A_473 = math.exp %logistic3A_472 : vector<1024x128xf32>
    %logistic3A_474 = arith.constant 1.000000e+00 : f32
    %logistic3A_475 = vector.broadcast %logistic3A_474 : f32 to vector<1024x128xf32>
    %logistic3A_476 = arith.addf %logistic3A_475, %logistic3A_473 : vector<1024x128xf32>
    %logistic3A_477 = arith.divf %logistic3A_475, %logistic3A_476 : vector<1024x128xf32>
    %slice3A_478 = vector.extract_strided_slice %add3A_464 {offsets = [0, 128], sizes = [1024, 128], strides = [1, 1]} : vector<1024x384xf32> to vector<1024x128xf32>
    %slice3A_479 = vector.extract_strided_slice %add3A_468 {offsets = [0, 128], sizes = [1024, 128], strides = [1, 1]} : vector<1024x384xf32> to vector<1024x128xf32>
    %add3A_480 = arith.addf %slice3A_478, %slice3A_479 : vector<1024x128xf32>
    %logistic3A_481 = arith.negf %add3A_480 : vector<1024x128xf32>
    %logistic3A_482 = math.exp %logistic3A_481 : vector<1024x128xf32>
    %logistic3A_483 = arith.constant 1.000000e+00 : f32
    %logistic3A_484 = vector.broadcast %logistic3A_483 : f32 to vector<1024x128xf32>
    %logistic3A_485 = arith.addf %logistic3A_484, %logistic3A_482 : vector<1024x128xf32>
    %logistic3A_486 = arith.divf %logistic3A_484, %logistic3A_485 : vector<1024x128xf32>
    %slice3A_487 = vector.extract_strided_slice %add3A_464 {offsets = [0, 256], sizes = [1024, 128], strides = [1, 1]} : vector<1024x384xf32> to vector<1024x128xf32>
    %slice3A_488 = vector.extract_strided_slice %add3A_468 {offsets = [0, 256], sizes = [1024, 128], strides = [1, 1]} : vector<1024x384xf32> to vector<1024x128xf32>
    %mul3A_489 = arith.mulf %logistic3A_477, %slice3A_488 : vector<1024x128xf32>
    %add3A_490 = arith.addf %slice3A_487, %mul3A_489 : vector<1024x128xf32>
    %tanh3A_491 = math.tanh %add3A_490 : vector<1024x128xf32>
    %sub3A_492 = arith.constant 1.000000e+00 : f32
    %sub3A_493 = vector.broadcast %sub3A_492 : f32 to vector<1024x128xf32>
    %sub3A_494 = arith.subf %sub3A_493, %logistic3A_486 : vector<1024x128xf32>
    %mul3A_495 = arith.mulf %sub3A_494, %tanh3A_491 : vector<1024x128xf32>
    %mul3A_496 = arith.mulf %logistic3A_486, %add3A_418 : vector<1024x128xf32>
    %add3A_497 = arith.addf %mul3A_495, %mul3A_496 : vector<1024x128xf32>
    %slice3A_498 = vector.extract_strided_slice %get3A_4 {offsets = [0, 18], sizes = [1, 3], strides = [1, 1]} : vector<1x64xf32> to vector<1x3xf32>
    %broadcast_in_dim3A_499 = vector.shape_cast %slice3A_498 : vector<1x3xf32> to vector<1x3xf32>
    %broadcast_in_dim3A_500 = vector.broadcast %broadcast_in_dim3A_499 : vector<1x3xf32> to vector<1024x3xf32>
    %slice3A_501 = vector.extract_strided_slice %get3A_1 {offsets = [0, 18], sizes = [1024, 3], strides = [1, 1]} : vector<1024x64xf32> to vector<1024x3xf32>
    %concatenate3A_502 = tpu.concatenate %broadcast_in_dim3A_500, %slice3A_501 in 1 : vector<1024x3xf32>, vector<1024x3xf32> -> vector<1024x6xf32>
    %dot_general3A_503 = arith.constant dense<0.000000e+00> : vector<1024x384xf32>
    %dot_general3A_504 = tpu.matmul %concatenate3A_502, %get3A_7, %dot_general3A_503 {dimension_numbers = #tpu.dot_dimension_numbers<[1], [0], [0], [1], [0, 0, 1, 1], [], []>, transpose_lhs_hint = false} : vector<1024x6xf32>, vector<6x384xf32>, vector<1024x384xf32> -> vector<1024x384xf32>
    %add3A_505 = vector.broadcast %get3A_19 : vector<1x384xf32> to vector<1024x384xf32>
    %add3A_506 = arith.addf %dot_general3A_504, %add3A_505 : vector<1024x384xf32>
    %dot_general3A_507 = arith.constant dense<0.000000e+00> : vector<1024x384xf32>
    %dot_general3A_508 = tpu.matmul %add3A_460, %get3A_10, %dot_general3A_507 {dimension_numbers = #tpu.dot_dimension_numbers<[1], [0], [0], [1], [0, 0, 1, 1], [], []>, transpose_lhs_hint = false} : vector<1024x128xf32>, vector<128x384xf32>, vector<1024x384xf32> -> vector<1024x384xf32>
    %add3A_509 = vector.broadcast %get3A_22 : vector<1x384xf32> to vector<1024x384xf32>
    %add3A_510 = arith.addf %dot_general3A_508, %add3A_509 : vector<1024x384xf32>
    %slice3A_511 = vector.extract_strided_slice %add3A_506 {offsets = [0, 0], sizes = [1024, 128], strides = [1, 1]} : vector<1024x384xf32> to vector<1024x128xf32>
    %slice3A_512 = vector.extract_strided_slice %add3A_510 {offsets = [0, 0], sizes = [1024, 128], strides = [1, 1]} : vector<1024x384xf32> to vector<1024x128xf32>
    %add3A_513 = arith.addf %slice3A_511, %slice3A_512 : vector<1024x128xf32>
    %logistic3A_514 = arith.negf %add3A_513 : vector<1024x128xf32>
    %logistic3A_515 = math.exp %logistic3A_514 : vector<1024x128xf32>
    %logistic3A_516 = arith.constant 1.000000e+00 : f32
    %logistic3A_517 = vector.broadcast %logistic3A_516 : f32 to vector<1024x128xf32>
    %logistic3A_518 = arith.addf %logistic3A_517, %logistic3A_515 : vector<1024x128xf32>
    %logistic3A_519 = arith.divf %logistic3A_517, %logistic3A_518 : vector<1024x128xf32>
    %slice3A_520 = vector.extract_strided_slice %add3A_506 {offsets = [0, 128], sizes = [1024, 128], strides = [1, 1]} : vector<1024x384xf32> to vector<1024x128xf32>
    %slice3A_521 = vector.extract_strided_slice %add3A_510 {offsets = [0, 128], sizes = [1024, 128], strides = [1, 1]} : vector<1024x384xf32> to vector<1024x128xf32>
    %add3A_522 = arith.addf %slice3A_520, %slice3A_521 : vector<1024x128xf32>
    %logistic3A_523 = arith.negf %add3A_522 : vector<1024x128xf32>
    %logistic3A_524 = math.exp %logistic3A_523 : vector<1024x128xf32>
    %logistic3A_525 = arith.constant 1.000000e+00 : f32
    %logistic3A_526 = vector.broadcast %logistic3A_525 : f32 to vector<1024x128xf32>
    %logistic3A_527 = arith.addf %logistic3A_526, %logistic3A_524 : vector<1024x128xf32>
    %logistic3A_528 = arith.divf %logistic3A_526, %logistic3A_527 : vector<1024x128xf32>
    %slice3A_529 = vector.extract_strided_slice %add3A_506 {offsets = [0, 256], sizes = [1024, 128], strides = [1, 1]} : vector<1024x384xf32> to vector<1024x128xf32>
    %slice3A_530 = vector.extract_strided_slice %add3A_510 {offsets = [0, 256], sizes = [1024, 128], strides = [1, 1]} : vector<1024x384xf32> to vector<1024x128xf32>
    %mul3A_531 = arith.mulf %logistic3A_519, %slice3A_530 : vector<1024x128xf32>
    %add3A_532 = arith.addf %slice3A_529, %mul3A_531 : vector<1024x128xf32>
    %tanh3A_533 = math.tanh %add3A_532 : vector<1024x128xf32>
    %sub3A_534 = arith.constant 1.000000e+00 : f32
    %sub3A_535 = vector.broadcast %sub3A_534 : f32 to vector<1024x128xf32>
    %sub3A_536 = arith.subf %sub3A_535, %logistic3A_528 : vector<1024x128xf32>
    %mul3A_537 = arith.mulf %sub3A_536, %tanh3A_533 : vector<1024x128xf32>
    %mul3A_538 = arith.mulf %logistic3A_528, %add3A_460 : vector<1024x128xf32>
    %add3A_539 = arith.addf %mul3A_537, %mul3A_538 : vector<1024x128xf32>
    %dot_general3A_540 = arith.constant dense<0.000000e+00> : vector<1024x384xf32>
    %dot_general3A_541 = tpu.matmul %add3A_539, %get3A_13, %dot_general3A_540 {dimension_numbers = #tpu.dot_dimension_numbers<[1], [0], [0], [1], [0, 0, 1, 1], [], []>, transpose_lhs_hint = false} : vector<1024x128xf32>, vector<128x384xf32>, vector<1024x384xf32> -> vector<1024x384xf32>
    %add3A_542 = vector.broadcast %get3A_25 : vector<1x384xf32> to vector<1024x384xf32>
    %add3A_543 = arith.addf %dot_general3A_541, %add3A_542 : vector<1024x384xf32>
    %dot_general3A_544 = arith.constant dense<0.000000e+00> : vector<1024x384xf32>
    %dot_general3A_545 = tpu.matmul %add3A_497, %get3A_16, %dot_general3A_544 {dimension_numbers = #tpu.dot_dimension_numbers<[1], [0], [0], [1], [0, 0, 1, 1], [], []>, transpose_lhs_hint = false} : vector<1024x128xf32>, vector<128x384xf32>, vector<1024x384xf32> -> vector<1024x384xf32>
    %add3A_546 = vector.broadcast %get3A_28 : vector<1x384xf32> to vector<1024x384xf32>
    %add3A_547 = arith.addf %dot_general3A_545, %add3A_546 : vector<1024x384xf32>
    %slice3A_548 = vector.extract_strided_slice %add3A_543 {offsets = [0, 0], sizes = [1024, 128], strides = [1, 1]} : vector<1024x384xf32> to vector<1024x128xf32>
    %slice3A_549 = vector.extract_strided_slice %add3A_547 {offsets = [0, 0], sizes = [1024, 128], strides = [1, 1]} : vector<1024x384xf32> to vector<1024x128xf32>
    %add3A_550 = arith.addf %slice3A_548, %slice3A_549 : vector<1024x128xf32>
    %logistic3A_551 = arith.negf %add3A_550 : vector<1024x128xf32>
    %logistic3A_552 = math.exp %logistic3A_551 : vector<1024x128xf32>
    %logistic3A_553 = arith.constant 1.000000e+00 : f32
    %logistic3A_554 = vector.broadcast %logistic3A_553 : f32 to vector<1024x128xf32>
    %logistic3A_555 = arith.addf %logistic3A_554, %logistic3A_552 : vector<1024x128xf32>
    %logistic3A_556 = arith.divf %logistic3A_554, %logistic3A_555 : vector<1024x128xf32>
    %slice3A_557 = vector.extract_strided_slice %add3A_543 {offsets = [0, 128], sizes = [1024, 128], strides = [1, 1]} : vector<1024x384xf32> to vector<1024x128xf32>
    %slice3A_558 = vector.extract_strided_slice %add3A_547 {offsets = [0, 128], sizes = [1024, 128], strides = [1, 1]} : vector<1024x384xf32> to vector<1024x128xf32>
    %add3A_559 = arith.addf %slice3A_557, %slice3A_558 : vector<1024x128xf32>
    %logistic3A_560 = arith.negf %add3A_559 : vector<1024x128xf32>
    %logistic3A_561 = math.exp %logistic3A_560 : vector<1024x128xf32>
    %logistic3A_562 = arith.constant 1.000000e+00 : f32
    %logistic3A_563 = vector.broadcast %logistic3A_562 : f32 to vector<1024x128xf32>
    %logistic3A_564 = arith.addf %logistic3A_563, %logistic3A_561 : vector<1024x128xf32>
    %logistic3A_565 = arith.divf %logistic3A_563, %logistic3A_564 : vector<1024x128xf32>
    %slice3A_566 = vector.extract_strided_slice %add3A_543 {offsets = [0, 256], sizes = [1024, 128], strides = [1, 1]} : vector<1024x384xf32> to vector<1024x128xf32>
    %slice3A_567 = vector.extract_strided_slice %add3A_547 {offsets = [0, 256], sizes = [1024, 128], strides = [1, 1]} : vector<1024x384xf32> to vector<1024x128xf32>
    %mul3A_568 = arith.mulf %logistic3A_556, %slice3A_567 : vector<1024x128xf32>
    %add3A_569 = arith.addf %slice3A_566, %mul3A_568 : vector<1024x128xf32>
    %tanh3A_570 = math.tanh %add3A_569 : vector<1024x128xf32>
    %sub3A_571 = arith.constant 1.000000e+00 : f32
    %sub3A_572 = vector.broadcast %sub3A_571 : f32 to vector<1024x128xf32>
    %sub3A_573 = arith.subf %sub3A_572, %logistic3A_565 : vector<1024x128xf32>
    %mul3A_574 = arith.mulf %sub3A_573, %tanh3A_570 : vector<1024x128xf32>
    %mul3A_575 = arith.mulf %logistic3A_565, %add3A_497 : vector<1024x128xf32>
    %add3A_576 = arith.addf %mul3A_574, %mul3A_575 : vector<1024x128xf32>
    %slice3A_577 = vector.extract_strided_slice %get3A_4 {offsets = [0, 21], sizes = [1, 3], strides = [1, 1]} : vector<1x64xf32> to vector<1x3xf32>
    %broadcast_in_dim3A_578 = vector.shape_cast %slice3A_577 : vector<1x3xf32> to vector<1x3xf32>
    %broadcast_in_dim3A_579 = vector.broadcast %broadcast_in_dim3A_578 : vector<1x3xf32> to vector<1024x3xf32>
    %slice3A_580 = vector.extract_strided_slice %get3A_1 {offsets = [0, 21], sizes = [1024, 3], strides = [1, 1]} : vector<1024x64xf32> to vector<1024x3xf32>
    %concatenate3A_581 = tpu.concatenate %broadcast_in_dim3A_579, %slice3A_580 in 1 : vector<1024x3xf32>, vector<1024x3xf32> -> vector<1024x6xf32>
    %dot_general3A_582 = arith.constant dense<0.000000e+00> : vector<1024x384xf32>
    %dot_general3A_583 = tpu.matmul %concatenate3A_581, %get3A_7, %dot_general3A_582 {dimension_numbers = #tpu.dot_dimension_numbers<[1], [0], [0], [1], [0, 0, 1, 1], [], []>, transpose_lhs_hint = false} : vector<1024x6xf32>, vector<6x384xf32>, vector<1024x384xf32> -> vector<1024x384xf32>
    %add3A_584 = vector.broadcast %get3A_19 : vector<1x384xf32> to vector<1024x384xf32>
    %add3A_585 = arith.addf %dot_general3A_583, %add3A_584 : vector<1024x384xf32>
    %dot_general3A_586 = arith.constant dense<0.000000e+00> : vector<1024x384xf32>
    %dot_general3A_587 = tpu.matmul %add3A_539, %get3A_10, %dot_general3A_586 {dimension_numbers = #tpu.dot_dimension_numbers<[1], [0], [0], [1], [0, 0, 1, 1], [], []>, transpose_lhs_hint = false} : vector<1024x128xf32>, vector<128x384xf32>, vector<1024x384xf32> -> vector<1024x384xf32>
    %add3A_588 = vector.broadcast %get3A_22 : vector<1x384xf32> to vector<1024x384xf32>
    %add3A_589 = arith.addf %dot_general3A_587, %add3A_588 : vector<1024x384xf32>
    %slice3A_590 = vector.extract_strided_slice %add3A_585 {offsets = [0, 0], sizes = [1024, 128], strides = [1, 1]} : vector<1024x384xf32> to vector<1024x128xf32>
    %slice3A_591 = vector.extract_strided_slice %add3A_589 {offsets = [0, 0], sizes = [1024, 128], strides = [1, 1]} : vector<1024x384xf32> to vector<1024x128xf32>
    %add3A_592 = arith.addf %slice3A_590, %slice3A_591 : vector<1024x128xf32>
    %logistic3A_593 = arith.negf %add3A_592 : vector<1024x128xf32>
    %logistic3A_594 = math.exp %logistic3A_593 : vector<1024x128xf32>
    %logistic3A_595 = arith.constant 1.000000e+00 : f32
    %logistic3A_596 = vector.broadcast %logistic3A_595 : f32 to vector<1024x128xf32>
    %logistic3A_597 = arith.addf %logistic3A_596, %logistic3A_594 : vector<1024x128xf32>
    %logistic3A_598 = arith.divf %logistic3A_596, %logistic3A_597 : vector<1024x128xf32>
    %slice3A_599 = vector.extract_strided_slice %add3A_585 {offsets = [0, 128], sizes = [1024, 128], strides = [1, 1]} : vector<1024x384xf32> to vector<1024x128xf32>
    %slice3A_600 = vector.extract_strided_slice %add3A_589 {offsets = [0, 128], sizes = [1024, 128], strides = [1, 1]} : vector<1024x384xf32> to vector<1024x128xf32>
    %add3A_601 = arith.addf %slice3A_599, %slice3A_600 : vector<1024x128xf32>
    %logistic3A_602 = arith.negf %add3A_601 : vector<1024x128xf32>
    %logistic3A_603 = math.exp %logistic3A_602 : vector<1024x128xf32>
    %logistic3A_604 = arith.constant 1.000000e+00 : f32
    %logistic3A_605 = vector.broadcast %logistic3A_604 : f32 to vector<1024x128xf32>
    %logistic3A_606 = arith.addf %logistic3A_605, %logistic3A_603 : vector<1024x128xf32>
    %logistic3A_607 = arith.divf %logistic3A_605, %logistic3A_606 : vector<1024x128xf32>
    %slice3A_608 = vector.extract_strided_slice %add3A_585 {offsets = [0, 256], sizes = [1024, 128], strides = [1, 1]} : vector<1024x384xf32> to vector<1024x128xf32>
    %slice3A_609 = vector.extract_strided_slice %add3A_589 {offsets = [0, 256], sizes = [1024, 128], strides = [1, 1]} : vector<1024x384xf32> to vector<1024x128xf32>
    %mul3A_610 = arith.mulf %logistic3A_598, %slice3A_609 : vector<1024x128xf32>
    %add3A_611 = arith.addf %slice3A_608, %mul3A_610 : vector<1024x128xf32>
    %tanh3A_612 = math.tanh %add3A_611 : vector<1024x128xf32>
    %sub3A_613 = arith.constant 1.000000e+00 : f32
    %sub3A_614 = vector.broadcast %sub3A_613 : f32 to vector<1024x128xf32>
    %sub3A_615 = arith.subf %sub3A_614, %logistic3A_607 : vector<1024x128xf32>
    %mul3A_616 = arith.mulf %sub3A_615, %tanh3A_612 : vector<1024x128xf32>
    %mul3A_617 = arith.mulf %logistic3A_607, %add3A_539 : vector<1024x128xf32>
    %add3A_618 = arith.addf %mul3A_616, %mul3A_617 : vector<1024x128xf32>
    %dot_general3A_619 = arith.constant dense<0.000000e+00> : vector<1024x384xf32>
    %dot_general3A_620 = tpu.matmul %add3A_618, %get3A_13, %dot_general3A_619 {dimension_numbers = #tpu.dot_dimension_numbers<[1], [0], [0], [1], [0, 0, 1, 1], [], []>, transpose_lhs_hint = false} : vector<1024x128xf32>, vector<128x384xf32>, vector<1024x384xf32> -> vector<1024x384xf32>
    %add3A_621 = vector.broadcast %get3A_25 : vector<1x384xf32> to vector<1024x384xf32>
    %add3A_622 = arith.addf %dot_general3A_620, %add3A_621 : vector<1024x384xf32>
    %dot_general3A_623 = arith.constant dense<0.000000e+00> : vector<1024x384xf32>
    %dot_general3A_624 = tpu.matmul %add3A_576, %get3A_16, %dot_general3A_623 {dimension_numbers = #tpu.dot_dimension_numbers<[1], [0], [0], [1], [0, 0, 1, 1], [], []>, transpose_lhs_hint = false} : vector<1024x128xf32>, vector<128x384xf32>, vector<1024x384xf32> -> vector<1024x384xf32>
    %add3A_625 = vector.broadcast %get3A_28 : vector<1x384xf32> to vector<1024x384xf32>
    %add3A_626 = arith.addf %dot_general3A_624, %add3A_625 : vector<1024x384xf32>
    %slice3A_627 = vector.extract_strided_slice %add3A_622 {offsets = [0, 0], sizes = [1024, 128], strides = [1, 1]} : vector<1024x384xf32> to vector<1024x128xf32>
    %slice3A_628 = vector.extract_strided_slice %add3A_626 {offsets = [0, 0], sizes = [1024, 128], strides = [1, 1]} : vector<1024x384xf32> to vector<1024x128xf32>
    %add3A_629 = arith.addf %slice3A_627, %slice3A_628 : vector<1024x128xf32>
    %logistic3A_630 = arith.negf %add3A_629 : vector<1024x128xf32>
    %logistic3A_631 = math.exp %logistic3A_630 : vector<1024x128xf32>
    %logistic3A_632 = arith.constant 1.000000e+00 : f32
    %logistic3A_633 = vector.broadcast %logistic3A_632 : f32 to vector<1024x128xf32>
    %logistic3A_634 = arith.addf %logistic3A_633, %logistic3A_631 : vector<1024x128xf32>
    %logistic3A_635 = arith.divf %logistic3A_633, %logistic3A_634 : vector<1024x128xf32>
    %slice3A_636 = vector.extract_strided_slice %add3A_622 {offsets = [0, 128], sizes = [1024, 128], strides = [1, 1]} : vector<1024x384xf32> to vector<1024x128xf32>
    %slice3A_637 = vector.extract_strided_slice %add3A_626 {offsets = [0, 128], sizes = [1024, 128], strides = [1, 1]} : vector<1024x384xf32> to vector<1024x128xf32>
    %add3A_638 = arith.addf %slice3A_636, %slice3A_637 : vector<1024x128xf32>
    %logistic3A_639 = arith.negf %add3A_638 : vector<1024x128xf32>
    %logistic3A_640 = math.exp %logistic3A_639 : vector<1024x128xf32>
    %logistic3A_641 = arith.constant 1.000000e+00 : f32
    %logistic3A_642 = vector.broadcast %logistic3A_641 : f32 to vector<1024x128xf32>
    %logistic3A_643 = arith.addf %logistic3A_642, %logistic3A_640 : vector<1024x128xf32>
    %logistic3A_644 = arith.divf %logistic3A_642, %logistic3A_643 : vector<1024x128xf32>
    %slice3A_645 = vector.extract_strided_slice %add3A_622 {offsets = [0, 256], sizes = [1024, 128], strides = [1, 1]} : vector<1024x384xf32> to vector<1024x128xf32>
    %slice3A_646 = vector.extract_strided_slice %add3A_626 {offsets = [0, 256], sizes = [1024, 128], strides = [1, 1]} : vector<1024x384xf32> to vector<1024x128xf32>
    %mul3A_647 = arith.mulf %logistic3A_635, %slice3A_646 : vector<1024x128xf32>
    %add3A_648 = arith.addf %slice3A_645, %mul3A_647 : vector<1024x128xf32>
    %tanh3A_649 = math.tanh %add3A_648 : vector<1024x128xf32>
    %sub3A_650 = arith.constant 1.000000e+00 : f32
    %sub3A_651 = vector.broadcast %sub3A_650 : f32 to vector<1024x128xf32>
    %sub3A_652 = arith.subf %sub3A_651, %logistic3A_644 : vector<1024x128xf32>
    %mul3A_653 = arith.mulf %sub3A_652, %tanh3A_649 : vector<1024x128xf32>
    %mul3A_654 = arith.mulf %logistic3A_644, %add3A_576 : vector<1024x128xf32>
    %add3A_655 = arith.addf %mul3A_653, %mul3A_654 : vector<1024x128xf32>
    %slice3A_656 = vector.extract_strided_slice %get3A_4 {offsets = [0, 24], sizes = [1, 3], strides = [1, 1]} : vector<1x64xf32> to vector<1x3xf32>
    %broadcast_in_dim3A_657 = vector.shape_cast %slice3A_656 : vector<1x3xf32> to vector<1x3xf32>
    %broadcast_in_dim3A_658 = vector.broadcast %broadcast_in_dim3A_657 : vector<1x3xf32> to vector<1024x3xf32>
    %slice3A_659 = vector.extract_strided_slice %get3A_1 {offsets = [0, 24], sizes = [1024, 3], strides = [1, 1]} : vector<1024x64xf32> to vector<1024x3xf32>
    %concatenate3A_660 = tpu.concatenate %broadcast_in_dim3A_658, %slice3A_659 in 1 : vector<1024x3xf32>, vector<1024x3xf32> -> vector<1024x6xf32>
    %dot_general3A_661 = arith.constant dense<0.000000e+00> : vector<1024x384xf32>
    %dot_general3A_662 = tpu.matmul %concatenate3A_660, %get3A_7, %dot_general3A_661 {dimension_numbers = #tpu.dot_dimension_numbers<[1], [0], [0], [1], [0, 0, 1, 1], [], []>, transpose_lhs_hint = false} : vector<1024x6xf32>, vector<6x384xf32>, vector<1024x384xf32> -> vector<1024x384xf32>
    %add3A_663 = vector.broadcast %get3A_19 : vector<1x384xf32> to vector<1024x384xf32>
    %add3A_664 = arith.addf %dot_general3A_662, %add3A_663 : vector<1024x384xf32>
    %dot_general3A_665 = arith.constant dense<0.000000e+00> : vector<1024x384xf32>
    %dot_general3A_666 = tpu.matmul %add3A_618, %get3A_10, %dot_general3A_665 {dimension_numbers = #tpu.dot_dimension_numbers<[1], [0], [0], [1], [0, 0, 1, 1], [], []>, transpose_lhs_hint = false} : vector<1024x128xf32>, vector<128x384xf32>, vector<1024x384xf32> -> vector<1024x384xf32>
    %add3A_667 = vector.broadcast %get3A_22 : vector<1x384xf32> to vector<1024x384xf32>
    %add3A_668 = arith.addf %dot_general3A_666, %add3A_667 : vector<1024x384xf32>
    %slice3A_669 = vector.extract_strided_slice %add3A_664 {offsets = [0, 0], sizes = [1024, 128], strides = [1, 1]} : vector<1024x384xf32> to vector<1024x128xf32>
    %slice3A_670 = vector.extract_strided_slice %add3A_668 {offsets = [0, 0], sizes = [1024, 128], strides = [1, 1]} : vector<1024x384xf32> to vector<1024x128xf32>
    %add3A_671 = arith.addf %slice3A_669, %slice3A_670 : vector<1024x128xf32>
    %logistic3A_672 = arith.negf %add3A_671 : vector<1024x128xf32>
    %logistic3A_673 = math.exp %logistic3A_672 : vector<1024x128xf32>
    %logistic3A_674 = arith.constant 1.000000e+00 : f32
    %logistic3A_675 = vector.broadcast %logistic3A_674 : f32 to vector<1024x128xf32>
    %logistic3A_676 = arith.addf %logistic3A_675, %logistic3A_673 : vector<1024x128xf32>
    %logistic3A_677 = arith.divf %logistic3A_675, %logistic3A_676 : vector<1024x128xf32>
    %slice3A_678 = vector.extract_strided_slice %add3A_664 {offsets = [0, 128], sizes = [1024, 128], strides = [1, 1]} : vector<1024x384xf32> to vector<1024x128xf32>
    %slice3A_679 = vector.extract_strided_slice %add3A_668 {offsets = [0, 128], sizes = [1024, 128], strides = [1, 1]} : vector<1024x384xf32> to vector<1024x128xf32>
    %add3A_680 = arith.addf %slice3A_678, %slice3A_679 : vector<1024x128xf32>
    %logistic3A_681 = arith.negf %add3A_680 : vector<1024x128xf32>
    %logistic3A_682 = math.exp %logistic3A_681 : vector<1024x128xf32>
    %logistic3A_683 = arith.constant 1.000000e+00 : f32
    %logistic3A_684 = vector.broadcast %logistic3A_683 : f32 to vector<1024x128xf32>
    %logistic3A_685 = arith.addf %logistic3A_684, %logistic3A_682 : vector<1024x128xf32>
    %logistic3A_686 = arith.divf %logistic3A_684, %logistic3A_685 : vector<1024x128xf32>
    %slice3A_687 = vector.extract_strided_slice %add3A_664 {offsets = [0, 256], sizes = [1024, 128], strides = [1, 1]} : vector<1024x384xf32> to vector<1024x128xf32>
    %slice3A_688 = vector.extract_strided_slice %add3A_668 {offsets = [0, 256], sizes = [1024, 128], strides = [1, 1]} : vector<1024x384xf32> to vector<1024x128xf32>
    %mul3A_689 = arith.mulf %logistic3A_677, %slice3A_688 : vector<1024x128xf32>
    %add3A_690 = arith.addf %slice3A_687, %mul3A_689 : vector<1024x128xf32>
    %tanh3A_691 = math.tanh %add3A_690 : vector<1024x128xf32>
    %sub3A_692 = arith.constant 1.000000e+00 : f32
    %sub3A_693 = vector.broadcast %sub3A_692 : f32 to vector<1024x128xf32>
    %sub3A_694 = arith.subf %sub3A_693, %logistic3A_686 : vector<1024x128xf32>
    %mul3A_695 = arith.mulf %sub3A_694, %tanh3A_691 : vector<1024x128xf32>
    %mul3A_696 = arith.mulf %logistic3A_686, %add3A_618 : vector<1024x128xf32>
    %add3A_697 = arith.addf %mul3A_695, %mul3A_696 : vector<1024x128xf32>
    %dot_general3A_698 = arith.constant dense<0.000000e+00> : vector<1024x384xf32>
    %dot_general3A_699 = tpu.matmul %add3A_697, %get3A_13, %dot_general3A_698 {dimension_numbers = #tpu.dot_dimension_numbers<[1], [0], [0], [1], [0, 0, 1, 1], [], []>, transpose_lhs_hint = false} : vector<1024x128xf32>, vector<128x384xf32>, vector<1024x384xf32> -> vector<1024x384xf32>
    %add3A_700 = vector.broadcast %get3A_25 : vector<1x384xf32> to vector<1024x384xf32>
    %add3A_701 = arith.addf %dot_general3A_699, %add3A_700 : vector<1024x384xf32>
    %dot_general3A_702 = arith.constant dense<0.000000e+00> : vector<1024x384xf32>
    %dot_general3A_703 = tpu.matmul %add3A_655, %get3A_16, %dot_general3A_702 {dimension_numbers = #tpu.dot_dimension_numbers<[1], [0], [0], [1], [0, 0, 1, 1], [], []>, transpose_lhs_hint = false} : vector<1024x128xf32>, vector<128x384xf32>, vector<1024x384xf32> -> vector<1024x384xf32>
    %add3A_704 = vector.broadcast %get3A_28 : vector<1x384xf32> to vector<1024x384xf32>
    %add3A_705 = arith.addf %dot_general3A_703, %add3A_704 : vector<1024x384xf32>
    %slice3A_706 = vector.extract_strided_slice %add3A_701 {offsets = [0, 0], sizes = [1024, 128], strides = [1, 1]} : vector<1024x384xf32> to vector<1024x128xf32>
    %slice3A_707 = vector.extract_strided_slice %add3A_705 {offsets = [0, 0], sizes = [1024, 128], strides = [1, 1]} : vector<1024x384xf32> to vector<1024x128xf32>
    %add3A_708 = arith.addf %slice3A_706, %slice3A_707 : vector<1024x128xf32>
    %logistic3A_709 = arith.negf %add3A_708 : vector<1024x128xf32>
    %logistic3A_710 = math.exp %logistic3A_709 : vector<1024x128xf32>
    %logistic3A_711 = arith.constant 1.000000e+00 : f32
    %logistic3A_712 = vector.broadcast %logistic3A_711 : f32 to vector<1024x128xf32>
    %logistic3A_713 = arith.addf %logistic3A_712, %logistic3A_710 : vector<1024x128xf32>
    %logistic3A_714 = arith.divf %logistic3A_712, %logistic3A_713 : vector<1024x128xf32>
    %slice3A_715 = vector.extract_strided_slice %add3A_701 {offsets = [0, 128], sizes = [1024, 128], strides = [1, 1]} : vector<1024x384xf32> to vector<1024x128xf32>
    %slice3A_716 = vector.extract_strided_slice %add3A_705 {offsets = [0, 128], sizes = [1024, 128], strides = [1, 1]} : vector<1024x384xf32> to vector<1024x128xf32>
    %add3A_717 = arith.addf %slice3A_715, %slice3A_716 : vector<1024x128xf32>
    %logistic3A_718 = arith.negf %add3A_717 : vector<1024x128xf32>
    %logistic3A_719 = math.exp %logistic3A_718 : vector<1024x128xf32>
    %logistic3A_720 = arith.constant 1.000000e+00 : f32
    %logistic3A_721 = vector.broadcast %logistic3A_720 : f32 to vector<1024x128xf32>
    %logistic3A_722 = arith.addf %logistic3A_721, %logistic3A_719 : vector<1024x128xf32>
    %logistic3A_723 = arith.divf %logistic3A_721, %logistic3A_722 : vector<1024x128xf32>
    %slice3A_724 = vector.extract_strided_slice %add3A_701 {offsets = [0, 256], sizes = [1024, 128], strides = [1, 1]} : vector<1024x384xf32> to vector<1024x128xf32>
    %slice3A_725 = vector.extract_strided_slice %add3A_705 {offsets = [0, 256], sizes = [1024, 128], strides = [1, 1]} : vector<1024x384xf32> to vector<1024x128xf32>
    %mul3A_726 = arith.mulf %logistic3A_714, %slice3A_725 : vector<1024x128xf32>
    %add3A_727 = arith.addf %slice3A_724, %mul3A_726 : vector<1024x128xf32>
    %tanh3A_728 = math.tanh %add3A_727 : vector<1024x128xf32>
    %sub3A_729 = arith.constant 1.000000e+00 : f32
    %sub3A_730 = vector.broadcast %sub3A_729 : f32 to vector<1024x128xf32>
    %sub3A_731 = arith.subf %sub3A_730, %logistic3A_723 : vector<1024x128xf32>
    %mul3A_732 = arith.mulf %sub3A_731, %tanh3A_728 : vector<1024x128xf32>
    %mul3A_733 = arith.mulf %logistic3A_723, %add3A_655 : vector<1024x128xf32>
    %add3A_734 = arith.addf %mul3A_732, %mul3A_733 : vector<1024x128xf32>
    %slice3A_735 = vector.extract_strided_slice %get3A_4 {offsets = [0, 27], sizes = [1, 3], strides = [1, 1]} : vector<1x64xf32> to vector<1x3xf32>
    %broadcast_in_dim3A_736 = vector.shape_cast %slice3A_735 : vector<1x3xf32> to vector<1x3xf32>
    %broadcast_in_dim3A_737 = vector.broadcast %broadcast_in_dim3A_736 : vector<1x3xf32> to vector<1024x3xf32>
    %slice3A_738 = vector.extract_strided_slice %get3A_1 {offsets = [0, 27], sizes = [1024, 3], strides = [1, 1]} : vector<1024x64xf32> to vector<1024x3xf32>
    %concatenate3A_739 = tpu.concatenate %broadcast_in_dim3A_737, %slice3A_738 in 1 : vector<1024x3xf32>, vector<1024x3xf32> -> vector<1024x6xf32>
    %dot_general3A_740 = arith.constant dense<0.000000e+00> : vector<1024x384xf32>
    %dot_general3A_741 = tpu.matmul %concatenate3A_739, %get3A_7, %dot_general3A_740 {dimension_numbers = #tpu.dot_dimension_numbers<[1], [0], [0], [1], [0, 0, 1, 1], [], []>, transpose_lhs_hint = false} : vector<1024x6xf32>, vector<6x384xf32>, vector<1024x384xf32> -> vector<1024x384xf32>
    %add3A_742 = vector.broadcast %get3A_19 : vector<1x384xf32> to vector<1024x384xf32>
    %add3A_743 = arith.addf %dot_general3A_741, %add3A_742 : vector<1024x384xf32>
    %dot_general3A_744 = arith.constant dense<0.000000e+00> : vector<1024x384xf32>
    %dot_general3A_745 = tpu.matmul %add3A_697, %get3A_10, %dot_general3A_744 {dimension_numbers = #tpu.dot_dimension_numbers<[1], [0], [0], [1], [0, 0, 1, 1], [], []>, transpose_lhs_hint = false} : vector<1024x128xf32>, vector<128x384xf32>, vector<1024x384xf32> -> vector<1024x384xf32>
    %add3A_746 = vector.broadcast %get3A_22 : vector<1x384xf32> to vector<1024x384xf32>
    %add3A_747 = arith.addf %dot_general3A_745, %add3A_746 : vector<1024x384xf32>
    %slice3A_748 = vector.extract_strided_slice %add3A_743 {offsets = [0, 0], sizes = [1024, 128], strides = [1, 1]} : vector<1024x384xf32> to vector<1024x128xf32>
    %slice3A_749 = vector.extract_strided_slice %add3A_747 {offsets = [0, 0], sizes = [1024, 128], strides = [1, 1]} : vector<1024x384xf32> to vector<1024x128xf32>
    %add3A_750 = arith.addf %slice3A_748, %slice3A_749 : vector<1024x128xf32>
    %logistic3A_751 = arith.negf %add3A_750 : vector<1024x128xf32>
    %logistic3A_752 = math.exp %logistic3A_751 : vector<1024x128xf32>
    %logistic3A_753 = arith.constant 1.000000e+00 : f32
    %logistic3A_754 = vector.broadcast %logistic3A_753 : f32 to vector<1024x128xf32>
    %logistic3A_755 = arith.addf %logistic3A_754, %logistic3A_752 : vector<1024x128xf32>
    %logistic3A_756 = arith.divf %logistic3A_754, %logistic3A_755 : vector<1024x128xf32>
    %slice3A_757 = vector.extract_strided_slice %add3A_743 {offsets = [0, 128], sizes = [1024, 128], strides = [1, 1]} : vector<1024x384xf32> to vector<1024x128xf32>
    %slice3A_758 = vector.extract_strided_slice %add3A_747 {offsets = [0, 128], sizes = [1024, 128], strides = [1, 1]} : vector<1024x384xf32> to vector<1024x128xf32>
    %add3A_759 = arith.addf %slice3A_757, %slice3A_758 : vector<1024x128xf32>
    %logistic3A_760 = arith.negf %add3A_759 : vector<1024x128xf32>
    %logistic3A_761 = math.exp %logistic3A_760 : vector<1024x128xf32>
    %logistic3A_762 = arith.constant 1.000000e+00 : f32
    %logistic3A_763 = vector.broadcast %logistic3A_762 : f32 to vector<1024x128xf32>
    %logistic3A_764 = arith.addf %logistic3A_763, %logistic3A_761 : vector<1024x128xf32>
    %logistic3A_765 = arith.divf %logistic3A_763, %logistic3A_764 : vector<1024x128xf32>
    %slice3A_766 = vector.extract_strided_slice %add3A_743 {offsets = [0, 256], sizes = [1024, 128], strides = [1, 1]} : vector<1024x384xf32> to vector<1024x128xf32>
    %slice3A_767 = vector.extract_strided_slice %add3A_747 {offsets = [0, 256], sizes = [1024, 128], strides = [1, 1]} : vector<1024x384xf32> to vector<1024x128xf32>
    %mul3A_768 = arith.mulf %logistic3A_756, %slice3A_767 : vector<1024x128xf32>
    %add3A_769 = arith.addf %slice3A_766, %mul3A_768 : vector<1024x128xf32>
    %tanh3A_770 = math.tanh %add3A_769 : vector<1024x128xf32>
    %sub3A_771 = arith.constant 1.000000e+00 : f32
    %sub3A_772 = vector.broadcast %sub3A_771 : f32 to vector<1024x128xf32>
    %sub3A_773 = arith.subf %sub3A_772, %logistic3A_765 : vector<1024x128xf32>
    %mul3A_774 = arith.mulf %sub3A_773, %tanh3A_770 : vector<1024x128xf32>
    %mul3A_775 = arith.mulf %logistic3A_765, %add3A_697 : vector<1024x128xf32>
    %add3A_776 = arith.addf %mul3A_774, %mul3A_775 : vector<1024x128xf32>
    %dot_general3A_777 = arith.constant dense<0.000000e+00> : vector<1024x384xf32>
    %dot_general3A_778 = tpu.matmul %add3A_776, %get3A_13, %dot_general3A_777 {dimension_numbers = #tpu.dot_dimension_numbers<[1], [0], [0], [1], [0, 0, 1, 1], [], []>, transpose_lhs_hint = false} : vector<1024x128xf32>, vector<128x384xf32>, vector<1024x384xf32> -> vector<1024x384xf32>
    %add3A_779 = vector.broadcast %get3A_25 : vector<1x384xf32> to vector<1024x384xf32>
    %add3A_780 = arith.addf %dot_general3A_778, %add3A_779 : vector<1024x384xf32>
    %dot_general3A_781 = arith.constant dense<0.000000e+00> : vector<1024x384xf32>
    %dot_general3A_782 = tpu.matmul %add3A_734, %get3A_16, %dot_general3A_781 {dimension_numbers = #tpu.dot_dimension_numbers<[1], [0], [0], [1], [0, 0, 1, 1], [], []>, transpose_lhs_hint = false} : vector<1024x128xf32>, vector<128x384xf32>, vector<1024x384xf32> -> vector<1024x384xf32>
    %add3A_783 = vector.broadcast %get3A_28 : vector<1x384xf32> to vector<1024x384xf32>
    %add3A_784 = arith.addf %dot_general3A_782, %add3A_783 : vector<1024x384xf32>
    %slice3A_785 = vector.extract_strided_slice %add3A_780 {offsets = [0, 0], sizes = [1024, 128], strides = [1, 1]} : vector<1024x384xf32> to vector<1024x128xf32>
    %slice3A_786 = vector.extract_strided_slice %add3A_784 {offsets = [0, 0], sizes = [1024, 128], strides = [1, 1]} : vector<1024x384xf32> to vector<1024x128xf32>
    %add3A_787 = arith.addf %slice3A_785, %slice3A_786 : vector<1024x128xf32>
    %logistic3A_788 = arith.negf %add3A_787 : vector<1024x128xf32>
    %logistic3A_789 = math.exp %logistic3A_788 : vector<1024x128xf32>
    %logistic3A_790 = arith.constant 1.000000e+00 : f32
    %logistic3A_791 = vector.broadcast %logistic3A_790 : f32 to vector<1024x128xf32>
    %logistic3A_792 = arith.addf %logistic3A_791, %logistic3A_789 : vector<1024x128xf32>
    %logistic3A_793 = arith.divf %logistic3A_791, %logistic3A_792 : vector<1024x128xf32>
    %slice3A_794 = vector.extract_strided_slice %add3A_780 {offsets = [0, 128], sizes = [1024, 128], strides = [1, 1]} : vector<1024x384xf32> to vector<1024x128xf32>
    %slice3A_795 = vector.extract_strided_slice %add3A_784 {offsets = [0, 128], sizes = [1024, 128], strides = [1, 1]} : vector<1024x384xf32> to vector<1024x128xf32>
    %add3A_796 = arith.addf %slice3A_794, %slice3A_795 : vector<1024x128xf32>
    %logistic3A_797 = arith.negf %add3A_796 : vector<1024x128xf32>
    %logistic3A_798 = math.exp %logistic3A_797 : vector<1024x128xf32>
    %logistic3A_799 = arith.constant 1.000000e+00 : f32
    %logistic3A_800 = vector.broadcast %logistic3A_799 : f32 to vector<1024x128xf32>
    %logistic3A_801 = arith.addf %logistic3A_800, %logistic3A_798 : vector<1024x128xf32>
    %logistic3A_802 = arith.divf %logistic3A_800, %logistic3A_801 : vector<1024x128xf32>
    %slice3A_803 = vector.extract_strided_slice %add3A_780 {offsets = [0, 256], sizes = [1024, 128], strides = [1, 1]} : vector<1024x384xf32> to vector<1024x128xf32>
    %slice3A_804 = vector.extract_strided_slice %add3A_784 {offsets = [0, 256], sizes = [1024, 128], strides = [1, 1]} : vector<1024x384xf32> to vector<1024x128xf32>
    %mul3A_805 = arith.mulf %logistic3A_793, %slice3A_804 : vector<1024x128xf32>
    %add3A_806 = arith.addf %slice3A_803, %mul3A_805 : vector<1024x128xf32>
    %tanh3A_807 = math.tanh %add3A_806 : vector<1024x128xf32>
    %sub3A_808 = arith.constant 1.000000e+00 : f32
    %sub3A_809 = vector.broadcast %sub3A_808 : f32 to vector<1024x128xf32>
    %sub3A_810 = arith.subf %sub3A_809, %logistic3A_802 : vector<1024x128xf32>
    %mul3A_811 = arith.mulf %sub3A_810, %tanh3A_807 : vector<1024x128xf32>
    %mul3A_812 = arith.mulf %logistic3A_802, %add3A_734 : vector<1024x128xf32>
    %add3A_813 = arith.addf %mul3A_811, %mul3A_812 : vector<1024x128xf32>
    %slice3A_814 = vector.extract_strided_slice %get3A_4 {offsets = [0, 30], sizes = [1, 3], strides = [1, 1]} : vector<1x64xf32> to vector<1x3xf32>
    %broadcast_in_dim3A_815 = vector.shape_cast %slice3A_814 : vector<1x3xf32> to vector<1x3xf32>
    %broadcast_in_dim3A_816 = vector.broadcast %broadcast_in_dim3A_815 : vector<1x3xf32> to vector<1024x3xf32>
    %slice3A_817 = vector.extract_strided_slice %get3A_1 {offsets = [0, 30], sizes = [1024, 3], strides = [1, 1]} : vector<1024x64xf32> to vector<1024x3xf32>
    %concatenate3A_818 = tpu.concatenate %broadcast_in_dim3A_816, %slice3A_817 in 1 : vector<1024x3xf32>, vector<1024x3xf32> -> vector<1024x6xf32>
    %dot_general3A_819 = arith.constant dense<0.000000e+00> : vector<1024x384xf32>
    %dot_general3A_820 = tpu.matmul %concatenate3A_818, %get3A_7, %dot_general3A_819 {dimension_numbers = #tpu.dot_dimension_numbers<[1], [0], [0], [1], [0, 0, 1, 1], [], []>, transpose_lhs_hint = false} : vector<1024x6xf32>, vector<6x384xf32>, vector<1024x384xf32> -> vector<1024x384xf32>
    %add3A_821 = vector.broadcast %get3A_19 : vector<1x384xf32> to vector<1024x384xf32>
    %add3A_822 = arith.addf %dot_general3A_820, %add3A_821 : vector<1024x384xf32>
    %dot_general3A_823 = arith.constant dense<0.000000e+00> : vector<1024x384xf32>
    %dot_general3A_824 = tpu.matmul %add3A_776, %get3A_10, %dot_general3A_823 {dimension_numbers = #tpu.dot_dimension_numbers<[1], [0], [0], [1], [0, 0, 1, 1], [], []>, transpose_lhs_hint = false} : vector<1024x128xf32>, vector<128x384xf32>, vector<1024x384xf32> -> vector<1024x384xf32>
    %add3A_825 = vector.broadcast %get3A_22 : vector<1x384xf32> to vector<1024x384xf32>
    %add3A_826 = arith.addf %dot_general3A_824, %add3A_825 : vector<1024x384xf32>
    %slice3A_827 = vector.extract_strided_slice %add3A_822 {offsets = [0, 0], sizes = [1024, 128], strides = [1, 1]} : vector<1024x384xf32> to vector<1024x128xf32>
    %slice3A_828 = vector.extract_strided_slice %add3A_826 {offsets = [0, 0], sizes = [1024, 128], strides = [1, 1]} : vector<1024x384xf32> to vector<1024x128xf32>
    %add3A_829 = arith.addf %slice3A_827, %slice3A_828 : vector<1024x128xf32>
    %logistic3A_830 = arith.negf %add3A_829 : vector<1024x128xf32>
    %logistic3A_831 = math.exp %logistic3A_830 : vector<1024x128xf32>
    %logistic3A_832 = arith.constant 1.000000e+00 : f32
    %logistic3A_833 = vector.broadcast %logistic3A_832 : f32 to vector<1024x128xf32>
    %logistic3A_834 = arith.addf %logistic3A_833, %logistic3A_831 : vector<1024x128xf32>
    %logistic3A_835 = arith.divf %logistic3A_833, %logistic3A_834 : vector<1024x128xf32>
    %slice3A_836 = vector.extract_strided_slice %add3A_822 {offsets = [0, 128], sizes = [1024, 128], strides = [1, 1]} : vector<1024x384xf32> to vector<1024x128xf32>
    %slice3A_837 = vector.extract_strided_slice %add3A_826 {offsets = [0, 128], sizes = [1024, 128], strides = [1, 1]} : vector<1024x384xf32> to vector<1024x128xf32>
    %add3A_838 = arith.addf %slice3A_836, %slice3A_837 : vector<1024x128xf32>
    %logistic3A_839 = arith.negf %add3A_838 : vector<1024x128xf32>
    %logistic3A_840 = math.exp %logistic3A_839 : vector<1024x128xf32>
    %logistic3A_841 = arith.constant 1.000000e+00 : f32
    %logistic3A_842 = vector.broadcast %logistic3A_841 : f32 to vector<1024x128xf32>
    %logistic3A_843 = arith.addf %logistic3A_842, %logistic3A_840 : vector<1024x128xf32>
    %logistic3A_844 = arith.divf %logistic3A_842, %logistic3A_843 : vector<1024x128xf32>
    %slice3A_845 = vector.extract_strided_slice %add3A_822 {offsets = [0, 256], sizes = [1024, 128], strides = [1, 1]} : vector<1024x384xf32> to vector<1024x128xf32>
    %slice3A_846 = vector.extract_strided_slice %add3A_826 {offsets = [0, 256], sizes = [1024, 128], strides = [1, 1]} : vector<1024x384xf32> to vector<1024x128xf32>
    %mul3A_847 = arith.mulf %logistic3A_835, %slice3A_846 : vector<1024x128xf32>
    %add3A_848 = arith.addf %slice3A_845, %mul3A_847 : vector<1024x128xf32>
    %tanh3A_849 = math.tanh %add3A_848 : vector<1024x128xf32>
    %sub3A_850 = arith.constant 1.000000e+00 : f32
    %sub3A_851 = vector.broadcast %sub3A_850 : f32 to vector<1024x128xf32>
    %sub3A_852 = arith.subf %sub3A_851, %logistic3A_844 : vector<1024x128xf32>
    %mul3A_853 = arith.mulf %sub3A_852, %tanh3A_849 : vector<1024x128xf32>
    %mul3A_854 = arith.mulf %logistic3A_844, %add3A_776 : vector<1024x128xf32>
    %add3A_855 = arith.addf %mul3A_853, %mul3A_854 : vector<1024x128xf32>
    %dot_general3A_856 = arith.constant dense<0.000000e+00> : vector<1024x384xf32>
    %dot_general3A_857 = tpu.matmul %add3A_855, %get3A_13, %dot_general3A_856 {dimension_numbers = #tpu.dot_dimension_numbers<[1], [0], [0], [1], [0, 0, 1, 1], [], []>, transpose_lhs_hint = false} : vector<1024x128xf32>, vector<128x384xf32>, vector<1024x384xf32> -> vector<1024x384xf32>
    %add3A_858 = vector.broadcast %get3A_25 : vector<1x384xf32> to vector<1024x384xf32>
    %add3A_859 = arith.addf %dot_general3A_857, %add3A_858 : vector<1024x384xf32>
    %dot_general3A_860 = arith.constant dense<0.000000e+00> : vector<1024x384xf32>
    %dot_general3A_861 = tpu.matmul %add3A_813, %get3A_16, %dot_general3A_860 {dimension_numbers = #tpu.dot_dimension_numbers<[1], [0], [0], [1], [0, 0, 1, 1], [], []>, transpose_lhs_hint = false} : vector<1024x128xf32>, vector<128x384xf32>, vector<1024x384xf32> -> vector<1024x384xf32>
    %add3A_862 = vector.broadcast %get3A_28 : vector<1x384xf32> to vector<1024x384xf32>
    %add3A_863 = arith.addf %dot_general3A_861, %add3A_862 : vector<1024x384xf32>
    %slice3A_864 = vector.extract_strided_slice %add3A_859 {offsets = [0, 0], sizes = [1024, 128], strides = [1, 1]} : vector<1024x384xf32> to vector<1024x128xf32>
    %slice3A_865 = vector.extract_strided_slice %add3A_863 {offsets = [0, 0], sizes = [1024, 128], strides = [1, 1]} : vector<1024x384xf32> to vector<1024x128xf32>
    %add3A_866 = arith.addf %slice3A_864, %slice3A_865 : vector<1024x128xf32>
    %logistic3A_867 = arith.negf %add3A_866 : vector<1024x128xf32>
    %logistic3A_868 = math.exp %logistic3A_867 : vector<1024x128xf32>
    %logistic3A_869 = arith.constant 1.000000e+00 : f32
    %logistic3A_870 = vector.broadcast %logistic3A_869 : f32 to vector<1024x128xf32>
    %logistic3A_871 = arith.addf %logistic3A_870, %logistic3A_868 : vector<1024x128xf32>
    %logistic3A_872 = arith.divf %logistic3A_870, %logistic3A_871 : vector<1024x128xf32>
    %slice3A_873 = vector.extract_strided_slice %add3A_859 {offsets = [0, 128], sizes = [1024, 128], strides = [1, 1]} : vector<1024x384xf32> to vector<1024x128xf32>
    %slice3A_874 = vector.extract_strided_slice %add3A_863 {offsets = [0, 128], sizes = [1024, 128], strides = [1, 1]} : vector<1024x384xf32> to vector<1024x128xf32>
    %add3A_875 = arith.addf %slice3A_873, %slice3A_874 : vector<1024x128xf32>
    %logistic3A_876 = arith.negf %add3A_875 : vector<1024x128xf32>
    %logistic3A_877 = math.exp %logistic3A_876 : vector<1024x128xf32>
    %logistic3A_878 = arith.constant 1.000000e+00 : f32
    %logistic3A_879 = vector.broadcast %logistic3A_878 : f32 to vector<1024x128xf32>
    %logistic3A_880 = arith.addf %logistic3A_879, %logistic3A_877 : vector<1024x128xf32>
    %logistic3A_881 = arith.divf %logistic3A_879, %logistic3A_880 : vector<1024x128xf32>
    %slice3A_882 = vector.extract_strided_slice %add3A_859 {offsets = [0, 256], sizes = [1024, 128], strides = [1, 1]} : vector<1024x384xf32> to vector<1024x128xf32>
    %slice3A_883 = vector.extract_strided_slice %add3A_863 {offsets = [0, 256], sizes = [1024, 128], strides = [1, 1]} : vector<1024x384xf32> to vector<1024x128xf32>
    %mul3A_884 = arith.mulf %logistic3A_872, %slice3A_883 : vector<1024x128xf32>
    %add3A_885 = arith.addf %slice3A_882, %mul3A_884 : vector<1024x128xf32>
    %tanh3A_886 = math.tanh %add3A_885 : vector<1024x128xf32>
    %sub3A_887 = arith.constant 1.000000e+00 : f32
    %sub3A_888 = vector.broadcast %sub3A_887 : f32 to vector<1024x128xf32>
    %sub3A_889 = arith.subf %sub3A_888, %logistic3A_881 : vector<1024x128xf32>
    %mul3A_890 = arith.mulf %sub3A_889, %tanh3A_886 : vector<1024x128xf32>
    %mul3A_891 = arith.mulf %logistic3A_881, %add3A_813 : vector<1024x128xf32>
    %add3A_892 = arith.addf %mul3A_890, %mul3A_891 : vector<1024x128xf32>
    %slice3A_893 = vector.extract_strided_slice %get3A_4 {offsets = [0, 33], sizes = [1, 3], strides = [1, 1]} : vector<1x64xf32> to vector<1x3xf32>
    %broadcast_in_dim3A_894 = vector.shape_cast %slice3A_893 : vector<1x3xf32> to vector<1x3xf32>
    %broadcast_in_dim3A_895 = vector.broadcast %broadcast_in_dim3A_894 : vector<1x3xf32> to vector<1024x3xf32>
    %slice3A_896 = vector.extract_strided_slice %get3A_1 {offsets = [0, 33], sizes = [1024, 3], strides = [1, 1]} : vector<1024x64xf32> to vector<1024x3xf32>
    %concatenate3A_897 = tpu.concatenate %broadcast_in_dim3A_895, %slice3A_896 in 1 : vector<1024x3xf32>, vector<1024x3xf32> -> vector<1024x6xf32>
    %dot_general3A_898 = arith.constant dense<0.000000e+00> : vector<1024x384xf32>
    %dot_general3A_899 = tpu.matmul %concatenate3A_897, %get3A_7, %dot_general3A_898 {dimension_numbers = #tpu.dot_dimension_numbers<[1], [0], [0], [1], [0, 0, 1, 1], [], []>, transpose_lhs_hint = false} : vector<1024x6xf32>, vector<6x384xf32>, vector<1024x384xf32> -> vector<1024x384xf32>
    %add3A_900 = vector.broadcast %get3A_19 : vector<1x384xf32> to vector<1024x384xf32>
    %add3A_901 = arith.addf %dot_general3A_899, %add3A_900 : vector<1024x384xf32>
    %dot_general3A_902 = arith.constant dense<0.000000e+00> : vector<1024x384xf32>
    %dot_general3A_903 = tpu.matmul %add3A_855, %get3A_10, %dot_general3A_902 {dimension_numbers = #tpu.dot_dimension_numbers<[1], [0], [0], [1], [0, 0, 1, 1], [], []>, transpose_lhs_hint = false} : vector<1024x128xf32>, vector<128x384xf32>, vector<1024x384xf32> -> vector<1024x384xf32>
    %add3A_904 = vector.broadcast %get3A_22 : vector<1x384xf32> to vector<1024x384xf32>
    %add3A_905 = arith.addf %dot_general3A_903, %add3A_904 : vector<1024x384xf32>
    %slice3A_906 = vector.extract_strided_slice %add3A_901 {offsets = [0, 0], sizes = [1024, 128], strides = [1, 1]} : vector<1024x384xf32> to vector<1024x128xf32>
    %slice3A_907 = vector.extract_strided_slice %add3A_905 {offsets = [0, 0], sizes = [1024, 128], strides = [1, 1]} : vector<1024x384xf32> to vector<1024x128xf32>
    %add3A_908 = arith.addf %slice3A_906, %slice3A_907 : vector<1024x128xf32>
    %logistic3A_909 = arith.negf %add3A_908 : vector<1024x128xf32>
    %logistic3A_910 = math.exp %logistic3A_909 : vector<1024x128xf32>
    %logistic3A_911 = arith.constant 1.000000e+00 : f32
    %logistic3A_912 = vector.broadcast %logistic3A_911 : f32 to vector<1024x128xf32>
    %logistic3A_913 = arith.addf %logistic3A_912, %logistic3A_910 : vector<1024x128xf32>
    %logistic3A_914 = arith.divf %logistic3A_912, %logistic3A_913 : vector<1024x128xf32>
    %slice3A_915 = vector.extract_strided_slice %add3A_901 {offsets = [0, 128], sizes = [1024, 128], strides = [1, 1]} : vector<1024x384xf32> to vector<1024x128xf32>
    %slice3A_916 = vector.extract_strided_slice %add3A_905 {offsets = [0, 128], sizes = [1024, 128], strides = [1, 1]} : vector<1024x384xf32> to vector<1024x128xf32>
    %add3A_917 = arith.addf %slice3A_915, %slice3A_916 : vector<1024x128xf32>
    %logistic3A_918 = arith.negf %add3A_917 : vector<1024x128xf32>
    %logistic3A_919 = math.exp %logistic3A_918 : vector<1024x128xf32>
    %logistic3A_920 = arith.constant 1.000000e+00 : f32
    %logistic3A_921 = vector.broadcast %logistic3A_920 : f32 to vector<1024x128xf32>
    %logistic3A_922 = arith.addf %logistic3A_921, %logistic3A_919 : vector<1024x128xf32>
    %logistic3A_923 = arith.divf %logistic3A_921, %logistic3A_922 : vector<1024x128xf32>
    %slice3A_924 = vector.extract_strided_slice %add3A_901 {offsets = [0, 256], sizes = [1024, 128], strides = [1, 1]} : vector<1024x384xf32> to vector<1024x128xf32>
    %slice3A_925 = vector.extract_strided_slice %add3A_905 {offsets = [0, 256], sizes = [1024, 128], strides = [1, 1]} : vector<1024x384xf32> to vector<1024x128xf32>
    %mul3A_926 = arith.mulf %logistic3A_914, %slice3A_925 : vector<1024x128xf32>
    %add3A_927 = arith.addf %slice3A_924, %mul3A_926 : vector<1024x128xf32>
    %tanh3A_928 = math.tanh %add3A_927 : vector<1024x128xf32>
    %sub3A_929 = arith.constant 1.000000e+00 : f32
    %sub3A_930 = vector.broadcast %sub3A_929 : f32 to vector<1024x128xf32>
    %sub3A_931 = arith.subf %sub3A_930, %logistic3A_923 : vector<1024x128xf32>
    %mul3A_932 = arith.mulf %sub3A_931, %tanh3A_928 : vector<1024x128xf32>
    %mul3A_933 = arith.mulf %logistic3A_923, %add3A_855 : vector<1024x128xf32>
    %add3A_934 = arith.addf %mul3A_932, %mul3A_933 : vector<1024x128xf32>
    %dot_general3A_935 = arith.constant dense<0.000000e+00> : vector<1024x384xf32>
    %dot_general3A_936 = tpu.matmul %add3A_934, %get3A_13, %dot_general3A_935 {dimension_numbers = #tpu.dot_dimension_numbers<[1], [0], [0], [1], [0, 0, 1, 1], [], []>, transpose_lhs_hint = false} : vector<1024x128xf32>, vector<128x384xf32>, vector<1024x384xf32> -> vector<1024x384xf32>
    %add3A_937 = vector.broadcast %get3A_25 : vector<1x384xf32> to vector<1024x384xf32>
    %add3A_938 = arith.addf %dot_general3A_936, %add3A_937 : vector<1024x384xf32>
    %dot_general3A_939 = arith.constant dense<0.000000e+00> : vector<1024x384xf32>
    %dot_general3A_940 = tpu.matmul %add3A_892, %get3A_16, %dot_general3A_939 {dimension_numbers = #tpu.dot_dimension_numbers<[1], [0], [0], [1], [0, 0, 1, 1], [], []>, transpose_lhs_hint = false} : vector<1024x128xf32>, vector<128x384xf32>, vector<1024x384xf32> -> vector<1024x384xf32>
    %add3A_941 = vector.broadcast %get3A_28 : vector<1x384xf32> to vector<1024x384xf32>
    %add3A_942 = arith.addf %dot_general3A_940, %add3A_941 : vector<1024x384xf32>
    %slice3A_943 = vector.extract_strided_slice %add3A_938 {offsets = [0, 0], sizes = [1024, 128], strides = [1, 1]} : vector<1024x384xf32> to vector<1024x128xf32>
    %slice3A_944 = vector.extract_strided_slice %add3A_942 {offsets = [0, 0], sizes = [1024, 128], strides = [1, 1]} : vector<1024x384xf32> to vector<1024x128xf32>
    %add3A_945 = arith.addf %slice3A_943, %slice3A_944 : vector<1024x128xf32>
    %logistic3A_946 = arith.negf %add3A_945 : vector<1024x128xf32>
    %logistic3A_947 = math.exp %logistic3A_946 : vector<1024x128xf32>
    %logistic3A_948 = arith.constant 1.000000e+00 : f32
    %logistic3A_949 = vector.broadcast %logistic3A_948 : f32 to vector<1024x128xf32>
    %logistic3A_950 = arith.addf %logistic3A_949, %logistic3A_947 : vector<1024x128xf32>
    %logistic3A_951 = arith.divf %logistic3A_949, %logistic3A_950 : vector<1024x128xf32>
    %slice3A_952 = vector.extract_strided_slice %add3A_938 {offsets = [0, 128], sizes = [1024, 128], strides = [1, 1]} : vector<1024x384xf32> to vector<1024x128xf32>
    %slice3A_953 = vector.extract_strided_slice %add3A_942 {offsets = [0, 128], sizes = [1024, 128], strides = [1, 1]} : vector<1024x384xf32> to vector<1024x128xf32>
    %add3A_954 = arith.addf %slice3A_952, %slice3A_953 : vector<1024x128xf32>
    %logistic3A_955 = arith.negf %add3A_954 : vector<1024x128xf32>
    %logistic3A_956 = math.exp %logistic3A_955 : vector<1024x128xf32>
    %logistic3A_957 = arith.constant 1.000000e+00 : f32
    %logistic3A_958 = vector.broadcast %logistic3A_957 : f32 to vector<1024x128xf32>
    %logistic3A_959 = arith.addf %logistic3A_958, %logistic3A_956 : vector<1024x128xf32>
    %logistic3A_960 = arith.divf %logistic3A_958, %logistic3A_959 : vector<1024x128xf32>
    %slice3A_961 = vector.extract_strided_slice %add3A_938 {offsets = [0, 256], sizes = [1024, 128], strides = [1, 1]} : vector<1024x384xf32> to vector<1024x128xf32>
    %slice3A_962 = vector.extract_strided_slice %add3A_942 {offsets = [0, 256], sizes = [1024, 128], strides = [1, 1]} : vector<1024x384xf32> to vector<1024x128xf32>
    %mul3A_963 = arith.mulf %logistic3A_951, %slice3A_962 : vector<1024x128xf32>
    %add3A_964 = arith.addf %slice3A_961, %mul3A_963 : vector<1024x128xf32>
    %tanh3A_965 = math.tanh %add3A_964 : vector<1024x128xf32>
    %sub3A_966 = arith.constant 1.000000e+00 : f32
    %sub3A_967 = vector.broadcast %sub3A_966 : f32 to vector<1024x128xf32>
    %sub3A_968 = arith.subf %sub3A_967, %logistic3A_960 : vector<1024x128xf32>
    %mul3A_969 = arith.mulf %sub3A_968, %tanh3A_965 : vector<1024x128xf32>
    %mul3A_970 = arith.mulf %logistic3A_960, %add3A_892 : vector<1024x128xf32>
    %add3A_971 = arith.addf %mul3A_969, %mul3A_970 : vector<1024x128xf32>
    %slice3A_972 = vector.extract_strided_slice %get3A_4 {offsets = [0, 36], sizes = [1, 3], strides = [1, 1]} : vector<1x64xf32> to vector<1x3xf32>
    %broadcast_in_dim3A_973 = vector.shape_cast %slice3A_972 : vector<1x3xf32> to vector<1x3xf32>
    %broadcast_in_dim3A_974 = vector.broadcast %broadcast_in_dim3A_973 : vector<1x3xf32> to vector<1024x3xf32>
    %slice3A_975 = vector.extract_strided_slice %get3A_1 {offsets = [0, 36], sizes = [1024, 3], strides = [1, 1]} : vector<1024x64xf32> to vector<1024x3xf32>
    %concatenate3A_976 = tpu.concatenate %broadcast_in_dim3A_974, %slice3A_975 in 1 : vector<1024x3xf32>, vector<1024x3xf32> -> vector<1024x6xf32>
    %dot_general3A_977 = arith.constant dense<0.000000e+00> : vector<1024x384xf32>
    %dot_general3A_978 = tpu.matmul %concatenate3A_976, %get3A_7, %dot_general3A_977 {dimension_numbers = #tpu.dot_dimension_numbers<[1], [0], [0], [1], [0, 0, 1, 1], [], []>, transpose_lhs_hint = false} : vector<1024x6xf32>, vector<6x384xf32>, vector<1024x384xf32> -> vector<1024x384xf32>
    %add3A_979 = vector.broadcast %get3A_19 : vector<1x384xf32> to vector<1024x384xf32>
    %add3A_980 = arith.addf %dot_general3A_978, %add3A_979 : vector<1024x384xf32>
    %dot_general3A_981 = arith.constant dense<0.000000e+00> : vector<1024x384xf32>
    %dot_general3A_982 = tpu.matmul %add3A_934, %get3A_10, %dot_general3A_981 {dimension_numbers = #tpu.dot_dimension_numbers<[1], [0], [0], [1], [0, 0, 1, 1], [], []>, transpose_lhs_hint = false} : vector<1024x128xf32>, vector<128x384xf32>, vector<1024x384xf32> -> vector<1024x384xf32>
    %add3A_983 = vector.broadcast %get3A_22 : vector<1x384xf32> to vector<1024x384xf32>
    %add3A_984 = arith.addf %dot_general3A_982, %add3A_983 : vector<1024x384xf32>
    %slice3A_985 = vector.extract_strided_slice %add3A_980 {offsets = [0, 0], sizes = [1024, 128], strides = [1, 1]} : vector<1024x384xf32> to vector<1024x128xf32>
    %slice3A_986 = vector.extract_strided_slice %add3A_984 {offsets = [0, 0], sizes = [1024, 128], strides = [1, 1]} : vector<1024x384xf32> to vector<1024x128xf32>
    %add3A_987 = arith.addf %slice3A_985, %slice3A_986 : vector<1024x128xf32>
    %logistic3A_988 = arith.negf %add3A_987 : vector<1024x128xf32>
    %logistic3A_989 = math.exp %logistic3A_988 : vector<1024x128xf32>
    %logistic3A_990 = arith.constant 1.000000e+00 : f32
    %logistic3A_991 = vector.broadcast %logistic3A_990 : f32 to vector<1024x128xf32>
    %logistic3A_992 = arith.addf %logistic3A_991, %logistic3A_989 : vector<1024x128xf32>
    %logistic3A_993 = arith.divf %logistic3A_991, %logistic3A_992 : vector<1024x128xf32>
    %slice3A_994 = vector.extract_strided_slice %add3A_980 {offsets = [0, 128], sizes = [1024, 128], strides = [1, 1]} : vector<1024x384xf32> to vector<1024x128xf32>
    %slice3A_995 = vector.extract_strided_slice %add3A_984 {offsets = [0, 128], sizes = [1024, 128], strides = [1, 1]} : vector<1024x384xf32> to vector<1024x128xf32>
    %add3A_996 = arith.addf %slice3A_994, %slice3A_995 : vector<1024x128xf32>
    %logistic3A_997 = arith.negf %add3A_996 : vector<1024x128xf32>
    %logistic3A_998 = math.exp %logistic3A_997 : vector<1024x128xf32>
    %logistic3A_999 = arith.constant 1.000000e+00 : f32
    %logistic3A_1000 = vector.broadcast %logistic3A_999 : f32 to vector<1024x128xf32>
    %logistic3A_1001 = arith.addf %logistic3A_1000, %logistic3A_998 : vector<1024x128xf32>
    %logistic3A_1002 = arith.divf %logistic3A_1000, %logistic3A_1001 : vector<1024x128xf32>
    %slice3A_1003 = vector.extract_strided_slice %add3A_980 {offsets = [0, 256], sizes = [1024, 128], strides = [1, 1]} : vector<1024x384xf32> to vector<1024x128xf32>
    %slice3A_1004 = vector.extract_strided_slice %add3A_984 {offsets = [0, 256], sizes = [1024, 128], strides = [1, 1]} : vector<1024x384xf32> to vector<1024x128xf32>
    %mul3A_1005 = arith.mulf %logistic3A_993, %slice3A_1004 : vector<1024x128xf32>
    %add3A_1006 = arith.addf %slice3A_1003, %mul3A_1005 : vector<1024x128xf32>
    %tanh3A_1007 = math.tanh %add3A_1006 : vector<1024x128xf32>
    %sub3A_1008 = arith.constant 1.000000e+00 : f32
    %sub3A_1009 = vector.broadcast %sub3A_1008 : f32 to vector<1024x128xf32>
    %sub3A_1010 = arith.subf %sub3A_1009, %logistic3A_1002 : vector<1024x128xf32>
    %mul3A_1011 = arith.mulf %sub3A_1010, %tanh3A_1007 : vector<1024x128xf32>
    %mul3A_1012 = arith.mulf %logistic3A_1002, %add3A_934 : vector<1024x128xf32>
    %add3A_1013 = arith.addf %mul3A_1011, %mul3A_1012 : vector<1024x128xf32>
    %dot_general3A_1014 = arith.constant dense<0.000000e+00> : vector<1024x384xf32>
    %dot_general3A_1015 = tpu.matmul %add3A_1013, %get3A_13, %dot_general3A_1014 {dimension_numbers = #tpu.dot_dimension_numbers<[1], [0], [0], [1], [0, 0, 1, 1], [], []>, transpose_lhs_hint = false} : vector<1024x128xf32>, vector<128x384xf32>, vector<1024x384xf32> -> vector<1024x384xf32>
    %add3A_1016 = vector.broadcast %get3A_25 : vector<1x384xf32> to vector<1024x384xf32>
    %add3A_1017 = arith.addf %dot_general3A_1015, %add3A_1016 : vector<1024x384xf32>
    %dot_general3A_1018 = arith.constant dense<0.000000e+00> : vector<1024x384xf32>
    %dot_general3A_1019 = tpu.matmul %add3A_971, %get3A_16, %dot_general3A_1018 {dimension_numbers = #tpu.dot_dimension_numbers<[1], [0], [0], [1], [0, 0, 1, 1], [], []>, transpose_lhs_hint = false} : vector<1024x128xf32>, vector<128x384xf32>, vector<1024x384xf32> -> vector<1024x384xf32>
    %add3A_1020 = vector.broadcast %get3A_28 : vector<1x384xf32> to vector<1024x384xf32>
    %add3A_1021 = arith.addf %dot_general3A_1019, %add3A_1020 : vector<1024x384xf32>
    %slice3A_1022 = vector.extract_strided_slice %add3A_1017 {offsets = [0, 0], sizes = [1024, 128], strides = [1, 1]} : vector<1024x384xf32> to vector<1024x128xf32>
    %slice3A_1023 = vector.extract_strided_slice %add3A_1021 {offsets = [0, 0], sizes = [1024, 128], strides = [1, 1]} : vector<1024x384xf32> to vector<1024x128xf32>
    %add3A_1024 = arith.addf %slice3A_1022, %slice3A_1023 : vector<1024x128xf32>
    %logistic3A_1025 = arith.negf %add3A_1024 : vector<1024x128xf32>
    %logistic3A_1026 = math.exp %logistic3A_1025 : vector<1024x128xf32>
    %logistic3A_1027 = arith.constant 1.000000e+00 : f32
    %logistic3A_1028 = vector.broadcast %logistic3A_1027 : f32 to vector<1024x128xf32>
    %logistic3A_1029 = arith.addf %logistic3A_1028, %logistic3A_1026 : vector<1024x128xf32>
    %logistic3A_1030 = arith.divf %logistic3A_1028, %logistic3A_1029 : vector<1024x128xf32>
    %slice3A_1031 = vector.extract_strided_slice %add3A_1017 {offsets = [0, 128], sizes = [1024, 128], strides = [1, 1]} : vector<1024x384xf32> to vector<1024x128xf32>
    %slice3A_1032 = vector.extract_strided_slice %add3A_1021 {offsets = [0, 128], sizes = [1024, 128], strides = [1, 1]} : vector<1024x384xf32> to vector<1024x128xf32>
    %add3A_1033 = arith.addf %slice3A_1031, %slice3A_1032 : vector<1024x128xf32>
    %logistic3A_1034 = arith.negf %add3A_1033 : vector<1024x128xf32>
    %logistic3A_1035 = math.exp %logistic3A_1034 : vector<1024x128xf32>
    %logistic3A_1036 = arith.constant 1.000000e+00 : f32
    %logistic3A_1037 = vector.broadcast %logistic3A_1036 : f32 to vector<1024x128xf32>
    %logistic3A_1038 = arith.addf %logistic3A_1037, %logistic3A_1035 : vector<1024x128xf32>
    %logistic3A_1039 = arith.divf %logistic3A_1037, %logistic3A_1038 : vector<1024x128xf32>
    %slice3A_1040 = vector.extract_strided_slice %add3A_1017 {offsets = [0, 256], sizes = [1024, 128], strides = [1, 1]} : vector<1024x384xf32> to vector<1024x128xf32>
    %slice3A_1041 = vector.extract_strided_slice %add3A_1021 {offsets = [0, 256], sizes = [1024, 128], strides = [1, 1]} : vector<1024x384xf32> to vector<1024x128xf32>
    %mul3A_1042 = arith.mulf %logistic3A_1030, %slice3A_1041 : vector<1024x128xf32>
    %add3A_1043 = arith.addf %slice3A_1040, %mul3A_1042 : vector<1024x128xf32>
    %tanh3A_1044 = math.tanh %add3A_1043 : vector<1024x128xf32>
    %sub3A_1045 = arith.constant 1.000000e+00 : f32
    %sub3A_1046 = vector.broadcast %sub3A_1045 : f32 to vector<1024x128xf32>
    %sub3A_1047 = arith.subf %sub3A_1046, %logistic3A_1039 : vector<1024x128xf32>
    %mul3A_1048 = arith.mulf %sub3A_1047, %tanh3A_1044 : vector<1024x128xf32>
    %mul3A_1049 = arith.mulf %logistic3A_1039, %add3A_971 : vector<1024x128xf32>
    %add3A_1050 = arith.addf %mul3A_1048, %mul3A_1049 : vector<1024x128xf32>
    %slice3A_1051 = vector.extract_strided_slice %get3A_4 {offsets = [0, 39], sizes = [1, 3], strides = [1, 1]} : vector<1x64xf32> to vector<1x3xf32>
    %broadcast_in_dim3A_1052 = vector.shape_cast %slice3A_1051 : vector<1x3xf32> to vector<1x3xf32>
    %broadcast_in_dim3A_1053 = vector.broadcast %broadcast_in_dim3A_1052 : vector<1x3xf32> to vector<1024x3xf32>
    %slice3A_1054 = vector.extract_strided_slice %get3A_1 {offsets = [0, 39], sizes = [1024, 3], strides = [1, 1]} : vector<1024x64xf32> to vector<1024x3xf32>
    %concatenate3A_1055 = tpu.concatenate %broadcast_in_dim3A_1053, %slice3A_1054 in 1 : vector<1024x3xf32>, vector<1024x3xf32> -> vector<1024x6xf32>
    %dot_general3A_1056 = arith.constant dense<0.000000e+00> : vector<1024x384xf32>
    %dot_general3A_1057 = tpu.matmul %concatenate3A_1055, %get3A_7, %dot_general3A_1056 {dimension_numbers = #tpu.dot_dimension_numbers<[1], [0], [0], [1], [0, 0, 1, 1], [], []>, transpose_lhs_hint = false} : vector<1024x6xf32>, vector<6x384xf32>, vector<1024x384xf32> -> vector<1024x384xf32>
    %add3A_1058 = vector.broadcast %get3A_19 : vector<1x384xf32> to vector<1024x384xf32>
    %add3A_1059 = arith.addf %dot_general3A_1057, %add3A_1058 : vector<1024x384xf32>
    %dot_general3A_1060 = arith.constant dense<0.000000e+00> : vector<1024x384xf32>
    %dot_general3A_1061 = tpu.matmul %add3A_1013, %get3A_10, %dot_general3A_1060 {dimension_numbers = #tpu.dot_dimension_numbers<[1], [0], [0], [1], [0, 0, 1, 1], [], []>, transpose_lhs_hint = false} : vector<1024x128xf32>, vector<128x384xf32>, vector<1024x384xf32> -> vector<1024x384xf32>
    %add3A_1062 = vector.broadcast %get3A_22 : vector<1x384xf32> to vector<1024x384xf32>
    %add3A_1063 = arith.addf %dot_general3A_1061, %add3A_1062 : vector<1024x384xf32>
    %slice3A_1064 = vector.extract_strided_slice %add3A_1059 {offsets = [0, 0], sizes = [1024, 128], strides = [1, 1]} : vector<1024x384xf32> to vector<1024x128xf32>
    %slice3A_1065 = vector.extract_strided_slice %add3A_1063 {offsets = [0, 0], sizes = [1024, 128], strides = [1, 1]} : vector<1024x384xf32> to vector<1024x128xf32>
    %add3A_1066 = arith.addf %slice3A_1064, %slice3A_1065 : vector<1024x128xf32>
    %logistic3A_1067 = arith.negf %add3A_1066 : vector<1024x128xf32>
    %logistic3A_1068 = math.exp %logistic3A_1067 : vector<1024x128xf32>
    %logistic3A_1069 = arith.constant 1.000000e+00 : f32
    %logistic3A_1070 = vector.broadcast %logistic3A_1069 : f32 to vector<1024x128xf32>
    %logistic3A_1071 = arith.addf %logistic3A_1070, %logistic3A_1068 : vector<1024x128xf32>
    %logistic3A_1072 = arith.divf %logistic3A_1070, %logistic3A_1071 : vector<1024x128xf32>
    %slice3A_1073 = vector.extract_strided_slice %add3A_1059 {offsets = [0, 128], sizes = [1024, 128], strides = [1, 1]} : vector<1024x384xf32> to vector<1024x128xf32>
    %slice3A_1074 = vector.extract_strided_slice %add3A_1063 {offsets = [0, 128], sizes = [1024, 128], strides = [1, 1]} : vector<1024x384xf32> to vector<1024x128xf32>
    %add3A_1075 = arith.addf %slice3A_1073, %slice3A_1074 : vector<1024x128xf32>
    %logistic3A_1076 = arith.negf %add3A_1075 : vector<1024x128xf32>
    %logistic3A_1077 = math.exp %logistic3A_1076 : vector<1024x128xf32>
    %logistic3A_1078 = arith.constant 1.000000e+00 : f32
    %logistic3A_1079 = vector.broadcast %logistic3A_1078 : f32 to vector<1024x128xf32>
    %logistic3A_1080 = arith.addf %logistic3A_1079, %logistic3A_1077 : vector<1024x128xf32>
    %logistic3A_1081 = arith.divf %logistic3A_1079, %logistic3A_1080 : vector<1024x128xf32>
    %slice3A_1082 = vector.extract_strided_slice %add3A_1059 {offsets = [0, 256], sizes = [1024, 128], strides = [1, 1]} : vector<1024x384xf32> to vector<1024x128xf32>
    %slice3A_1083 = vector.extract_strided_slice %add3A_1063 {offsets = [0, 256], sizes = [1024, 128], strides = [1, 1]} : vector<1024x384xf32> to vector<1024x128xf32>
    %mul3A_1084 = arith.mulf %logistic3A_1072, %slice3A_1083 : vector<1024x128xf32>
    %add3A_1085 = arith.addf %slice3A_1082, %mul3A_1084 : vector<1024x128xf32>
    %tanh3A_1086 = math.tanh %add3A_1085 : vector<1024x128xf32>
    %sub3A_1087 = arith.constant 1.000000e+00 : f32
    %sub3A_1088 = vector.broadcast %sub3A_1087 : f32 to vector<1024x128xf32>
    %sub3A_1089 = arith.subf %sub3A_1088, %logistic3A_1081 : vector<1024x128xf32>
    %mul3A_1090 = arith.mulf %sub3A_1089, %tanh3A_1086 : vector<1024x128xf32>
    %mul3A_1091 = arith.mulf %logistic3A_1081, %add3A_1013 : vector<1024x128xf32>
    %add3A_1092 = arith.addf %mul3A_1090, %mul3A_1091 : vector<1024x128xf32>
    %dot_general3A_1093 = arith.constant dense<0.000000e+00> : vector<1024x384xf32>
    %dot_general3A_1094 = tpu.matmul %add3A_1092, %get3A_13, %dot_general3A_1093 {dimension_numbers = #tpu.dot_dimension_numbers<[1], [0], [0], [1], [0, 0, 1, 1], [], []>, transpose_lhs_hint = false} : vector<1024x128xf32>, vector<128x384xf32>, vector<1024x384xf32> -> vector<1024x384xf32>
    %add3A_1095 = vector.broadcast %get3A_25 : vector<1x384xf32> to vector<1024x384xf32>
    %add3A_1096 = arith.addf %dot_general3A_1094, %add3A_1095 : vector<1024x384xf32>
    %dot_general3A_1097 = arith.constant dense<0.000000e+00> : vector<1024x384xf32>
    %dot_general3A_1098 = tpu.matmul %add3A_1050, %get3A_16, %dot_general3A_1097 {dimension_numbers = #tpu.dot_dimension_numbers<[1], [0], [0], [1], [0, 0, 1, 1], [], []>, transpose_lhs_hint = false} : vector<1024x128xf32>, vector<128x384xf32>, vector<1024x384xf32> -> vector<1024x384xf32>
    %add3A_1099 = vector.broadcast %get3A_28 : vector<1x384xf32> to vector<1024x384xf32>
    %add3A_1100 = arith.addf %dot_general3A_1098, %add3A_1099 : vector<1024x384xf32>
    %slice3A_1101 = vector.extract_strided_slice %add3A_1096 {offsets = [0, 0], sizes = [1024, 128], strides = [1, 1]} : vector<1024x384xf32> to vector<1024x128xf32>
    %slice3A_1102 = vector.extract_strided_slice %add3A_1100 {offsets = [0, 0], sizes = [1024, 128], strides = [1, 1]} : vector<1024x384xf32> to vector<1024x128xf32>
    %add3A_1103 = arith.addf %slice3A_1101, %slice3A_1102 : vector<1024x128xf32>
    %logistic3A_1104 = arith.negf %add3A_1103 : vector<1024x128xf32>
    %logistic3A_1105 = math.exp %logistic3A_1104 : vector<1024x128xf32>
    %logistic3A_1106 = arith.constant 1.000000e+00 : f32
    %logistic3A_1107 = vector.broadcast %logistic3A_1106 : f32 to vector<1024x128xf32>
    %logistic3A_1108 = arith.addf %logistic3A_1107, %logistic3A_1105 : vector<1024x128xf32>
    %logistic3A_1109 = arith.divf %logistic3A_1107, %logistic3A_1108 : vector<1024x128xf32>
    %slice3A_1110 = vector.extract_strided_slice %add3A_1096 {offsets = [0, 128], sizes = [1024, 128], strides = [1, 1]} : vector<1024x384xf32> to vector<1024x128xf32>
    %slice3A_1111 = vector.extract_strided_slice %add3A_1100 {offsets = [0, 128], sizes = [1024, 128], strides = [1, 1]} : vector<1024x384xf32> to vector<1024x128xf32>
    %add3A_1112 = arith.addf %slice3A_1110, %slice3A_1111 : vector<1024x128xf32>
    %logistic3A_1113 = arith.negf %add3A_1112 : vector<1024x128xf32>
    %logistic3A_1114 = math.exp %logistic3A_1113 : vector<1024x128xf32>
    %logistic3A_1115 = arith.constant 1.000000e+00 : f32
    %logistic3A_1116 = vector.broadcast %logistic3A_1115 : f32 to vector<1024x128xf32>
    %logistic3A_1117 = arith.addf %logistic3A_1116, %logistic3A_1114 : vector<1024x128xf32>
    %logistic3A_1118 = arith.divf %logistic3A_1116, %logistic3A_1117 : vector<1024x128xf32>
    %slice3A_1119 = vector.extract_strided_slice %add3A_1096 {offsets = [0, 256], sizes = [1024, 128], strides = [1, 1]} : vector<1024x384xf32> to vector<1024x128xf32>
    %slice3A_1120 = vector.extract_strided_slice %add3A_1100 {offsets = [0, 256], sizes = [1024, 128], strides = [1, 1]} : vector<1024x384xf32> to vector<1024x128xf32>
    %mul3A_1121 = arith.mulf %logistic3A_1109, %slice3A_1120 : vector<1024x128xf32>
    %add3A_1122 = arith.addf %slice3A_1119, %mul3A_1121 : vector<1024x128xf32>
    %tanh3A_1123 = math.tanh %add3A_1122 : vector<1024x128xf32>
    %sub3A_1124 = arith.constant 1.000000e+00 : f32
    %sub3A_1125 = vector.broadcast %sub3A_1124 : f32 to vector<1024x128xf32>
    %sub3A_1126 = arith.subf %sub3A_1125, %logistic3A_1118 : vector<1024x128xf32>
    %mul3A_1127 = arith.mulf %sub3A_1126, %tanh3A_1123 : vector<1024x128xf32>
    %mul3A_1128 = arith.mulf %logistic3A_1118, %add3A_1050 : vector<1024x128xf32>
    %add3A_1129 = arith.addf %mul3A_1127, %mul3A_1128 : vector<1024x128xf32>
    %slice3A_1130 = vector.extract_strided_slice %get3A_4 {offsets = [0, 42], sizes = [1, 3], strides = [1, 1]} : vector<1x64xf32> to vector<1x3xf32>
    %broadcast_in_dim3A_1131 = vector.shape_cast %slice3A_1130 : vector<1x3xf32> to vector<1x3xf32>
    %broadcast_in_dim3A_1132 = vector.broadcast %broadcast_in_dim3A_1131 : vector<1x3xf32> to vector<1024x3xf32>
    %slice3A_1133 = vector.extract_strided_slice %get3A_1 {offsets = [0, 42], sizes = [1024, 3], strides = [1, 1]} : vector<1024x64xf32> to vector<1024x3xf32>
    %concatenate3A_1134 = tpu.concatenate %broadcast_in_dim3A_1132, %slice3A_1133 in 1 : vector<1024x3xf32>, vector<1024x3xf32> -> vector<1024x6xf32>
    %dot_general3A_1135 = arith.constant dense<0.000000e+00> : vector<1024x384xf32>
    %dot_general3A_1136 = tpu.matmul %concatenate3A_1134, %get3A_7, %dot_general3A_1135 {dimension_numbers = #tpu.dot_dimension_numbers<[1], [0], [0], [1], [0, 0, 1, 1], [], []>, transpose_lhs_hint = false} : vector<1024x6xf32>, vector<6x384xf32>, vector<1024x384xf32> -> vector<1024x384xf32>
    %add3A_1137 = vector.broadcast %get3A_19 : vector<1x384xf32> to vector<1024x384xf32>
    %add3A_1138 = arith.addf %dot_general3A_1136, %add3A_1137 : vector<1024x384xf32>
    %dot_general3A_1139 = arith.constant dense<0.000000e+00> : vector<1024x384xf32>
    %dot_general3A_1140 = tpu.matmul %add3A_1092, %get3A_10, %dot_general3A_1139 {dimension_numbers = #tpu.dot_dimension_numbers<[1], [0], [0], [1], [0, 0, 1, 1], [], []>, transpose_lhs_hint = false} : vector<1024x128xf32>, vector<128x384xf32>, vector<1024x384xf32> -> vector<1024x384xf32>
    %add3A_1141 = vector.broadcast %get3A_22 : vector<1x384xf32> to vector<1024x384xf32>
    %add3A_1142 = arith.addf %dot_general3A_1140, %add3A_1141 : vector<1024x384xf32>
    %slice3A_1143 = vector.extract_strided_slice %add3A_1138 {offsets = [0, 0], sizes = [1024, 128], strides = [1, 1]} : vector<1024x384xf32> to vector<1024x128xf32>
    %slice3A_1144 = vector.extract_strided_slice %add3A_1142 {offsets = [0, 0], sizes = [1024, 128], strides = [1, 1]} : vector<1024x384xf32> to vector<1024x128xf32>
    %add3A_1145 = arith.addf %slice3A_1143, %slice3A_1144 : vector<1024x128xf32>
    %logistic3A_1146 = arith.negf %add3A_1145 : vector<1024x128xf32>
    %logistic3A_1147 = math.exp %logistic3A_1146 : vector<1024x128xf32>
    %logistic3A_1148 = arith.constant 1.000000e+00 : f32
    %logistic3A_1149 = vector.broadcast %logistic3A_1148 : f32 to vector<1024x128xf32>
    %logistic3A_1150 = arith.addf %logistic3A_1149, %logistic3A_1147 : vector<1024x128xf32>
    %logistic3A_1151 = arith.divf %logistic3A_1149, %logistic3A_1150 : vector<1024x128xf32>
    %slice3A_1152 = vector.extract_strided_slice %add3A_1138 {offsets = [0, 128], sizes = [1024, 128], strides = [1, 1]} : vector<1024x384xf32> to vector<1024x128xf32>
    %slice3A_1153 = vector.extract_strided_slice %add3A_1142 {offsets = [0, 128], sizes = [1024, 128], strides = [1, 1]} : vector<1024x384xf32> to vector<1024x128xf32>
    %add3A_1154 = arith.addf %slice3A_1152, %slice3A_1153 : vector<1024x128xf32>
    %logistic3A_1155 = arith.negf %add3A_1154 : vector<1024x128xf32>
    %logistic3A_1156 = math.exp %logistic3A_1155 : vector<1024x128xf32>
    %logistic3A_1157 = arith.constant 1.000000e+00 : f32
    %logistic3A_1158 = vector.broadcast %logistic3A_1157 : f32 to vector<1024x128xf32>
    %logistic3A_1159 = arith.addf %logistic3A_1158, %logistic3A_1156 : vector<1024x128xf32>
    %logistic3A_1160 = arith.divf %logistic3A_1158, %logistic3A_1159 : vector<1024x128xf32>
    %slice3A_1161 = vector.extract_strided_slice %add3A_1138 {offsets = [0, 256], sizes = [1024, 128], strides = [1, 1]} : vector<1024x384xf32> to vector<1024x128xf32>
    %slice3A_1162 = vector.extract_strided_slice %add3A_1142 {offsets = [0, 256], sizes = [1024, 128], strides = [1, 1]} : vector<1024x384xf32> to vector<1024x128xf32>
    %mul3A_1163 = arith.mulf %logistic3A_1151, %slice3A_1162 : vector<1024x128xf32>
    %add3A_1164 = arith.addf %slice3A_1161, %mul3A_1163 : vector<1024x128xf32>
    %tanh3A_1165 = math.tanh %add3A_1164 : vector<1024x128xf32>
    %sub3A_1166 = arith.constant 1.000000e+00 : f32
    %sub3A_1167 = vector.broadcast %sub3A_1166 : f32 to vector<1024x128xf32>
    %sub3A_1168 = arith.subf %sub3A_1167, %logistic3A_1160 : vector<1024x128xf32>
    %mul3A_1169 = arith.mulf %sub3A_1168, %tanh3A_1165 : vector<1024x128xf32>
    %mul3A_1170 = arith.mulf %logistic3A_1160, %add3A_1092 : vector<1024x128xf32>
    %add3A_1171 = arith.addf %mul3A_1169, %mul3A_1170 : vector<1024x128xf32>
    %dot_general3A_1172 = arith.constant dense<0.000000e+00> : vector<1024x384xf32>
    %dot_general3A_1173 = tpu.matmul %add3A_1171, %get3A_13, %dot_general3A_1172 {dimension_numbers = #tpu.dot_dimension_numbers<[1], [0], [0], [1], [0, 0, 1, 1], [], []>, transpose_lhs_hint = false} : vector<1024x128xf32>, vector<128x384xf32>, vector<1024x384xf32> -> vector<1024x384xf32>
    %add3A_1174 = vector.broadcast %get3A_25 : vector<1x384xf32> to vector<1024x384xf32>
    %add3A_1175 = arith.addf %dot_general3A_1173, %add3A_1174 : vector<1024x384xf32>
    %dot_general3A_1176 = arith.constant dense<0.000000e+00> : vector<1024x384xf32>
    %dot_general3A_1177 = tpu.matmul %add3A_1129, %get3A_16, %dot_general3A_1176 {dimension_numbers = #tpu.dot_dimension_numbers<[1], [0], [0], [1], [0, 0, 1, 1], [], []>, transpose_lhs_hint = false} : vector<1024x128xf32>, vector<128x384xf32>, vector<1024x384xf32> -> vector<1024x384xf32>
    %add3A_1178 = vector.broadcast %get3A_28 : vector<1x384xf32> to vector<1024x384xf32>
    %add3A_1179 = arith.addf %dot_general3A_1177, %add3A_1178 : vector<1024x384xf32>
    %slice3A_1180 = vector.extract_strided_slice %add3A_1175 {offsets = [0, 0], sizes = [1024, 128], strides = [1, 1]} : vector<1024x384xf32> to vector<1024x128xf32>
    %slice3A_1181 = vector.extract_strided_slice %add3A_1179 {offsets = [0, 0], sizes = [1024, 128], strides = [1, 1]} : vector<1024x384xf32> to vector<1024x128xf32>
    %add3A_1182 = arith.addf %slice3A_1180, %slice3A_1181 : vector<1024x128xf32>
    %logistic3A_1183 = arith.negf %add3A_1182 : vector<1024x128xf32>
    %logistic3A_1184 = math.exp %logistic3A_1183 : vector<1024x128xf32>
    %logistic3A_1185 = arith.constant 1.000000e+00 : f32
    %logistic3A_1186 = vector.broadcast %logistic3A_1185 : f32 to vector<1024x128xf32>
    %logistic3A_1187 = arith.addf %logistic3A_1186, %logistic3A_1184 : vector<1024x128xf32>
    %logistic3A_1188 = arith.divf %logistic3A_1186, %logistic3A_1187 : vector<1024x128xf32>
    %slice3A_1189 = vector.extract_strided_slice %add3A_1175 {offsets = [0, 128], sizes = [1024, 128], strides = [1, 1]} : vector<1024x384xf32> to vector<1024x128xf32>
    %slice3A_1190 = vector.extract_strided_slice %add3A_1179 {offsets = [0, 128], sizes = [1024, 128], strides = [1, 1]} : vector<1024x384xf32> to vector<1024x128xf32>
    %add3A_1191 = arith.addf %slice3A_1189, %slice3A_1190 : vector<1024x128xf32>
    %logistic3A_1192 = arith.negf %add3A_1191 : vector<1024x128xf32>
    %logistic3A_1193 = math.exp %logistic3A_1192 : vector<1024x128xf32>
    %logistic3A_1194 = arith.constant 1.000000e+00 : f32
    %logistic3A_1195 = vector.broadcast %logistic3A_1194 : f32 to vector<1024x128xf32>
    %logistic3A_1196 = arith.addf %logistic3A_1195, %logistic3A_1193 : vector<1024x128xf32>
    %logistic3A_1197 = arith.divf %logistic3A_1195, %logistic3A_1196 : vector<1024x128xf32>
    %slice3A_1198 = vector.extract_strided_slice %add3A_1175 {offsets = [0, 256], sizes = [1024, 128], strides = [1, 1]} : vector<1024x384xf32> to vector<1024x128xf32>
    %slice3A_1199 = vector.extract_strided_slice %add3A_1179 {offsets = [0, 256], sizes = [1024, 128], strides = [1, 1]} : vector<1024x384xf32> to vector<1024x128xf32>
    %mul3A_1200 = arith.mulf %logistic3A_1188, %slice3A_1199 : vector<1024x128xf32>
    %add3A_1201 = arith.addf %slice3A_1198, %mul3A_1200 : vector<1024x128xf32>
    %tanh3A_1202 = math.tanh %add3A_1201 : vector<1024x128xf32>
    %sub3A_1203 = arith.constant 1.000000e+00 : f32
    %sub3A_1204 = vector.broadcast %sub3A_1203 : f32 to vector<1024x128xf32>
    %sub3A_1205 = arith.subf %sub3A_1204, %logistic3A_1197 : vector<1024x128xf32>
    %mul3A_1206 = arith.mulf %sub3A_1205, %tanh3A_1202 : vector<1024x128xf32>
    %mul3A_1207 = arith.mulf %logistic3A_1197, %add3A_1129 : vector<1024x128xf32>
    %add3A_1208 = arith.addf %mul3A_1206, %mul3A_1207 : vector<1024x128xf32>
    %slice3A_1209 = vector.extract_strided_slice %get3A_4 {offsets = [0, 45], sizes = [1, 3], strides = [1, 1]} : vector<1x64xf32> to vector<1x3xf32>
    %broadcast_in_dim3A_1210 = vector.shape_cast %slice3A_1209 : vector<1x3xf32> to vector<1x3xf32>
    %broadcast_in_dim3A_1211 = vector.broadcast %broadcast_in_dim3A_1210 : vector<1x3xf32> to vector<1024x3xf32>
    %slice3A_1212 = vector.extract_strided_slice %get3A_1 {offsets = [0, 45], sizes = [1024, 3], strides = [1, 1]} : vector<1024x64xf32> to vector<1024x3xf32>
    %concatenate3A_1213 = tpu.concatenate %broadcast_in_dim3A_1211, %slice3A_1212 in 1 : vector<1024x3xf32>, vector<1024x3xf32> -> vector<1024x6xf32>
    %dot_general3A_1214 = arith.constant dense<0.000000e+00> : vector<1024x384xf32>
    %dot_general3A_1215 = tpu.matmul %concatenate3A_1213, %get3A_7, %dot_general3A_1214 {dimension_numbers = #tpu.dot_dimension_numbers<[1], [0], [0], [1], [0, 0, 1, 1], [], []>, transpose_lhs_hint = false} : vector<1024x6xf32>, vector<6x384xf32>, vector<1024x384xf32> -> vector<1024x384xf32>
    %add3A_1216 = vector.broadcast %get3A_19 : vector<1x384xf32> to vector<1024x384xf32>
    %add3A_1217 = arith.addf %dot_general3A_1215, %add3A_1216 : vector<1024x384xf32>
    %dot_general3A_1218 = arith.constant dense<0.000000e+00> : vector<1024x384xf32>
    %dot_general3A_1219 = tpu.matmul %add3A_1171, %get3A_10, %dot_general3A_1218 {dimension_numbers = #tpu.dot_dimension_numbers<[1], [0], [0], [1], [0, 0, 1, 1], [], []>, transpose_lhs_hint = false} : vector<1024x128xf32>, vector<128x384xf32>, vector<1024x384xf32> -> vector<1024x384xf32>
    %add3A_1220 = vector.broadcast %get3A_22 : vector<1x384xf32> to vector<1024x384xf32>
    %add3A_1221 = arith.addf %dot_general3A_1219, %add3A_1220 : vector<1024x384xf32>
    %slice3A_1222 = vector.extract_strided_slice %add3A_1217 {offsets = [0, 0], sizes = [1024, 128], strides = [1, 1]} : vector<1024x384xf32> to vector<1024x128xf32>
    %slice3A_1223 = vector.extract_strided_slice %add3A_1221 {offsets = [0, 0], sizes = [1024, 128], strides = [1, 1]} : vector<1024x384xf32> to vector<1024x128xf32>
    %add3A_1224 = arith.addf %slice3A_1222, %slice3A_1223 : vector<1024x128xf32>
    %logistic3A_1225 = arith.negf %add3A_1224 : vector<1024x128xf32>
    %logistic3A_1226 = math.exp %logistic3A_1225 : vector<1024x128xf32>
    %logistic3A_1227 = arith.constant 1.000000e+00 : f32
    %logistic3A_1228 = vector.broadcast %logistic3A_1227 : f32 to vector<1024x128xf32>
    %logistic3A_1229 = arith.addf %logistic3A_1228, %logistic3A_1226 : vector<1024x128xf32>
    %logistic3A_1230 = arith.divf %logistic3A_1228, %logistic3A_1229 : vector<1024x128xf32>
    %slice3A_1231 = vector.extract_strided_slice %add3A_1217 {offsets = [0, 128], sizes = [1024, 128], strides = [1, 1]} : vector<1024x384xf32> to vector<1024x128xf32>
    %slice3A_1232 = vector.extract_strided_slice %add3A_1221 {offsets = [0, 128], sizes = [1024, 128], strides = [1, 1]} : vector<1024x384xf32> to vector<1024x128xf32>
    %add3A_1233 = arith.addf %slice3A_1231, %slice3A_1232 : vector<1024x128xf32>
    %logistic3A_1234 = arith.negf %add3A_1233 : vector<1024x128xf32>
    %logistic3A_1235 = math.exp %logistic3A_1234 : vector<1024x128xf32>
    %logistic3A_1236 = arith.constant 1.000000e+00 : f32
    %logistic3A_1237 = vector.broadcast %logistic3A_1236 : f32 to vector<1024x128xf32>
    %logistic3A_1238 = arith.addf %logistic3A_1237, %logistic3A_1235 : vector<1024x128xf32>
    %logistic3A_1239 = arith.divf %logistic3A_1237, %logistic3A_1238 : vector<1024x128xf32>
    %slice3A_1240 = vector.extract_strided_slice %add3A_1217 {offsets = [0, 256], sizes = [1024, 128], strides = [1, 1]} : vector<1024x384xf32> to vector<1024x128xf32>
    %slice3A_1241 = vector.extract_strided_slice %add3A_1221 {offsets = [0, 256], sizes = [1024, 128], strides = [1, 1]} : vector<1024x384xf32> to vector<1024x128xf32>
    %mul3A_1242 = arith.mulf %logistic3A_1230, %slice3A_1241 : vector<1024x128xf32>
    %add3A_1243 = arith.addf %slice3A_1240, %mul3A_1242 : vector<1024x128xf32>
    %tanh3A_1244 = math.tanh %add3A_1243 : vector<1024x128xf32>
    %sub3A_1245 = arith.constant 1.000000e+00 : f32
    %sub3A_1246 = vector.broadcast %sub3A_1245 : f32 to vector<1024x128xf32>
    %sub3A_1247 = arith.subf %sub3A_1246, %logistic3A_1239 : vector<1024x128xf32>
    %mul3A_1248 = arith.mulf %sub3A_1247, %tanh3A_1244 : vector<1024x128xf32>
    %mul3A_1249 = arith.mulf %logistic3A_1239, %add3A_1171 : vector<1024x128xf32>
    %add3A_1250 = arith.addf %mul3A_1248, %mul3A_1249 : vector<1024x128xf32>
    %dot_general3A_1251 = arith.constant dense<0.000000e+00> : vector<1024x384xf32>
    %dot_general3A_1252 = tpu.matmul %add3A_1250, %get3A_13, %dot_general3A_1251 {dimension_numbers = #tpu.dot_dimension_numbers<[1], [0], [0], [1], [0, 0, 1, 1], [], []>, transpose_lhs_hint = false} : vector<1024x128xf32>, vector<128x384xf32>, vector<1024x384xf32> -> vector<1024x384xf32>
    %add3A_1253 = vector.broadcast %get3A_25 : vector<1x384xf32> to vector<1024x384xf32>
    %add3A_1254 = arith.addf %dot_general3A_1252, %add3A_1253 : vector<1024x384xf32>
    %dot_general3A_1255 = arith.constant dense<0.000000e+00> : vector<1024x384xf32>
    %dot_general3A_1256 = tpu.matmul %add3A_1208, %get3A_16, %dot_general3A_1255 {dimension_numbers = #tpu.dot_dimension_numbers<[1], [0], [0], [1], [0, 0, 1, 1], [], []>, transpose_lhs_hint = false} : vector<1024x128xf32>, vector<128x384xf32>, vector<1024x384xf32> -> vector<1024x384xf32>
    %add3A_1257 = vector.broadcast %get3A_28 : vector<1x384xf32> to vector<1024x384xf32>
    %add3A_1258 = arith.addf %dot_general3A_1256, %add3A_1257 : vector<1024x384xf32>
    %slice3A_1259 = vector.extract_strided_slice %add3A_1254 {offsets = [0, 0], sizes = [1024, 128], strides = [1, 1]} : vector<1024x384xf32> to vector<1024x128xf32>
    %slice3A_1260 = vector.extract_strided_slice %add3A_1258 {offsets = [0, 0], sizes = [1024, 128], strides = [1, 1]} : vector<1024x384xf32> to vector<1024x128xf32>
    %add3A_1261 = arith.addf %slice3A_1259, %slice3A_1260 : vector<1024x128xf32>
    %logistic3A_1262 = arith.negf %add3A_1261 : vector<1024x128xf32>
    %logistic3A_1263 = math.exp %logistic3A_1262 : vector<1024x128xf32>
    %logistic3A_1264 = arith.constant 1.000000e+00 : f32
    %logistic3A_1265 = vector.broadcast %logistic3A_1264 : f32 to vector<1024x128xf32>
    %logistic3A_1266 = arith.addf %logistic3A_1265, %logistic3A_1263 : vector<1024x128xf32>
    %logistic3A_1267 = arith.divf %logistic3A_1265, %logistic3A_1266 : vector<1024x128xf32>
    %slice3A_1268 = vector.extract_strided_slice %add3A_1254 {offsets = [0, 128], sizes = [1024, 128], strides = [1, 1]} : vector<1024x384xf32> to vector<1024x128xf32>
    %slice3A_1269 = vector.extract_strided_slice %add3A_1258 {offsets = [0, 128], sizes = [1024, 128], strides = [1, 1]} : vector<1024x384xf32> to vector<1024x128xf32>
    %add3A_1270 = arith.addf %slice3A_1268, %slice3A_1269 : vector<1024x128xf32>
    %logistic3A_1271 = arith.negf %add3A_1270 : vector<1024x128xf32>
    %logistic3A_1272 = math.exp %logistic3A_1271 : vector<1024x128xf32>
    %logistic3A_1273 = arith.constant 1.000000e+00 : f32
    %logistic3A_1274 = vector.broadcast %logistic3A_1273 : f32 to vector<1024x128xf32>
    %logistic3A_1275 = arith.addf %logistic3A_1274, %logistic3A_1272 : vector<1024x128xf32>
    %logistic3A_1276 = arith.divf %logistic3A_1274, %logistic3A_1275 : vector<1024x128xf32>
    %slice3A_1277 = vector.extract_strided_slice %add3A_1254 {offsets = [0, 256], sizes = [1024, 128], strides = [1, 1]} : vector<1024x384xf32> to vector<1024x128xf32>
    %slice3A_1278 = vector.extract_strided_slice %add3A_1258 {offsets = [0, 256], sizes = [1024, 128], strides = [1, 1]} : vector<1024x384xf32> to vector<1024x128xf32>
    %mul3A_1279 = arith.mulf %logistic3A_1267, %slice3A_1278 : vector<1024x128xf32>
    %add3A_1280 = arith.addf %slice3A_1277, %mul3A_1279 : vector<1024x128xf32>
    %tanh3A_1281 = math.tanh %add3A_1280 : vector<1024x128xf32>
    %sub3A_1282 = arith.constant 1.000000e+00 : f32
    %sub3A_1283 = vector.broadcast %sub3A_1282 : f32 to vector<1024x128xf32>
    %sub3A_1284 = arith.subf %sub3A_1283, %logistic3A_1276 : vector<1024x128xf32>
    %mul3A_1285 = arith.mulf %sub3A_1284, %tanh3A_1281 : vector<1024x128xf32>
    %mul3A_1286 = arith.mulf %logistic3A_1276, %add3A_1208 : vector<1024x128xf32>
    %add3A_1287 = arith.addf %mul3A_1285, %mul3A_1286 : vector<1024x128xf32>
    %slice3A_1288 = vector.extract_strided_slice %get3A_4 {offsets = [0, 48], sizes = [1, 3], strides = [1, 1]} : vector<1x64xf32> to vector<1x3xf32>
    %broadcast_in_dim3A_1289 = vector.shape_cast %slice3A_1288 : vector<1x3xf32> to vector<1x3xf32>
    %broadcast_in_dim3A_1290 = vector.broadcast %broadcast_in_dim3A_1289 : vector<1x3xf32> to vector<1024x3xf32>
    %slice3A_1291 = vector.extract_strided_slice %get3A_1 {offsets = [0, 48], sizes = [1024, 3], strides = [1, 1]} : vector<1024x64xf32> to vector<1024x3xf32>
    %concatenate3A_1292 = tpu.concatenate %broadcast_in_dim3A_1290, %slice3A_1291 in 1 : vector<1024x3xf32>, vector<1024x3xf32> -> vector<1024x6xf32>
    %dot_general3A_1293 = arith.constant dense<0.000000e+00> : vector<1024x384xf32>
    %dot_general3A_1294 = tpu.matmul %concatenate3A_1292, %get3A_7, %dot_general3A_1293 {dimension_numbers = #tpu.dot_dimension_numbers<[1], [0], [0], [1], [0, 0, 1, 1], [], []>, transpose_lhs_hint = false} : vector<1024x6xf32>, vector<6x384xf32>, vector<1024x384xf32> -> vector<1024x384xf32>
    %add3A_1295 = vector.broadcast %get3A_19 : vector<1x384xf32> to vector<1024x384xf32>
    %add3A_1296 = arith.addf %dot_general3A_1294, %add3A_1295 : vector<1024x384xf32>
    %dot_general3A_1297 = arith.constant dense<0.000000e+00> : vector<1024x384xf32>
    %dot_general3A_1298 = tpu.matmul %add3A_1250, %get3A_10, %dot_general3A_1297 {dimension_numbers = #tpu.dot_dimension_numbers<[1], [0], [0], [1], [0, 0, 1, 1], [], []>, transpose_lhs_hint = false} : vector<1024x128xf32>, vector<128x384xf32>, vector<1024x384xf32> -> vector<1024x384xf32>
    %add3A_1299 = vector.broadcast %get3A_22 : vector<1x384xf32> to vector<1024x384xf32>
    %add3A_1300 = arith.addf %dot_general3A_1298, %add3A_1299 : vector<1024x384xf32>
    %slice3A_1301 = vector.extract_strided_slice %add3A_1296 {offsets = [0, 0], sizes = [1024, 128], strides = [1, 1]} : vector<1024x384xf32> to vector<1024x128xf32>
    %slice3A_1302 = vector.extract_strided_slice %add3A_1300 {offsets = [0, 0], sizes = [1024, 128], strides = [1, 1]} : vector<1024x384xf32> to vector<1024x128xf32>
    %add3A_1303 = arith.addf %slice3A_1301, %slice3A_1302 : vector<1024x128xf32>
    %logistic3A_1304 = arith.negf %add3A_1303 : vector<1024x128xf32>
    %logistic3A_1305 = math.exp %logistic3A_1304 : vector<1024x128xf32>
    %logistic3A_1306 = arith.constant 1.000000e+00 : f32
    %logistic3A_1307 = vector.broadcast %logistic3A_1306 : f32 to vector<1024x128xf32>
    %logistic3A_1308 = arith.addf %logistic3A_1307, %logistic3A_1305 : vector<1024x128xf32>
    %logistic3A_1309 = arith.divf %logistic3A_1307, %logistic3A_1308 : vector<1024x128xf32>
    %slice3A_1310 = vector.extract_strided_slice %add3A_1296 {offsets = [0, 128], sizes = [1024, 128], strides = [1, 1]} : vector<1024x384xf32> to vector<1024x128xf32>
    %slice3A_1311 = vector.extract_strided_slice %add3A_1300 {offsets = [0, 128], sizes = [1024, 128], strides = [1, 1]} : vector<1024x384xf32> to vector<1024x128xf32>
    %add3A_1312 = arith.addf %slice3A_1310, %slice3A_1311 : vector<1024x128xf32>
    %logistic3A_1313 = arith.negf %add3A_1312 : vector<1024x128xf32>
    %logistic3A_1314 = math.exp %logistic3A_1313 : vector<1024x128xf32>
    %logistic3A_1315 = arith.constant 1.000000e+00 : f32
    %logistic3A_1316 = vector.broadcast %logistic3A_1315 : f32 to vector<1024x128xf32>
    %logistic3A_1317 = arith.addf %logistic3A_1316, %logistic3A_1314 : vector<1024x128xf32>
    %logistic3A_1318 = arith.divf %logistic3A_1316, %logistic3A_1317 : vector<1024x128xf32>
    %slice3A_1319 = vector.extract_strided_slice %add3A_1296 {offsets = [0, 256], sizes = [1024, 128], strides = [1, 1]} : vector<1024x384xf32> to vector<1024x128xf32>
    %slice3A_1320 = vector.extract_strided_slice %add3A_1300 {offsets = [0, 256], sizes = [1024, 128], strides = [1, 1]} : vector<1024x384xf32> to vector<1024x128xf32>
    %mul3A_1321 = arith.mulf %logistic3A_1309, %slice3A_1320 : vector<1024x128xf32>
    %add3A_1322 = arith.addf %slice3A_1319, %mul3A_1321 : vector<1024x128xf32>
    %tanh3A_1323 = math.tanh %add3A_1322 : vector<1024x128xf32>
    %sub3A_1324 = arith.constant 1.000000e+00 : f32
    %sub3A_1325 = vector.broadcast %sub3A_1324 : f32 to vector<1024x128xf32>
    %sub3A_1326 = arith.subf %sub3A_1325, %logistic3A_1318 : vector<1024x128xf32>
    %mul3A_1327 = arith.mulf %sub3A_1326, %tanh3A_1323 : vector<1024x128xf32>
    %mul3A_1328 = arith.mulf %logistic3A_1318, %add3A_1250 : vector<1024x128xf32>
    %add3A_1329 = arith.addf %mul3A_1327, %mul3A_1328 : vector<1024x128xf32>
    %dot_general3A_1330 = arith.constant dense<0.000000e+00> : vector<1024x384xf32>
    %dot_general3A_1331 = tpu.matmul %add3A_1329, %get3A_13, %dot_general3A_1330 {dimension_numbers = #tpu.dot_dimension_numbers<[1], [0], [0], [1], [0, 0, 1, 1], [], []>, transpose_lhs_hint = false} : vector<1024x128xf32>, vector<128x384xf32>, vector<1024x384xf32> -> vector<1024x384xf32>
    %add3A_1332 = vector.broadcast %get3A_25 : vector<1x384xf32> to vector<1024x384xf32>
    %add3A_1333 = arith.addf %dot_general3A_1331, %add3A_1332 : vector<1024x384xf32>
    %dot_general3A_1334 = arith.constant dense<0.000000e+00> : vector<1024x384xf32>
    %dot_general3A_1335 = tpu.matmul %add3A_1287, %get3A_16, %dot_general3A_1334 {dimension_numbers = #tpu.dot_dimension_numbers<[1], [0], [0], [1], [0, 0, 1, 1], [], []>, transpose_lhs_hint = false} : vector<1024x128xf32>, vector<128x384xf32>, vector<1024x384xf32> -> vector<1024x384xf32>
    %add3A_1336 = vector.broadcast %get3A_28 : vector<1x384xf32> to vector<1024x384xf32>
    %add3A_1337 = arith.addf %dot_general3A_1335, %add3A_1336 : vector<1024x384xf32>
    %slice3A_1338 = vector.extract_strided_slice %add3A_1333 {offsets = [0, 0], sizes = [1024, 128], strides = [1, 1]} : vector<1024x384xf32> to vector<1024x128xf32>
    %slice3A_1339 = vector.extract_strided_slice %add3A_1337 {offsets = [0, 0], sizes = [1024, 128], strides = [1, 1]} : vector<1024x384xf32> to vector<1024x128xf32>
    %add3A_1340 = arith.addf %slice3A_1338, %slice3A_1339 : vector<1024x128xf32>
    %logistic3A_1341 = arith.negf %add3A_1340 : vector<1024x128xf32>
    %logistic3A_1342 = math.exp %logistic3A_1341 : vector<1024x128xf32>
    %logistic3A_1343 = arith.constant 1.000000e+00 : f32
    %logistic3A_1344 = vector.broadcast %logistic3A_1343 : f32 to vector<1024x128xf32>
    %logistic3A_1345 = arith.addf %logistic3A_1344, %logistic3A_1342 : vector<1024x128xf32>
    %logistic3A_1346 = arith.divf %logistic3A_1344, %logistic3A_1345 : vector<1024x128xf32>
    %slice3A_1347 = vector.extract_strided_slice %add3A_1333 {offsets = [0, 128], sizes = [1024, 128], strides = [1, 1]} : vector<1024x384xf32> to vector<1024x128xf32>
    %slice3A_1348 = vector.extract_strided_slice %add3A_1337 {offsets = [0, 128], sizes = [1024, 128], strides = [1, 1]} : vector<1024x384xf32> to vector<1024x128xf32>
    %add3A_1349 = arith.addf %slice3A_1347, %slice3A_1348 : vector<1024x128xf32>
    %logistic3A_1350 = arith.negf %add3A_1349 : vector<1024x128xf32>
    %logistic3A_1351 = math.exp %logistic3A_1350 : vector<1024x128xf32>
    %logistic3A_1352 = arith.constant 1.000000e+00 : f32
    %logistic3A_1353 = vector.broadcast %logistic3A_1352 : f32 to vector<1024x128xf32>
    %logistic3A_1354 = arith.addf %logistic3A_1353, %logistic3A_1351 : vector<1024x128xf32>
    %logistic3A_1355 = arith.divf %logistic3A_1353, %logistic3A_1354 : vector<1024x128xf32>
    %slice3A_1356 = vector.extract_strided_slice %add3A_1333 {offsets = [0, 256], sizes = [1024, 128], strides = [1, 1]} : vector<1024x384xf32> to vector<1024x128xf32>
    %slice3A_1357 = vector.extract_strided_slice %add3A_1337 {offsets = [0, 256], sizes = [1024, 128], strides = [1, 1]} : vector<1024x384xf32> to vector<1024x128xf32>
    %mul3A_1358 = arith.mulf %logistic3A_1346, %slice3A_1357 : vector<1024x128xf32>
    %add3A_1359 = arith.addf %slice3A_1356, %mul3A_1358 : vector<1024x128xf32>
    %tanh3A_1360 = math.tanh %add3A_1359 : vector<1024x128xf32>
    %sub3A_1361 = arith.constant 1.000000e+00 : f32
    %sub3A_1362 = vector.broadcast %sub3A_1361 : f32 to vector<1024x128xf32>
    %sub3A_1363 = arith.subf %sub3A_1362, %logistic3A_1355 : vector<1024x128xf32>
    %mul3A_1364 = arith.mulf %sub3A_1363, %tanh3A_1360 : vector<1024x128xf32>
    %mul3A_1365 = arith.mulf %logistic3A_1355, %add3A_1287 : vector<1024x128xf32>
    %add3A_1366 = arith.addf %mul3A_1364, %mul3A_1365 : vector<1024x128xf32>
    %slice3A_1367 = vector.extract_strided_slice %get3A_4 {offsets = [0, 51], sizes = [1, 3], strides = [1, 1]} : vector<1x64xf32> to vector<1x3xf32>
    %broadcast_in_dim3A_1368 = vector.shape_cast %slice3A_1367 : vector<1x3xf32> to vector<1x3xf32>
    %broadcast_in_dim3A_1369 = vector.broadcast %broadcast_in_dim3A_1368 : vector<1x3xf32> to vector<1024x3xf32>
    %slice3A_1370 = vector.extract_strided_slice %get3A_1 {offsets = [0, 51], sizes = [1024, 3], strides = [1, 1]} : vector<1024x64xf32> to vector<1024x3xf32>
    %concatenate3A_1371 = tpu.concatenate %broadcast_in_dim3A_1369, %slice3A_1370 in 1 : vector<1024x3xf32>, vector<1024x3xf32> -> vector<1024x6xf32>
    %dot_general3A_1372 = arith.constant dense<0.000000e+00> : vector<1024x384xf32>
    %dot_general3A_1373 = tpu.matmul %concatenate3A_1371, %get3A_7, %dot_general3A_1372 {dimension_numbers = #tpu.dot_dimension_numbers<[1], [0], [0], [1], [0, 0, 1, 1], [], []>, transpose_lhs_hint = false} : vector<1024x6xf32>, vector<6x384xf32>, vector<1024x384xf32> -> vector<1024x384xf32>
    %add3A_1374 = vector.broadcast %get3A_19 : vector<1x384xf32> to vector<1024x384xf32>
    %add3A_1375 = arith.addf %dot_general3A_1373, %add3A_1374 : vector<1024x384xf32>
    %dot_general3A_1376 = arith.constant dense<0.000000e+00> : vector<1024x384xf32>
    %dot_general3A_1377 = tpu.matmul %add3A_1329, %get3A_10, %dot_general3A_1376 {dimension_numbers = #tpu.dot_dimension_numbers<[1], [0], [0], [1], [0, 0, 1, 1], [], []>, transpose_lhs_hint = false} : vector<1024x128xf32>, vector<128x384xf32>, vector<1024x384xf32> -> vector<1024x384xf32>
    %add3A_1378 = vector.broadcast %get3A_22 : vector<1x384xf32> to vector<1024x384xf32>
    %add3A_1379 = arith.addf %dot_general3A_1377, %add3A_1378 : vector<1024x384xf32>
    %slice3A_1380 = vector.extract_strided_slice %add3A_1375 {offsets = [0, 0], sizes = [1024, 128], strides = [1, 1]} : vector<1024x384xf32> to vector<1024x128xf32>
    %slice3A_1381 = vector.extract_strided_slice %add3A_1379 {offsets = [0, 0], sizes = [1024, 128], strides = [1, 1]} : vector<1024x384xf32> to vector<1024x128xf32>
    %add3A_1382 = arith.addf %slice3A_1380, %slice3A_1381 : vector<1024x128xf32>
    %logistic3A_1383 = arith.negf %add3A_1382 : vector<1024x128xf32>
    %logistic3A_1384 = math.exp %logistic3A_1383 : vector<1024x128xf32>
    %logistic3A_1385 = arith.constant 1.000000e+00 : f32
    %logistic3A_1386 = vector.broadcast %logistic3A_1385 : f32 to vector<1024x128xf32>
    %logistic3A_1387 = arith.addf %logistic3A_1386, %logistic3A_1384 : vector<1024x128xf32>
    %logistic3A_1388 = arith.divf %logistic3A_1386, %logistic3A_1387 : vector<1024x128xf32>
    %slice3A_1389 = vector.extract_strided_slice %add3A_1375 {offsets = [0, 128], sizes = [1024, 128], strides = [1, 1]} : vector<1024x384xf32> to vector<1024x128xf32>
    %slice3A_1390 = vector.extract_strided_slice %add3A_1379 {offsets = [0, 128], sizes = [1024, 128], strides = [1, 1]} : vector<1024x384xf32> to vector<1024x128xf32>
    %add3A_1391 = arith.addf %slice3A_1389, %slice3A_1390 : vector<1024x128xf32>
    %logistic3A_1392 = arith.negf %add3A_1391 : vector<1024x128xf32>
    %logistic3A_1393 = math.exp %logistic3A_1392 : vector<1024x128xf32>
    %logistic3A_1394 = arith.constant 1.000000e+00 : f32
    %logistic3A_1395 = vector.broadcast %logistic3A_1394 : f32 to vector<1024x128xf32>
    %logistic3A_1396 = arith.addf %logistic3A_1395, %logistic3A_1393 : vector<1024x128xf32>
    %logistic3A_1397 = arith.divf %logistic3A_1395, %logistic3A_1396 : vector<1024x128xf32>
    %slice3A_1398 = vector.extract_strided_slice %add3A_1375 {offsets = [0, 256], sizes = [1024, 128], strides = [1, 1]} : vector<1024x384xf32> to vector<1024x128xf32>
    %slice3A_1399 = vector.extract_strided_slice %add3A_1379 {offsets = [0, 256], sizes = [1024, 128], strides = [1, 1]} : vector<1024x384xf32> to vector<1024x128xf32>
    %mul3A_1400 = arith.mulf %logistic3A_1388, %slice3A_1399 : vector<1024x128xf32>
    %add3A_1401 = arith.addf %slice3A_1398, %mul3A_1400 : vector<1024x128xf32>
    %tanh3A_1402 = math.tanh %add3A_1401 : vector<1024x128xf32>
    %sub3A_1403 = arith.constant 1.000000e+00 : f32
    %sub3A_1404 = vector.broadcast %sub3A_1403 : f32 to vector<1024x128xf32>
    %sub3A_1405 = arith.subf %sub3A_1404, %logistic3A_1397 : vector<1024x128xf32>
    %mul3A_1406 = arith.mulf %sub3A_1405, %tanh3A_1402 : vector<1024x128xf32>
    %mul3A_1407 = arith.mulf %logistic3A_1397, %add3A_1329 : vector<1024x128xf32>
    %add3A_1408 = arith.addf %mul3A_1406, %mul3A_1407 : vector<1024x128xf32>
    %dot_general3A_1409 = arith.constant dense<0.000000e+00> : vector<1024x384xf32>
    %dot_general3A_1410 = tpu.matmul %add3A_1408, %get3A_13, %dot_general3A_1409 {dimension_numbers = #tpu.dot_dimension_numbers<[1], [0], [0], [1], [0, 0, 1, 1], [], []>, transpose_lhs_hint = false} : vector<1024x128xf32>, vector<128x384xf32>, vector<1024x384xf32> -> vector<1024x384xf32>
    %add3A_1411 = vector.broadcast %get3A_25 : vector<1x384xf32> to vector<1024x384xf32>
    %add3A_1412 = arith.addf %dot_general3A_1410, %add3A_1411 : vector<1024x384xf32>
    %dot_general3A_1413 = arith.constant dense<0.000000e+00> : vector<1024x384xf32>
    %dot_general3A_1414 = tpu.matmul %add3A_1366, %get3A_16, %dot_general3A_1413 {dimension_numbers = #tpu.dot_dimension_numbers<[1], [0], [0], [1], [0, 0, 1, 1], [], []>, transpose_lhs_hint = false} : vector<1024x128xf32>, vector<128x384xf32>, vector<1024x384xf32> -> vector<1024x384xf32>
    %add3A_1415 = vector.broadcast %get3A_28 : vector<1x384xf32> to vector<1024x384xf32>
    %add3A_1416 = arith.addf %dot_general3A_1414, %add3A_1415 : vector<1024x384xf32>
    %slice3A_1417 = vector.extract_strided_slice %add3A_1412 {offsets = [0, 0], sizes = [1024, 128], strides = [1, 1]} : vector<1024x384xf32> to vector<1024x128xf32>
    %slice3A_1418 = vector.extract_strided_slice %add3A_1416 {offsets = [0, 0], sizes = [1024, 128], strides = [1, 1]} : vector<1024x384xf32> to vector<1024x128xf32>
    %add3A_1419 = arith.addf %slice3A_1417, %slice3A_1418 : vector<1024x128xf32>
    %logistic3A_1420 = arith.negf %add3A_1419 : vector<1024x128xf32>
    %logistic3A_1421 = math.exp %logistic3A_1420 : vector<1024x128xf32>
    %logistic3A_1422 = arith.constant 1.000000e+00 : f32
    %logistic3A_1423 = vector.broadcast %logistic3A_1422 : f32 to vector<1024x128xf32>
    %logistic3A_1424 = arith.addf %logistic3A_1423, %logistic3A_1421 : vector<1024x128xf32>
    %logistic3A_1425 = arith.divf %logistic3A_1423, %logistic3A_1424 : vector<1024x128xf32>
    %slice3A_1426 = vector.extract_strided_slice %add3A_1412 {offsets = [0, 128], sizes = [1024, 128], strides = [1, 1]} : vector<1024x384xf32> to vector<1024x128xf32>
    %slice3A_1427 = vector.extract_strided_slice %add3A_1416 {offsets = [0, 128], sizes = [1024, 128], strides = [1, 1]} : vector<1024x384xf32> to vector<1024x128xf32>
    %add3A_1428 = arith.addf %slice3A_1426, %slice3A_1427 : vector<1024x128xf32>
    %logistic3A_1429 = arith.negf %add3A_1428 : vector<1024x128xf32>
    %logistic3A_1430 = math.exp %logistic3A_1429 : vector<1024x128xf32>
    %logistic3A_1431 = arith.constant 1.000000e+00 : f32
    %logistic3A_1432 = vector.broadcast %logistic3A_1431 : f32 to vector<1024x128xf32>
    %logistic3A_1433 = arith.addf %logistic3A_1432, %logistic3A_1430 : vector<1024x128xf32>
    %logistic3A_1434 = arith.divf %logistic3A_1432, %logistic3A_1433 : vector<1024x128xf32>
    %slice3A_1435 = vector.extract_strided_slice %add3A_1412 {offsets = [0, 256], sizes = [1024, 128], strides = [1, 1]} : vector<1024x384xf32> to vector<1024x128xf32>
    %slice3A_1436 = vector.extract_strided_slice %add3A_1416 {offsets = [0, 256], sizes = [1024, 128], strides = [1, 1]} : vector<1024x384xf32> to vector<1024x128xf32>
    %mul3A_1437 = arith.mulf %logistic3A_1425, %slice3A_1436 : vector<1024x128xf32>
    %add3A_1438 = arith.addf %slice3A_1435, %mul3A_1437 : vector<1024x128xf32>
    %tanh3A_1439 = math.tanh %add3A_1438 : vector<1024x128xf32>
    %sub3A_1440 = arith.constant 1.000000e+00 : f32
    %sub3A_1441 = vector.broadcast %sub3A_1440 : f32 to vector<1024x128xf32>
    %sub3A_1442 = arith.subf %sub3A_1441, %logistic3A_1434 : vector<1024x128xf32>
    %mul3A_1443 = arith.mulf %sub3A_1442, %tanh3A_1439 : vector<1024x128xf32>
    %mul3A_1444 = arith.mulf %logistic3A_1434, %add3A_1366 : vector<1024x128xf32>
    %add3A_1445 = arith.addf %mul3A_1443, %mul3A_1444 : vector<1024x128xf32>
    %slice3A_1446 = vector.extract_strided_slice %get3A_4 {offsets = [0, 54], sizes = [1, 3], strides = [1, 1]} : vector<1x64xf32> to vector<1x3xf32>
    %broadcast_in_dim3A_1447 = vector.shape_cast %slice3A_1446 : vector<1x3xf32> to vector<1x3xf32>
    %broadcast_in_dim3A_1448 = vector.broadcast %broadcast_in_dim3A_1447 : vector<1x3xf32> to vector<1024x3xf32>
    %slice3A_1449 = vector.extract_strided_slice %get3A_1 {offsets = [0, 54], sizes = [1024, 3], strides = [1, 1]} : vector<1024x64xf32> to vector<1024x3xf32>
    %concatenate3A_1450 = tpu.concatenate %broadcast_in_dim3A_1448, %slice3A_1449 in 1 : vector<1024x3xf32>, vector<1024x3xf32> -> vector<1024x6xf32>
    %dot_general3A_1451 = arith.constant dense<0.000000e+00> : vector<1024x384xf32>
    %dot_general3A_1452 = tpu.matmul %concatenate3A_1450, %get3A_7, %dot_general3A_1451 {dimension_numbers = #tpu.dot_dimension_numbers<[1], [0], [0], [1], [0, 0, 1, 1], [], []>, transpose_lhs_hint = false} : vector<1024x6xf32>, vector<6x384xf32>, vector<1024x384xf32> -> vector<1024x384xf32>
    %add3A_1453 = vector.broadcast %get3A_19 : vector<1x384xf32> to vector<1024x384xf32>
    %add3A_1454 = arith.addf %dot_general3A_1452, %add3A_1453 : vector<1024x384xf32>
    %dot_general3A_1455 = arith.constant dense<0.000000e+00> : vector<1024x384xf32>
    %dot_general3A_1456 = tpu.matmul %add3A_1408, %get3A_10, %dot_general3A_1455 {dimension_numbers = #tpu.dot_dimension_numbers<[1], [0], [0], [1], [0, 0, 1, 1], [], []>, transpose_lhs_hint = false} : vector<1024x128xf32>, vector<128x384xf32>, vector<1024x384xf32> -> vector<1024x384xf32>
    %add3A_1457 = vector.broadcast %get3A_22 : vector<1x384xf32> to vector<1024x384xf32>
    %add3A_1458 = arith.addf %dot_general3A_1456, %add3A_1457 : vector<1024x384xf32>
    %slice3A_1459 = vector.extract_strided_slice %add3A_1454 {offsets = [0, 0], sizes = [1024, 128], strides = [1, 1]} : vector<1024x384xf32> to vector<1024x128xf32>
    %slice3A_1460 = vector.extract_strided_slice %add3A_1458 {offsets = [0, 0], sizes = [1024, 128], strides = [1, 1]} : vector<1024x384xf32> to vector<1024x128xf32>
    %add3A_1461 = arith.addf %slice3A_1459, %slice3A_1460 : vector<1024x128xf32>
    %logistic3A_1462 = arith.negf %add3A_1461 : vector<1024x128xf32>
    %logistic3A_1463 = math.exp %logistic3A_1462 : vector<1024x128xf32>
    %logistic3A_1464 = arith.constant 1.000000e+00 : f32
    %logistic3A_1465 = vector.broadcast %logistic3A_1464 : f32 to vector<1024x128xf32>
    %logistic3A_1466 = arith.addf %logistic3A_1465, %logistic3A_1463 : vector<1024x128xf32>
    %logistic3A_1467 = arith.divf %logistic3A_1465, %logistic3A_1466 : vector<1024x128xf32>
    %slice3A_1468 = vector.extract_strided_slice %add3A_1454 {offsets = [0, 128], sizes = [1024, 128], strides = [1, 1]} : vector<1024x384xf32> to vector<1024x128xf32>
    %slice3A_1469 = vector.extract_strided_slice %add3A_1458 {offsets = [0, 128], sizes = [1024, 128], strides = [1, 1]} : vector<1024x384xf32> to vector<1024x128xf32>
    %add3A_1470 = arith.addf %slice3A_1468, %slice3A_1469 : vector<1024x128xf32>
    %logistic3A_1471 = arith.negf %add3A_1470 : vector<1024x128xf32>
    %logistic3A_1472 = math.exp %logistic3A_1471 : vector<1024x128xf32>
    %logistic3A_1473 = arith.constant 1.000000e+00 : f32
    %logistic3A_1474 = vector.broadcast %logistic3A_1473 : f32 to vector<1024x128xf32>
    %logistic3A_1475 = arith.addf %logistic3A_1474, %logistic3A_1472 : vector<1024x128xf32>
    %logistic3A_1476 = arith.divf %logistic3A_1474, %logistic3A_1475 : vector<1024x128xf32>
    %slice3A_1477 = vector.extract_strided_slice %add3A_1454 {offsets = [0, 256], sizes = [1024, 128], strides = [1, 1]} : vector<1024x384xf32> to vector<1024x128xf32>
    %slice3A_1478 = vector.extract_strided_slice %add3A_1458 {offsets = [0, 256], sizes = [1024, 128], strides = [1, 1]} : vector<1024x384xf32> to vector<1024x128xf32>
    %mul3A_1479 = arith.mulf %logistic3A_1467, %slice3A_1478 : vector<1024x128xf32>
    %add3A_1480 = arith.addf %slice3A_1477, %mul3A_1479 : vector<1024x128xf32>
    %tanh3A_1481 = math.tanh %add3A_1480 : vector<1024x128xf32>
    %sub3A_1482 = arith.constant 1.000000e+00 : f32
    %sub3A_1483 = vector.broadcast %sub3A_1482 : f32 to vector<1024x128xf32>
    %sub3A_1484 = arith.subf %sub3A_1483, %logistic3A_1476 : vector<1024x128xf32>
    %mul3A_1485 = arith.mulf %sub3A_1484, %tanh3A_1481 : vector<1024x128xf32>
    %mul3A_1486 = arith.mulf %logistic3A_1476, %add3A_1408 : vector<1024x128xf32>
    %add3A_1487 = arith.addf %mul3A_1485, %mul3A_1486 : vector<1024x128xf32>
    %dot_general3A_1488 = arith.constant dense<0.000000e+00> : vector<1024x384xf32>
    %dot_general3A_1489 = tpu.matmul %add3A_1487, %get3A_13, %dot_general3A_1488 {dimension_numbers = #tpu.dot_dimension_numbers<[1], [0], [0], [1], [0, 0, 1, 1], [], []>, transpose_lhs_hint = false} : vector<1024x128xf32>, vector<128x384xf32>, vector<1024x384xf32> -> vector<1024x384xf32>
    %add3A_1490 = vector.broadcast %get3A_25 : vector<1x384xf32> to vector<1024x384xf32>
    %add3A_1491 = arith.addf %dot_general3A_1489, %add3A_1490 : vector<1024x384xf32>
    %dot_general3A_1492 = arith.constant dense<0.000000e+00> : vector<1024x384xf32>
    %dot_general3A_1493 = tpu.matmul %add3A_1445, %get3A_16, %dot_general3A_1492 {dimension_numbers = #tpu.dot_dimension_numbers<[1], [0], [0], [1], [0, 0, 1, 1], [], []>, transpose_lhs_hint = false} : vector<1024x128xf32>, vector<128x384xf32>, vector<1024x384xf32> -> vector<1024x384xf32>
    %add3A_1494 = vector.broadcast %get3A_28 : vector<1x384xf32> to vector<1024x384xf32>
    %add3A_1495 = arith.addf %dot_general3A_1493, %add3A_1494 : vector<1024x384xf32>
    %slice3A_1496 = vector.extract_strided_slice %add3A_1491 {offsets = [0, 0], sizes = [1024, 128], strides = [1, 1]} : vector<1024x384xf32> to vector<1024x128xf32>
    %slice3A_1497 = vector.extract_strided_slice %add3A_1495 {offsets = [0, 0], sizes = [1024, 128], strides = [1, 1]} : vector<1024x384xf32> to vector<1024x128xf32>
    %add3A_1498 = arith.addf %slice3A_1496, %slice3A_1497 : vector<1024x128xf32>
    %logistic3A_1499 = arith.negf %add3A_1498 : vector<1024x128xf32>
    %logistic3A_1500 = math.exp %logistic3A_1499 : vector<1024x128xf32>
    %logistic3A_1501 = arith.constant 1.000000e+00 : f32
    %logistic3A_1502 = vector.broadcast %logistic3A_1501 : f32 to vector<1024x128xf32>
    %logistic3A_1503 = arith.addf %logistic3A_1502, %logistic3A_1500 : vector<1024x128xf32>
    %logistic3A_1504 = arith.divf %logistic3A_1502, %logistic3A_1503 : vector<1024x128xf32>
    %slice3A_1505 = vector.extract_strided_slice %add3A_1491 {offsets = [0, 128], sizes = [1024, 128], strides = [1, 1]} : vector<1024x384xf32> to vector<1024x128xf32>
    %slice3A_1506 = vector.extract_strided_slice %add3A_1495 {offsets = [0, 128], sizes = [1024, 128], strides = [1, 1]} : vector<1024x384xf32> to vector<1024x128xf32>
    %add3A_1507 = arith.addf %slice3A_1505, %slice3A_1506 : vector<1024x128xf32>
    %logistic3A_1508 = arith.negf %add3A_1507 : vector<1024x128xf32>
    %logistic3A_1509 = math.exp %logistic3A_1508 : vector<1024x128xf32>
    %logistic3A_1510 = arith.constant 1.000000e+00 : f32
    %logistic3A_1511 = vector.broadcast %logistic3A_1510 : f32 to vector<1024x128xf32>
    %logistic3A_1512 = arith.addf %logistic3A_1511, %logistic3A_1509 : vector<1024x128xf32>
    %logistic3A_1513 = arith.divf %logistic3A_1511, %logistic3A_1512 : vector<1024x128xf32>
    %slice3A_1514 = vector.extract_strided_slice %add3A_1491 {offsets = [0, 256], sizes = [1024, 128], strides = [1, 1]} : vector<1024x384xf32> to vector<1024x128xf32>
    %slice3A_1515 = vector.extract_strided_slice %add3A_1495 {offsets = [0, 256], sizes = [1024, 128], strides = [1, 1]} : vector<1024x384xf32> to vector<1024x128xf32>
    %mul3A_1516 = arith.mulf %logistic3A_1504, %slice3A_1515 : vector<1024x128xf32>
    %add3A_1517 = arith.addf %slice3A_1514, %mul3A_1516 : vector<1024x128xf32>
    %tanh3A_1518 = math.tanh %add3A_1517 : vector<1024x128xf32>
    %sub3A_1519 = arith.constant 1.000000e+00 : f32
    %sub3A_1520 = vector.broadcast %sub3A_1519 : f32 to vector<1024x128xf32>
    %sub3A_1521 = arith.subf %sub3A_1520, %logistic3A_1513 : vector<1024x128xf32>
    %mul3A_1522 = arith.mulf %sub3A_1521, %tanh3A_1518 : vector<1024x128xf32>
    %mul3A_1523 = arith.mulf %logistic3A_1513, %add3A_1445 : vector<1024x128xf32>
    %add3A_1524 = arith.addf %mul3A_1522, %mul3A_1523 : vector<1024x128xf32>
    %slice3A_1525 = vector.extract_strided_slice %get3A_4 {offsets = [0, 57], sizes = [1, 3], strides = [1, 1]} : vector<1x64xf32> to vector<1x3xf32>
    %broadcast_in_dim3A_1526 = vector.shape_cast %slice3A_1525 : vector<1x3xf32> to vector<1x3xf32>
    %broadcast_in_dim3A_1527 = vector.broadcast %broadcast_in_dim3A_1526 : vector<1x3xf32> to vector<1024x3xf32>
    %slice3A_1528 = vector.extract_strided_slice %get3A_1 {offsets = [0, 57], sizes = [1024, 3], strides = [1, 1]} : vector<1024x64xf32> to vector<1024x3xf32>
    %concatenate3A_1529 = tpu.concatenate %broadcast_in_dim3A_1527, %slice3A_1528 in 1 : vector<1024x3xf32>, vector<1024x3xf32> -> vector<1024x6xf32>
    %dot_general3A_1530 = arith.constant dense<0.000000e+00> : vector<1024x384xf32>
    %dot_general3A_1531 = tpu.matmul %concatenate3A_1529, %get3A_7, %dot_general3A_1530 {dimension_numbers = #tpu.dot_dimension_numbers<[1], [0], [0], [1], [0, 0, 1, 1], [], []>, transpose_lhs_hint = false} : vector<1024x6xf32>, vector<6x384xf32>, vector<1024x384xf32> -> vector<1024x384xf32>
    %add3A_1532 = vector.broadcast %get3A_19 : vector<1x384xf32> to vector<1024x384xf32>
    %add3A_1533 = arith.addf %dot_general3A_1531, %add3A_1532 : vector<1024x384xf32>
    %dot_general3A_1534 = arith.constant dense<0.000000e+00> : vector<1024x384xf32>
    %dot_general3A_1535 = tpu.matmul %add3A_1487, %get3A_10, %dot_general3A_1534 {dimension_numbers = #tpu.dot_dimension_numbers<[1], [0], [0], [1], [0, 0, 1, 1], [], []>, transpose_lhs_hint = false} : vector<1024x128xf32>, vector<128x384xf32>, vector<1024x384xf32> -> vector<1024x384xf32>
    %add3A_1536 = vector.broadcast %get3A_22 : vector<1x384xf32> to vector<1024x384xf32>
    %add3A_1537 = arith.addf %dot_general3A_1535, %add3A_1536 : vector<1024x384xf32>
    %slice3A_1538 = vector.extract_strided_slice %add3A_1533 {offsets = [0, 0], sizes = [1024, 128], strides = [1, 1]} : vector<1024x384xf32> to vector<1024x128xf32>
    %slice3A_1539 = vector.extract_strided_slice %add3A_1537 {offsets = [0, 0], sizes = [1024, 128], strides = [1, 1]} : vector<1024x384xf32> to vector<1024x128xf32>
    %add3A_1540 = arith.addf %slice3A_1538, %slice3A_1539 : vector<1024x128xf32>
    %logistic3A_1541 = arith.negf %add3A_1540 : vector<1024x128xf32>
    %logistic3A_1542 = math.exp %logistic3A_1541 : vector<1024x128xf32>
    %logistic3A_1543 = arith.constant 1.000000e+00 : f32
    %logistic3A_1544 = vector.broadcast %logistic3A_1543 : f32 to vector<1024x128xf32>
    %logistic3A_1545 = arith.addf %logistic3A_1544, %logistic3A_1542 : vector<1024x128xf32>
    %logistic3A_1546 = arith.divf %logistic3A_1544, %logistic3A_1545 : vector<1024x128xf32>
    %slice3A_1547 = vector.extract_strided_slice %add3A_1533 {offsets = [0, 128], sizes = [1024, 128], strides = [1, 1]} : vector<1024x384xf32> to vector<1024x128xf32>
    %slice3A_1548 = vector.extract_strided_slice %add3A_1537 {offsets = [0, 128], sizes = [1024, 128], strides = [1, 1]} : vector<1024x384xf32> to vector<1024x128xf32>
    %add3A_1549 = arith.addf %slice3A_1547, %slice3A_1548 : vector<1024x128xf32>
    %logistic3A_1550 = arith.negf %add3A_1549 : vector<1024x128xf32>
    %logistic3A_1551 = math.exp %logistic3A_1550 : vector<1024x128xf32>
    %logistic3A_1552 = arith.constant 1.000000e+00 : f32
    %logistic3A_1553 = vector.broadcast %logistic3A_1552 : f32 to vector<1024x128xf32>
    %logistic3A_1554 = arith.addf %logistic3A_1553, %logistic3A_1551 : vector<1024x128xf32>
    %logistic3A_1555 = arith.divf %logistic3A_1553, %logistic3A_1554 : vector<1024x128xf32>
    %slice3A_1556 = vector.extract_strided_slice %add3A_1533 {offsets = [0, 256], sizes = [1024, 128], strides = [1, 1]} : vector<1024x384xf32> to vector<1024x128xf32>
    %slice3A_1557 = vector.extract_strided_slice %add3A_1537 {offsets = [0, 256], sizes = [1024, 128], strides = [1, 1]} : vector<1024x384xf32> to vector<1024x128xf32>
    %mul3A_1558 = arith.mulf %logistic3A_1546, %slice3A_1557 : vector<1024x128xf32>
    %add3A_1559 = arith.addf %slice3A_1556, %mul3A_1558 : vector<1024x128xf32>
    %tanh3A_1560 = math.tanh %add3A_1559 : vector<1024x128xf32>
    %sub3A_1561 = arith.constant 1.000000e+00 : f32
    %sub3A_1562 = vector.broadcast %sub3A_1561 : f32 to vector<1024x128xf32>
    %sub3A_1563 = arith.subf %sub3A_1562, %logistic3A_1555 : vector<1024x128xf32>
    %mul3A_1564 = arith.mulf %sub3A_1563, %tanh3A_1560 : vector<1024x128xf32>
    %mul3A_1565 = arith.mulf %logistic3A_1555, %add3A_1487 : vector<1024x128xf32>
    %add3A_1566 = arith.addf %mul3A_1564, %mul3A_1565 : vector<1024x128xf32>
    %dot_general3A_1567 = arith.constant dense<0.000000e+00> : vector<1024x384xf32>
    %dot_general3A_1568 = tpu.matmul %add3A_1566, %get3A_13, %dot_general3A_1567 {dimension_numbers = #tpu.dot_dimension_numbers<[1], [0], [0], [1], [0, 0, 1, 1], [], []>, transpose_lhs_hint = false} : vector<1024x128xf32>, vector<128x384xf32>, vector<1024x384xf32> -> vector<1024x384xf32>
    %add3A_1569 = vector.broadcast %get3A_25 : vector<1x384xf32> to vector<1024x384xf32>
    %add3A_1570 = arith.addf %dot_general3A_1568, %add3A_1569 : vector<1024x384xf32>
    %dot_general3A_1571 = arith.constant dense<0.000000e+00> : vector<1024x384xf32>
    %dot_general3A_1572 = tpu.matmul %add3A_1524, %get3A_16, %dot_general3A_1571 {dimension_numbers = #tpu.dot_dimension_numbers<[1], [0], [0], [1], [0, 0, 1, 1], [], []>, transpose_lhs_hint = false} : vector<1024x128xf32>, vector<128x384xf32>, vector<1024x384xf32> -> vector<1024x384xf32>
    %add3A_1573 = vector.broadcast %get3A_28 : vector<1x384xf32> to vector<1024x384xf32>
    %add3A_1574 = arith.addf %dot_general3A_1572, %add3A_1573 : vector<1024x384xf32>
    %slice3A_1575 = vector.extract_strided_slice %add3A_1570 {offsets = [0, 0], sizes = [1024, 128], strides = [1, 1]} : vector<1024x384xf32> to vector<1024x128xf32>
    %slice3A_1576 = vector.extract_strided_slice %add3A_1574 {offsets = [0, 0], sizes = [1024, 128], strides = [1, 1]} : vector<1024x384xf32> to vector<1024x128xf32>
    %add3A_1577 = arith.addf %slice3A_1575, %slice3A_1576 : vector<1024x128xf32>
    %logistic3A_1578 = arith.negf %add3A_1577 : vector<1024x128xf32>
    %logistic3A_1579 = math.exp %logistic3A_1578 : vector<1024x128xf32>
    %logistic3A_1580 = arith.constant 1.000000e+00 : f32
    %logistic3A_1581 = vector.broadcast %logistic3A_1580 : f32 to vector<1024x128xf32>
    %logistic3A_1582 = arith.addf %logistic3A_1581, %logistic3A_1579 : vector<1024x128xf32>
    %logistic3A_1583 = arith.divf %logistic3A_1581, %logistic3A_1582 : vector<1024x128xf32>
    %slice3A_1584 = vector.extract_strided_slice %add3A_1570 {offsets = [0, 128], sizes = [1024, 128], strides = [1, 1]} : vector<1024x384xf32> to vector<1024x128xf32>
    %slice3A_1585 = vector.extract_strided_slice %add3A_1574 {offsets = [0, 128], sizes = [1024, 128], strides = [1, 1]} : vector<1024x384xf32> to vector<1024x128xf32>
    %add3A_1586 = arith.addf %slice3A_1584, %slice3A_1585 : vector<1024x128xf32>
    %logistic3A_1587 = arith.negf %add3A_1586 : vector<1024x128xf32>
    %logistic3A_1588 = math.exp %logistic3A_1587 : vector<1024x128xf32>
    %logistic3A_1589 = arith.constant 1.000000e+00 : f32
    %logistic3A_1590 = vector.broadcast %logistic3A_1589 : f32 to vector<1024x128xf32>
    %logistic3A_1591 = arith.addf %logistic3A_1590, %logistic3A_1588 : vector<1024x128xf32>
    %logistic3A_1592 = arith.divf %logistic3A_1590, %logistic3A_1591 : vector<1024x128xf32>
    %slice3A_1593 = vector.extract_strided_slice %add3A_1570 {offsets = [0, 256], sizes = [1024, 128], strides = [1, 1]} : vector<1024x384xf32> to vector<1024x128xf32>
    %slice3A_1594 = vector.extract_strided_slice %add3A_1574 {offsets = [0, 256], sizes = [1024, 128], strides = [1, 1]} : vector<1024x384xf32> to vector<1024x128xf32>
    %mul3A_1595 = arith.mulf %logistic3A_1583, %slice3A_1594 : vector<1024x128xf32>
    %add3A_1596 = arith.addf %slice3A_1593, %mul3A_1595 : vector<1024x128xf32>
    %tanh3A_1597 = math.tanh %add3A_1596 : vector<1024x128xf32>
    %sub3A_1598 = arith.constant 1.000000e+00 : f32
    %sub3A_1599 = vector.broadcast %sub3A_1598 : f32 to vector<1024x128xf32>
    %sub3A_1600 = arith.subf %sub3A_1599, %logistic3A_1592 : vector<1024x128xf32>
    %mul3A_1601 = arith.mulf %sub3A_1600, %tanh3A_1597 : vector<1024x128xf32>
    %mul3A_1602 = arith.mulf %logistic3A_1592, %add3A_1524 : vector<1024x128xf32>
    %add3A_1603 = arith.addf %mul3A_1601, %mul3A_1602 : vector<1024x128xf32>
    %swap3A = arith.constant 0 : index
    %swap3A_1604 = arith.constant 0 : index
    %swap3A_1605 = vector.load %arg10[%swap3A, %swap3A_1604] : memref<1024x128xf32, #tpu.memory_space<vmem>>, vector<1024x128xf32>
    tpu.vector_store %arg10[%swap3A, %swap3A_1604], %add3A_1603 {strides = array<i32>} : memref<1024x128xf32, #tpu.memory_space<vmem>>, vector<1024x128xf32>,
    return
  }
}

module attributes {stable_mosaic.version = 14 : i64} {
  func.func @_head_body(%arg0: memref<1024x64xf32, #tpu.memory_space<vmem>>, %arg1: memref<1024x64xf32, #tpu.memory_space<vmem>>, %arg2: memref<1024x64xf32, #tpu.memory_space<vmem>>, %arg3: memref<1024x128xf32, #tpu.memory_space<vmem>>, %arg4: memref<64x192xf32, #tpu.memory_space<vmem>>, %arg5: memref<64x192xf32, #tpu.memory_space<vmem>>, %arg6: memref<1x192xf32, #tpu.memory_space<vmem>>, %arg7: memref<1x192xf32, #tpu.memory_space<vmem>>, %arg8: memref<192x128xf32, #tpu.memory_space<vmem>>, %arg9: memref<1x128xf32, #tpu.memory_space<vmem>>, %arg10: memref<128x1xf32, #tpu.memory_space<vmem>>, %arg11: memref<1x1xf32, #tpu.memory_space<vmem>>, %arg12: memref<1024x1xf32, #tpu.memory_space<vmem>>) attributes {dimension_semantics = [], scalar_prefetch = 0 : i64, scratch_operands = 0 : i64, tpu.core_type = #tpu.core_type<tc>} {
    %get3A = arith.constant 0 : index
    %get3A_0 = arith.constant 0 : index
    %get3A_1 = vector.load %arg0[%get3A, %get3A_0] : memref<1024x64xf32, #tpu.memory_space<vmem>>, vector<1024x64xf32>
    %get3A_2 = arith.constant 0 : index
    %get3A_3 = arith.constant 0 : index
    %get3A_4 = vector.load %arg1[%get3A_2, %get3A_3] : memref<1024x64xf32, #tpu.memory_space<vmem>>, vector<1024x64xf32>
    %add3A = arith.addf %get3A_1, %get3A_4 : vector<1024x64xf32>
    %get3A_5 = arith.constant 0 : index
    %get3A_6 = arith.constant 0 : index
    %get3A_7 = vector.load %arg2[%get3A_5, %get3A_6] : memref<1024x64xf32, #tpu.memory_space<vmem>>, vector<1024x64xf32>
    %get3A_8 = arith.constant 0 : index
    %get3A_9 = arith.constant 0 : index
    %get3A_10 = vector.load %arg4[%get3A_8, %get3A_9] : memref<64x192xf32, #tpu.memory_space<vmem>>, vector<64x192xf32>
    %dot_general3A = arith.constant dense<0.000000e+00> : vector<1024x192xf32>
    %dot_general3A_11 = tpu.matmul %add3A, %get3A_10, %dot_general3A {dimension_numbers = #tpu.dot_dimension_numbers<[1], [0], [0], [1], [0, 0, 1, 1], [], []>, transpose_lhs_hint = false} : vector<1024x64xf32>, vector<64x192xf32>, vector<1024x192xf32> -> vector<1024x192xf32>
    %get3A_12 = arith.constant 0 : index
    %get3A_13 = arith.constant 0 : index
    %get3A_14 = vector.load %arg6[%get3A_12, %get3A_13] : memref<1x192xf32, #tpu.memory_space<vmem>>, vector<1x192xf32>
    %add3A_15 = vector.broadcast %get3A_14 : vector<1x192xf32> to vector<1024x192xf32>
    %add3A_16 = arith.addf %dot_general3A_11, %add3A_15 : vector<1024x192xf32>
    %get3A_17 = arith.constant 0 : index
    %get3A_18 = arith.constant 0 : index
    %get3A_19 = vector.load %arg5[%get3A_17, %get3A_18] : memref<64x192xf32, #tpu.memory_space<vmem>>, vector<64x192xf32>
    %dot_general3A_20 = arith.constant dense<0.000000e+00> : vector<1024x192xf32>
    %dot_general3A_21 = tpu.matmul %get3A_7, %get3A_19, %dot_general3A_20 {dimension_numbers = #tpu.dot_dimension_numbers<[1], [0], [0], [1], [0, 0, 1, 1], [], []>, transpose_lhs_hint = false} : vector<1024x64xf32>, vector<64x192xf32>, vector<1024x192xf32> -> vector<1024x192xf32>
    %get3A_22 = arith.constant 0 : index
    %get3A_23 = arith.constant 0 : index
    %get3A_24 = vector.load %arg7[%get3A_22, %get3A_23] : memref<1x192xf32, #tpu.memory_space<vmem>>, vector<1x192xf32>
    %add3A_25 = vector.broadcast %get3A_24 : vector<1x192xf32> to vector<1024x192xf32>
    %add3A_26 = arith.addf %dot_general3A_21, %add3A_25 : vector<1024x192xf32>
    %slice3A = vector.extract_strided_slice %add3A_16 {offsets = [0, 0], sizes = [1024, 64], strides = [1, 1]} : vector<1024x192xf32> to vector<1024x64xf32>
    %slice3A_27 = vector.extract_strided_slice %add3A_26 {offsets = [0, 0], sizes = [1024, 64], strides = [1, 1]} : vector<1024x192xf32> to vector<1024x64xf32>
    %add3A_28 = arith.addf %slice3A, %slice3A_27 : vector<1024x64xf32>
    %logistic3A = arith.negf %add3A_28 : vector<1024x64xf32>
    %logistic3A_29 = math.exp %logistic3A : vector<1024x64xf32>
    %logistic3A_30 = arith.constant 1.000000e+00 : f32
    %logistic3A_31 = vector.broadcast %logistic3A_30 : f32 to vector<1024x64xf32>
    %logistic3A_32 = arith.addf %logistic3A_31, %logistic3A_29 : vector<1024x64xf32>
    %logistic3A_33 = arith.divf %logistic3A_31, %logistic3A_32 : vector<1024x64xf32>
    %slice3A_34 = vector.extract_strided_slice %add3A_16 {offsets = [0, 64], sizes = [1024, 64], strides = [1, 1]} : vector<1024x192xf32> to vector<1024x64xf32>
    %slice3A_35 = vector.extract_strided_slice %add3A_26 {offsets = [0, 64], sizes = [1024, 64], strides = [1, 1]} : vector<1024x192xf32> to vector<1024x64xf32>
    %add3A_36 = arith.addf %slice3A_34, %slice3A_35 : vector<1024x64xf32>
    %logistic3A_37 = arith.negf %add3A_36 : vector<1024x64xf32>
    %logistic3A_38 = math.exp %logistic3A_37 : vector<1024x64xf32>
    %logistic3A_39 = arith.constant 1.000000e+00 : f32
    %logistic3A_40 = vector.broadcast %logistic3A_39 : f32 to vector<1024x64xf32>
    %logistic3A_41 = arith.addf %logistic3A_40, %logistic3A_38 : vector<1024x64xf32>
    %logistic3A_42 = arith.divf %logistic3A_40, %logistic3A_41 : vector<1024x64xf32>
    %slice3A_43 = vector.extract_strided_slice %add3A_16 {offsets = [0, 128], sizes = [1024, 64], strides = [1, 1]} : vector<1024x192xf32> to vector<1024x64xf32>
    %slice3A_44 = vector.extract_strided_slice %add3A_26 {offsets = [0, 128], sizes = [1024, 64], strides = [1, 1]} : vector<1024x192xf32> to vector<1024x64xf32>
    %mul3A = arith.mulf %logistic3A_33, %slice3A_44 : vector<1024x64xf32>
    %add3A_45 = arith.addf %slice3A_43, %mul3A : vector<1024x64xf32>
    %tanh3A = math.tanh %add3A_45 : vector<1024x64xf32>
    %sub3A = arith.constant 1.000000e+00 : f32
    %sub3A_46 = vector.broadcast %sub3A : f32 to vector<1024x64xf32>
    %sub3A_47 = arith.subf %sub3A_46, %logistic3A_42 : vector<1024x64xf32>
    %mul3A_48 = arith.mulf %sub3A_47, %tanh3A : vector<1024x64xf32>
    %mul3A_49 = arith.mulf %logistic3A_42, %get3A_7 : vector<1024x64xf32>
    %add3A_50 = arith.addf %mul3A_48, %mul3A_49 : vector<1024x64xf32>
    %get3A_51 = arith.constant 0 : index
    %get3A_52 = arith.constant 0 : index
    %get3A_53 = vector.load %arg8[%get3A_51, %get3A_52] : memref<192x128xf32, #tpu.memory_space<vmem>>, vector<192x128xf32>
    %slice3A_54 = vector.extract_strided_slice %get3A_53 {offsets = [0, 0], sizes = [64, 128], strides = [1, 1]} : vector<192x128xf32> to vector<64x128xf32>
    %dot_general3A_55 = arith.constant dense<0.000000e+00> : vector<1024x128xf32>
    %dot_general3A_56 = tpu.matmul %add3A_50, %slice3A_54, %dot_general3A_55 {dimension_numbers = #tpu.dot_dimension_numbers<[1], [0], [0], [1], [0, 0, 1, 1], [], []>, transpose_lhs_hint = false} : vector<1024x64xf32>, vector<64x128xf32>, vector<1024x128xf32> -> vector<1024x128xf32>
    %get3A_57 = arith.constant 0 : index
    %get3A_58 = arith.constant 0 : index
    %get3A_59 = vector.load %arg3[%get3A_57, %get3A_58] : memref<1024x128xf32, #tpu.memory_space<vmem>>, vector<1024x128xf32>
    %slice3A_60 = vector.extract_strided_slice %get3A_53 {offsets = [64, 0], sizes = [128, 128], strides = [1, 1]} : vector<192x128xf32> to vector<128x128xf32>
    %dot_general3A_61 = arith.constant dense<0.000000e+00> : vector<1024x128xf32>
    %dot_general3A_62 = tpu.matmul %get3A_59, %slice3A_60, %dot_general3A_61 {dimension_numbers = #tpu.dot_dimension_numbers<[1], [0], [0], [1], [0, 0, 1, 1], [], []>, transpose_lhs_hint = false} : vector<1024x128xf32>, vector<128x128xf32>, vector<1024x128xf32> -> vector<1024x128xf32>
    %add3A_63 = arith.addf %dot_general3A_56, %dot_general3A_62 : vector<1024x128xf32>
    %get3A_64 = arith.constant 0 : index
    %get3A_65 = arith.constant 0 : index
    %get3A_66 = vector.load %arg9[%get3A_64, %get3A_65] : memref<1x128xf32, #tpu.memory_space<vmem>>, vector<1x128xf32>
    %add3A_67 = vector.broadcast %get3A_66 : vector<1x128xf32> to vector<1024x128xf32>
    %add3A_68 = arith.addf %add3A_63, %add3A_67 : vector<1024x128xf32>
    %max3A = arith.constant 0.000000e+00 : f32
    %max3A_69 = vector.broadcast %max3A : f32 to vector<1024x128xf32>
    %max3A_70 = arith.maximumf %add3A_68, %max3A_69 : vector<1024x128xf32>
    %get3A_71 = arith.constant 0 : index
    %get3A_72 = arith.constant 0 : index
    %get3A_73 = vector.load %arg10[%get3A_71, %get3A_72] : memref<128x1xf32, #tpu.memory_space<vmem>>, vector<128x1xf32>
    %dot_general3A_74 = arith.constant dense<0.000000e+00> : vector<1024x1xf32>
    %dot_general3A_75 = tpu.matmul %max3A_70, %get3A_73, %dot_general3A_74 {dimension_numbers = #tpu.dot_dimension_numbers<[1], [0], [0], [1], [0, 0, 1, 1], [], []>, transpose_lhs_hint = false} : vector<1024x128xf32>, vector<128x1xf32>, vector<1024x1xf32> -> vector<1024x1xf32>
    %get3A_76 = arith.constant 0 : index
    %get3A_77 = arith.constant 0 : index
    %get3A_78 = vector.load %arg11[%get3A_76, %get3A_77] : memref<1x1xf32, #tpu.memory_space<vmem>>, vector<1x1xf32>
    %add3A_79 = vector.broadcast %get3A_78 : vector<1x1xf32> to vector<1024x1xf32>
    %add3A_80 = arith.addf %dot_general3A_75, %add3A_79 : vector<1024x1xf32>
    %logistic3A_81 = arith.negf %add3A_80 : vector<1024x1xf32>
    %logistic3A_82 = math.exp %logistic3A_81 : vector<1024x1xf32>
    %logistic3A_83 = arith.constant 1.000000e+00 : f32
    %logistic3A_84 = vector.broadcast %logistic3A_83 : f32 to vector<1024x1xf32>
    %logistic3A_85 = arith.addf %logistic3A_84, %logistic3A_82 : vector<1024x1xf32>
    %logistic3A_86 = arith.divf %logistic3A_84, %logistic3A_85 : vector<1024x1xf32>
    %swap3A = arith.constant 0 : index
    %swap3A_87 = arith.constant 0 : index
    %swap3A_88 = vector.load %arg12[%swap3A, %swap3A_87] : memref<1024x1xf32, #tpu.memory_space<vmem>>, vector<1024x1xf32>
    tpu.vector_store %arg12[%swap3A, %swap3A_87], %logistic3A_86 {strides = array<i32>} : memref<1024x1xf32, #tpu.memory_space<vmem>>, vector<1024x1xf32>,
    return
  }
}

</mosaic_0001>

<sc_bundles>
// kernel: kernel.11.cloned.1.call-start
scs
__scs_entry_jumppad:
0x0: {  	(pc) =	sbr.rel $0x88, $3  }
0x1: {  	(tag) =	ssettag $0x0;
	lr =	simm.s32 $0x1  }
0x2: {  	[smem:$0x3F88] =	sst lr;
	_ =	strace $0xD0000000  }
0x3: {  	_ = 	snop  }
0x4: {  	_ = 	snop  }
0x5: {  	_ = 	snop  }
0x6: {  	_ = 	snop  }
0x7: {  	_ = 	snop  }
__scs_overlays_trampoline_lowered:
0x8: {  	[smem:$0x3F97] =	sst s0  }
0x9: {  	[smem:$0x3F98] =	sst s1  }
0xa: {  	[smem:$0x3F99] =	sst s2  }
0xb: {  	[smem:$0x3F9A] =	sst s3  }
0xc: {  	[smem:$0x3F9B] =	sst s4  }
0xd: {  	[smem:$0x3F9C] =	sst s5  }
0xe: {  	[smem:$0x3F9D] =	sst s6  }
0xf: {  	[smem:$0x3F9E] =	sst s7  }
0x10: {  	[smem:$0x3F9F] =	sst s8  }
0x11: {  	[smem:$0x3FA0] =	sst s9;
	s0 =	simm.s32 @!p0 $0x0  }
0x12: {  	s1 =	sld [smem:$0x3F86];
	s0 =	simm.s32 @p0 $0x1  }
0x13: {  	[smem:$0x3FA1] =	sst s0;
	s0 =	simm.s32 @!p1 $0x0  }
0x14: {  	s2 =	sld [smem:$0x3F85];
	s0 =	simm.s32 @p1 $0x1  }
0x15: {  	[smem:$0x3FA2] =	sst s0;
	s0 =	simm.s32 @!p2 $0x0  }
0x16: {  	s3 =	sld [smem:$0x3FDB];
	s0 =	simm.s32 @p2 $0x1  }
0x17: {  	s4 =	simm.s32 $0x1BF5;
	[smem:$0x3FA4] =	sst s0  }
0x18: {  	s0 =	sld [smem:$0x3F87];
	_ =	swait.ge [sflag:s4], $0x0  }
0x19: {  	s7 =	sld [smem:$0x3F88]  }
0x1a: {  	s8 =	sadd.s32 $0xFFFFE003, lr  }
0x1b: {  	s9 =	sadd.s32 $0xFFFFFEF7, lr;
	s5 =	simm.s32 $0xFFFFFFFF;
	p2 =	slt.u32 s8, $0xFFFFF086  }
0x1c: {  	p1 =	slt.u32 s9, $0xF7A;
	s5 =	simm.s32 @!p2 $0x0  }
0x1d: {  	s5 =	simm.s32 @p1 $0x1;
	p0 =	seq.s32 s7, s2  }
0x1e: {  	s7 =	smul.u32 @!p0 $0xF7A, s2;
	p2 =	seq.s32 @!p0 s5, $0x0  }
0x1f: {  	s9 =	smul.u32 $0xF7A, s1;
	s8 =	simm.s32 @!p0 $0x1BF5;
	p2 =	por !p2, p0  }
0x20: {  	[sflag:s8] =	ssyncset.s32 @!p0 $0xFFFFF086;
	s6 =	sadd.s32 @!p0 s3, s7;
	s7 =	simm.s32 @!p0 $0x108  }
0x21: {  	s3 =	sadd.s32 s3, s9;
	s6 =	sadd.s32 @!p0 $0x88, s6;
	s7 =	simm.s32 @p2 $0x1082  }
0x22: {  	[simem:s7], [sflag:s8] =	dma.local @!p0 [hbm:s6], $0xF7A  }
0x23: {  	s9 =	sor.u32 $0xD0000000, s2;
	s6 =	simm.s32 $0x108;
	_ =	swait.ge @!p0 [sflag:s8], $0x0  }
0x24: {  	s3 =	sadd.s32 $0x88, s3;
	s6 =	simm.s32 @!p1 $0x1082;
	[sflag:s4] =	ssyncset.s32 $0xFFFFF086  }
0x25: {  	[simem:s6], [sflag:s4] =	dma.local [hbm:s3], $0xF7A  }
0x26: {  	[smem:$0x3F88] =	sst s1;
	(tag) =	ssettag s2;
	_ =	strace s9  }
0x27: {  	s1 =	sld [smem:$0x3F98]  }
0x28: {  	s2 =	sld [smem:$0x3F99]  }
0x29: {  	s4 =	sld [smem:$0x3F9B]  }
0x2a: {  	p0 =	seq.s32 s5, $0x0;
	s5 =	sld [smem:$0x3F9C]  }
0x2b: {  	s6 =	sld [smem:$0x3F9D]  }
0x2c: {  	s7 =	sld [smem:$0x3F9E]  }
0x2d: {  	s3 =	simm.s32 $0x108;
	s8 =	sld [smem:$0x3F9F]  }
0x2e: {  	s3 =	simm.s32 @!p0 $0x1082;
	s9 =	sld [smem:$0x3FA0]  }
0x2f: {  	lr =	sadd.s32 s0, s3;
	s0 =	sld [smem:$0x3F97]  }
0x30: {  	s3 =	sld [smem:$0x3F9A]  }
0x31: {  	[smem:$0x3FA3] =	sst s10  }
0x32: {  	s10 =	sld [smem:$0x3FA1];
	_ =	sdelay $0x3  }
0x33: {  	p0 =	seq.s32 s10, $0x1;
	s10 =	sld [smem:$0x3FA3];
	_ =	sdelay $0x3  }
0x34: {  	[smem:$0x3FA3] =	sst s10  }
0x35: {  	s10 =	sld [smem:$0x3FA2];
	_ =	sdelay $0x3  }
0x36: {  	p1 =	seq.s32 s10, $0x1;
	s10 =	sld [smem:$0x3FA3];
	_ =	sdelay $0x3  }
0x37: {  	[smem:$0x3FA3] =	sst s10  }
0x38: {  	s10 =	sld [smem:$0x3FA4]  }
0x39: {  	_ = 	snop;
	(pc) =	sbr.ind lr, $3  }
0x3a: {  	_ = 	snop  }
0x3b: {  	_ = 	snop  }
0x3c: {  	p2 =	seq.s32 s10, $0x1;
	s10 =	sld [smem:$0x3FA3]  }
0x3d: {  	_ =	shalt  }
0x3e: {  	_ =	shalt  }
0x3f: {  	_ =	shalt  }
0x40: {  	_ =	shalt  }
0x41: {  	_ =	shalt  }
0x42: {  	_ =	shalt  }
0x43: {  	_ =	shalt  }
0x44: {  	_ =	shalt  }
0x45: {  	_ =	shalt  }
0x46: {  	_ =	shalt  }
0x47: {  	_ =	shalt  }
0x48: {  	_ =	shalt  }
0x49: {  	_ =	shalt  }
0x4a: {  	_ =	shalt  }
0x4b: {  	_ =	shalt  }
0x4c: {  	_ =	shalt  }
0x4d: {  	_ =	shalt  }
0x4e: {  	_ =	shalt  }
0x4f: {  	_ =	shalt  }
0x50: {  	_ =	shalt  }
0x51: {  	_ =	shalt  }
0x52: {  	_ =	shalt  }
0x53: {  	_ =	shalt  }
0x54: {  	_ =	shalt  }
0x55: {  	_ =	shalt  }
0x56: {  	_ =	shalt  }
0x57: {  	_ =	shalt  }
0x58: {  	_ =	shalt  }
0x59: {  	_ =	shalt  }
0x5a: {  	_ =	shalt  }
0x5b: {  	_ =	shalt  }
0x5c: {  	_ =	shalt  }
0x5d: {  	_ =	shalt  }
0x5e: {  	_ =	shalt  }
0x5f: {  	_ =	shalt  }
0x60: {  	_ =	shalt  }
0x61: {  	_ =	shalt  }
0x62: {  	_ =	shalt  }
0x63: {  	_ =	shalt  }
0x64: {  	_ =	shalt  }
0x65: {  	_ =	shalt  }
0x66: {  	_ =	shalt  }
0x67: {  	_ =	shalt  }
0x68: {  	_ =	shalt  }
0x69: {  	_ =	shalt  }
0x6a: {  	_ =	shalt  }
0x6b: {  	_ =	shalt  }
0x6c: {  	_ =	shalt  }
0x6d: {  	_ =	shalt  }
0x6e: {  	_ =	shalt  }
0x6f: {  	_ =	shalt  }
0x70: {  	_ =	shalt  }
0x71: {  	_ =	shalt  }
0x72: {  	_ =	shalt  }
0x73: {  	_ =	shalt  }
0x74: {  	_ =	shalt  }
0x75: {  	_ =	shalt  }
0x76: {  	_ =	shalt  }
0x77: {  	_ =	shalt  }
0x78: {  	_ =	shalt  }
0x79: {  	_ =	shalt  }
0x7a: {  	_ =	shalt  }
0x7b: {  	_ =	shalt  }
0x7c: {  	_ =	shalt  }
0x7d: {  	_ =	shalt  }
0x7e: {  	_ =	shalt  }
0x7f: {  	_ =	shalt  }
0x80: {  	_ =	shalt  }
0x81: {  	_ =	shalt  }
0x82: {  	_ =	shalt  }
0x83: {  	_ =	shalt  }
0x84: {  	_ =	shalt  }
0x85: {  	_ =	shalt  }
0x86: {  	_ =	shalt  }
0x87: {  	_ =	shalt  }
.Lfunc_end0:
.L_simem_size_0:
called_computation.1_lowered:
.L_overlay_start_0:
0x88: {  	s2 =	sld [smem:$0x3FD9]  }
0x89: {  	s3 =	sld [smem:$0x3FFE];
	_ =	sdelay $0x1  }
0x8a: {  	s1 =	srdreg.scid  }
0x8b: {  	s0 =	sand.u32 $0x1, s1  }
0x8c: {  	s17 =	sshll.u32 s0, $0xA;
	s2 =	sadd.s32 s3, s2  }
0x8d: {  	s2 =	sadd.s32 s2, s17  }
0x8e: {  	[smem:$0x3FAF] =	sst s2  }
0x8f: {  	_ = 	snop  }
0x90: {  	s2 =	sld [smem:$0x3FC7];
	(tm) =	ssettm $0x1  }
0x91: {  	s18 =	sld [smem:$0x3FFB];
	_ =	sdelay $0x3  }
0x92: {  	_ =	strace s18  }
0x93: {  	s3 =	sld [smem:$0x3FFC];
	_ =	sdelay $0x3  }
0x94: {  	_ =	strace s3  }
0x95: {  	s3 =	sld [smem:$0x3FFD];
	_ =	sdelay $0x3  }
0x96: {  	_ =	strace s3  }
0x97: {  	_ =	strace $0x8FFFFFFF  }
0x98: {  	s19 =	sld [smem:$0x3FDB];
	_ =	sdelay $0x1  }
0x99: {  	s4 =	simm.s32 $_scs_section_size  }
0x9a: {  	s5 =	simm.s32 $_size__tile_overlayer_lowered;
	s6 =	simm.s32 $_tile_overlayer_lowered  }
0x9b: {  	s22 =	simm.s32 $0x1BFF;
	s21 =	sshll.u32 s6, $0x1;
	s3 =	sadd.s32 s4, s19  }
0x9c: {  	s7 =	simm.s32 $0x0;
	s20 =	sshll.u32 s5, $0x1;
	s5 =	sadd.s32 s21, s3  }
0x9d: {  	[timem:s7], [sflag:s22] =	dma.local [hbm:s5], s20  }
0x9e: {  	_ =	swait.ge [sflag:s22], s20  }
0x9f: {  	s4 =	ssub.s32 $0x0, s20;
	[sflag:s22] =	ssyncset.done $0x0  }
0xa0: {  	[sflag:s22] =	ssyncadd.s32 s4;
	_ =	sdelay $0x1  }
0xa1: {  	s23 =	simm.s32 $0x1B8B  }
0xa2: {  	_ =	swait.ge [sflag:s23], $0x1  }
0xa3: {  	[sflag:s23] =	ssyncset.done $0x0  }
0xa4: {  	s25 =	simm.s32 $0x1B8E;
	s24 =	sld [smem:$0x3FFE];
	[sflag:s23] =	ssyncadd.s32 $0xFFFFFFFF  }
0xa5: {  	s26 =	simm.s32 $execute0_lowered;
	[smem:$0x3FD2] =	sst s25  }
0xa6: {  	s5 =	sshll.u32 s26, $0x1;
	_ =	strace $0x80000049;
	[dreg:$0x1] =	wrdreg $0xFFFFFFFF  }
0xa7: {  	s28 =	simm.s32 $_size_execute0_lowered;
	s3 =	sadd.s32 s3, s5;
	[dreg:$0x0] =	wrdreg $0x0  }
0xa8: {  	s5 =	sshll.u32 s28, $0x1;
	[dreg:$0x2] =	wrdreg s3  }
0xa9: {  	[dreg:$0x3] =	wrdreg s5  }
0xaa: {  	[dreg:$0x4] =	wrdreg $0xC0  }
0xab: {  	_ =	task [dreg:s7], $0x5FFFF  }
0xac: {  	[dreg:$0x1] =	wrdreg $0xFFFFFFFF  }
0xad: {  	[dreg:$0x0] =	wrdreg $0x60  }
0xae: {  	[dreg:$0x2] =	wrdreg s24  }
0xaf: {  	[dreg:$0x3] =	wrdreg s2  }
0xb0: {  	[dreg:$0x4] =	wrdreg $0xC0600  }
0xb1: {  	[dreg:$0x5] =	wrdreg $0x9  }
0xb2: {  	_ =	task.clear_ibuf [dreg:s7], $0x6FFFF;
	_ =	strace $0x90000049  }
0xb3: {  	s29 =	simm.s32 $0x9;
	_ =	strace $0x8000004B  }
0xb4: {  	_ =	swait.ge [sflag:s29], $0x1  }
0xb5: {  	[sflag:s29] =	ssyncadd.s32 $0xFFFFFFFF  }
0xb6: {  	_ =	strace $0x9000004B  }
0xb7: {  	_ =	sfence  }
0xb8: {  	s30 =	sld [smem:$0x0];
	_ =	sdelay $0x2  }
0xb9: {  	s31 =	sshll.u32 s1, $0xD;
	s1 =	sshrl.u32 s1, $0x2  }
0xba: {  	s3 =	sand.u32 $0x4000, s31;
	s1 =	sadd.s32 s1, s30  }
0xbb: {  	s0 =	sor.u32 s3, s0;
	s1 =	sshll.u32 s1, $0x11  }
0xbc: {  	s0 =	sor.u32 s1, s0  }
0xbd: {  	s0 =	sadd.s32 $0x8F2B, s0  }
0xbe: {  	[sflag:s0] =	ssyncadd.remote.s32 $0x1  }
0xbf: {  	_ =	sfence.sel $0xFFFF  }
0xc0: {  	[dreg:$0x0] =	wrdreg $0xFFFFFFFF;
	(pc) =	sbr.abs _section_cstart, $3  }
0xc1: {  	[dreg:$0x1] =	wrdreg $0xFFFFFFFF  }
0xc2: {  	_ =	task.clear_ibuf [dreg:s7], $0x2FFFF;
	_ =	strace $0x9FFFFFFF  }
0xc3: {  	(tm) =	ssettm $0x7FFFFFFF  }
tec
execute0_lowered:
.L_overlay_start_1:
0x0: {  	(tag) =	ssettag $0x1  }
0x1: {  	s0 =	rddreg [dreg:$0x0]  }
0x2: {  	s1 =	rddreg [dreg:$0x1]  }
0x3: {  	s2 =	rddreg [dreg:$0x2]  }
0x4: {  	s3 =	srdreg.scid;
	s18 =	stileid.u32;
	s28 =	simm.s32 $0x3  }
0x5: {  	s29 =	simm.s32 $0x4;
	s30 =	simm.s32 $0x5;
	s31 =	simm.s32 $0x6  }
0x6: {  	s5 =	sand.u32 $0x1, s3;
	s4 =	sshll.u32 s18, $0x1;
	s3 =	simm.s32 $0x0  }
0x7: {  	s8 =	smul.u32 $0xA000, s18;
	s14 =	sadd.s32 $0x85C00, s0;
	s12 =	sadd.s32 $0x3C00, s0  }
0x8: {  	s16 =	sadd.s32 $0x2FC00, s0;
	s19 =	sshll.u32 s18, $0x6;
	s22 =	sshll.u32 s18, $0x3  }
0x9: {  	s24 =	sshll.u32 s18, $0x9;
	s18 =	simm.s32 $0xA;
	s7 =	sor.u32 s5, s4  }
0xa: {  	[smem:$0x7FF] =	sst s3;
	s4 =	sadd.s32 $0x71C00, s0;
	p0 =	seq.s32 s5, $0x0  }
0xb: {  	s6 =	smul.u32 $0x280, s7;
	_ =	strace $0x8000004A;
	s9 =	sshrl.u32 s8, $0x3  }
0xc: {  	[dreg:$0x4] =	wrdreg s14;
	s13 =	sshll.u32 s7, $0x8;
	s14 =	ssub.s32 $0x2, s5  }
0xd: {  	s17 =	sadd.s32 s8, s2;
	s8 =	sor.u32 $0x1C0A, s19;
	s21 =	sshll.u32 s7, $0x2  }
0xe: {  	s19 =	simm.s32 $0xA800;
	s7 =	simm.s32 $0x9;
	s11 =	sadd.s32 s9, s0  }
0xf: {  	s13 =	sadd.s32 s13, s0;
	s15 =	sshrl.u32 s14, $0x1;
	s5 =	sadd.s32 s1, s21  }
0x10: {  	s1 =	sadd.s32 s1, s22;
	s17 =	sshrl.u32 s17, $0x3;
	s21 =	simm.s32 $0x2800  }
0x11: {  	s22 =	simm.s32 $0x4800;
	s10 =	sadd.s32 s6, s0;
	s6 =	sadd.s32 $0x17C00, s0  }
0x12: {  	s0 =	sadd.s32 $0x2BC00, s0;
	s14 =	ssub.s32 s14, s15;
	[dreg:$0x8] =	wrdreg s5  }
0x13: {  	s15 =	sadd.s32 $0x5DC00, s11;
	s23 =	sadd.s32 $0x2DC00, s13;
	[dreg:$0xa] =	wrdreg s1  }
0x14: {  	s1 =	simm.s32 $0x8;
	s5 =	simm.s32 $0xA820;
	[dreg:$0x5] =	wrdreg s15  }
0x15: {  	s11 =	simm.s32 $0x0;
	s20 =	sadd.s32 $0x58C00, s10;
	[dreg:$0x9] =	wrdreg s23  }
0x16: {  	s10 =	sadd.s32 $0x53C00, s10;
	s6 =	smov.u32 @p0 s12;
	[dreg:$0x6] =	wrdreg s20  }
0x17: {  	s0 =	smov.u32 @p0 s16;
	s25 =	smax.u32 s14, $0x1;
	[dreg:$0x7] =	wrdreg s10  }
0x18: {  	s23 =	simm.s32 $0x6800;
	[dreg:$0xb] =	wrdreg s25;
	s26 =	sadd.s32 s6, s9  }
0x19: {  	s16 =	sadd.s32 s0, s24;
	s20 =	simm.s32 $0x80;
	s24 =	simm.s32 $0x8800  }
0x1a: {  	s25 =	simm.s32 $0x1;
	s0 =	simm.s32 $0x7;
	s9 =	simm.s32 $0xB020  }
0x1b: {  	s10 =	simm.s32 $0xB060;
	[dreg:$0xc] =	wrdreg s26;
	s26 =	simm.s32 $0x2  }
.LBB2_1:
0x1c: {  	s12 =	rddreg [dreg:$0x5]  }
0x1d: {  	[spmem:s17], [sflag:s8] =	dma.local [hbm:s12], $0x1400  }
0x1e: {  	_ =	swait.ge [sflag:s18], $0x1400  }
0x1f: {  	[sflag:s18] =	ssyncset.done $0x0  }
0x20: {  	[sflag:s18] =	ssyncadd.s32 $0xFFFFEC00  }
0x21: {  	[bflag:$0x0] =	sbarrier.arrive $0xFFFF  }
0x22: {  	s14 =	rddreg [dreg:$0x6]  }
0x23: {  	[tilespmem:s3], [sflag:$0xA] =	stream.linear.gather [hbm4b:s14+s3], $0x1400, $0x38;
	[tilespmem:$0x16060] =	vst v63  }
0x24: {  	_ =	swait.ge [sflag:s18], $0x1400  }
0x25: {  	[sflag:s18] =	ssyncset.done $0x0  }
0x26: {  	s13 =	simm.s32 $0x1400;
	s15 =	rddreg [dreg:$0x7];
	[sflag:s18] =	ssyncadd.s32 $0xFFFFEC00  }
0x27: {  	[tilespmem:s13], [sflag:$0xA] =	stream.linear.gather [hbm4b:s15+s3], $0x1400, $0x38;
	[tilespmem:$0x16060] =	vst v63  }
0x28: {  	_ =	swait.ge [sflag:s18], $0x1400  }
0x29: {  	[sflag:s18] =	ssyncset.done $0x0  }
0x2a: {  	s14 =	simm.s32 $0x0;
	[sflag:s18] =	ssyncadd.s32 $0xFFFFEC00  }
0x2b: {  	[tilespmem:s21], [sflag:$0x1] =	stream.indirect.gather [hbm4b:s4+s20], $0x40, s14, s20, $0xb8;
	[tilespmem:$0x16060] =	vst v63  }
0x2c: {  	s15 =	simm.s32 $0x80  }
0x2d: {  	[tilespmem:s22], [sflag:$0x2] =	stream.indirect.gather [hbm4b:s4+s20], $0x40, s15, s20, $0xb8;
	[tilespmem:$0x16060] =	vst v63  }
0x2e: {  	s13 =	simm.s32 $0x100  }
0x2f: {  	[tilespmem:s23], [sflag:$0x3] =	stream.indirect.gather [hbm4b:s4+s20], $0x40, s13, s20, $0xb8;
	[tilespmem:$0x16060] =	vst v63  }
0x30: {  	s14 =	simm.s32 $0x180  }
0x31: {  	[tilespmem:s24], [sflag:$0x4] =	stream.indirect.gather [hbm4b:s4+s20], $0x40, s14, s20, $0xb8;
	[tilespmem:$0x16060] =	vst v63  }
0x32: {  	_ =	swait.ge [sflag:s25], $0x2000  }
0x33: {  	[sflag:s25] =	ssyncset.done $0x0  }
0x34: {  	s15 =	simm.s32 $0x1400;
	[sflag:s25] =	ssyncadd.s32 $0xFFFFE000  }
0x35: {  	[spmem:s2] =	stream.indirect.scatter.add.f32 [tilespmem:s21], [sflag:$0x5], $0x40, s15, s20, $0xb8;
	[tilespmem:$0x16060] =	vst v63  }
0x36: {  	_ =	swait.ge [sflag:s26], $0x2000  }
0x37: {  	[sflag:s26] =	ssyncset.done $0x0  }
0x38: {  	s13 =	simm.s32 $0x1480;
	[sflag:s26] =	ssyncadd.s32 $0xFFFFE000  }
0x39: {  	[spmem:s2] =	stream.indirect.scatter.add.f32 [tilespmem:s22], [sflag:$0x6], $0x40, s13, s20, $0xb8;
	[tilespmem:$0x16060] =	vst v63  }
0x3a: {  	_ =	swait.ge [sflag:s28], $0x2000  }
0x3b: {  	[sflag:s28] =	ssyncset.done $0x0  }
0x3c: {  	s14 =	simm.s32 $0x1500;
	[sflag:s28] =	ssyncadd.s32 $0xFFFFE000  }
0x3d: {  	[spmem:s2] =	stream.indirect.scatter.add.f32 [tilespmem:s23], [sflag:$0x7], $0x40, s14, s20, $0xb8;
	[tilespmem:$0x16060] =	vst v63  }
0x3e: {  	_ =	swait.ge [sflag:s29], $0x2000  }
0x3f: {  	[sflag:s29] =	ssyncset.done $0x0  }
0x40: {  	s15 =	simm.s32 $0x1580;
	[sflag:s29] =	ssyncadd.s32 $0xFFFFE000  }
0x41: {  	[spmem:s2] =	stream.indirect.scatter.add.f32 [tilespmem:s24], [sflag:$0x8], $0x40, s15, s20, $0xb8;
	[tilespmem:$0x16060] =	vst v63  }
0x42: {  	_ =	swait.ge [sflag:s30], $0x2000  }
0x43: {  	[sflag:s30] =	ssyncset.done $0x0  }
0x44: {  	[sflag:s30] =	ssyncadd.s32 $0xFFFFE000  }
0x45: {  	_ =	swait.ge [sflag:s31], $0x2000  }
0x46: {  	[sflag:s31] =	ssyncset.done $0x0  }
0x47: {  	[sflag:s31] =	ssyncadd.s32 $0xFFFFE000  }
0x48: {  	_ =	swait.ge [sflag:s0], $0x2000  }
0x49: {  	[sflag:s0] =	ssyncset.done $0x0  }
0x4a: {  	[sflag:s0] =	ssyncadd.s32 $0xFFFFE000  }
0x4b: {  	_ =	swait.ge [sflag:s1], $0x2000  }
0x4c: {  	s12 =	simm.s32 $0x800;
	s13 =	simm.s32 $0x1000;
	[sflag:s1] =	ssyncset.done $0x0  }
.LBB2_2:
0x4d: {  	s15 =	sshra.s32 s12, $0x2  }
0x4e: {  	[sflag:s1] =	ssyncadd.s32 $0xFFFFE000;
	s12 =	smov.u32 s13;
	s14 =	sadd.s32 $0x800, s13  }
0x4f: {  	[tilespmem:s21], [sflag:$0x1] =	stream.indirect.gather [hbm4b:s4+s20], $0x40, s15, s20, $0xb8;
	[tilespmem:$0x16060] =	vst v63  }
0x50: {  	p0 =	sne.s32 s13, $0x4800;
	s13 =	sadd.s32 $0x80, s15  }
0x51: {  	[tilespmem:s22], [sflag:$0x2] =	stream.indirect.gather [hbm4b:s4+s20], $0x40, s13, s20, $0xb8;
	[tilespmem:$0x16060] =	vst v63  }
0x52: {  	s13 =	sadd.s32 $0x100, s15  }
0x53: {  	[tilespmem:s23], [sflag:$0x3] =	stream.indirect.gather [hbm4b:s4+s20], $0x40, s13, s20, $0xb8;
	[tilespmem:$0x16060] =	vst v63  }
0x54: {  	s13 =	sadd.s32 $0x180, s15  }
0x55: {  	[tilespmem:s24], [sflag:$0x4] =	stream.indirect.gather [hbm4b:s4+s20], $0x40, s13, s20, $0xb8;
	[tilespmem:$0x16060] =	vst v63  }
0x56: {  	_ =	swait.ge [sflag:s25], $0x2000  }
0x57: {  	[sflag:s25] =	ssyncset.done $0x0  }
0x58: {  	s13 =	sadd.s32 $0x1400, s15;
	[sflag:s25] =	ssyncadd.s32 $0xFFFFE000  }
0x59: {  	[spmem:s2] =	stream.indirect.scatter.add.f32 [tilespmem:s21], [sflag:$0x5], $0x40, s13, s20, $0xb8;
	[tilespmem:$0x16060] =	vst v63  }
0x5a: {  	_ =	swait.ge [sflag:s26], $0x2000  }
0x5b: {  	[sflag:s26] =	ssyncset.done $0x0  }
0x5c: {  	s13 =	sadd.s32 $0x1480, s15;
	[sflag:s26] =	ssyncadd.s32 $0xFFFFE000  }
0x5d: {  	[spmem:s2] =	stream.indirect.scatter.add.f32 [tilespmem:s22], [sflag:$0x6], $0x40, s13, s20, $0xb8;
	[tilespmem:$0x16060] =	vst v63  }
0x5e: {  	_ =	swait.ge [sflag:s28], $0x2000  }
0x5f: {  	[sflag:s28] =	ssyncset.done $0x0  }
0x60: {  	s13 =	sadd.s32 $0x1500, s15;
	[sflag:s28] =	ssyncadd.s32 $0xFFFFE000  }
0x61: {  	[spmem:s2] =	stream.indirect.scatter.add.f32 [tilespmem:s23], [sflag:$0x7], $0x40, s13, s20, $0xb8;
	[tilespmem:$0x16060] =	vst v63  }
0x62: {  	_ =	swait.ge [sflag:s29], $0x2000  }
0x63: {  	[sflag:s29] =	ssyncset.done $0x0  }
0x64: {  	s13 =	sadd.s32 $0x1580, s15;
	[sflag:s29] =	ssyncadd.s32 $0xFFFFE000  }
0x65: {  	[spmem:s2] =	stream.indirect.scatter.add.f32 [tilespmem:s24], [sflag:$0x8], $0x40, s13, s20, $0xb8;
	[tilespmem:$0x16060] =	vst v63  }
0x66: {  	_ =	swait.ge [sflag:s30], $0x2000  }
0x67: {  	[sflag:s30] =	ssyncset.done $0x0  }
0x68: {  	[sflag:s30] =	ssyncadd.s32 $0xFFFFE000  }
0x69: {  	_ =	swait.ge [sflag:s31], $0x2000  }
0x6a: {  	[sflag:s31] =	ssyncset.done $0x0  }
0x6b: {  	[sflag:s31] =	ssyncadd.s32 $0xFFFFE000  }
.Ltmp0:
0x6c: {  	_ =	swait.ge [sflag:s0], $0x2000;
	(pc) =	sbr.rel @p0 .LBB2_2-.Ltmp0, $4  }
0x6d: {  	[sflag:s0] =	ssyncset.done $0x0  }
0x6e: {  	[sflag:s0] =	ssyncadd.s32 $0xFFFFE000  }
0x6f: {  	_ =	swait.ge [sflag:s1], $0x2000  }
0x70: {  	s13 =	smov.u32 s14;
	[sflag:s1] =	ssyncset.done $0x0  }
0x71: {  	s12 =	sshra.s32 s12, $0x2;
	[sflag:s1] =	ssyncadd.s32 $0xFFFFE000  }
0x72: {  	[tilespmem:s21], [sflag:$0x1] =	stream.indirect.gather [hbm4b:s4+s20], $0x40, s12, s20, $0xb8;
	[tilespmem:$0x16060] =	vst v63  }
0x73: {  	s13 =	sadd.s32 $0x80, s12  }
0x74: {  	[tilespmem:s22], [sflag:$0x2] =	stream.indirect.gather [hbm4b:s4+s20], $0x40, s13, s20, $0xb8;
	[tilespmem:$0x16060] =	vst v63  }
0x75: {  	s15 =	sadd.s32 $0x100, s12  }
0x76: {  	[tilespmem:s23], [sflag:$0x3] =	stream.indirect.gather [hbm4b:s4+s20], $0x40, s15, s20, $0xb8;
	[tilespmem:$0x16060] =	vst v63  }
0x77: {  	s14 =	sadd.s32 $0x180, s12  }
0x78: {  	[tilespmem:s24], [sflag:$0x4] =	stream.indirect.gather [hbm4b:s4+s20], $0x40, s14, s20, $0xb8;
	[tilespmem:$0x16060] =	vst v63  }
0x79: {  	_ =	swait.ge [sflag:s25], $0x2000  }
0x7a: {  	[sflag:s25] =	ssyncset.done $0x0  }
0x7b: {  	s15 =	sadd.s32 $0x1400, s12;
	[sflag:s25] =	ssyncadd.s32 $0xFFFFE000  }
0x7c: {  	[spmem:s2] =	stream.indirect.scatter.add.f32 [tilespmem:s21], [sflag:$0x5], $0x40, s15, s20, $0xb8;
	[tilespmem:$0x16060] =	vst v63  }
0x7d: {  	_ =	swait.ge [sflag:s26], $0x2000  }
0x7e: {  	[sflag:s26] =	ssyncset.done $0x0  }
0x7f: {  	s14 =	sadd.s32 $0x1480, s12;
	[sflag:s26] =	ssyncadd.s32 $0xFFFFE000  }
0x80: {  	[spmem:s2] =	stream.indirect.scatter.add.f32 [tilespmem:s22], [sflag:$0x6], $0x40, s14, s20, $0xb8;
	[tilespmem:$0x16060] =	vst v63  }
0x81: {  	_ =	swait.ge [sflag:s28], $0x2000  }
0x82: {  	[sflag:s28] =	ssyncset.done $0x0  }
0x83: {  	s15 =	sadd.s32 $0x1500, s12;
	[sflag:s28] =	ssyncadd.s32 $0xFFFFE000  }
0x84: {  	[spmem:s2] =	stream.indirect.scatter.add.f32 [tilespmem:s23], [sflag:$0x7], $0x40, s15, s20, $0xb8;
	[tilespmem:$0x16060] =	vst v63  }
0x85: {  	_ =	swait.ge [sflag:s29], $0x2000  }
0x86: {  	[sflag:s29] =	ssyncset.done $0x0  }
0x87: {  	s12 =	sadd.s32 $0x1580, s12;
	[sflag:s29] =	ssyncadd.s32 $0xFFFFE000  }
0x88: {  	[spmem:s2] =	stream.indirect.scatter.add.f32 [tilespmem:s24], [sflag:$0x8], $0x40, s12, s20, $0xb8;
	[tilespmem:$0x16060] =	vst v63  }
0x89: {  	_ =	swait.ge [sflag:s30], $0x2000  }
0x8a: {  	[sflag:s30] =	ssyncset.done $0x0  }
0x8b: {  	[sflag:s30] =	ssyncadd.s32 $0xFFFFE000  }
0x8c: {  	_ =	swait.ge [sflag:s31], $0x2000  }
0x8d: {  	[sflag:s31] =	ssyncset.done $0x0  }
0x8e: {  	[sflag:s31] =	ssyncadd.s32 $0xFFFFE000  }
0x8f: {  	_ =	swait.ge [sflag:s0], $0x2000  }
0x90: {  	[sflag:s0] =	ssyncset.done $0x0  }
0x91: {  	[sflag:s0] =	ssyncadd.s32 $0xFFFFE000  }
0x92: {  	_ =	swait.ge [sflag:s1], $0x2000  }
0x93: {  	[sflag:s1] =	ssyncset.done $0x0  }
0x94: {  	[sflag:s1] =	ssyncadd.s32 $0xFFFFE000  }
0x95: {  	[bflag:$0x0] =	sbarrier.arrive $0xFFFF  }
0x96: {  	s14 =	rddreg [dreg:$0xc]  }
0x97: {  	[hbm:s14], [sflag:s8] =	dma.local [spmem:s17], $0x1400  }
0x98: {  	_ =	swait.ge [sflag:s18], $0x1400  }
0x99: {  	[sflag:s18] =	ssyncset.done $0x0  }
0x9a: {  	s15 =	rddreg [dreg:$0x8];
	[sflag:s18] =	ssyncadd.s32 $0xFFFFEC00  }
0x9b: {  	[tilespmem:s19], [sflag:$0xA] =	stream.linear.gather [hbm4b:s15+s3], $0x20, $0x38;
	[tilespmem:$0x16060] =	vst v63  }
0x9c: {  	_ =	swait.ge [sflag:s18], $0x20  }
0x9d: {  	[sflag:s18] =	ssyncset.done $0x0  }
0x9e: {  	s14 =	simm.s32 $0x20;
	s13 =	rddreg [dreg:$0x4];
	[sflag:s18] =	ssyncadd.s32 $0xFFFFFFE0  }
0x9f: {  	[tilespmem:s5], [sflag:$0x9] =	stream.indirect.gather [hbm4b:s13+s14], $0x40, s19, s14, $0xb8;
	[tilespmem:$0x16060] =	vst v63  }
0xa0: {  	_ =	swait.ge [sflag:s7], $0x800  }
0xa1: {  	[sflag:s7] =	ssyncset.done $0x0  }
0xa2: {  	s15 =	rddreg [dreg:$0x9];
	[sflag:s7] =	ssyncadd.s32 $0xFFFFF800  }
0xa3: {  	[hbm4b:s15+s3] =	stream.linear.scatter [tilespmem:s5], [sflag:$0xA], $0x800, $0x38;
	[tilespmem:$0x16060] =	vst v63  }
0xa4: {  	_ =	swait.ge [sflag:s18], $0x800  }
0xa5: {  	[sflag:s18] =	ssyncset.done $0x0  }
0xa6: {  	[sflag:s18] =	ssyncadd.s32 $0xFFFFF800  }
0xa7: {  	[bflag:$0x0] =	sbarrier.arrive $0xFFFF  }
0xa8: {  	s13 =	rddreg [dreg:$0xa]  }
0xa9: {  	[tilespmem:s9], [sflag:$0xA] =	stream.linear.gather [hbm4b:s13+s3], $0x40, $0x38;
	[tilespmem:$0x16060] =	vst v63  }
0xaa: {  	_ =	swait.ge [sflag:s18], $0x40  }
0xab: {  	[sflag:s18] =	ssyncset.done $0x0  }
0xac: {  	s14 =	simm.s32 $0x40;
	[sflag:s18] =	ssyncadd.s32 $0xFFFFFFC0  }
0xad: {  	[tilespmem:s10], [sflag:$0x9] =	stream.indirect.gather [hbm4b:s6+s14], $0x40, s9, s14, $0xb8;
	[tilespmem:$0x16060] =	vst v63  }
0xae: {  	_ =	swait.ge [sflag:s7], $0x1000  }
0xaf: {  	[sflag:s7] =	ssyncset.done $0x0  }
0xb0: {  	[sflag:s7] =	ssyncadd.s32 $0xFFFFF000  }
0xb1: {  	[hbm4b:s16+s3] =	stream.linear.scatter [tilespmem:s10], [sflag:$0xA], $0x1000, $0x38;
	[tilespmem:$0x16060] =	vst v63  }
0xb2: {  	_ =	swait.ge [sflag:s18], $0x1000  }
0xb3: {  	s11 =	sadd.s32 $0x1, s11;
	s15 =	rddreg [dreg:$0xb]  }
0xb4: {  	p0 =	sne.s32 s11, s15  }
.Ltmp1:
0xb5: {  	_ = 	snop;
	(pc) =	sbr.rel @p0 .LBB2_1-.Ltmp1, $3  }
0xb6: {  	_ =	sdelay $0x1  }
0xb7: {  	[sflag:s18] =	ssyncset.done $0x0  }
0xb8: {  	[sflag:s18] =	ssyncadd.s32 $0xFFFFF000  }
0xb9: {  	_ =	sfence.sel $0x180000  }
0xba: {  	[bflag:$0x0] =	sbarrier.arrive $0xFFFF  }
0xbb: {  	_ =	strace $0x9000004A  }
0xbc: {  	s0 =	stileid.u32;
	[bflag:$0x2] =	sbarrier.arrive $0xFFFF  }
0xbd: {  	p0 =	sne.s32 s0, $0x0;
	s0 =	rddreg [dreg:$0x3]  }
0xbe: {  	s0 =	sadd.s32 @!p0 $0x100000, s0  }
0xbf: {  	[sflag:s0] =	ssyncadd.tile.s32 @!p0 $0x1;
	_ =	shalt  }
.Lfunc_end2:
_tile_overlayer_lowered:
.L_overlay_start_2:
0xc0: {  	(tag) =	ssettag $0x2  }
0xc1: {  	s0 =	rddreg [dreg:$0x0];
	s2 =	stileid.u32  }
0xc2: {  	s1 =	rddreg [dreg:$0x1];
	p0 =	sne.s32 s2, $0x0  }
0xc3: {  	s3 =	rddreg [dreg:$0x2];
	[bflag:$0x3] =	sbarrier.arrive $0xFFFF;
	s2 =	simm.s32 @!p0 $0x1C0A  }
0xc4: {  	[timem:s3], [sflag:s2] =	dma.local @!p0 [hbm:s0], s1  }
0xc5: {  	s0 =	simm.s32 @!p0 $0xA  }
0xc6: {  	_ =	swait.ge @!p0 [sflag:s0], s1  }
0xc7: {  	s1 =	ssub.s32 @!p0 $0x0, s1;
	[sflag:s0] =	ssyncset.done @!p0 $0x0  }
0xc8: {  	[sflag:s0] =	ssyncadd.s32 @!p0 s1  }
0xc9: {  	[bflag:$0x3] =	sbarrier.arrive $0xFFFF  }
0xca: {  	_ =	shalt  }

// kernel: kernel.8.cloned.1.call-start
scs
__scs_entry_jumppad:
0x0: {  	(pc) =	sbr.rel $0x88, $3  }
0x1: {  	(tag) =	ssettag $0x0;
	lr =	simm.s32 $0x1  }
0x2: {  	[smem:$0x3F88] =	sst lr;
	_ =	strace $0xD0000000  }
0x3: {  	_ = 	snop  }
0x4: {  	_ = 	snop  }
0x5: {  	_ = 	snop  }
0x6: {  	_ = 	snop  }
0x7: {  	_ = 	snop  }
__scs_overlays_trampoline_lowered:
0x8: {  	[smem:$0x3F97] =	sst s0  }
0x9: {  	[smem:$0x3F98] =	sst s1  }
0xa: {  	[smem:$0x3F99] =	sst s2  }
0xb: {  	[smem:$0x3F9A] =	sst s3  }
0xc: {  	[smem:$0x3F9B] =	sst s4  }
0xd: {  	[smem:$0x3F9C] =	sst s5  }
0xe: {  	[smem:$0x3F9D] =	sst s6  }
0xf: {  	[smem:$0x3F9E] =	sst s7  }
0x10: {  	[smem:$0x3F9F] =	sst s8  }
0x11: {  	[smem:$0x3FA0] =	sst s9;
	s0 =	simm.s32 @!p0 $0x0  }
0x12: {  	s1 =	sld [smem:$0x3F86];
	s0 =	simm.s32 @p0 $0x1  }
0x13: {  	[smem:$0x3FA1] =	sst s0;
	s0 =	simm.s32 @!p1 $0x0  }
0x14: {  	s2 =	sld [smem:$0x3F85];
	s0 =	simm.s32 @p1 $0x1  }
0x15: {  	[smem:$0x3FA2] =	sst s0;
	s0 =	simm.s32 @!p2 $0x0  }
0x16: {  	s3 =	sld [smem:$0x3FDB];
	s0 =	simm.s32 @p2 $0x1  }
0x17: {  	s4 =	simm.s32 $0x1BF5;
	[smem:$0x3FA4] =	sst s0  }
0x18: {  	s0 =	sld [smem:$0x3F87];
	_ =	swait.ge [sflag:s4], $0x0  }
0x19: {  	s7 =	sld [smem:$0x3F88]  }
0x1a: {  	s8 =	sadd.s32 $0xFFFFE003, lr  }
0x1b: {  	s9 =	sadd.s32 $0xFFFFFEF7, lr;
	s5 =	simm.s32 $0xFFFFFFFF;
	p2 =	slt.u32 s8, $0xFFFFF086  }
0x1c: {  	p1 =	slt.u32 s9, $0xF7A;
	s5 =	simm.s32 @!p2 $0x0  }
0x1d: {  	s5 =	simm.s32 @p1 $0x1;
	p0 =	seq.s32 s7, s2  }
0x1e: {  	s7 =	smul.u32 @!p0 $0xF7A, s2;
	p2 =	seq.s32 @!p0 s5, $0x0  }
0x1f: {  	s9 =	smul.u32 $0xF7A, s1;
	s8 =	simm.s32 @!p0 $0x1BF5;
	p2 =	por !p2, p0  }
0x20: {  	[sflag:s8] =	ssyncset.s32 @!p0 $0xFFFFF086;
	s6 =	sadd.s32 @!p0 s3, s7;
	s7 =	simm.s32 @!p0 $0x108  }
0x21: {  	s3 =	sadd.s32 s3, s9;
	s6 =	sadd.s32 @!p0 $0x88, s6;
	s7 =	simm.s32 @p2 $0x1082  }
0x22: {  	[simem:s7], [sflag:s8] =	dma.local @!p0 [hbm:s6], $0xF7A  }
0x23: {  	s9 =	sor.u32 $0xD0000000, s2;
	s6 =	simm.s32 $0x108;
	_ =	swait.ge @!p0 [sflag:s8], $0x0  }
0x24: {  	s3 =	sadd.s32 $0x88, s3;
	s6 =	simm.s32 @!p1 $0x1082;
	[sflag:s4] =	ssyncset.s32 $0xFFFFF086  }
0x25: {  	[simem:s6], [sflag:s4] =	dma.local [hbm:s3], $0xF7A  }
0x26: {  	[smem:$0x3F88] =	sst s1;
	(tag) =	ssettag s2;
	_ =	strace s9  }
0x27: {  	s1 =	sld [smem:$0x3F98]  }
0x28: {  	s2 =	sld [smem:$0x3F99]  }
0x29: {  	s4 =	sld [smem:$0x3F9B]  }
0x2a: {  	p0 =	seq.s32 s5, $0x0;
	s5 =	sld [smem:$0x3F9C]  }
0x2b: {  	s6 =	sld [smem:$0x3F9D]  }
0x2c: {  	s7 =	sld [smem:$0x3F9E]  }
0x2d: {  	s3 =	simm.s32 $0x108;
	s8 =	sld [smem:$0x3F9F]  }
0x2e: {  	s3 =	simm.s32 @!p0 $0x1082;
	s9 =	sld [smem:$0x3FA0]  }
0x2f: {  	lr =	sadd.s32 s0, s3;
	s0 =	sld [smem:$0x3F97]  }
0x30: {  	s3 =	sld [smem:$0x3F9A]  }
0x31: {  	[smem:$0x3FA3] =	sst s10  }
0x32: {  	s10 =	sld [smem:$0x3FA1];
	_ =	sdelay $0x3  }
0x33: {  	p0 =	seq.s32 s10, $0x1;
	s10 =	sld [smem:$0x3FA3];
	_ =	sdelay $0x3  }
0x34: {  	[smem:$0x3FA3] =	sst s10  }
0x35: {  	s10 =	sld [smem:$0x3FA2];
	_ =	sdelay $0x3  }
0x36: {  	p1 =	seq.s32 s10, $0x1;
	s10 =	sld [smem:$0x3FA3];
	_ =	sdelay $0x3  }
0x37: {  	[smem:$0x3FA3] =	sst s10  }
0x38: {  	s10 =	sld [smem:$0x3FA4]  }
0x39: {  	_ = 	snop;
	(pc) =	sbr.ind lr, $3  }
0x3a: {  	_ = 	snop  }
0x3b: {  	_ = 	snop  }
0x3c: {  	p2 =	seq.s32 s10, $0x1;
	s10 =	sld [smem:$0x3FA3]  }
0x3d: {  	_ =	shalt  }
0x3e: {  	_ =	shalt  }
0x3f: {  	_ =	shalt  }
0x40: {  	_ =	shalt  }
0x41: {  	_ =	shalt  }
0x42: {  	_ =	shalt  }
0x43: {  	_ =	shalt  }
0x44: {  	_ =	shalt  }
0x45: {  	_ =	shalt  }
0x46: {  	_ =	shalt  }
0x47: {  	_ =	shalt  }
0x48: {  	_ =	shalt  }
0x49: {  	_ =	shalt  }
0x4a: {  	_ =	shalt  }
0x4b: {  	_ =	shalt  }
0x4c: {  	_ =	shalt  }
0x4d: {  	_ =	shalt  }
0x4e: {  	_ =	shalt  }
0x4f: {  	_ =	shalt  }
0x50: {  	_ =	shalt  }
0x51: {  	_ =	shalt  }
0x52: {  	_ =	shalt  }
0x53: {  	_ =	shalt  }
0x54: {  	_ =	shalt  }
0x55: {  	_ =	shalt  }
0x56: {  	_ =	shalt  }
0x57: {  	_ =	shalt  }
0x58: {  	_ =	shalt  }
0x59: {  	_ =	shalt  }
0x5a: {  	_ =	shalt  }
0x5b: {  	_ =	shalt  }
0x5c: {  	_ =	shalt  }
0x5d: {  	_ =	shalt  }
0x5e: {  	_ =	shalt  }
0x5f: {  	_ =	shalt  }
0x60: {  	_ =	shalt  }
0x61: {  	_ =	shalt  }
0x62: {  	_ =	shalt  }
0x63: {  	_ =	shalt  }
0x64: {  	_ =	shalt  }
0x65: {  	_ =	shalt  }
0x66: {  	_ =	shalt  }
0x67: {  	_ =	shalt  }
0x68: {  	_ =	shalt  }
0x69: {  	_ =	shalt  }
0x6a: {  	_ =	shalt  }
0x6b: {  	_ =	shalt  }
0x6c: {  	_ =	shalt  }
0x6d: {  	_ =	shalt  }
0x6e: {  	_ =	shalt  }
0x6f: {  	_ =	shalt  }
0x70: {  	_ =	shalt  }
0x71: {  	_ =	shalt  }
0x72: {  	_ =	shalt  }
0x73: {  	_ =	shalt  }
0x74: {  	_ =	shalt  }
0x75: {  	_ =	shalt  }
0x76: {  	_ =	shalt  }
0x77: {  	_ =	shalt  }
0x78: {  	_ =	shalt  }
0x79: {  	_ =	shalt  }
0x7a: {  	_ =	shalt  }
0x7b: {  	_ =	shalt  }
0x7c: {  	_ =	shalt  }
0x7d: {  	_ =	shalt  }
0x7e: {  	_ =	shalt  }
0x7f: {  	_ =	shalt  }
0x80: {  	_ =	shalt  }
0x81: {  	_ =	shalt  }
0x82: {  	_ =	shalt  }
0x83: {  	_ =	shalt  }
0x84: {  	_ =	shalt  }
0x85: {  	_ =	shalt  }
0x86: {  	_ =	shalt  }
0x87: {  	_ =	shalt  }
.Lfunc_end0:
.L_simem_size_0:
called_computation_lowered:
.L_overlay_start_0:
0x88: {  	s2 =	sld [smem:$0x3FD9]  }
0x89: {  	s3 =	sld [smem:$0x3FFE];
	_ =	sdelay $0x1  }
0x8a: {  	s1 =	srdreg.scid  }
0x8b: {  	s0 =	sand.u32 $0x1, s1  }
0x8c: {  	s17 =	sshll.u32 s0, $0xA;
	s2 =	sadd.s32 s3, s2  }
0x8d: {  	s2 =	sadd.s32 s2, s17  }
0x8e: {  	[smem:$0x3FAF] =	sst s2  }
0x8f: {  	_ = 	snop  }
0x90: {  	s2 =	sld [smem:$0x3FC7];
	(tm) =	ssettm $0x1  }
0x91: {  	s18 =	sld [smem:$0x3FFB];
	_ =	sdelay $0x3  }
0x92: {  	_ =	strace s18  }
0x93: {  	s3 =	sld [smem:$0x3FFC];
	_ =	sdelay $0x3  }
0x94: {  	_ =	strace s3  }
0x95: {  	s3 =	sld [smem:$0x3FFD];
	_ =	sdelay $0x3  }
0x96: {  	_ =	strace s3  }
0x97: {  	_ =	strace $0x8FFFFFFF  }
0x98: {  	s19 =	sld [smem:$0x3FDB];
	_ =	sdelay $0x1  }
0x99: {  	s4 =	simm.s32 $_scs_section_size  }
0x9a: {  	s5 =	simm.s32 $_size__tile_overlayer_lowered;
	s6 =	simm.s32 $_tile_overlayer_lowered  }
0x9b: {  	s22 =	simm.s32 $0x1BFF;
	s21 =	sshll.u32 s6, $0x1;
	s3 =	sadd.s32 s4, s19  }
0x9c: {  	s7 =	simm.s32 $0x0;
	s20 =	sshll.u32 s5, $0x1;
	s5 =	sadd.s32 s21, s3  }
0x9d: {  	[timem:s7], [sflag:s22] =	dma.local [hbm:s5], s20  }
0x9e: {  	_ =	swait.ge [sflag:s22], s20  }
0x9f: {  	s4 =	ssub.s32 $0x0, s20;
	[sflag:s22] =	ssyncset.done $0x0  }
0xa0: {  	[sflag:s22] =	ssyncadd.s32 s4;
	_ =	sdelay $0x1  }
0xa1: {  	s23 =	simm.s32 $0x1B8B  }
0xa2: {  	_ =	swait.ge [sflag:s23], $0x1  }
0xa3: {  	[sflag:s23] =	ssyncset.done $0x0  }
0xa4: {  	s25 =	simm.s32 $0x1B8E;
	s24 =	sld [smem:$0x3FFE];
	[sflag:s23] =	ssyncadd.s32 $0xFFFFFFFF  }
0xa5: {  	s26 =	simm.s32 $execute0_lowered;
	[smem:$0x3FD2] =	sst s25  }
0xa6: {  	s5 =	sshll.u32 s26, $0x1;
	_ =	strace $0x80000046;
	[dreg:$0x1] =	wrdreg $0xFFFFFFFF  }
0xa7: {  	s28 =	simm.s32 $_size_execute0_lowered;
	s3 =	sadd.s32 s3, s5;
	[dreg:$0x0] =	wrdreg $0x0  }
0xa8: {  	s5 =	sshll.u32 s28, $0x1;
	[dreg:$0x2] =	wrdreg s3  }
0xa9: {  	[dreg:$0x3] =	wrdreg s5  }
0xaa: {  	[dreg:$0x4] =	wrdreg $0xC0  }
0xab: {  	_ =	task [dreg:s7], $0x5FFFF  }
0xac: {  	[dreg:$0x1] =	wrdreg $0xFFFFFFFF  }
0xad: {  	[dreg:$0x0] =	wrdreg $0x60  }
0xae: {  	[dreg:$0x2] =	wrdreg s24  }
0xaf: {  	[dreg:$0x3] =	wrdreg s2  }
0xb0: {  	[dreg:$0x4] =	wrdreg $0xB0200  }
0xb1: {  	[dreg:$0x5] =	wrdreg $0x9  }
0xb2: {  	_ =	task.clear_ibuf [dreg:s7], $0x6FFFF;
	_ =	strace $0x90000046  }
0xb3: {  	s29 =	simm.s32 $0x9;
	_ =	strace $0x80000048  }
0xb4: {  	_ =	swait.ge [sflag:s29], $0x1  }
0xb5: {  	[sflag:s29] =	ssyncadd.s32 $0xFFFFFFFF  }
0xb6: {  	_ =	strace $0x90000048  }
0xb7: {  	_ =	sfence  }
0xb8: {  	s30 =	sld [smem:$0x0];
	_ =	sdelay $0x2  }
0xb9: {  	s31 =	sshll.u32 s1, $0xD;
	s1 =	sshrl.u32 s1, $0x2  }
0xba: {  	s3 =	sand.u32 $0x4000, s31;
	s1 =	sadd.s32 s1, s30  }
0xbb: {  	s0 =	sor.u32 s3, s0;
	s1 =	sshll.u32 s1, $0x11  }
0xbc: {  	s0 =	sor.u32 s1, s0  }
0xbd: {  	s0 =	sadd.s32 $0x8F2B, s0  }
0xbe: {  	[sflag:s0] =	ssyncadd.remote.s32 $0x1  }
0xbf: {  	_ =	sfence.sel $0xFFFF  }
0xc0: {  	[dreg:$0x0] =	wrdreg $0xFFFFFFFF;
	(pc) =	sbr.abs _section_cstart, $3  }
0xc1: {  	[dreg:$0x1] =	wrdreg $0xFFFFFFFF  }
0xc2: {  	_ =	task.clear_ibuf [dreg:s7], $0x2FFFF;
	_ =	strace $0x9FFFFFFF  }
0xc3: {  	(tm) =	ssettm $0x7FFFFFFF  }
tec
execute0_lowered:
.L_overlay_start_1:
0x0: {  	(tag) =	ssettag $0x1  }
0x1: {  	s0 =	rddreg [dreg:$0x0]  }
0x2: {  	s1 =	rddreg [dreg:$0x1];
	s3 =	srdreg.scid  }
0x3: {  	s14 =	stileid.u32;
	s2 =	rddreg [dreg:$0x2];
	s15 =	simm.s32 $0xA  }
0x4: {  	s17 =	simm.s32 $0x80;
	s18 =	simm.s32 $0x2800;
	s19 =	simm.s32 $0x4800  }
0x5: {  	s28 =	simm.s32 $0x6;
	s29 =	simm.s32 $0x7;
	s30 =	simm.s32 $0x8  }
0x6: {  	s31 =	simm.s32 $0xA800;
	s16 =	simm.s32 $0x9;
	s5 =	sand.u32 $0x1, s3  }
0x7: {  	s4 =	sshll.u32 s14, $0x1;
	s3 =	simm.s32 $0x0;
	s8 =	smul.u32 $0xA000, s14  }
0x8: {  	s20 =	sadd.s32 $0x3C00, s0;
	s23 =	sshll.u32 s14, $0x6;
	s6 =	sor.u32 s5, s4  }
0x9: {  	[smem:$0x7FF] =	sst s3;
	s4 =	sadd.s32 $0x3FC00, s0;
	s11 =	ssub.s32 $0x2, s5  }
0xa: {  	p0 =	seq.s32 s5, $0x1;
	s7 =	smul.u32 $0x280, s6;
	_ =	strace $0x80000047  }
0xb: {  	[dreg:$0x4] =	wrdreg s20;
	s21 =	sshrl.u32 s8, $0x3;
	s10 =	sshll.u32 s6, $0x8  }
0xc: {  	s22 =	sshrl.u32 s11, $0x1;
	s8 =	sadd.s32 s8, s2;
	s26 =	sshll.u32 s6, $0x2  }
0xd: {  	s6 =	simm.s32 $0x71C00;
	s20 =	simm.s32 $0x6800;
	s13 =	sadd.s32 s21, s0  }
0xe: {  	s12 =	ssub.s32 s11, s22;
	s6 =	simm.s32 @!p0 $0x85C00;
	s14 =	sshrl.u32 s8, $0x3  }
0xf: {  	s21 =	simm.s32 $0x8800;
	s22 =	simm.s32 $0x1;
	s9 =	sadd.s32 s7, s0  }
0x10: {  	s0 =	sadd.s32 s10, s0;
	s24 =	sadd.s32 $0x5DC00, s13;
	s7 =	sor.u32 $0x1C0A, s23  }
0x11: {  	s10 =	sadd.s32 s1, s26;
	s12 =	smax.u32 s12, $0x1;
	s13 =	sadd.s32 s6, s13  }
0x12: {  	s23 =	simm.s32 $0x2;
	s26 =	simm.s32 $0x5;
	s1 =	simm.s32 $0x0  }
0x13: {  	[dreg:$0x5] =	wrdreg s24;
	s25 =	sadd.s32 $0x58C00, s9;
	s9 =	sadd.s32 $0x53C00, s9  }
0x14: {  	s11 =	sadd.s32 $0x99C00, s0;
	s24 =	simm.s32 $0x3;
	[dreg:$0x6] =	wrdreg s25  }
0x15: {  	s0 =	simm.s32 $0xA820;
	[dreg:$0x7] =	wrdreg s9;
	s25 =	simm.s32 $0x4  }
.LBB2_1:
0x16: {  	s5 =	rddreg [dreg:$0x5]  }
0x17: {  	[spmem:s14], [sflag:s7] =	dma.local [hbm:s5], $0x1400  }
0x18: {  	_ =	swait.ge [sflag:s15], $0x1400  }
0x19: {  	[sflag:s15] =	ssyncset.done $0x0  }
0x1a: {  	[sflag:s15] =	ssyncadd.s32 $0xFFFFEC00  }
0x1b: {  	[bflag:$0x0] =	sbarrier.arrive $0xFFFF  }
0x1c: {  	s8 =	rddreg [dreg:$0x6]  }
0x1d: {  	[tilespmem:s3], [sflag:$0xA] =	stream.linear.gather [hbm4b:s8+s3], $0x1400, $0x38;
	[tilespmem:$0x15020] =	vst v63  }
0x1e: {  	_ =	swait.ge [sflag:s15], $0x1400  }
0x1f: {  	[sflag:s15] =	ssyncset.done $0x0  }
0x20: {  	s6 =	simm.s32 $0x1400;
	s9 =	rddreg [dreg:$0x7];
	[sflag:s15] =	ssyncadd.s32 $0xFFFFEC00  }
0x21: {  	[tilespmem:s6], [sflag:$0xA] =	stream.linear.gather [hbm4b:s9+s3], $0x1400, $0x38;
	[tilespmem:$0x15020] =	vst v63  }
0x22: {  	_ =	swait.ge [sflag:s15], $0x1400  }
0x23: {  	[sflag:s15] =	ssyncset.done $0x0  }
0x24: {  	s8 =	simm.s32 $0x0;
	[sflag:s15] =	ssyncadd.s32 $0xFFFFEC00  }
0x25: {  	[tilespmem:s18], [sflag:$0x1] =	stream.indirect.gather [hbm4b:s4+s17], $0x40, s8, s17, $0xb8;
	[tilespmem:$0x15020] =	vst v63  }
0x26: {  	s9 =	simm.s32 $0x80  }
0x27: {  	[tilespmem:s19], [sflag:$0x2] =	stream.indirect.gather [hbm4b:s4+s17], $0x40, s9, s17, $0xb8;
	[tilespmem:$0x15020] =	vst v63  }
0x28: {  	s6 =	simm.s32 $0x100  }
0x29: {  	[tilespmem:s20], [sflag:$0x3] =	stream.indirect.gather [hbm4b:s4+s17], $0x40, s6, s17, $0xb8;
	[tilespmem:$0x15020] =	vst v63  }
0x2a: {  	s8 =	simm.s32 $0x180  }
0x2b: {  	[tilespmem:s21], [sflag:$0x4] =	stream.indirect.gather [hbm4b:s4+s17], $0x40, s8, s17, $0xb8;
	[tilespmem:$0x15020] =	vst v63  }
0x2c: {  	_ =	swait.ge [sflag:s22], $0x2000  }
0x2d: {  	[sflag:s22] =	ssyncset.done $0x0  }
0x2e: {  	s9 =	simm.s32 $0x1400;
	[sflag:s22] =	ssyncadd.s32 $0xFFFFE000  }
0x2f: {  	[spmem:s2] =	stream.indirect.scatter.add.f32 [tilespmem:s18], [sflag:$0x5], $0x40, s9, s17, $0xb8;
	[tilespmem:$0x15020] =	vst v63  }
0x30: {  	_ =	swait.ge [sflag:s23], $0x2000  }
0x31: {  	[sflag:s23] =	ssyncset.done $0x0  }
0x32: {  	s6 =	simm.s32 $0x1480;
	[sflag:s23] =	ssyncadd.s32 $0xFFFFE000  }
0x33: {  	[spmem:s2] =	stream.indirect.scatter.add.f32 [tilespmem:s19], [sflag:$0x6], $0x40, s6, s17, $0xb8;
	[tilespmem:$0x15020] =	vst v63  }
0x34: {  	_ =	swait.ge [sflag:s24], $0x2000  }
0x35: {  	[sflag:s24] =	ssyncset.done $0x0  }
0x36: {  	s8 =	simm.s32 $0x1500;
	[sflag:s24] =	ssyncadd.s32 $0xFFFFE000  }
0x37: {  	[spmem:s2] =	stream.indirect.scatter.add.f32 [tilespmem:s20], [sflag:$0x7], $0x40, s8, s17, $0xb8;
	[tilespmem:$0x15020] =	vst v63  }
0x38: {  	_ =	swait.ge [sflag:s25], $0x2000  }
0x39: {  	[sflag:s25] =	ssyncset.done $0x0  }
0x3a: {  	s9 =	simm.s32 $0x1580;
	[sflag:s25] =	ssyncadd.s32 $0xFFFFE000  }
0x3b: {  	[spmem:s2] =	stream.indirect.scatter.add.f32 [tilespmem:s21], [sflag:$0x8], $0x40, s9, s17, $0xb8;
	[tilespmem:$0x15020] =	vst v63  }
0x3c: {  	_ =	swait.ge [sflag:s26], $0x2000  }
0x3d: {  	[sflag:s26] =	ssyncset.done $0x0  }
0x3e: {  	[sflag:s26] =	ssyncadd.s32 $0xFFFFE000  }
0x3f: {  	_ =	swait.ge [sflag:s28], $0x2000  }
0x40: {  	[sflag:s28] =	ssyncset.done $0x0  }
0x41: {  	[sflag:s28] =	ssyncadd.s32 $0xFFFFE000  }
0x42: {  	_ =	swait.ge [sflag:s29], $0x2000  }
0x43: {  	[sflag:s29] =	ssyncset.done $0x0  }
0x44: {  	[sflag:s29] =	ssyncadd.s32 $0xFFFFE000  }
0x45: {  	_ =	swait.ge [sflag:s30], $0x2000  }
0x46: {  	s5 =	simm.s32 $0x800;
	s6 =	simm.s32 $0x1000;
	[sflag:s30] =	ssyncset.done $0x0  }
.LBB2_2:
0x47: {  	s9 =	sshra.s32 s5, $0x2  }
0x48: {  	[sflag:s30] =	ssyncadd.s32 $0xFFFFE000;
	s5 =	smov.u32 s6;
	s8 =	sadd.s32 $0x800, s6  }
0x49: {  	[tilespmem:s18], [sflag:$0x1] =	stream.indirect.gather [hbm4b:s4+s17], $0x40, s9, s17, $0xb8;
	[tilespmem:$0x15020] =	vst v63  }
0x4a: {  	p0 =	sne.s32 s6, $0x4800;
	s6 =	sadd.s32 $0x80, s9  }
0x4b: {  	[tilespmem:s19], [sflag:$0x2] =	stream.indirect.gather [hbm4b:s4+s17], $0x40, s6, s17, $0xb8;
	[tilespmem:$0x15020] =	vst v63  }
0x4c: {  	s6 =	sadd.s32 $0x100, s9  }
0x4d: {  	[tilespmem:s20], [sflag:$0x3] =	stream.indirect.gather [hbm4b:s4+s17], $0x40, s6, s17, $0xb8;
	[tilespmem:$0x15020] =	vst v63  }
0x4e: {  	s6 =	sadd.s32 $0x180, s9  }
0x4f: {  	[tilespmem:s21], [sflag:$0x4] =	stream.indirect.gather [hbm4b:s4+s17], $0x40, s6, s17, $0xb8;
	[tilespmem:$0x15020] =	vst v63  }
0x50: {  	_ =	swait.ge [sflag:s22], $0x2000  }
0x51: {  	[sflag:s22] =	ssyncset.done $0x0  }
0x52: {  	s6 =	sadd.s32 $0x1400, s9;
	[sflag:s22] =	ssyncadd.s32 $0xFFFFE000  }
0x53: {  	[spmem:s2] =	stream.indirect.scatter.add.f32 [tilespmem:s18], [sflag:$0x5], $0x40, s6, s17, $0xb8;
	[tilespmem:$0x15020] =	vst v63  }
0x54: {  	_ =	swait.ge [sflag:s23], $0x2000  }
0x55: {  	[sflag:s23] =	ssyncset.done $0x0  }
0x56: {  	s6 =	sadd.s32 $0x1480, s9;
	[sflag:s23] =	ssyncadd.s32 $0xFFFFE000  }
0x57: {  	[spmem:s2] =	stream.indirect.scatter.add.f32 [tilespmem:s19], [sflag:$0x6], $0x40, s6, s17, $0xb8;
	[tilespmem:$0x15020] =	vst v63  }
0x58: {  	_ =	swait.ge [sflag:s24], $0x2000  }
0x59: {  	[sflag:s24] =	ssyncset.done $0x0  }
0x5a: {  	s6 =	sadd.s32 $0x1500, s9;
	[sflag:s24] =	ssyncadd.s32 $0xFFFFE000  }
0x5b: {  	[spmem:s2] =	stream.indirect.scatter.add.f32 [tilespmem:s20], [sflag:$0x7], $0x40, s6, s17, $0xb8;
	[tilespmem:$0x15020] =	vst v63  }
0x5c: {  	_ =	swait.ge [sflag:s25], $0x2000  }
0x5d: {  	[sflag:s25] =	ssyncset.done $0x0  }
0x5e: {  	s6 =	sadd.s32 $0x1580, s9;
	[sflag:s25] =	ssyncadd.s32 $0xFFFFE000  }
0x5f: {  	[spmem:s2] =	stream.indirect.scatter.add.f32 [tilespmem:s21], [sflag:$0x8], $0x40, s6, s17, $0xb8;
	[tilespmem:$0x15020] =	vst v63  }
0x60: {  	_ =	swait.ge [sflag:s26], $0x2000  }
0x61: {  	[sflag:s26] =	ssyncset.done $0x0  }
0x62: {  	[sflag:s26] =	ssyncadd.s32 $0xFFFFE000  }
0x63: {  	_ =	swait.ge [sflag:s28], $0x2000  }
0x64: {  	[sflag:s28] =	ssyncset.done $0x0  }
0x65: {  	[sflag:s28] =	ssyncadd.s32 $0xFFFFE000  }
.Ltmp0:
0x66: {  	_ =	swait.ge [sflag:s29], $0x2000;
	(pc) =	sbr.rel @p0 .LBB2_2-.Ltmp0, $4  }
0x67: {  	[sflag:s29] =	ssyncset.done $0x0  }
0x68: {  	[sflag:s29] =	ssyncadd.s32 $0xFFFFE000  }
0x69: {  	_ =	swait.ge [sflag:s30], $0x2000  }
0x6a: {  	s6 =	smov.u32 s8;
	[sflag:s30] =	ssyncset.done $0x0  }
0x6b: {  	s5 =	sshra.s32 s5, $0x2;
	[sflag:s30] =	ssyncadd.s32 $0xFFFFE000  }
0x6c: {  	[tilespmem:s18], [sflag:$0x1] =	stream.indirect.gather [hbm4b:s4+s17], $0x40, s5, s17, $0xb8;
	[tilespmem:$0x15020] =	vst v63  }
0x6d: {  	s6 =	sadd.s32 $0x80, s5  }
0x6e: {  	[tilespmem:s19], [sflag:$0x2] =	stream.indirect.gather [hbm4b:s4+s17], $0x40, s6, s17, $0xb8;
	[tilespmem:$0x15020] =	vst v63  }
0x6f: {  	s9 =	sadd.s32 $0x100, s5  }
0x70: {  	[tilespmem:s20], [sflag:$0x3] =	stream.indirect.gather [hbm4b:s4+s17], $0x40, s9, s17, $0xb8;
	[tilespmem:$0x15020] =	vst v63  }
0x71: {  	s8 =	sadd.s32 $0x180, s5  }
0x72: {  	[tilespmem:s21], [sflag:$0x4] =	stream.indirect.gather [hbm4b:s4+s17], $0x40, s8, s17, $0xb8;
	[tilespmem:$0x15020] =	vst v63  }
0x73: {  	_ =	swait.ge [sflag:s22], $0x2000  }
0x74: {  	[sflag:s22] =	ssyncset.done $0x0  }
0x75: {  	s9 =	sadd.s32 $0x1400, s5;
	[sflag:s22] =	ssyncadd.s32 $0xFFFFE000  }
0x76: {  	[spmem:s2] =	stream.indirect.scatter.add.f32 [tilespmem:s18], [sflag:$0x5], $0x40, s9, s17, $0xb8;
	[tilespmem:$0x15020] =	vst v63  }
0x77: {  	_ =	swait.ge [sflag:s23], $0x2000  }
0x78: {  	[sflag:s23] =	ssyncset.done $0x0  }
0x79: {  	s8 =	sadd.s32 $0x1480, s5;
	[sflag:s23] =	ssyncadd.s32 $0xFFFFE000  }
0x7a: {  	[spmem:s2] =	stream.indirect.scatter.add.f32 [tilespmem:s19], [sflag:$0x6], $0x40, s8, s17, $0xb8;
	[tilespmem:$0x15020] =	vst v63  }
0x7b: {  	_ =	swait.ge [sflag:s24], $0x2000  }
0x7c: {  	[sflag:s24] =	ssyncset.done $0x0  }
0x7d: {  	s9 =	sadd.s32 $0x1500, s5;
	[sflag:s24] =	ssyncadd.s32 $0xFFFFE000  }
0x7e: {  	[spmem:s2] =	stream.indirect.scatter.add.f32 [tilespmem:s20], [sflag:$0x7], $0x40, s9, s17, $0xb8;
	[tilespmem:$0x15020] =	vst v63  }
0x7f: {  	_ =	swait.ge [sflag:s25], $0x2000  }
0x80: {  	[sflag:s25] =	ssyncset.done $0x0  }
0x81: {  	s5 =	sadd.s32 $0x1580, s5;
	[sflag:s25] =	ssyncadd.s32 $0xFFFFE000  }
0x82: {  	[spmem:s2] =	stream.indirect.scatter.add.f32 [tilespmem:s21], [sflag:$0x8], $0x40, s5, s17, $0xb8;
	[tilespmem:$0x15020] =	vst v63  }
0x83: {  	_ =	swait.ge [sflag:s26], $0x2000  }
0x84: {  	[sflag:s26] =	ssyncset.done $0x0  }
0x85: {  	[sflag:s26] =	ssyncadd.s32 $0xFFFFE000  }
0x86: {  	_ =	swait.ge [sflag:s28], $0x2000  }
0x87: {  	[sflag:s28] =	ssyncset.done $0x0  }
0x88: {  	[sflag:s28] =	ssyncadd.s32 $0xFFFFE000  }
0x89: {  	_ =	swait.ge [sflag:s29], $0x2000  }
0x8a: {  	[sflag:s29] =	ssyncset.done $0x0  }
0x8b: {  	[sflag:s29] =	ssyncadd.s32 $0xFFFFE000  }
0x8c: {  	_ =	swait.ge [sflag:s30], $0x2000  }
0x8d: {  	[sflag:s30] =	ssyncset.done $0x0  }
0x8e: {  	[sflag:s30] =	ssyncadd.s32 $0xFFFFE000  }
0x8f: {  	[bflag:$0x0] =	sbarrier.arrive $0xFFFF  }
0x90: {  	[hbm:s13], [sflag:s7] =	dma.local [spmem:s14], $0x1400  }
0x91: {  	_ =	swait.ge [sflag:s15], $0x1400  }
0x92: {  	[sflag:s15] =	ssyncset.done $0x0  }
0x93: {  	[sflag:s15] =	ssyncadd.s32 $0xFFFFEC00  }
0x94: {  	[tilespmem:s31], [sflag:$0xA] =	stream.linear.gather [hbm4b:s10+s3], $0x20, $0x38;
	[tilespmem:$0x15020] =	vst v63  }
0x95: {  	_ =	swait.ge [sflag:s15], $0x20  }
0x96: {  	[sflag:s15] =	ssyncset.done $0x0  }
0x97: {  	s9 =	simm.s32 $0x20;
	s8 =	rddreg [dreg:$0x4];
	[sflag:s15] =	ssyncadd.s32 $0xFFFFFFE0  }
0x98: {  	[tilespmem:s0], [sflag:$0x9] =	stream.indirect.gather [hbm4b:s8+s9], $0x40, s31, s9, $0xb8;
	[tilespmem:$0x15020] =	vst v63  }
0x99: {  	s1 =	sadd.s32 $0x1, s1;
	_ =	swait.ge [sflag:s16], $0x800  }
0x9a: {  	p0 =	sne.s32 s1, s12;
	[sflag:s16] =	ssyncset.done $0x0  }
.Ltmp1:
0x9b: {  	[sflag:s16] =	ssyncadd.s32 $0xFFFFF800;
	(pc) =	sbr.rel @p0 .LBB2_1-.Ltmp1, $4  }
0x9c: {  	[hbm4b:s11+s3] =	stream.linear.scatter [tilespmem:s0], [sflag:$0xA], $0x800, $0x38;
	[tilespmem:$0x15020] =	vst v63  }
0x9d: {  	_ =	swait.ge [sflag:s15], $0x800  }
0x9e: {  	[sflag:s15] =	ssyncset.done $0x0  }
0x9f: {  	[sflag:s15] =	ssyncadd.s32 $0xFFFFF800  }
0xa0: {  	_ =	sfence.sel $0x180000  }
0xa1: {  	[bflag:$0x0] =	sbarrier.arrive $0xFFFF  }
0xa2: {  	_ =	strace $0x90000047  }
0xa3: {  	s0 =	stileid.u32;
	[bflag:$0x2] =	sbarrier.arrive $0xFFFF  }
0xa4: {  	p0 =	sne.s32 s0, $0x0;
	s0 =	rddreg [dreg:$0x3]  }
0xa5: {  	s0 =	sadd.s32 @!p0 $0x100000, s0  }
0xa6: {  	[sflag:s0] =	ssyncadd.tile.s32 @!p0 $0x1;
	_ =	shalt  }
.Lfunc_end2:
_tile_overlayer_lowered:
.L_overlay_start_2:
0xa7: {  	(tag) =	ssettag $0x2  }
0xa8: {  	s0 =	rddreg [dreg:$0x0];
	s2 =	stileid.u32  }
0xa9: {  	s1 =	rddreg [dreg:$0x1];
	p0 =	sne.s32 s2, $0x0  }
0xaa: {  	s3 =	rddreg [dreg:$0x2];
	[bflag:$0x3] =	sbarrier.arrive $0xFFFF;
	s2 =	simm.s32 @!p0 $0x1C0A  }
0xab: {  	[timem:s3], [sflag:s2] =	dma.local @!p0 [hbm:s0], s1  }
0xac: {  	s0 =	simm.s32 @!p0 $0xA  }
0xad: {  	_ =	swait.ge @!p0 [sflag:s0], s1  }
0xae: {  	s1 =	ssub.s32 @!p0 $0x0, s1;
	[sflag:s0] =	ssyncset.done @!p0 $0x0  }
0xaf: {  	[sflag:s0] =	ssyncadd.s32 @!p0 s1  }
0xb0: {  	[bflag:$0x3] =	sbarrier.arrive $0xFFFF  }
0xb1: {  	_ =	shalt  }

</sc_bundles>
